<compile_context>
chip_gen: v7x
topology: tpu7x:2x2x1
jax: 0.10.2.dev20260603
libtpu: 0.0.44.dev20260713+nightly
codegen_flags: <defaults>
</compile_context>

<pallas_src>
import functools

import jax
import jax.numpy as jnp
from jax import lax
from jax.experimental import pallas as pl
from jax.experimental.pallas import tpu as pltpu
from jax.experimental.pallas import tpu_sc as plsc

_S, _T, _D = 16384, 200, 128
_B = _S * _T

_info = plsc.get_sparse_core_info()
_NC, _NS = _info.num_cores, _info.num_subcores
_NW = _NC * _NS
_BW = _B // _NW
_CHUNK = 64
_NBUF = 10
_NCHUNK = _BW // _CHUNK
_NROUND = _NCHUNK // _NBUF


def kernel(emotion_indices, table):
    idx_flat = emotion_indices.reshape(_B).astype(jnp.int32)
    table_rep = jnp.tile(table, (_NW * _NBUF * 16, 1))
    mesh = plsc.VectorSubcoreMesh(core_axis_name="c", subcore_axis_name="s")

    @functools.partial(
        pl.kernel,
        mesh=mesh,
        out_type=jax.ShapeDtypeStruct((_B, _D), jnp.float32),
        scratch_types=[
            pltpu.VMEM((_NBUF * _CHUNK,), jnp.int32),
            pltpu.VMEM((_NBUF * _CHUNK,), jnp.int32),
            pltpu.VMEM((_NBUF, _CHUNK, _D), jnp.float32),
            pltpu.SemaphoreType.DMA,
            pltpu.SemaphoreType.DMA,
        ]
        + [pltpu.SemaphoreType.DMA] * _NBUF
        + [pltpu.SemaphoreType.DMA] * _NBUF,
    )
    def sc_gather(table_hbm, idx_hbm, out_hbm, idx0, idx1, rows,
                  sem_i0, sem_i1, *sems):
        sem_g = sems[:_NBUF]
        sem_o = sems[_NBUF:]
        idx_bufs = (idx0, idx1)
        sem_i = (sem_i0, sem_i1)

        wid = lax.axis_index("s") * _NC + lax.axis_index("c")
        chunk0 = wid * _NCHUNK
        rnd_idx = _NBUF * _CHUNK

        def start_idx_load(r, p):
            pltpu.async_copy(
                idx_hbm.at[pl.ds((chunk0 + r * _NBUF) * _CHUNK, rnd_idx)],
                idx_bufs[p], sem_i[p])

        def wait_idx(p):
            pltpu.make_async_copy(idx_hbm.at[pl.ds(chunk0 * _CHUNK, rnd_idx)],
                                  idx_bufs[p], sem_i[p]).wait()

        def start_gather(p, b):
            pltpu.async_copy(table_hbm.at[idx_bufs[p].at[pl.ds(b * _CHUNK, _CHUNK)]],
                             rows.at[b], sem_g[b])

        def wait_gather(p, b):
            pltpu.make_async_copy(table_hbm.at[idx_bufs[p].at[pl.ds(b * _CHUNK, _CHUNK)]],
                                  rows.at[b], sem_g[b]).wait()

        def out_slice(r, b):
            return out_hbm.at[pl.ds((chunk0 + r * _NBUF + b) * _CHUNK, _CHUNK)]

        def start_out(r, b):
            pltpu.async_copy(rows.at[b], out_slice(r, b), sem_o[b])

        def wait_out(r, b):
            pltpu.make_async_copy(rows.at[b], out_slice(r, b), sem_o[b]).wait()

        def bias_idx(p):
            lane = lax.iota(jnp.int32, 16)
            base = jnp.full((16,), 9 * _NBUF * 16, jnp.int32) * wid
            for k in range(rnd_idx // 16):
                b = k // (_CHUNK // 16)
                off = base + (9 * 16 * b) + 9 * lane
                sl = pl.ds(k * 16, 16)
                idx_bufs[p][sl] = idx_bufs[p][sl] + off

        def round_body(r, p, first):
            start_idx_load(r + 1, 1 - p)
            if not first:
                wait_idx(p)
            bias_idx(p)
            for b in range(_NBUF):
                if not first:
                    wait_out(r, b)
                start_gather(p, b)
            for b in range(_NBUF):
                wait_gather(p, b)
                start_out(r, b)

        pltpu.sync_copy(idx_hbm.at[pl.ds(chunk0 * _CHUNK, rnd_idx)], idx_bufs[0])
        round_body(0, 0, first=True)

        def body(k, carry):
            r = 1 + 2 * k
            round_body(r, 1, first=False)
            round_body(r + 1, 0, first=False)
            return carry

        lax.fori_loop(0, (_NROUND - 2) // 2, body, 0)

        r_last = _NROUND - 1
        wait_idx(1)
        bias_idx(1)
        for b in range(_NBUF):
            wait_out(r_last, b)
            start_gather(1, b)
        for b in range(_NBUF):
            wait_gather(1, b)
            start_out(r_last, b)
        for b in range(_NBUF):
            wait_out(r_last, b)

    out = sc_gather(table_rep, idx_flat)
    return out.reshape(_S, _T, _D)

# --- scband reference (transcript-rebuilt; emitter-appended) ---
"""Pipeline reference for scband-emotion-embedding-43774306680914 (READ-ONLY COPY).

The authoritative reference and input builder live on the scoring server;
editing this copy changes nothing except your own understanding.
"""

import jax, jax.numpy as jnp
import numpy as np


def setup_inputs(seed: int = 0) -> dict:
    key = jax.random.key(seed)
    k1, k2 = jax.random.split(key)
    emotion_indices = jax.random.randint(k1, (16384, 200), 0, 9, dtype=jnp.int64 if jax.config.jax_enable_x64 else jnp.int32)
    table = jax.random.normal(k2, (9, 128), dtype=jnp.float32)
    return {"emotion_indices": emotion_indices, "table": table}


def reference(emotion_indices, table):
    # nn.Embedding forward: gather rows of the table by index
    return jnp.take(table, emotion_indices, axis=0)

if __name__ == "__main__":
    import jax
    _d = setup_inputs()
    print(jax.jit(kernel)(*tuple(_d.values())))

</pallas_src>

<mosaic_0001>
#map = affine_map<(d0, d1) -> (0, 0)>
#map1 = affine_map<(d0, d1) -> (0)>
module attributes {stable_mosaic.version = 14 : i64} {
  func.func @sc_gather(%arg0: i32, %arg1: i32, %arg2: memref<46080x128xf32, #tpu.memory_space<hbm>>, %arg3: memref<3276800xi32, #tpu.memory_space<hbm>>, %arg4: memref<3276800x128xf32, #tpu.memory_space<hbm>>, %arg5: memref<640xi32, #tpu.memory_space<vmem>>, %arg6: memref<640xi32, #tpu.memory_space<vmem>>, %arg7: memref<10x64x128xf32, #tpu.memory_space<vmem>>, %arg8: memref<!tpu.dma_semaphore, #tpu.memory_space<semaphore_mem>>, %arg9: memref<!tpu.dma_semaphore, #tpu.memory_space<semaphore_mem>>, %arg10: memref<!tpu.dma_semaphore, #tpu.memory_space<semaphore_mem>>, %arg11: memref<!tpu.dma_semaphore, #tpu.memory_space<semaphore_mem>>, %arg12: memref<!tpu.dma_semaphore, #tpu.memory_space<semaphore_mem>>, %arg13: memref<!tpu.dma_semaphore, #tpu.memory_space<semaphore_mem>>, %arg14: memref<!tpu.dma_semaphore, #tpu.memory_space<semaphore_mem>>, %arg15: memref<!tpu.dma_semaphore, #tpu.memory_space<semaphore_mem>>, %arg16: memref<!tpu.dma_semaphore, #tpu.memory_space<semaphore_mem>>, %arg17: memref<!tpu.dma_semaphore, #tpu.memory_space<semaphore_mem>>, %arg18: memref<!tpu.dma_semaphore, #tpu.memory_space<semaphore_mem>>, %arg19: memref<!tpu.dma_semaphore, #tpu.memory_space<semaphore_mem>>, %arg20: memref<!tpu.dma_semaphore, #tpu.memory_space<semaphore_mem>>, %arg21: memref<!tpu.dma_semaphore, #tpu.memory_space<semaphore_mem>>, %arg22: memref<!tpu.dma_semaphore, #tpu.memory_space<semaphore_mem>>, %arg23: memref<!tpu.dma_semaphore, #tpu.memory_space<semaphore_mem>>, %arg24: memref<!tpu.dma_semaphore, #tpu.memory_space<semaphore_mem>>, %arg25: memref<!tpu.dma_semaphore, #tpu.memory_space<semaphore_mem>>, %arg26: memref<!tpu.dma_semaphore, #tpu.memory_space<semaphore_mem>>, %arg27: memref<!tpu.dma_semaphore, #tpu.memory_space<semaphore_mem>>, %arg28: memref<!tpu.dma_semaphore, #tpu.memory_space<semaphore_mem>>, %arg29: memref<!tpu.dma_semaphore, #tpu.memory_space<semaphore_mem>>) attributes {dimension_semantics = [#tpu.dimension_semantics<core_parallel>, #tpu.dimension_semantics<subcore_parallel>], iteration_bounds = array<i64: 2, 16>, scalar_prefetch = 0 : i64, scratch_operands = 25 : i64, tpu.core_type = #tpu.core_type<sc_vector_subcore>, window_params = [{transform_indices = #map}, {transform_indices = #map1}, {transform_indices = #map}]} {
    %mul3A = arith.constant 2 : i32
    %mul3A_0 = arith.muli %arg1, %mul3A : i32
    %add3A = arith.addi %mul3A_0, %arg0 : i32
    %mul3A_1 = arith.constant 1600 : i32
    %mul3A_2 = arith.muli %add3A, %mul3A_1 : i32
    %mul3A_3 = arith.constant 64 : i32
    %mul3A_4 = arith.muli %mul3A_2, %mul3A_3 : i32
    "tpu.region"() ({
      %run_scoped3A = tpu.sem_alloc : memref<!tpu.dma_semaphore, #tpu.memory_space<semaphore_mem>>
      %dma_start3A_2384 = tpu.memref_slice %arg3[%mul3A_4] : memref<3276800xi32, #tpu.memory_space<hbm>> -> memref<640xi32, #tpu.memory_space<hbm>>
      %dma_start3A_2385 = tpu.memref_slice %arg3[%mul3A_4] : memref<3276800xi32, #tpu.memory_space<hbm>> -> memref<640xi32, #tpu.memory_space<hbm>>
      tpu.enqueue_dma source(%dma_start3A_2385 : memref<640xi32, #tpu.memory_space<hbm>>) target(%arg5 : memref<640xi32, #tpu.memory_space<vmem>>) target_semaphore(%run_scoped3A : memref<!tpu.dma_semaphore, #tpu.memory_space<semaphore_mem>>)
      %dma_wait3A_2386 = tpu.memref_slice %arg3[%mul3A_4] : memref<3276800xi32, #tpu.memory_space<hbm>> -> memref<640xi32, #tpu.memory_space<hbm>>
      %dma_wait3A_2387 = tpu.memref_slice %arg3[%mul3A_4] : memref<3276800xi32, #tpu.memory_space<hbm>> -> memref<640xi32, #tpu.memory_space<hbm>>
      tpu.wait_dma2 semaphore(%run_scoped3A : memref<!tpu.dma_semaphore, #tpu.memory_space<semaphore_mem>>) src(%dma_wait3A_2387 : memref<640xi32, #tpu.memory_space<hbm>>) dst(%arg5 : memref<640xi32, #tpu.memory_space<vmem>>)
      tpu.yield
    }) : () -> ()
    %add3A_5 = arith.constant 10 : i32
    %add3A_6 = arith.addi %mul3A_2, %add3A_5 : i32
    %mul3A_7 = arith.constant 64 : i32
    %mul3A_8 = arith.muli %add3A_6, %mul3A_7 : i32
    %dma_start3A = tpu.memref_slice %arg3[%mul3A_8] : memref<3276800xi32, #tpu.memory_space<hbm>> -> memref<640xi32, #tpu.memory_space<hbm>>
    %dma_start3A_9 = tpu.memref_slice %arg3[%mul3A_8] : memref<3276800xi32, #tpu.memory_space<hbm>> -> memref<640xi32, #tpu.memory_space<hbm>>
    tpu.enqueue_dma source(%dma_start3A_9 : memref<640xi32, #tpu.memory_space<hbm>>) target(%arg6 : memref<640xi32, #tpu.memory_space<vmem>>) target_semaphore(%arg9 : memref<!tpu.dma_semaphore, #tpu.memory_space<semaphore_mem>>)
    %iota3A = tpu.iota {dimensions = array<i32: 0>} : vector<16xi32>
    %broadcast_in_dim3A = arith.constant 1440 : i32
    %broadcast_in_dim3A_10 = vector.broadcast %broadcast_in_dim3A : i32 to vector<16xi32>
    %mul3A_11 = vector.broadcast %add3A : i32 to vector<16xi32>
    %mul3A_12 = arith.muli %broadcast_in_dim3A_10, %mul3A_11 : vector<16xi32>
    %add3A_13 = arith.constant 0 : i32
    %add3A_14 = vector.broadcast %add3A_13 : i32 to vector<16xi32>
    %add3A_15 = arith.addi %mul3A_12, %add3A_14 : vector<16xi32>
    %mul3A_16 = arith.constant 9 : i32
    %mul3A_17 = vector.broadcast %mul3A_16 : i32 to vector<16xi32>
    %mul3A_18 = arith.muli %mul3A_17, %iota3A : vector<16xi32>
    %add3A_19 = arith.addi %add3A_15, %mul3A_18 : vector<16xi32>
    %get3A = arith.constant 0 : index
    %get3A_20 = tpu.vector_load %arg5[%get3A] {strides = array<i32>} : memref<640xi32, #tpu.memory_space<vmem>>, vector<16xi32>,
    %get3A_21 = vector.shape_cast %get3A_20 : vector<16xi32> to vector<16xi32>
    %add3A_22 = arith.addi %get3A_21, %add3A_19 : vector<16xi32>
    %swap3A = arith.constant 0 : index
    %swap3A_23 = tpu.vector_load %arg5[%swap3A] {strides = array<i32>} : memref<640xi32, #tpu.memory_space<vmem>>, vector<16xi32>,
    %swap3A_24 = vector.shape_cast %swap3A_23 : vector<16xi32> to vector<16xi32>
    %swap3A_25 = vector.shape_cast %add3A_22 : vector<16xi32> to vector<16xi32>
    tpu.vector_store %arg5[%swap3A], %swap3A_25 {strides = array<i32>} : memref<640xi32, #tpu.memory_space<vmem>>, vector<16xi32>,
    %add3A_26 = arith.constant 0 : i32
    %add3A_27 = vector.broadcast %add3A_26 : i32 to vector<16xi32>
    %add3A_28 = arith.addi %mul3A_12, %add3A_27 : vector<16xi32>
    %mul3A_29 = arith.constant 9 : i32
    %mul3A_30 = vector.broadcast %mul3A_29 : i32 to vector<16xi32>
    %mul3A_31 = arith.muli %mul3A_30, %iota3A : vector<16xi32>
    %add3A_32 = arith.addi %add3A_28, %mul3A_31 : vector<16xi32>
    %get3A_33 = arith.constant 16 : index
    %get3A_34 = tpu.vector_load %arg5[%get3A_33] {strides = array<i32>} : memref<640xi32, #tpu.memory_space<vmem>>, vector<16xi32>,
    %get3A_35 = vector.shape_cast %get3A_34 : vector<16xi32> to vector<16xi32>
    %add3A_36 = arith.addi %get3A_35, %add3A_32 : vector<16xi32>
    %swap3A_37 = arith.constant 16 : index
    %swap3A_38 = tpu.vector_load %arg5[%swap3A_37] {strides = array<i32>} : memref<640xi32, #tpu.memory_space<vmem>>, vector<16xi32>,
    %swap3A_39 = vector.shape_cast %swap3A_38 : vector<16xi32> to vector<16xi32>
    %swap3A_40 = vector.shape_cast %add3A_36 : vector<16xi32> to vector<16xi32>
    tpu.vector_store %arg5[%swap3A_37], %swap3A_40 {strides = array<i32>} : memref<640xi32, #tpu.memory_space<vmem>>, vector<16xi32>,
    %add3A_41 = arith.constant 0 : i32
    %add3A_42 = vector.broadcast %add3A_41 : i32 to vector<16xi32>
    %add3A_43 = arith.addi %mul3A_12, %add3A_42 : vector<16xi32>
    %mul3A_44 = arith.constant 9 : i32
    %mul3A_45 = vector.broadcast %mul3A_44 : i32 to vector<16xi32>
    %mul3A_46 = arith.muli %mul3A_45, %iota3A : vector<16xi32>
    %add3A_47 = arith.addi %add3A_43, %mul3A_46 : vector<16xi32>
    %get3A_48 = arith.constant 32 : index
    %get3A_49 = tpu.vector_load %arg5[%get3A_48] {strides = array<i32>} : memref<640xi32, #tpu.memory_space<vmem>>, vector<16xi32>,
    %get3A_50 = vector.shape_cast %get3A_49 : vector<16xi32> to vector<16xi32>
    %add3A_51 = arith.addi %get3A_50, %add3A_47 : vector<16xi32>
    %swap3A_52 = arith.constant 32 : index
    %swap3A_53 = tpu.vector_load %arg5[%swap3A_52] {strides = array<i32>} : memref<640xi32, #tpu.memory_space<vmem>>, vector<16xi32>,
    %swap3A_54 = vector.shape_cast %swap3A_53 : vector<16xi32> to vector<16xi32>
    %swap3A_55 = vector.shape_cast %add3A_51 : vector<16xi32> to vector<16xi32>
    tpu.vector_store %arg5[%swap3A_52], %swap3A_55 {strides = array<i32>} : memref<640xi32, #tpu.memory_space<vmem>>, vector<16xi32>,
    %add3A_56 = arith.constant 0 : i32
    %add3A_57 = vector.broadcast %add3A_56 : i32 to vector<16xi32>
    %add3A_58 = arith.addi %mul3A_12, %add3A_57 : vector<16xi32>
    %mul3A_59 = arith.constant 9 : i32
    %mul3A_60 = vector.broadcast %mul3A_59 : i32 to vector<16xi32>
    %mul3A_61 = arith.muli %mul3A_60, %iota3A : vector<16xi32>
    %add3A_62 = arith.addi %add3A_58, %mul3A_61 : vector<16xi32>
    %get3A_63 = arith.constant 48 : index
    %get3A_64 = tpu.vector_load %arg5[%get3A_63] {strides = array<i32>} : memref<640xi32, #tpu.memory_space<vmem>>, vector<16xi32>,
    %get3A_65 = vector.shape_cast %get3A_64 : vector<16xi32> to vector<16xi32>
    %add3A_66 = arith.addi %get3A_65, %add3A_62 : vector<16xi32>
    %swap3A_67 = arith.constant 48 : index
    %swap3A_68 = tpu.vector_load %arg5[%swap3A_67] {strides = array<i32>} : memref<640xi32, #tpu.memory_space<vmem>>, vector<16xi32>,
    %swap3A_69 = vector.shape_cast %swap3A_68 : vector<16xi32> to vector<16xi32>
    %swap3A_70 = vector.shape_cast %add3A_66 : vector<16xi32> to vector<16xi32>
    tpu.vector_store %arg5[%swap3A_67], %swap3A_70 {strides = array<i32>} : memref<640xi32, #tpu.memory_space<vmem>>, vector<16xi32>,
    %add3A_71 = arith.constant 144 : i32
    %add3A_72 = vector.broadcast %add3A_71 : i32 to vector<16xi32>
    %add3A_73 = arith.addi %mul3A_12, %add3A_72 : vector<16xi32>
    %mul3A_74 = arith.constant 9 : i32
    %mul3A_75 = vector.broadcast %mul3A_74 : i32 to vector<16xi32>
    %mul3A_76 = arith.muli %mul3A_75, %iota3A : vector<16xi32>
    %add3A_77 = arith.addi %add3A_73, %mul3A_76 : vector<16xi32>
    %get3A_78 = arith.constant 64 : index
    %get3A_79 = tpu.vector_load %arg5[%get3A_78] {strides = array<i32>} : memref<640xi32, #tpu.memory_space<vmem>>, vector<16xi32>,
    %get3A_80 = vector.shape_cast %get3A_79 : vector<16xi32> to vector<16xi32>
    %add3A_81 = arith.addi %get3A_80, %add3A_77 : vector<16xi32>
    %swap3A_82 = arith.constant 64 : index
    %swap3A_83 = tpu.vector_load %arg5[%swap3A_82] {strides = array<i32>} : memref<640xi32, #tpu.memory_space<vmem>>, vector<16xi32>,
    %swap3A_84 = vector.shape_cast %swap3A_83 : vector<16xi32> to vector<16xi32>
    %swap3A_85 = vector.shape_cast %add3A_81 : vector<16xi32> to vector<16xi32>
    tpu.vector_store %arg5[%swap3A_82], %swap3A_85 {strides = array<i32>} : memref<640xi32, #tpu.memory_space<vmem>>, vector<16xi32>,
    %add3A_86 = arith.constant 144 : i32
    %add3A_87 = vector.broadcast %add3A_86 : i32 to vector<16xi32>
    %add3A_88 = arith.addi %mul3A_12, %add3A_87 : vector<16xi32>
    %mul3A_89 = arith.constant 9 : i32
    %mul3A_90 = vector.broadcast %mul3A_89 : i32 to vector<16xi32>
    %mul3A_91 = arith.muli %mul3A_90, %iota3A : vector<16xi32>
    %add3A_92 = arith.addi %add3A_88, %mul3A_91 : vector<16xi32>
    %get3A_93 = arith.constant 80 : index
    %get3A_94 = tpu.vector_load %arg5[%get3A_93] {strides = array<i32>} : memref<640xi32, #tpu.memory_space<vmem>>, vector<16xi32>,
    %get3A_95 = vector.shape_cast %get3A_94 : vector<16xi32> to vector<16xi32>
    %add3A_96 = arith.addi %get3A_95, %add3A_92 : vector<16xi32>
    %swap3A_97 = arith.constant 80 : index
    %swap3A_98 = tpu.vector_load %arg5[%swap3A_97] {strides = array<i32>} : memref<640xi32, #tpu.memory_space<vmem>>, vector<16xi32>,
    %swap3A_99 = vector.shape_cast %swap3A_98 : vector<16xi32> to vector<16xi32>
    %swap3A_100 = vector.shape_cast %add3A_96 : vector<16xi32> to vector<16xi32>
    tpu.vector_store %arg5[%swap3A_97], %swap3A_100 {strides = array<i32>} : memref<640xi32, #tpu.memory_space<vmem>>, vector<16xi32>,
    %add3A_101 = arith.constant 144 : i32
    %add3A_102 = vector.broadcast %add3A_101 : i32 to vector<16xi32>
    %add3A_103 = arith.addi %mul3A_12, %add3A_102 : vector<16xi32>
    %mul3A_104 = arith.constant 9 : i32
    %mul3A_105 = vector.broadcast %mul3A_104 : i32 to vector<16xi32>
    %mul3A_106 = arith.muli %mul3A_105, %iota3A : vector<16xi32>
    %add3A_107 = arith.addi %add3A_103, %mul3A_106 : vector<16xi32>
    %get3A_108 = arith.constant 96 : index
    %get3A_109 = tpu.vector_load %arg5[%get3A_108] {strides = array<i32>} : memref<640xi32, #tpu.memory_space<vmem>>, vector<16xi32>,
    %get3A_110 = vector.shape_cast %get3A_109 : vector<16xi32> to vector<16xi32>
    %add3A_111 = arith.addi %get3A_110, %add3A_107 : vector<16xi32>
    %swap3A_112 = arith.constant 96 : index
    %swap3A_113 = tpu.vector_load %arg5[%swap3A_112] {strides = array<i32>} : memref<640xi32, #tpu.memory_space<vmem>>, vector<16xi32>,
    %swap3A_114 = vector.shape_cast %swap3A_113 : vector<16xi32> to vector<16xi32>
    %swap3A_115 = vector.shape_cast %add3A_111 : vector<16xi32> to vector<16xi32>
    tpu.vector_store %arg5[%swap3A_112], %swap3A_115 {strides = array<i32>} : memref<640xi32, #tpu.memory_space<vmem>>, vector<16xi32>,
    %add3A_116 = arith.constant 144 : i32
    %add3A_117 = vector.broadcast %add3A_116 : i32 to vector<16xi32>
    %add3A_118 = arith.addi %mul3A_12, %add3A_117 : vector<16xi32>
    %mul3A_119 = arith.constant 9 : i32
    %mul3A_120 = vector.broadcast %mul3A_119 : i32 to vector<16xi32>
    %mul3A_121 = arith.muli %mul3A_120, %iota3A : vector<16xi32>
    %add3A_122 = arith.addi %add3A_118, %mul3A_121 : vector<16xi32>
    %get3A_123 = arith.constant 112 : index
    %get3A_124 = tpu.vector_load %arg5[%get3A_123] {strides = array<i32>} : memref<640xi32, #tpu.memory_space<vmem>>, vector<16xi32>,
    %get3A_125 = vector.shape_cast %get3A_124 : vector<16xi32> to vector<16xi32>
    %add3A_126 = arith.addi %get3A_125, %add3A_122 : vector<16xi32>
    %swap3A_127 = arith.constant 112 : index
    %swap3A_128 = tpu.vector_load %arg5[%swap3A_127] {strides = array<i32>} : memref<640xi32, #tpu.memory_space<vmem>>, vector<16xi32>,
    %swap3A_129 = vector.shape_cast %swap3A_128 : vector<16xi32> to vector<16xi32>
    %swap3A_130 = vector.shape_cast %add3A_126 : vector<16xi32> to vector<16xi32>
    tpu.vector_store %arg5[%swap3A_127], %swap3A_130 {strides = array<i32>} : memref<640xi32, #tpu.memory_space<vmem>>, vector<16xi32>,
    %add3A_131 = arith.constant 288 : i32
    %add3A_132 = vector.broadcast %add3A_131 : i32 to vector<16xi32>
    %add3A_133 = arith.addi %mul3A_12, %add3A_132 : vector<16xi32>
    %mul3A_134 = arith.constant 9 : i32
    %mul3A_135 = vector.broadcast %mul3A_134 : i32 to vector<16xi32>
    %mul3A_136 = arith.muli %mul3A_135, %iota3A : vector<16xi32>
    %add3A_137 = arith.addi %add3A_133, %mul3A_136 : vector<16xi32>
    %get3A_138 = arith.constant 128 : index
    %get3A_139 = tpu.vector_load %arg5[%get3A_138] {strides = array<i32>} : memref<640xi32, #tpu.memory_space<vmem>>, vector<16xi32>,
    %get3A_140 = vector.shape_cast %get3A_139 : vector<16xi32> to vector<16xi32>
    %add3A_141 = arith.addi %get3A_140, %add3A_137 : vector<16xi32>
    %swap3A_142 = arith.constant 128 : index
    %swap3A_143 = tpu.vector_load %arg5[%swap3A_142] {strides = array<i32>} : memref<640xi32, #tpu.memory_space<vmem>>, vector<16xi32>,
    %swap3A_144 = vector.shape_cast %swap3A_143 : vector<16xi32> to vector<16xi32>
    %swap3A_145 = vector.shape_cast %add3A_141 : vector<16xi32> to vector<16xi32>
    tpu.vector_store %arg5[%swap3A_142], %swap3A_145 {strides = array<i32>} : memref<640xi32, #tpu.memory_space<vmem>>, vector<16xi32>,
    %add3A_146 = arith.constant 288 : i32
    %add3A_147 = vector.broadcast %add3A_146 : i32 to vector<16xi32>
    %add3A_148 = arith.addi %mul3A_12, %add3A_147 : vector<16xi32>
    %mul3A_149 = arith.constant 9 : i32
    %mul3A_150 = vector.broadcast %mul3A_149 : i32 to vector<16xi32>
    %mul3A_151 = arith.muli %mul3A_150, %iota3A : vector<16xi32>
    %add3A_152 = arith.addi %add3A_148, %mul3A_151 : vector<16xi32>
    %get3A_153 = arith.constant 144 : index
    %get3A_154 = tpu.vector_load %arg5[%get3A_153] {strides = array<i32>} : memref<640xi32, #tpu.memory_space<vmem>>, vector<16xi32>,
    %get3A_155 = vector.shape_cast %get3A_154 : vector<16xi32> to vector<16xi32>
    %add3A_156 = arith.addi %get3A_155, %add3A_152 : vector<16xi32>
    %swap3A_157 = arith.constant 144 : index
    %swap3A_158 = tpu.vector_load %arg5[%swap3A_157] {strides = array<i32>} : memref<640xi32, #tpu.memory_space<vmem>>, vector<16xi32>,
    %swap3A_159 = vector.shape_cast %swap3A_158 : vector<16xi32> to vector<16xi32>
    %swap3A_160 = vector.shape_cast %add3A_156 : vector<16xi32> to vector<16xi32>
    tpu.vector_store %arg5[%swap3A_157], %swap3A_160 {strides = array<i32>} : memref<640xi32, #tpu.memory_space<vmem>>, vector<16xi32>,
    %add3A_161 = arith.constant 288 : i32
    %add3A_162 = vector.broadcast %add3A_161 : i32 to vector<16xi32>
    %add3A_163 = arith.addi %mul3A_12, %add3A_162 : vector<16xi32>
    %mul3A_164 = arith.constant 9 : i32
    %mul3A_165 = vector.broadcast %mul3A_164 : i32 to vector<16xi32>
    %mul3A_166 = arith.muli %mul3A_165, %iota3A : vector<16xi32>
    %add3A_167 = arith.addi %add3A_163, %mul3A_166 : vector<16xi32>
    %get3A_168 = arith.constant 160 : index
    %get3A_169 = tpu.vector_load %arg5[%get3A_168] {strides = array<i32>} : memref<640xi32, #tpu.memory_space<vmem>>, vector<16xi32>,
    %get3A_170 = vector.shape_cast %get3A_169 : vector<16xi32> to vector<16xi32>
    %add3A_171 = arith.addi %get3A_170, %add3A_167 : vector<16xi32>
    %swap3A_172 = arith.constant 160 : index
    %swap3A_173 = tpu.vector_load %arg5[%swap3A_172] {strides = array<i32>} : memref<640xi32, #tpu.memory_space<vmem>>, vector<16xi32>,
    %swap3A_174 = vector.shape_cast %swap3A_173 : vector<16xi32> to vector<16xi32>
    %swap3A_175 = vector.shape_cast %add3A_171 : vector<16xi32> to vector<16xi32>
    tpu.vector_store %arg5[%swap3A_172], %swap3A_175 {strides = array<i32>} : memref<640xi32, #tpu.memory_space<vmem>>, vector<16xi32>,
    %add3A_176 = arith.constant 288 : i32
    %add3A_177 = vector.broadcast %add3A_176 : i32 to vector<16xi32>
    %add3A_178 = arith.addi %mul3A_12, %add3A_177 : vector<16xi32>
    %mul3A_179 = arith.constant 9 : i32
    %mul3A_180 = vector.broadcast %mul3A_179 : i32 to vector<16xi32>
    %mul3A_181 = arith.muli %mul3A_180, %iota3A : vector<16xi32>
    %add3A_182 = arith.addi %add3A_178, %mul3A_181 : vector<16xi32>
    %get3A_183 = arith.constant 176 : index
    %get3A_184 = tpu.vector_load %arg5[%get3A_183] {strides = array<i32>} : memref<640xi32, #tpu.memory_space<vmem>>, vector<16xi32>,
    %get3A_185 = vector.shape_cast %get3A_184 : vector<16xi32> to vector<16xi32>
    %add3A_186 = arith.addi %get3A_185, %add3A_182 : vector<16xi32>
    %swap3A_187 = arith.constant 176 : index
    %swap3A_188 = tpu.vector_load %arg5[%swap3A_187] {strides = array<i32>} : memref<640xi32, #tpu.memory_space<vmem>>, vector<16xi32>,
    %swap3A_189 = vector.shape_cast %swap3A_188 : vector<16xi32> to vector<16xi32>
    %swap3A_190 = vector.shape_cast %add3A_186 : vector<16xi32> to vector<16xi32>
    tpu.vector_store %arg5[%swap3A_187], %swap3A_190 {strides = array<i32>} : memref<640xi32, #tpu.memory_space<vmem>>, vector<16xi32>,
    %add3A_191 = arith.constant 432 : i32
    %add3A_192 = vector.broadcast %add3A_191 : i32 to vector<16xi32>
    %add3A_193 = arith.addi %mul3A_12, %add3A_192 : vector<16xi32>
    %mul3A_194 = arith.constant 9 : i32
    %mul3A_195 = vector.broadcast %mul3A_194 : i32 to vector<16xi32>
    %mul3A_196 = arith.muli %mul3A_195, %iota3A : vector<16xi32>
    %add3A_197 = arith.addi %add3A_193, %mul3A_196 : vector<16xi32>
    %get3A_198 = arith.constant 192 : index
    %get3A_199 = tpu.vector_load %arg5[%get3A_198] {strides = array<i32>} : memref<640xi32, #tpu.memory_space<vmem>>, vector<16xi32>,
    %get3A_200 = vector.shape_cast %get3A_199 : vector<16xi32> to vector<16xi32>
    %add3A_201 = arith.addi %get3A_200, %add3A_197 : vector<16xi32>
    %swap3A_202 = arith.constant 192 : index
    %swap3A_203 = tpu.vector_load %arg5[%swap3A_202] {strides = array<i32>} : memref<640xi32, #tpu.memory_space<vmem>>, vector<16xi32>,
    %swap3A_204 = vector.shape_cast %swap3A_203 : vector<16xi32> to vector<16xi32>
    %swap3A_205 = vector.shape_cast %add3A_201 : vector<16xi32> to vector<16xi32>
    tpu.vector_store %arg5[%swap3A_202], %swap3A_205 {strides = array<i32>} : memref<640xi32, #tpu.memory_space<vmem>>, vector<16xi32>,
    %add3A_206 = arith.constant 432 : i32
    %add3A_207 = vector.broadcast %add3A_206 : i32 to vector<16xi32>
    %add3A_208 = arith.addi %mul3A_12, %add3A_207 : vector<16xi32>
    %mul3A_209 = arith.constant 9 : i32
    %mul3A_210 = vector.broadcast %mul3A_209 : i32 to vector<16xi32>
    %mul3A_211 = arith.muli %mul3A_210, %iota3A : vector<16xi32>
    %add3A_212 = arith.addi %add3A_208, %mul3A_211 : vector<16xi32>
    %get3A_213 = arith.constant 208 : index
    %get3A_214 = tpu.vector_load %arg5[%get3A_213] {strides = array<i32>} : memref<640xi32, #tpu.memory_space<vmem>>, vector<16xi32>,
    %get3A_215 = vector.shape_cast %get3A_214 : vector<16xi32> to vector<16xi32>
    %add3A_216 = arith.addi %get3A_215, %add3A_212 : vector<16xi32>
    %swap3A_217 = arith.constant 208 : index
    %swap3A_218 = tpu.vector_load %arg5[%swap3A_217] {strides = array<i32>} : memref<640xi32, #tpu.memory_space<vmem>>, vector<16xi32>,
    %swap3A_219 = vector.shape_cast %swap3A_218 : vector<16xi32> to vector<16xi32>
    %swap3A_220 = vector.shape_cast %add3A_216 : vector<16xi32> to vector<16xi32>
    tpu.vector_store %arg5[%swap3A_217], %swap3A_220 {strides = array<i32>} : memref<640xi32, #tpu.memory_space<vmem>>, vector<16xi32>,
    %add3A_221 = arith.constant 432 : i32
    %add3A_222 = vector.broadcast %add3A_221 : i32 to vector<16xi32>
    %add3A_223 = arith.addi %mul3A_12, %add3A_222 : vector<16xi32>
    %mul3A_224 = arith.constant 9 : i32
    %mul3A_225 = vector.broadcast %mul3A_224 : i32 to vector<16xi32>
    %mul3A_226 = arith.muli %mul3A_225, %iota3A : vector<16xi32>
    %add3A_227 = arith.addi %add3A_223, %mul3A_226 : vector<16xi32>
    %get3A_228 = arith.constant 224 : index
    %get3A_229 = tpu.vector_load %arg5[%get3A_228] {strides = array<i32>} : memref<640xi32, #tpu.memory_space<vmem>>, vector<16xi32>,
    %get3A_230 = vector.shape_cast %get3A_229 : vector<16xi32> to vector<16xi32>
    %add3A_231 = arith.addi %get3A_230, %add3A_227 : vector<16xi32>
    %swap3A_232 = arith.constant 224 : index
    %swap3A_233 = tpu.vector_load %arg5[%swap3A_232] {strides = array<i32>} : memref<640xi32, #tpu.memory_space<vmem>>, vector<16xi32>,
    %swap3A_234 = vector.shape_cast %swap3A_233 : vector<16xi32> to vector<16xi32>
    %swap3A_235 = vector.shape_cast %add3A_231 : vector<16xi32> to vector<16xi32>
    tpu.vector_store %arg5[%swap3A_232], %swap3A_235 {strides = array<i32>} : memref<640xi32, #tpu.memory_space<vmem>>, vector<16xi32>,
    %add3A_236 = arith.constant 432 : i32
    %add3A_237 = vector.broadcast %add3A_236 : i32 to vector<16xi32>
    %add3A_238 = arith.addi %mul3A_12, %add3A_237 : vector<16xi32>
    %mul3A_239 = arith.constant 9 : i32
    %mul3A_240 = vector.broadcast %mul3A_239 : i32 to vector<16xi32>
    %mul3A_241 = arith.muli %mul3A_240, %iota3A : vector<16xi32>
    %add3A_242 = arith.addi %add3A_238, %mul3A_241 : vector<16xi32>
    %get3A_243 = arith.constant 240 : index
    %get3A_244 = tpu.vector_load %arg5[%get3A_243] {strides = array<i32>} : memref<640xi32, #tpu.memory_space<vmem>>, vector<16xi32>,
    %get3A_245 = vector.shape_cast %get3A_244 : vector<16xi32> to vector<16xi32>
    %add3A_246 = arith.addi %get3A_245, %add3A_242 : vector<16xi32>
    %swap3A_247 = arith.constant 240 : index
    %swap3A_248 = tpu.vector_load %arg5[%swap3A_247] {strides = array<i32>} : memref<640xi32, #tpu.memory_space<vmem>>, vector<16xi32>,
    %swap3A_249 = vector.shape_cast %swap3A_248 : vector<16xi32> to vector<16xi32>
    %swap3A_250 = vector.shape_cast %add3A_246 : vector<16xi32> to vector<16xi32>
    tpu.vector_store %arg5[%swap3A_247], %swap3A_250 {strides = array<i32>} : memref<640xi32, #tpu.memory_space<vmem>>, vector<16xi32>,
    %add3A_251 = arith.constant 576 : i32
    %add3A_252 = vector.broadcast %add3A_251 : i32 to vector<16xi32>
    %add3A_253 = arith.addi %mul3A_12, %add3A_252 : vector<16xi32>
    %mul3A_254 = arith.constant 9 : i32
    %mul3A_255 = vector.broadcast %mul3A_254 : i32 to vector<16xi32>
    %mul3A_256 = arith.muli %mul3A_255, %iota3A : vector<16xi32>
    %add3A_257 = arith.addi %add3A_253, %mul3A_256 : vector<16xi32>
    %get3A_258 = arith.constant 256 : index
    %get3A_259 = tpu.vector_load %arg5[%get3A_258] {strides = array<i32>} : memref<640xi32, #tpu.memory_space<vmem>>, vector<16xi32>,
    %get3A_260 = vector.shape_cast %get3A_259 : vector<16xi32> to vector<16xi32>
    %add3A_261 = arith.addi %get3A_260, %add3A_257 : vector<16xi32>
    %swap3A_262 = arith.constant 256 : index
    %swap3A_263 = tpu.vector_load %arg5[%swap3A_262] {strides = array<i32>} : memref<640xi32, #tpu.memory_space<vmem>>, vector<16xi32>,
    %swap3A_264 = vector.shape_cast %swap3A_263 : vector<16xi32> to vector<16xi32>
    %swap3A_265 = vector.shape_cast %add3A_261 : vector<16xi32> to vector<16xi32>
    tpu.vector_store %arg5[%swap3A_262], %swap3A_265 {strides = array<i32>} : memref<640xi32, #tpu.memory_space<vmem>>, vector<16xi32>,
    %add3A_266 = arith.constant 576 : i32
    %add3A_267 = vector.broadcast %add3A_266 : i32 to vector<16xi32>
    %add3A_268 = arith.addi %mul3A_12, %add3A_267 : vector<16xi32>
    %mul3A_269 = arith.constant 9 : i32
    %mul3A_270 = vector.broadcast %mul3A_269 : i32 to vector<16xi32>
    %mul3A_271 = arith.muli %mul3A_270, %iota3A : vector<16xi32>
    %add3A_272 = arith.addi %add3A_268, %mul3A_271 : vector<16xi32>
    %get3A_273 = arith.constant 272 : index
    %get3A_274 = tpu.vector_load %arg5[%get3A_273] {strides = array<i32>} : memref<640xi32, #tpu.memory_space<vmem>>, vector<16xi32>,
    %get3A_275 = vector.shape_cast %get3A_274 : vector<16xi32> to vector<16xi32>
    %add3A_276 = arith.addi %get3A_275, %add3A_272 : vector<16xi32>
    %swap3A_277 = arith.constant 272 : index
    %swap3A_278 = tpu.vector_load %arg5[%swap3A_277] {strides = array<i32>} : memref<640xi32, #tpu.memory_space<vmem>>, vector<16xi32>,
    %swap3A_279 = vector.shape_cast %swap3A_278 : vector<16xi32> to vector<16xi32>
    %swap3A_280 = vector.shape_cast %add3A_276 : vector<16xi32> to vector<16xi32>
    tpu.vector_store %arg5[%swap3A_277], %swap3A_280 {strides = array<i32>} : memref<640xi32, #tpu.memory_space<vmem>>, vector<16xi32>,
    %add3A_281 = arith.constant 576 : i32
    %add3A_282 = vector.broadcast %add3A_281 : i32 to vector<16xi32>
    %add3A_283 = arith.addi %mul3A_12, %add3A_282 : vector<16xi32>
    %mul3A_284 = arith.constant 9 : i32
    %mul3A_285 = vector.broadcast %mul3A_284 : i32 to vector<16xi32>
    %mul3A_286 = arith.muli %mul3A_285, %iota3A : vector<16xi32>
    %add3A_287 = arith.addi %add3A_283, %mul3A_286 : vector<16xi32>
    %get3A_288 = arith.constant 288 : index
    %get3A_289 = tpu.vector_load %arg5[%get3A_288] {strides = array<i32>} : memref<640xi32, #tpu.memory_space<vmem>>, vector<16xi32>,
    %get3A_290 = vector.shape_cast %get3A_289 : vector<16xi32> to vector<16xi32>
    %add3A_291 = arith.addi %get3A_290, %add3A_287 : vector<16xi32>
    %swap3A_292 = arith.constant 288 : index
    %swap3A_293 = tpu.vector_load %arg5[%swap3A_292] {strides = array<i32>} : memref<640xi32, #tpu.memory_space<vmem>>, vector<16xi32>,
    %swap3A_294 = vector.shape_cast %swap3A_293 : vector<16xi32> to vector<16xi32>
    %swap3A_295 = vector.shape_cast %add3A_291 : vector<16xi32> to vector<16xi32>
    tpu.vector_store %arg5[%swap3A_292], %swap3A_295 {strides = array<i32>} : memref<640xi32, #tpu.memory_space<vmem>>, vector<16xi32>,
    %add3A_296 = arith.constant 576 : i32
    %add3A_297 = vector.broadcast %add3A_296 : i32 to vector<16xi32>
    %add3A_298 = arith.addi %mul3A_12, %add3A_297 : vector<16xi32>
    %mul3A_299 = arith.constant 9 : i32
    %mul3A_300 = vector.broadcast %mul3A_299 : i32 to vector<16xi32>
    %mul3A_301 = arith.muli %mul3A_300, %iota3A : vector<16xi32>
    %add3A_302 = arith.addi %add3A_298, %mul3A_301 : vector<16xi32>
    %get3A_303 = arith.constant 304 : index
    %get3A_304 = tpu.vector_load %arg5[%get3A_303] {strides = array<i32>} : memref<640xi32, #tpu.memory_space<vmem>>, vector<16xi32>,
    %get3A_305 = vector.shape_cast %get3A_304 : vector<16xi32> to vector<16xi32>
    %add3A_306 = arith.addi %get3A_305, %add3A_302 : vector<16xi32>
    %swap3A_307 = arith.constant 304 : index
    %swap3A_308 = tpu.vector_load %arg5[%swap3A_307] {strides = array<i32>} : memref<640xi32, #tpu.memory_space<vmem>>, vector<16xi32>,
    %swap3A_309 = vector.shape_cast %swap3A_308 : vector<16xi32> to vector<16xi32>
    %swap3A_310 = vector.shape_cast %add3A_306 : vector<16xi32> to vector<16xi32>
    tpu.vector_store %arg5[%swap3A_307], %swap3A_310 {strides = array<i32>} : memref<640xi32, #tpu.memory_space<vmem>>, vector<16xi32>,
    %add3A_311 = arith.constant 720 : i32
    %add3A_312 = vector.broadcast %add3A_311 : i32 to vector<16xi32>
    %add3A_313 = arith.addi %mul3A_12, %add3A_312 : vector<16xi32>
    %mul3A_314 = arith.constant 9 : i32
    %mul3A_315 = vector.broadcast %mul3A_314 : i32 to vector<16xi32>
    %mul3A_316 = arith.muli %mul3A_315, %iota3A : vector<16xi32>
    %add3A_317 = arith.addi %add3A_313, %mul3A_316 : vector<16xi32>
    %get3A_318 = arith.constant 320 : index
    %get3A_319 = tpu.vector_load %arg5[%get3A_318] {strides = array<i32>} : memref<640xi32, #tpu.memory_space<vmem>>, vector<16xi32>,
    %get3A_320 = vector.shape_cast %get3A_319 : vector<16xi32> to vector<16xi32>
    %add3A_321 = arith.addi %get3A_320, %add3A_317 : vector<16xi32>
    %swap3A_322 = arith.constant 320 : index
    %swap3A_323 = tpu.vector_load %arg5[%swap3A_322] {strides = array<i32>} : memref<640xi32, #tpu.memory_space<vmem>>, vector<16xi32>,
    %swap3A_324 = vector.shape_cast %swap3A_323 : vector<16xi32> to vector<16xi32>
    %swap3A_325 = vector.shape_cast %add3A_321 : vector<16xi32> to vector<16xi32>
    tpu.vector_store %arg5[%swap3A_322], %swap3A_325 {strides = array<i32>} : memref<640xi32, #tpu.memory_space<vmem>>, vector<16xi32>,
    %add3A_326 = arith.constant 720 : i32
    %add3A_327 = vector.broadcast %add3A_326 : i32 to vector<16xi32>
    %add3A_328 = arith.addi %mul3A_12, %add3A_327 : vector<16xi32>
    %mul3A_329 = arith.constant 9 : i32
    %mul3A_330 = vector.broadcast %mul3A_329 : i32 to vector<16xi32>
    %mul3A_331 = arith.muli %mul3A_330, %iota3A : vector<16xi32>
    %add3A_332 = arith.addi %add3A_328, %mul3A_331 : vector<16xi32>
    %get3A_333 = arith.constant 336 : index
    %get3A_334 = tpu.vector_load %arg5[%get3A_333] {strides = array<i32>} : memref<640xi32, #tpu.memory_space<vmem>>, vector<16xi32>,
    %get3A_335 = vector.shape_cast %get3A_334 : vector<16xi32> to vector<16xi32>
    %add3A_336 = arith.addi %get3A_335, %add3A_332 : vector<16xi32>
    %swap3A_337 = arith.constant 336 : index
    %swap3A_338 = tpu.vector_load %arg5[%swap3A_337] {strides = array<i32>} : memref<640xi32, #tpu.memory_space<vmem>>, vector<16xi32>,
    %swap3A_339 = vector.shape_cast %swap3A_338 : vector<16xi32> to vector<16xi32>
    %swap3A_340 = vector.shape_cast %add3A_336 : vector<16xi32> to vector<16xi32>
    tpu.vector_store %arg5[%swap3A_337], %swap3A_340 {strides = array<i32>} : memref<640xi32, #tpu.memory_space<vmem>>, vector<16xi32>,
    %add3A_341 = arith.constant 720 : i32
    %add3A_342 = vector.broadcast %add3A_341 : i32 to vector<16xi32>
    %add3A_343 = arith.addi %mul3A_12, %add3A_342 : vector<16xi32>
    %mul3A_344 = arith.constant 9 : i32
    %mul3A_345 = vector.broadcast %mul3A_344 : i32 to vector<16xi32>
    %mul3A_346 = arith.muli %mul3A_345, %iota3A : vector<16xi32>
    %add3A_347 = arith.addi %add3A_343, %mul3A_346 : vector<16xi32>
    %get3A_348 = arith.constant 352 : index
    %get3A_349 = tpu.vector_load %arg5[%get3A_348] {strides = array<i32>} : memref<640xi32, #tpu.memory_space<vmem>>, vector<16xi32>,
    %get3A_350 = vector.shape_cast %get3A_349 : vector<16xi32> to vector<16xi32>
    %add3A_351 = arith.addi %get3A_350, %add3A_347 : vector<16xi32>
    %swap3A_352 = arith.constant 352 : index
    %swap3A_353 = tpu.vector_load %arg5[%swap3A_352] {strides = array<i32>} : memref<640xi32, #tpu.memory_space<vmem>>, vector<16xi32>,
    %swap3A_354 = vector.shape_cast %swap3A_353 : vector<16xi32> to vector<16xi32>
    %swap3A_355 = vector.shape_cast %add3A_351 : vector<16xi32> to vector<16xi32>
    tpu.vector_store %arg5[%swap3A_352], %swap3A_355 {strides = array<i32>} : memref<640xi32, #tpu.memory_space<vmem>>, vector<16xi32>,
    %add3A_356 = arith.constant 720 : i32
    %add3A_357 = vector.broadcast %add3A_356 : i32 to vector<16xi32>
    %add3A_358 = arith.addi %mul3A_12, %add3A_357 : vector<16xi32>
    %mul3A_359 = arith.constant 9 : i32
    %mul3A_360 = vector.broadcast %mul3A_359 : i32 to vector<16xi32>
    %mul3A_361 = arith.muli %mul3A_360, %iota3A : vector<16xi32>
    %add3A_362 = arith.addi %add3A_358, %mul3A_361 : vector<16xi32>
    %get3A_363 = arith.constant 368 : index
    %get3A_364 = tpu.vector_load %arg5[%get3A_363] {strides = array<i32>} : memref<640xi32, #tpu.memory_space<vmem>>, vector<16xi32>,
    %get3A_365 = vector.shape_cast %get3A_364 : vector<16xi32> to vector<16xi32>
    %add3A_366 = arith.addi %get3A_365, %add3A_362 : vector<16xi32>
    %swap3A_367 = arith.constant 368 : index
    %swap3A_368 = tpu.vector_load %arg5[%swap3A_367] {strides = array<i32>} : memref<640xi32, #tpu.memory_space<vmem>>, vector<16xi32>,
    %swap3A_369 = vector.shape_cast %swap3A_368 : vector<16xi32> to vector<16xi32>
    %swap3A_370 = vector.shape_cast %add3A_366 : vector<16xi32> to vector<16xi32>
    tpu.vector_store %arg5[%swap3A_367], %swap3A_370 {strides = array<i32>} : memref<640xi32, #tpu.memory_space<vmem>>, vector<16xi32>,
    %add3A_371 = arith.constant 864 : i32
    %add3A_372 = vector.broadcast %add3A_371 : i32 to vector<16xi32>
    %add3A_373 = arith.addi %mul3A_12, %add3A_372 : vector<16xi32>
    %mul3A_374 = arith.constant 9 : i32
    %mul3A_375 = vector.broadcast %mul3A_374 : i32 to vector<16xi32>
    %mul3A_376 = arith.muli %mul3A_375, %iota3A : vector<16xi32>
    %add3A_377 = arith.addi %add3A_373, %mul3A_376 : vector<16xi32>
    %get3A_378 = arith.constant 384 : index
    %get3A_379 = tpu.vector_load %arg5[%get3A_378] {strides = array<i32>} : memref<640xi32, #tpu.memory_space<vmem>>, vector<16xi32>,
    %get3A_380 = vector.shape_cast %get3A_379 : vector<16xi32> to vector<16xi32>
    %add3A_381 = arith.addi %get3A_380, %add3A_377 : vector<16xi32>
    %swap3A_382 = arith.constant 384 : index
    %swap3A_383 = tpu.vector_load %arg5[%swap3A_382] {strides = array<i32>} : memref<640xi32, #tpu.memory_space<vmem>>, vector<16xi32>,
    %swap3A_384 = vector.shape_cast %swap3A_383 : vector<16xi32> to vector<16xi32>
    %swap3A_385 = vector.shape_cast %add3A_381 : vector<16xi32> to vector<16xi32>
    tpu.vector_store %arg5[%swap3A_382], %swap3A_385 {strides = array<i32>} : memref<640xi32, #tpu.memory_space<vmem>>, vector<16xi32>,
    %add3A_386 = arith.constant 864 : i32
    %add3A_387 = vector.broadcast %add3A_386 : i32 to vector<16xi32>
    %add3A_388 = arith.addi %mul3A_12, %add3A_387 : vector<16xi32>
    %mul3A_389 = arith.constant 9 : i32
    %mul3A_390 = vector.broadcast %mul3A_389 : i32 to vector<16xi32>
    %mul3A_391 = arith.muli %mul3A_390, %iota3A : vector<16xi32>
    %add3A_392 = arith.addi %add3A_388, %mul3A_391 : vector<16xi32>
    %get3A_393 = arith.constant 400 : index
    %get3A_394 = tpu.vector_load %arg5[%get3A_393] {strides = array<i32>} : memref<640xi32, #tpu.memory_space<vmem>>, vector<16xi32>,
    %get3A_395 = vector.shape_cast %get3A_394 : vector<16xi32> to vector<16xi32>
    %add3A_396 = arith.addi %get3A_395, %add3A_392 : vector<16xi32>
    %swap3A_397 = arith.constant 400 : index
    %swap3A_398 = tpu.vector_load %arg5[%swap3A_397] {strides = array<i32>} : memref<640xi32, #tpu.memory_space<vmem>>, vector<16xi32>,
    %swap3A_399 = vector.shape_cast %swap3A_398 : vector<16xi32> to vector<16xi32>
    %swap3A_400 = vector.shape_cast %add3A_396 : vector<16xi32> to vector<16xi32>
    tpu.vector_store %arg5[%swap3A_397], %swap3A_400 {strides = array<i32>} : memref<640xi32, #tpu.memory_space<vmem>>, vector<16xi32>,
    %add3A_401 = arith.constant 864 : i32
    %add3A_402 = vector.broadcast %add3A_401 : i32 to vector<16xi32>
    %add3A_403 = arith.addi %mul3A_12, %add3A_402 : vector<16xi32>
    %mul3A_404 = arith.constant 9 : i32
    %mul3A_405 = vector.broadcast %mul3A_404 : i32 to vector<16xi32>
    %mul3A_406 = arith.muli %mul3A_405, %iota3A : vector<16xi32>
    %add3A_407 = arith.addi %add3A_403, %mul3A_406 : vector<16xi32>
    %get3A_408 = arith.constant 416 : index
    %get3A_409 = tpu.vector_load %arg5[%get3A_408] {strides = array<i32>} : memref<640xi32, #tpu.memory_space<vmem>>, vector<16xi32>,
    %get3A_410 = vector.shape_cast %get3A_409 : vector<16xi32> to vector<16xi32>
    %add3A_411 = arith.addi %get3A_410, %add3A_407 : vector<16xi32>
    %swap3A_412 = arith.constant 416 : index
    %swap3A_413 = tpu.vector_load %arg5[%swap3A_412] {strides = array<i32>} : memref<640xi32, #tpu.memory_space<vmem>>, vector<16xi32>,
    %swap3A_414 = vector.shape_cast %swap3A_413 : vector<16xi32> to vector<16xi32>
    %swap3A_415 = vector.shape_cast %add3A_411 : vector<16xi32> to vector<16xi32>
    tpu.vector_store %arg5[%swap3A_412], %swap3A_415 {strides = array<i32>} : memref<640xi32, #tpu.memory_space<vmem>>, vector<16xi32>,
    %add3A_416 = arith.constant 864 : i32
    %add3A_417 = vector.broadcast %add3A_416 : i32 to vector<16xi32>
    %add3A_418 = arith.addi %mul3A_12, %add3A_417 : vector<16xi32>
    %mul3A_419 = arith.constant 9 : i32
    %mul3A_420 = vector.broadcast %mul3A_419 : i32 to vector<16xi32>
    %mul3A_421 = arith.muli %mul3A_420, %iota3A : vector<16xi32>
    %add3A_422 = arith.addi %add3A_418, %mul3A_421 : vector<16xi32>
    %get3A_423 = arith.constant 432 : index
    %get3A_424 = tpu.vector_load %arg5[%get3A_423] {strides = array<i32>} : memref<640xi32, #tpu.memory_space<vmem>>, vector<16xi32>,
    %get3A_425 = vector.shape_cast %get3A_424 : vector<16xi32> to vector<16xi32>
    %add3A_426 = arith.addi %get3A_425, %add3A_422 : vector<16xi32>
    %swap3A_427 = arith.constant 432 : index
    %swap3A_428 = tpu.vector_load %arg5[%swap3A_427] {strides = array<i32>} : memref<640xi32, #tpu.memory_space<vmem>>, vector<16xi32>,
    %swap3A_429 = vector.shape_cast %swap3A_428 : vector<16xi32> to vector<16xi32>
    %swap3A_430 = vector.shape_cast %add3A_426 : vector<16xi32> to vector<16xi32>
    tpu.vector_store %arg5[%swap3A_427], %swap3A_430 {strides = array<i32>} : memref<640xi32, #tpu.memory_space<vmem>>, vector<16xi32>,
    %add3A_431 = arith.constant 1008 : i32
    %add3A_432 = vector.broadcast %add3A_431 : i32 to vector<16xi32>
    %add3A_433 = arith.addi %mul3A_12, %add3A_432 : vector<16xi32>
    %mul3A_434 = arith.constant 9 : i32
    %mul3A_435 = vector.broadcast %mul3A_434 : i32 to vector<16xi32>
    %mul3A_436 = arith.muli %mul3A_435, %iota3A : vector<16xi32>
    %add3A_437 = arith.addi %add3A_433, %mul3A_436 : vector<16xi32>
    %get3A_438 = arith.constant 448 : index
    %get3A_439 = tpu.vector_load %arg5[%get3A_438] {strides = array<i32>} : memref<640xi32, #tpu.memory_space<vmem>>, vector<16xi32>,
    %get3A_440 = vector.shape_cast %get3A_439 : vector<16xi32> to vector<16xi32>
    %add3A_441 = arith.addi %get3A_440, %add3A_437 : vector<16xi32>
    %swap3A_442 = arith.constant 448 : index
    %swap3A_443 = tpu.vector_load %arg5[%swap3A_442] {strides = array<i32>} : memref<640xi32, #tpu.memory_space<vmem>>, vector<16xi32>,
    %swap3A_444 = vector.shape_cast %swap3A_443 : vector<16xi32> to vector<16xi32>
    %swap3A_445 = vector.shape_cast %add3A_441 : vector<16xi32> to vector<16xi32>
    tpu.vector_store %arg5[%swap3A_442], %swap3A_445 {strides = array<i32>} : memref<640xi32, #tpu.memory_space<vmem>>, vector<16xi32>,
    %add3A_446 = arith.constant 1008 : i32
    %add3A_447 = vector.broadcast %add3A_446 : i32 to vector<16xi32>
    %add3A_448 = arith.addi %mul3A_12, %add3A_447 : vector<16xi32>
    %mul3A_449 = arith.constant 9 : i32
    %mul3A_450 = vector.broadcast %mul3A_449 : i32 to vector<16xi32>
    %mul3A_451 = arith.muli %mul3A_450, %iota3A : vector<16xi32>
    %add3A_452 = arith.addi %add3A_448, %mul3A_451 : vector<16xi32>
    %get3A_453 = arith.constant 464 : index
    %get3A_454 = tpu.vector_load %arg5[%get3A_453] {strides = array<i32>} : memref<640xi32, #tpu.memory_space<vmem>>, vector<16xi32>,
    %get3A_455 = vector.shape_cast %get3A_454 : vector<16xi32> to vector<16xi32>
    %add3A_456 = arith.addi %get3A_455, %add3A_452 : vector<16xi32>
    %swap3A_457 = arith.constant 464 : index
    %swap3A_458 = tpu.vector_load %arg5[%swap3A_457] {strides = array<i32>} : memref<640xi32, #tpu.memory_space<vmem>>, vector<16xi32>,
    %swap3A_459 = vector.shape_cast %swap3A_458 : vector<16xi32> to vector<16xi32>
    %swap3A_460 = vector.shape_cast %add3A_456 : vector<16xi32> to vector<16xi32>
    tpu.vector_store %arg5[%swap3A_457], %swap3A_460 {strides = array<i32>} : memref<640xi32, #tpu.memory_space<vmem>>, vector<16xi32>,
    %add3A_461 = arith.constant 1008 : i32
    %add3A_462 = vector.broadcast %add3A_461 : i32 to vector<16xi32>
    %add3A_463 = arith.addi %mul3A_12, %add3A_462 : vector<16xi32>
    %mul3A_464 = arith.constant 9 : i32
    %mul3A_465 = vector.broadcast %mul3A_464 : i32 to vector<16xi32>
    %mul3A_466 = arith.muli %mul3A_465, %iota3A : vector<16xi32>
    %add3A_467 = arith.addi %add3A_463, %mul3A_466 : vector<16xi32>
    %get3A_468 = arith.constant 480 : index
    %get3A_469 = tpu.vector_load %arg5[%get3A_468] {strides = array<i32>} : memref<640xi32, #tpu.memory_space<vmem>>, vector<16xi32>,
    %get3A_470 = vector.shape_cast %get3A_469 : vector<16xi32> to vector<16xi32>
    %add3A_471 = arith.addi %get3A_470, %add3A_467 : vector<16xi32>
    %swap3A_472 = arith.constant 480 : index
    %swap3A_473 = tpu.vector_load %arg5[%swap3A_472] {strides = array<i32>} : memref<640xi32, #tpu.memory_space<vmem>>, vector<16xi32>,
    %swap3A_474 = vector.shape_cast %swap3A_473 : vector<16xi32> to vector<16xi32>
    %swap3A_475 = vector.shape_cast %add3A_471 : vector<16xi32> to vector<16xi32>
    tpu.vector_store %arg5[%swap3A_472], %swap3A_475 {strides = array<i32>} : memref<640xi32, #tpu.memory_space<vmem>>, vector<16xi32>,
    %add3A_476 = arith.constant 1008 : i32
    %add3A_477 = vector.broadcast %add3A_476 : i32 to vector<16xi32>
    %add3A_478 = arith.addi %mul3A_12, %add3A_477 : vector<16xi32>
    %mul3A_479 = arith.constant 9 : i32
    %mul3A_480 = vector.broadcast %mul3A_479 : i32 to vector<16xi32>
    %mul3A_481 = arith.muli %mul3A_480, %iota3A : vector<16xi32>
    %add3A_482 = arith.addi %add3A_478, %mul3A_481 : vector<16xi32>
    %get3A_483 = arith.constant 496 : index
    %get3A_484 = tpu.vector_load %arg5[%get3A_483] {strides = array<i32>} : memref<640xi32, #tpu.memory_space<vmem>>, vector<16xi32>,
    %get3A_485 = vector.shape_cast %get3A_484 : vector<16xi32> to vector<16xi32>
    %add3A_486 = arith.addi %get3A_485, %add3A_482 : vector<16xi32>
    %swap3A_487 = arith.constant 496 : index
    %swap3A_488 = tpu.vector_load %arg5[%swap3A_487] {strides = array<i32>} : memref<640xi32, #tpu.memory_space<vmem>>, vector<16xi32>,
    %swap3A_489 = vector.shape_cast %swap3A_488 : vector<16xi32> to vector<16xi32>
    %swap3A_490 = vector.shape_cast %add3A_486 : vector<16xi32> to vector<16xi32>
    tpu.vector_store %arg5[%swap3A_487], %swap3A_490 {strides = array<i32>} : memref<640xi32, #tpu.memory_space<vmem>>, vector<16xi32>,
    %add3A_491 = arith.constant 1152 : i32
    %add3A_492 = vector.broadcast %add3A_491 : i32 to vector<16xi32>
    %add3A_493 = arith.addi %mul3A_12, %add3A_492 : vector<16xi32>
    %mul3A_494 = arith.constant 9 : i32
    %mul3A_495 = vector.broadcast %mul3A_494 : i32 to vector<16xi32>
    %mul3A_496 = arith.muli %mul3A_495, %iota3A : vector<16xi32>
    %add3A_497 = arith.addi %add3A_493, %mul3A_496 : vector<16xi32>
    %get3A_498 = arith.constant 512 : index
    %get3A_499 = tpu.vector_load %arg5[%get3A_498] {strides = array<i32>} : memref<640xi32, #tpu.memory_space<vmem>>, vector<16xi32>,
    %get3A_500 = vector.shape_cast %get3A_499 : vector<16xi32> to vector<16xi32>
    %add3A_501 = arith.addi %get3A_500, %add3A_497 : vector<16xi32>
    %swap3A_502 = arith.constant 512 : index
    %swap3A_503 = tpu.vector_load %arg5[%swap3A_502] {strides = array<i32>} : memref<640xi32, #tpu.memory_space<vmem>>, vector<16xi32>,
    %swap3A_504 = vector.shape_cast %swap3A_503 : vector<16xi32> to vector<16xi32>
    %swap3A_505 = vector.shape_cast %add3A_501 : vector<16xi32> to vector<16xi32>
    tpu.vector_store %arg5[%swap3A_502], %swap3A_505 {strides = array<i32>} : memref<640xi32, #tpu.memory_space<vmem>>, vector<16xi32>,
    %add3A_506 = arith.constant 1152 : i32
    %add3A_507 = vector.broadcast %add3A_506 : i32 to vector<16xi32>
    %add3A_508 = arith.addi %mul3A_12, %add3A_507 : vector<16xi32>
    %mul3A_509 = arith.constant 9 : i32
    %mul3A_510 = vector.broadcast %mul3A_509 : i32 to vector<16xi32>
    %mul3A_511 = arith.muli %mul3A_510, %iota3A : vector<16xi32>
    %add3A_512 = arith.addi %add3A_508, %mul3A_511 : vector<16xi32>
    %get3A_513 = arith.constant 528 : index
    %get3A_514 = tpu.vector_load %arg5[%get3A_513] {strides = array<i32>} : memref<640xi32, #tpu.memory_space<vmem>>, vector<16xi32>,
    %get3A_515 = vector.shape_cast %get3A_514 : vector<16xi32> to vector<16xi32>
    %add3A_516 = arith.addi %get3A_515, %add3A_512 : vector<16xi32>
    %swap3A_517 = arith.constant 528 : index
    %swap3A_518 = tpu.vector_load %arg5[%swap3A_517] {strides = array<i32>} : memref<640xi32, #tpu.memory_space<vmem>>, vector<16xi32>,
    %swap3A_519 = vector.shape_cast %swap3A_518 : vector<16xi32> to vector<16xi32>
    %swap3A_520 = vector.shape_cast %add3A_516 : vector<16xi32> to vector<16xi32>
    tpu.vector_store %arg5[%swap3A_517], %swap3A_520 {strides = array<i32>} : memref<640xi32, #tpu.memory_space<vmem>>, vector<16xi32>,
    %add3A_521 = arith.constant 1152 : i32
    %add3A_522 = vector.broadcast %add3A_521 : i32 to vector<16xi32>
    %add3A_523 = arith.addi %mul3A_12, %add3A_522 : vector<16xi32>
    %mul3A_524 = arith.constant 9 : i32
    %mul3A_525 = vector.broadcast %mul3A_524 : i32 to vector<16xi32>
    %mul3A_526 = arith.muli %mul3A_525, %iota3A : vector<16xi32>
    %add3A_527 = arith.addi %add3A_523, %mul3A_526 : vector<16xi32>
    %get3A_528 = arith.constant 544 : index
    %get3A_529 = tpu.vector_load %arg5[%get3A_528] {strides = array<i32>} : memref<640xi32, #tpu.memory_space<vmem>>, vector<16xi32>,
    %get3A_530 = vector.shape_cast %get3A_529 : vector<16xi32> to vector<16xi32>
    %add3A_531 = arith.addi %get3A_530, %add3A_527 : vector<16xi32>
    %swap3A_532 = arith.constant 544 : index
    %swap3A_533 = tpu.vector_load %arg5[%swap3A_532] {strides = array<i32>} : memref<640xi32, #tpu.memory_space<vmem>>, vector<16xi32>,
    %swap3A_534 = vector.shape_cast %swap3A_533 : vector<16xi32> to vector<16xi32>
    %swap3A_535 = vector.shape_cast %add3A_531 : vector<16xi32> to vector<16xi32>
    tpu.vector_store %arg5[%swap3A_532], %swap3A_535 {strides = array<i32>} : memref<640xi32, #tpu.memory_space<vmem>>, vector<16xi32>,
    %add3A_536 = arith.constant 1152 : i32
    %add3A_537 = vector.broadcast %add3A_536 : i32 to vector<16xi32>
    %add3A_538 = arith.addi %mul3A_12, %add3A_537 : vector<16xi32>
    %mul3A_539 = arith.constant 9 : i32
    %mul3A_540 = vector.broadcast %mul3A_539 : i32 to vector<16xi32>
    %mul3A_541 = arith.muli %mul3A_540, %iota3A : vector<16xi32>
    %add3A_542 = arith.addi %add3A_538, %mul3A_541 : vector<16xi32>
    %get3A_543 = arith.constant 560 : index
    %get3A_544 = tpu.vector_load %arg5[%get3A_543] {strides = array<i32>} : memref<640xi32, #tpu.memory_space<vmem>>, vector<16xi32>,
    %get3A_545 = vector.shape_cast %get3A_544 : vector<16xi32> to vector<16xi32>
    %add3A_546 = arith.addi %get3A_545, %add3A_542 : vector<16xi32>
    %swap3A_547 = arith.constant 560 : index
    %swap3A_548 = tpu.vector_load %arg5[%swap3A_547] {strides = array<i32>} : memref<640xi32, #tpu.memory_space<vmem>>, vector<16xi32>,
    %swap3A_549 = vector.shape_cast %swap3A_548 : vector<16xi32> to vector<16xi32>
    %swap3A_550 = vector.shape_cast %add3A_546 : vector<16xi32> to vector<16xi32>
    tpu.vector_store %arg5[%swap3A_547], %swap3A_550 {strides = array<i32>} : memref<640xi32, #tpu.memory_space<vmem>>, vector<16xi32>,
    %add3A_551 = arith.constant 1296 : i32
    %add3A_552 = vector.broadcast %add3A_551 : i32 to vector<16xi32>
    %add3A_553 = arith.addi %mul3A_12, %add3A_552 : vector<16xi32>
    %mul3A_554 = arith.constant 9 : i32
    %mul3A_555 = vector.broadcast %mul3A_554 : i32 to vector<16xi32>
    %mul3A_556 = arith.muli %mul3A_555, %iota3A : vector<16xi32>
    %add3A_557 = arith.addi %add3A_553, %mul3A_556 : vector<16xi32>
    %get3A_558 = arith.constant 576 : index
    %get3A_559 = tpu.vector_load %arg5[%get3A_558] {strides = array<i32>} : memref<640xi32, #tpu.memory_space<vmem>>, vector<16xi32>,
    %get3A_560 = vector.shape_cast %get3A_559 : vector<16xi32> to vector<16xi32>
    %add3A_561 = arith.addi %get3A_560, %add3A_557 : vector<16xi32>
    %swap3A_562 = arith.constant 576 : index
    %swap3A_563 = tpu.vector_load %arg5[%swap3A_562] {strides = array<i32>} : memref<640xi32, #tpu.memory_space<vmem>>, vector<16xi32>,
    %swap3A_564 = vector.shape_cast %swap3A_563 : vector<16xi32> to vector<16xi32>
    %swap3A_565 = vector.shape_cast %add3A_561 : vector<16xi32> to vector<16xi32>
    tpu.vector_store %arg5[%swap3A_562], %swap3A_565 {strides = array<i32>} : memref<640xi32, #tpu.memory_space<vmem>>, vector<16xi32>,
    %add3A_566 = arith.constant 1296 : i32
    %add3A_567 = vector.broadcast %add3A_566 : i32 to vector<16xi32>
    %add3A_568 = arith.addi %mul3A_12, %add3A_567 : vector<16xi32>
    %mul3A_569 = arith.constant 9 : i32
    %mul3A_570 = vector.broadcast %mul3A_569 : i32 to vector<16xi32>
    %mul3A_571 = arith.muli %mul3A_570, %iota3A : vector<16xi32>
    %add3A_572 = arith.addi %add3A_568, %mul3A_571 : vector<16xi32>
    %get3A_573 = arith.constant 592 : index
    %get3A_574 = tpu.vector_load %arg5[%get3A_573] {strides = array<i32>} : memref<640xi32, #tpu.memory_space<vmem>>, vector<16xi32>,
    %get3A_575 = vector.shape_cast %get3A_574 : vector<16xi32> to vector<16xi32>
    %add3A_576 = arith.addi %get3A_575, %add3A_572 : vector<16xi32>
    %swap3A_577 = arith.constant 592 : index
    %swap3A_578 = tpu.vector_load %arg5[%swap3A_577] {strides = array<i32>} : memref<640xi32, #tpu.memory_space<vmem>>, vector<16xi32>,
    %swap3A_579 = vector.shape_cast %swap3A_578 : vector<16xi32> to vector<16xi32>
    %swap3A_580 = vector.shape_cast %add3A_576 : vector<16xi32> to vector<16xi32>
    tpu.vector_store %arg5[%swap3A_577], %swap3A_580 {strides = array<i32>} : memref<640xi32, #tpu.memory_space<vmem>>, vector<16xi32>,
    %add3A_581 = arith.constant 1296 : i32
    %add3A_582 = vector.broadcast %add3A_581 : i32 to vector<16xi32>
    %add3A_583 = arith.addi %mul3A_12, %add3A_582 : vector<16xi32>
    %mul3A_584 = arith.constant 9 : i32
    %mul3A_585 = vector.broadcast %mul3A_584 : i32 to vector<16xi32>
    %mul3A_586 = arith.muli %mul3A_585, %iota3A : vector<16xi32>
    %add3A_587 = arith.addi %add3A_583, %mul3A_586 : vector<16xi32>
    %get3A_588 = arith.constant 608 : index
    %get3A_589 = tpu.vector_load %arg5[%get3A_588] {strides = array<i32>} : memref<640xi32, #tpu.memory_space<vmem>>, vector<16xi32>,
    %get3A_590 = vector.shape_cast %get3A_589 : vector<16xi32> to vector<16xi32>
    %add3A_591 = arith.addi %get3A_590, %add3A_587 : vector<16xi32>
    %swap3A_592 = arith.constant 608 : index
    %swap3A_593 = tpu.vector_load %arg5[%swap3A_592] {strides = array<i32>} : memref<640xi32, #tpu.memory_space<vmem>>, vector<16xi32>,
    %swap3A_594 = vector.shape_cast %swap3A_593 : vector<16xi32> to vector<16xi32>
    %swap3A_595 = vector.shape_cast %add3A_591 : vector<16xi32> to vector<16xi32>
    tpu.vector_store %arg5[%swap3A_592], %swap3A_595 {strides = array<i32>} : memref<640xi32, #tpu.memory_space<vmem>>, vector<16xi32>,
    %add3A_596 = arith.constant 1296 : i32
    %add3A_597 = vector.broadcast %add3A_596 : i32 to vector<16xi32>
    %add3A_598 = arith.addi %mul3A_12, %add3A_597 : vector<16xi32>
    %mul3A_599 = arith.constant 9 : i32
    %mul3A_600 = vector.broadcast %mul3A_599 : i32 to vector<16xi32>
    %mul3A_601 = arith.muli %mul3A_600, %iota3A : vector<16xi32>
    %add3A_602 = arith.addi %add3A_598, %mul3A_601 : vector<16xi32>
    %get3A_603 = arith.constant 624 : index
    %get3A_604 = tpu.vector_load %arg5[%get3A_603] {strides = array<i32>} : memref<640xi32, #tpu.memory_space<vmem>>, vector<16xi32>,
    %get3A_605 = vector.shape_cast %get3A_604 : vector<16xi32> to vector<16xi32>
    %add3A_606 = arith.addi %get3A_605, %add3A_602 : vector<16xi32>
    %swap3A_607 = arith.constant 624 : index
    %swap3A_608 = tpu.vector_load %arg5[%swap3A_607] {strides = array<i32>} : memref<640xi32, #tpu.memory_space<vmem>>, vector<16xi32>,
    %swap3A_609 = vector.shape_cast %swap3A_608 : vector<16xi32> to vector<16xi32>
    %swap3A_610 = vector.shape_cast %add3A_606 : vector<16xi32> to vector<16xi32>
    tpu.vector_store %arg5[%swap3A_607], %swap3A_610 {strides = array<i32>} : memref<640xi32, #tpu.memory_space<vmem>>, vector<16xi32>,
    %dma_start3A_611 = arith.constant 0 : i32
    %dma_start3A_612 = arith.constant 0 : i32
    %dma_start3A_613 = arith.constant 0 : i32
    %dma_start3A_614 = tpu.memref_slice %arg7[%dma_start3A_611, %dma_start3A_612, %dma_start3A_613] : memref<10x64x128xf32, #tpu.memory_space<vmem>> -> memref<1x64x128xf32, #tpu.memory_space<vmem>>
    %dma_start3A_615 = tpu.memref_squeeze %dma_start3A_614 : memref<1x64x128xf32, #tpu.memory_space<vmem>> -> memref<64x128xf32, #tpu.memory_space<vmem>>
    %dma_start3A_616 = arith.constant 0 : i32
    %dma_start3A_617 = tpu.memref_slice %arg5[%dma_start3A_616] : memref<640xi32, #tpu.memory_space<vmem>> -> memref<64xi32, #tpu.memory_space<vmem>>
    %dma_start3A_618 = arith.constant 0 : i32
    %dma_start3A_619 = arith.constant 0 : i32
    %dma_start3A_620 = tpu.memref_slice %arg2[%dma_start3A_618, %dma_start3A_619] : memref<46080x128xf32, #tpu.memory_space<hbm>> -> memref<46080x128xf32, #tpu.memory_space<hbm>>
    tpu.enqueue_indirect_dma source(%dma_start3A_620 : memref<46080x128xf32, #tpu.memory_space<hbm>>) target(%dma_start3A_615 : memref<64x128xf32, #tpu.memory_space<vmem>>) offsets(%dma_start3A_617 : memref<64xi32, #tpu.memory_space<vmem>>) semaphore(%arg10 : memref<!tpu.dma_semaphore, #tpu.memory_space<semaphore_mem>>)
    %dma_start3A_621 = arith.constant 1 : i32
    %dma_start3A_622 = arith.constant 0 : i32
    %dma_start3A_623 = arith.constant 0 : i32
    %dma_start3A_624 = tpu.memref_slice %arg7[%dma_start3A_621, %dma_start3A_622, %dma_start3A_623] : memref<10x64x128xf32, #tpu.memory_space<vmem>> -> memref<1x64x128xf32, #tpu.memory_space<vmem>>
    %dma_start3A_625 = tpu.memref_squeeze %dma_start3A_624 : memref<1x64x128xf32, #tpu.memory_space<vmem>> -> memref<64x128xf32, #tpu.memory_space<vmem>>
    %dma_start3A_626 = arith.constant 64 : i32
    %dma_start3A_627 = tpu.memref_slice %arg5[%dma_start3A_626] : memref<640xi32, #tpu.memory_space<vmem>> -> memref<64xi32, #tpu.memory_space<vmem>>
    %dma_start3A_628 = arith.constant 0 : i32
    %dma_start3A_629 = arith.constant 0 : i32
    %dma_start3A_630 = tpu.memref_slice %arg2[%dma_start3A_628, %dma_start3A_629] : memref<46080x128xf32, #tpu.memory_space<hbm>> -> memref<46080x128xf32, #tpu.memory_space<hbm>>
    tpu.enqueue_indirect_dma source(%dma_start3A_630 : memref<46080x128xf32, #tpu.memory_space<hbm>>) target(%dma_start3A_625 : memref<64x128xf32, #tpu.memory_space<vmem>>) offsets(%dma_start3A_627 : memref<64xi32, #tpu.memory_space<vmem>>) semaphore(%arg11 : memref<!tpu.dma_semaphore, #tpu.memory_space<semaphore_mem>>)
    %dma_start3A_631 = arith.constant 2 : i32
    %dma_start3A_632 = arith.constant 0 : i32
    %dma_start3A_633 = arith.constant 0 : i32
    %dma_start3A_634 = tpu.memref_slice %arg7[%dma_start3A_631, %dma_start3A_632, %dma_start3A_633] : memref<10x64x128xf32, #tpu.memory_space<vmem>> -> memref<1x64x128xf32, #tpu.memory_space<vmem>>
    %dma_start3A_635 = tpu.memref_squeeze %dma_start3A_634 : memref<1x64x128xf32, #tpu.memory_space<vmem>> -> memref<64x128xf32, #tpu.memory_space<vmem>>
    %dma_start3A_636 = arith.constant 128 : i32
    %dma_start3A_637 = tpu.memref_slice %arg5[%dma_start3A_636] : memref<640xi32, #tpu.memory_space<vmem>> -> memref<64xi32, #tpu.memory_space<vmem>>
    %dma_start3A_638 = arith.constant 0 : i32
    %dma_start3A_639 = arith.constant 0 : i32
    %dma_start3A_640 = tpu.memref_slice %arg2[%dma_start3A_638, %dma_start3A_639] : memref<46080x128xf32, #tpu.memory_space<hbm>> -> memref<46080x128xf32, #tpu.memory_space<hbm>>
    tpu.enqueue_indirect_dma source(%dma_start3A_640 : memref<46080x128xf32, #tpu.memory_space<hbm>>) target(%dma_start3A_635 : memref<64x128xf32, #tpu.memory_space<vmem>>) offsets(%dma_start3A_637 : memref<64xi32, #tpu.memory_space<vmem>>) semaphore(%arg12 : memref<!tpu.dma_semaphore, #tpu.memory_space<semaphore_mem>>)
    %dma_start3A_641 = arith.constant 3 : i32
    %dma_start3A_642 = arith.constant 0 : i32
    %dma_start3A_643 = arith.constant 0 : i32
    %dma_start3A_644 = tpu.memref_slice %arg7[%dma_start3A_641, %dma_start3A_642, %dma_start3A_643] : memref<10x64x128xf32, #tpu.memory_space<vmem>> -> memref<1x64x128xf32, #tpu.memory_space<vmem>>
    %dma_start3A_645 = tpu.memref_squeeze %dma_start3A_644 : memref<1x64x128xf32, #tpu.memory_space<vmem>> -> memref<64x128xf32, #tpu.memory_space<vmem>>
    %dma_start3A_646 = arith.constant 192 : i32
    %dma_start3A_647 = tpu.memref_slice %arg5[%dma_start3A_646] : memref<640xi32, #tpu.memory_space<vmem>> -> memref<64xi32, #tpu.memory_space<vmem>>
    %dma_start3A_648 = arith.constant 0 : i32
    %dma_start3A_649 = arith.constant 0 : i32
    %dma_start3A_650 = tpu.memref_slice %arg2[%dma_start3A_648, %dma_start3A_649] : memref<46080x128xf32, #tpu.memory_space<hbm>> -> memref<46080x128xf32, #tpu.memory_space<hbm>>
    tpu.enqueue_indirect_dma source(%dma_start3A_650 : memref<46080x128xf32, #tpu.memory_space<hbm>>) target(%dma_start3A_645 : memref<64x128xf32, #tpu.memory_space<vmem>>) offsets(%dma_start3A_647 : memref<64xi32, #tpu.memory_space<vmem>>) semaphore(%arg13 : memref<!tpu.dma_semaphore, #tpu.memory_space<semaphore_mem>>)
    %dma_start3A_651 = arith.constant 4 : i32
    %dma_start3A_652 = arith.constant 0 : i32
    %dma_start3A_653 = arith.constant 0 : i32
    %dma_start3A_654 = tpu.memref_slice %arg7[%dma_start3A_651, %dma_start3A_652, %dma_start3A_653] : memref<10x64x128xf32, #tpu.memory_space<vmem>> -> memref<1x64x128xf32, #tpu.memory_space<vmem>>
    %dma_start3A_655 = tpu.memref_squeeze %dma_start3A_654 : memref<1x64x128xf32, #tpu.memory_space<vmem>> -> memref<64x128xf32, #tpu.memory_space<vmem>>
    %dma_start3A_656 = arith.constant 256 : i32
    %dma_start3A_657 = tpu.memref_slice %arg5[%dma_start3A_656] : memref<640xi32, #tpu.memory_space<vmem>> -> memref<64xi32, #tpu.memory_space<vmem>>
    %dma_start3A_658 = arith.constant 0 : i32
    %dma_start3A_659 = arith.constant 0 : i32
    %dma_start3A_660 = tpu.memref_slice %arg2[%dma_start3A_658, %dma_start3A_659] : memref<46080x128xf32, #tpu.memory_space<hbm>> -> memref<46080x128xf32, #tpu.memory_space<hbm>>
    tpu.enqueue_indirect_dma source(%dma_start3A_660 : memref<46080x128xf32, #tpu.memory_space<hbm>>) target(%dma_start3A_655 : memref<64x128xf32, #tpu.memory_space<vmem>>) offsets(%dma_start3A_657 : memref<64xi32, #tpu.memory_space<vmem>>) semaphore(%arg14 : memref<!tpu.dma_semaphore, #tpu.memory_space<semaphore_mem>>)
    %dma_start3A_661 = arith.constant 5 : i32
    %dma_start3A_662 = arith.constant 0 : i32
    %dma_start3A_663 = arith.constant 0 : i32
    %dma_start3A_664 = tpu.memref_slice %arg7[%dma_start3A_661, %dma_start3A_662, %dma_start3A_663] : memref<10x64x128xf32, #tpu.memory_space<vmem>> -> memref<1x64x128xf32, #tpu.memory_space<vmem>>
    %dma_start3A_665 = tpu.memref_squeeze %dma_start3A_664 : memref<1x64x128xf32, #tpu.memory_space<vmem>> -> memref<64x128xf32, #tpu.memory_space<vmem>>
    %dma_start3A_666 = arith.constant 320 : i32
    %dma_start3A_667 = tpu.memref_slice %arg5[%dma_start3A_666] : memref<640xi32, #tpu.memory_space<vmem>> -> memref<64xi32, #tpu.memory_space<vmem>>
    %dma_start3A_668 = arith.constant 0 : i32
    %dma_start3A_669 = arith.constant 0 : i32
    %dma_start3A_670 = tpu.memref_slice %arg2[%dma_start3A_668, %dma_start3A_669] : memref<46080x128xf32, #tpu.memory_space<hbm>> -> memref<46080x128xf32, #tpu.memory_space<hbm>>
    tpu.enqueue_indirect_dma source(%dma_start3A_670 : memref<46080x128xf32, #tpu.memory_space<hbm>>) target(%dma_start3A_665 : memref<64x128xf32, #tpu.memory_space<vmem>>) offsets(%dma_start3A_667 : memref<64xi32, #tpu.memory_space<vmem>>) semaphore(%arg15 : memref<!tpu.dma_semaphore, #tpu.memory_space<semaphore_mem>>)
    %dma_start3A_671 = arith.constant 6 : i32
    %dma_start3A_672 = arith.constant 0 : i32
    %dma_start3A_673 = arith.constant 0 : i32
    %dma_start3A_674 = tpu.memref_slice %arg7[%dma_start3A_671, %dma_start3A_672, %dma_start3A_673] : memref<10x64x128xf32, #tpu.memory_space<vmem>> -> memref<1x64x128xf32, #tpu.memory_space<vmem>>
    %dma_start3A_675 = tpu.memref_squeeze %dma_start3A_674 : memref<1x64x128xf32, #tpu.memory_space<vmem>> -> memref<64x128xf32, #tpu.memory_space<vmem>>
    %dma_start3A_676 = arith.constant 384 : i32
    %dma_start3A_677 = tpu.memref_slice %arg5[%dma_start3A_676] : memref<640xi32, #tpu.memory_space<vmem>> -> memref<64xi32, #tpu.memory_space<vmem>>
    %dma_start3A_678 = arith.constant 0 : i32
    %dma_start3A_679 = arith.constant 0 : i32
    %dma_start3A_680 = tpu.memref_slice %arg2[%dma_start3A_678, %dma_start3A_679] : memref<46080x128xf32, #tpu.memory_space<hbm>> -> memref<46080x128xf32, #tpu.memory_space<hbm>>
    tpu.enqueue_indirect_dma source(%dma_start3A_680 : memref<46080x128xf32, #tpu.memory_space<hbm>>) target(%dma_start3A_675 : memref<64x128xf32, #tpu.memory_space<vmem>>) offsets(%dma_start3A_677 : memref<64xi32, #tpu.memory_space<vmem>>) semaphore(%arg16 : memref<!tpu.dma_semaphore, #tpu.memory_space<semaphore_mem>>)
    %dma_start3A_681 = arith.constant 7 : i32
    %dma_start3A_682 = arith.constant 0 : i32
    %dma_start3A_683 = arith.constant 0 : i32
    %dma_start3A_684 = tpu.memref_slice %arg7[%dma_start3A_681, %dma_start3A_682, %dma_start3A_683] : memref<10x64x128xf32, #tpu.memory_space<vmem>> -> memref<1x64x128xf32, #tpu.memory_space<vmem>>
    %dma_start3A_685 = tpu.memref_squeeze %dma_start3A_684 : memref<1x64x128xf32, #tpu.memory_space<vmem>> -> memref<64x128xf32, #tpu.memory_space<vmem>>
    %dma_start3A_686 = arith.constant 448 : i32
    %dma_start3A_687 = tpu.memref_slice %arg5[%dma_start3A_686] : memref<640xi32, #tpu.memory_space<vmem>> -> memref<64xi32, #tpu.memory_space<vmem>>
    %dma_start3A_688 = arith.constant 0 : i32
    %dma_start3A_689 = arith.constant 0 : i32
    %dma_start3A_690 = tpu.memref_slice %arg2[%dma_start3A_688, %dma_start3A_689] : memref<46080x128xf32, #tpu.memory_space<hbm>> -> memref<46080x128xf32, #tpu.memory_space<hbm>>
    tpu.enqueue_indirect_dma source(%dma_start3A_690 : memref<46080x128xf32, #tpu.memory_space<hbm>>) target(%dma_start3A_685 : memref<64x128xf32, #tpu.memory_space<vmem>>) offsets(%dma_start3A_687 : memref<64xi32, #tpu.memory_space<vmem>>) semaphore(%arg17 : memref<!tpu.dma_semaphore, #tpu.memory_space<semaphore_mem>>)
    %dma_start3A_691 = arith.constant 8 : i32
    %dma_start3A_692 = arith.constant 0 : i32
    %dma_start3A_693 = arith.constant 0 : i32
    %dma_start3A_694 = tpu.memref_slice %arg7[%dma_start3A_691, %dma_start3A_692, %dma_start3A_693] : memref<10x64x128xf32, #tpu.memory_space<vmem>> -> memref<1x64x128xf32, #tpu.memory_space<vmem>>
    %dma_start3A_695 = tpu.memref_squeeze %dma_start3A_694 : memref<1x64x128xf32, #tpu.memory_space<vmem>> -> memref<64x128xf32, #tpu.memory_space<vmem>>
    %dma_start3A_696 = arith.constant 512 : i32
    %dma_start3A_697 = tpu.memref_slice %arg5[%dma_start3A_696] : memref<640xi32, #tpu.memory_space<vmem>> -> memref<64xi32, #tpu.memory_space<vmem>>
    %dma_start3A_698 = arith.constant 0 : i32
    %dma_start3A_699 = arith.constant 0 : i32
    %dma_start3A_700 = tpu.memref_slice %arg2[%dma_start3A_698, %dma_start3A_699] : memref<46080x128xf32, #tpu.memory_space<hbm>> -> memref<46080x128xf32, #tpu.memory_space<hbm>>
    tpu.enqueue_indirect_dma source(%dma_start3A_700 : memref<46080x128xf32, #tpu.memory_space<hbm>>) target(%dma_start3A_695 : memref<64x128xf32, #tpu.memory_space<vmem>>) offsets(%dma_start3A_697 : memref<64xi32, #tpu.memory_space<vmem>>) semaphore(%arg18 : memref<!tpu.dma_semaphore, #tpu.memory_space<semaphore_mem>>)
    %dma_start3A_701 = arith.constant 9 : i32
    %dma_start3A_702 = arith.constant 0 : i32
    %dma_start3A_703 = arith.constant 0 : i32
    %dma_start3A_704 = tpu.memref_slice %arg7[%dma_start3A_701, %dma_start3A_702, %dma_start3A_703] : memref<10x64x128xf32, #tpu.memory_space<vmem>> -> memref<1x64x128xf32, #tpu.memory_space<vmem>>
    %dma_start3A_705 = tpu.memref_squeeze %dma_start3A_704 : memref<1x64x128xf32, #tpu.memory_space<vmem>> -> memref<64x128xf32, #tpu.memory_space<vmem>>
    %dma_start3A_706 = arith.constant 576 : i32
    %dma_start3A_707 = tpu.memref_slice %arg5[%dma_start3A_706] : memref<640xi32, #tpu.memory_space<vmem>> -> memref<64xi32, #tpu.memory_space<vmem>>
    %dma_start3A_708 = arith.constant 0 : i32
    %dma_start3A_709 = arith.constant 0 : i32
    %dma_start3A_710 = tpu.memref_slice %arg2[%dma_start3A_708, %dma_start3A_709] : memref<46080x128xf32, #tpu.memory_space<hbm>> -> memref<46080x128xf32, #tpu.memory_space<hbm>>
    tpu.enqueue_indirect_dma source(%dma_start3A_710 : memref<46080x128xf32, #tpu.memory_space<hbm>>) target(%dma_start3A_705 : memref<64x128xf32, #tpu.memory_space<vmem>>) offsets(%dma_start3A_707 : memref<64xi32, #tpu.memory_space<vmem>>) semaphore(%arg19 : memref<!tpu.dma_semaphore, #tpu.memory_space<semaphore_mem>>)
    %dma_wait3A = arith.constant 0 : i32
    %dma_wait3A_711 = arith.constant 0 : i32
    %dma_wait3A_712 = arith.constant 0 : i32
    %dma_wait3A_713 = tpu.memref_slice %arg7[%dma_wait3A, %dma_wait3A_711, %dma_wait3A_712] : memref<10x64x128xf32, #tpu.memory_space<vmem>> -> memref<1x64x128xf32, #tpu.memory_space<vmem>>
    %dma_wait3A_714 = tpu.memref_squeeze %dma_wait3A_713 : memref<1x64x128xf32, #tpu.memory_space<vmem>> -> memref<64x128xf32, #tpu.memory_space<vmem>>
    %dma_wait3A_715 = arith.constant 0 : i32
    %dma_wait3A_716 = tpu.memref_slice %arg5[%dma_wait3A_715] : memref<640xi32, #tpu.memory_space<vmem>> -> memref<64xi32, #tpu.memory_space<vmem>>
    %dma_wait3A_717 = arith.constant 0 : i32
    %dma_wait3A_718 = arith.constant 0 : i32
    %dma_wait3A_719 = tpu.memref_slice %arg2[%dma_wait3A_717, %dma_wait3A_718] : memref<46080x128xf32, #tpu.memory_space<hbm>> -> memref<46080x128xf32, #tpu.memory_space<hbm>>
    tpu.wait_indirect_dma semaphore(%arg10 : memref<!tpu.dma_semaphore, #tpu.memory_space<semaphore_mem>>) src(%dma_wait3A_719 : memref<46080x128xf32, #tpu.memory_space<hbm>>) dst(%dma_wait3A_714 : memref<64x128xf32, #tpu.memory_space<vmem>>)
    %add3A_720 = arith.constant 0 : i32
    %add3A_721 = arith.addi %mul3A_2, %add3A_720 : i32
    %add3A_722 = arith.constant 0 : i32
    %add3A_723 = arith.addi %add3A_721, %add3A_722 : i32
    %mul3A_724 = arith.constant 64 : i32
    %mul3A_725 = arith.muli %add3A_723, %mul3A_724 : i32
    %dma_start3A_726 = arith.constant 0 : i32
    %dma_start3A_727 = arith.constant 0 : i32
    %dma_start3A_728 = arith.constant 0 : i32
    %dma_start3A_729 = tpu.memref_slice %arg7[%dma_start3A_726, %dma_start3A_727, %dma_start3A_728] : memref<10x64x128xf32, #tpu.memory_space<vmem>> -> memref<1x64x128xf32, #tpu.memory_space<vmem>>
    %dma_start3A_730 = tpu.memref_squeeze %dma_start3A_729 : memref<1x64x128xf32, #tpu.memory_space<vmem>> -> memref<64x128xf32, #tpu.memory_space<vmem>>
    %dma_start3A_731 = arith.constant 0 : i32
    %dma_start3A_732 = tpu.memref_slice %arg4[%mul3A_725, %dma_start3A_731] : memref<3276800x128xf32, #tpu.memory_space<hbm>> -> memref<64x128xf32, #tpu.memory_space<hbm>>
    %dma_start3A_733 = arith.constant 0 : i32
    %dma_start3A_734 = tpu.memref_slice %arg4[%mul3A_725, %dma_start3A_733] : memref<3276800x128xf32, #tpu.memory_space<hbm>> -> memref<64x128xf32, #tpu.memory_space<hbm>>
    %dma_start3A_735 = arith.constant 0 : i32
    %dma_start3A_736 = arith.constant 0 : i32
    %dma_start3A_737 = tpu.memref_slice %arg7[%dma_start3A_726, %dma_start3A_735, %dma_start3A_736] : memref<10x64x128xf32, #tpu.memory_space<vmem>> -> memref<1x64x128xf32, #tpu.memory_space<vmem>>
    %dma_start3A_738 = tpu.memref_squeeze %dma_start3A_737 : memref<1x64x128xf32, #tpu.memory_space<vmem>> -> memref<64x128xf32, #tpu.memory_space<vmem>>
    tpu.enqueue_dma source(%dma_start3A_738 : memref<64x128xf32, #tpu.memory_space<vmem>>) target(%dma_start3A_734 : memref<64x128xf32, #tpu.memory_space<hbm>>) target_semaphore(%arg20 : memref<!tpu.dma_semaphore, #tpu.memory_space<semaphore_mem>>)
    %dma_wait3A_739 = arith.constant 1 : i32
    %dma_wait3A_740 = arith.constant 0 : i32
    %dma_wait3A_741 = arith.constant 0 : i32
    %dma_wait3A_742 = tpu.memref_slice %arg7[%dma_wait3A_739, %dma_wait3A_740, %dma_wait3A_741] : memref<10x64x128xf32, #tpu.memory_space<vmem>> -> memref<1x64x128xf32, #tpu.memory_space<vmem>>
    %dma_wait3A_743 = tpu.memref_squeeze %dma_wait3A_742 : memref<1x64x128xf32, #tpu.memory_space<vmem>> -> memref<64x128xf32, #tpu.memory_space<vmem>>
    %dma_wait3A_744 = arith.constant 64 : i32
    %dma_wait3A_745 = tpu.memref_slice %arg5[%dma_wait3A_744] : memref<640xi32, #tpu.memory_space<vmem>> -> memref<64xi32, #tpu.memory_space<vmem>>
    %dma_wait3A_746 = arith.constant 0 : i32
    %dma_wait3A_747 = arith.constant 0 : i32
    %dma_wait3A_748 = tpu.memref_slice %arg2[%dma_wait3A_746, %dma_wait3A_747] : memref<46080x128xf32, #tpu.memory_space<hbm>> -> memref<46080x128xf32, #tpu.memory_space<hbm>>
    tpu.wait_indirect_dma semaphore(%arg11 : memref<!tpu.dma_semaphore, #tpu.memory_space<semaphore_mem>>) src(%dma_wait3A_748 : memref<46080x128xf32, #tpu.memory_space<hbm>>) dst(%dma_wait3A_743 : memref<64x128xf32, #tpu.memory_space<vmem>>)
    %add3A_749 = arith.constant 0 : i32
    %add3A_750 = arith.addi %mul3A_2, %add3A_749 : i32
    %add3A_751 = arith.constant 1 : i32
    %add3A_752 = arith.addi %add3A_750, %add3A_751 : i32
    %mul3A_753 = arith.constant 64 : i32
    %mul3A_754 = arith.muli %add3A_752, %mul3A_753 : i32
    %dma_start3A_755 = arith.constant 1 : i32
    %dma_start3A_756 = arith.constant 0 : i32
    %dma_start3A_757 = arith.constant 0 : i32
    %dma_start3A_758 = tpu.memref_slice %arg7[%dma_start3A_755, %dma_start3A_756, %dma_start3A_757] : memref<10x64x128xf32, #tpu.memory_space<vmem>> -> memref<1x64x128xf32, #tpu.memory_space<vmem>>
    %dma_start3A_759 = tpu.memref_squeeze %dma_start3A_758 : memref<1x64x128xf32, #tpu.memory_space<vmem>> -> memref<64x128xf32, #tpu.memory_space<vmem>>
    %dma_start3A_760 = arith.constant 0 : i32
    %dma_start3A_761 = tpu.memref_slice %arg4[%mul3A_754, %dma_start3A_760] : memref<3276800x128xf32, #tpu.memory_space<hbm>> -> memref<64x128xf32, #tpu.memory_space<hbm>>
    %dma_start3A_762 = arith.constant 0 : i32
    %dma_start3A_763 = tpu.memref_slice %arg4[%mul3A_754, %dma_start3A_762] : memref<3276800x128xf32, #tpu.memory_space<hbm>> -> memref<64x128xf32, #tpu.memory_space<hbm>>
    %dma_start3A_764 = arith.constant 0 : i32
    %dma_start3A_765 = arith.constant 0 : i32
    %dma_start3A_766 = tpu.memref_slice %arg7[%dma_start3A_755, %dma_start3A_764, %dma_start3A_765] : memref<10x64x128xf32, #tpu.memory_space<vmem>> -> memref<1x64x128xf32, #tpu.memory_space<vmem>>
    %dma_start3A_767 = tpu.memref_squeeze %dma_start3A_766 : memref<1x64x128xf32, #tpu.memory_space<vmem>> -> memref<64x128xf32, #tpu.memory_space<vmem>>
    tpu.enqueue_dma source(%dma_start3A_767 : memref<64x128xf32, #tpu.memory_space<vmem>>) target(%dma_start3A_763 : memref<64x128xf32, #tpu.memory_space<hbm>>) target_semaphore(%arg21 : memref<!tpu.dma_semaphore, #tpu.memory_space<semaphore_mem>>)
    %dma_wait3A_768 = arith.constant 2 : i32
    %dma_wait3A_769 = arith.constant 0 : i32
    %dma_wait3A_770 = arith.constant 0 : i32
    %dma_wait3A_771 = tpu.memref_slice %arg7[%dma_wait3A_768, %dma_wait3A_769, %dma_wait3A_770] : memref<10x64x128xf32, #tpu.memory_space<vmem>> -> memref<1x64x128xf32, #tpu.memory_space<vmem>>
    %dma_wait3A_772 = tpu.memref_squeeze %dma_wait3A_771 : memref<1x64x128xf32, #tpu.memory_space<vmem>> -> memref<64x128xf32, #tpu.memory_space<vmem>>
    %dma_wait3A_773 = arith.constant 128 : i32
    %dma_wait3A_774 = tpu.memref_slice %arg5[%dma_wait3A_773] : memref<640xi32, #tpu.memory_space<vmem>> -> memref<64xi32, #tpu.memory_space<vmem>>
    %dma_wait3A_775 = arith.constant 0 : i32
    %dma_wait3A_776 = arith.constant 0 : i32
    %dma_wait3A_777 = tpu.memref_slice %arg2[%dma_wait3A_775, %dma_wait3A_776] : memref<46080x128xf32, #tpu.memory_space<hbm>> -> memref<46080x128xf32, #tpu.memory_space<hbm>>
    tpu.wait_indirect_dma semaphore(%arg12 : memref<!tpu.dma_semaphore, #tpu.memory_space<semaphore_mem>>) src(%dma_wait3A_777 : memref<46080x128xf32, #tpu.memory_space<hbm>>) dst(%dma_wait3A_772 : memref<64x128xf32, #tpu.memory_space<vmem>>)
    %add3A_778 = arith.constant 0 : i32
    %add3A_779 = arith.addi %mul3A_2, %add3A_778 : i32
    %add3A_780 = arith.constant 2 : i32
    %add3A_781 = arith.addi %add3A_779, %add3A_780 : i32
    %mul3A_782 = arith.constant 64 : i32
    %mul3A_783 = arith.muli %add3A_781, %mul3A_782 : i32
    %dma_start3A_784 = arith.constant 2 : i32
    %dma_start3A_785 = arith.constant 0 : i32
    %dma_start3A_786 = arith.constant 0 : i32
    %dma_start3A_787 = tpu.memref_slice %arg7[%dma_start3A_784, %dma_start3A_785, %dma_start3A_786] : memref<10x64x128xf32, #tpu.memory_space<vmem>> -> memref<1x64x128xf32, #tpu.memory_space<vmem>>
    %dma_start3A_788 = tpu.memref_squeeze %dma_start3A_787 : memref<1x64x128xf32, #tpu.memory_space<vmem>> -> memref<64x128xf32, #tpu.memory_space<vmem>>
    %dma_start3A_789 = arith.constant 0 : i32
    %dma_start3A_790 = tpu.memref_slice %arg4[%mul3A_783, %dma_start3A_789] : memref<3276800x128xf32, #tpu.memory_space<hbm>> -> memref<64x128xf32, #tpu.memory_space<hbm>>
    %dma_start3A_791 = arith.constant 0 : i32
    %dma_start3A_792 = tpu.memref_slice %arg4[%mul3A_783, %dma_start3A_791] : memref<3276800x128xf32, #tpu.memory_space<hbm>> -> memref<64x128xf32, #tpu.memory_space<hbm>>
    %dma_start3A_793 = arith.constant 0 : i32
    %dma_start3A_794 = arith.constant 0 : i32
    %dma_start3A_795 = tpu.memref_slice %arg7[%dma_start3A_784, %dma_start3A_793, %dma_start3A_794] : memref<10x64x128xf32, #tpu.memory_space<vmem>> -> memref<1x64x128xf32, #tpu.memory_space<vmem>>
    %dma_start3A_796 = tpu.memref_squeeze %dma_start3A_795 : memref<1x64x128xf32, #tpu.memory_space<vmem>> -> memref<64x128xf32, #tpu.memory_space<vmem>>
    tpu.enqueue_dma source(%dma_start3A_796 : memref<64x128xf32, #tpu.memory_space<vmem>>) target(%dma_start3A_792 : memref<64x128xf32, #tpu.memory_space<hbm>>) target_semaphore(%arg22 : memref<!tpu.dma_semaphore, #tpu.memory_space<semaphore_mem>>)
    %dma_wait3A_797 = arith.constant 3 : i32
    %dma_wait3A_798 = arith.constant 0 : i32
    %dma_wait3A_799 = arith.constant 0 : i32
    %dma_wait3A_800 = tpu.memref_slice %arg7[%dma_wait3A_797, %dma_wait3A_798, %dma_wait3A_799] : memref<10x64x128xf32, #tpu.memory_space<vmem>> -> memref<1x64x128xf32, #tpu.memory_space<vmem>>
    %dma_wait3A_801 = tpu.memref_squeeze %dma_wait3A_800 : memref<1x64x128xf32, #tpu.memory_space<vmem>> -> memref<64x128xf32, #tpu.memory_space<vmem>>
    %dma_wait3A_802 = arith.constant 192 : i32
    %dma_wait3A_803 = tpu.memref_slice %arg5[%dma_wait3A_802] : memref<640xi32, #tpu.memory_space<vmem>> -> memref<64xi32, #tpu.memory_space<vmem>>
    %dma_wait3A_804 = arith.constant 0 : i32
    %dma_wait3A_805 = arith.constant 0 : i32
    %dma_wait3A_806 = tpu.memref_slice %arg2[%dma_wait3A_804, %dma_wait3A_805] : memref<46080x128xf32, #tpu.memory_space<hbm>> -> memref<46080x128xf32, #tpu.memory_space<hbm>>
    tpu.wait_indirect_dma semaphore(%arg13 : memref<!tpu.dma_semaphore, #tpu.memory_space<semaphore_mem>>) src(%dma_wait3A_806 : memref<46080x128xf32, #tpu.memory_space<hbm>>) dst(%dma_wait3A_801 : memref<64x128xf32, #tpu.memory_space<vmem>>)
    %add3A_807 = arith.constant 0 : i32
    %add3A_808 = arith.addi %mul3A_2, %add3A_807 : i32
    %add3A_809 = arith.constant 3 : i32
    %add3A_810 = arith.addi %add3A_808, %add3A_809 : i32
    %mul3A_811 = arith.constant 64 : i32
    %mul3A_812 = arith.muli %add3A_810, %mul3A_811 : i32
    %dma_start3A_813 = arith.constant 3 : i32
    %dma_start3A_814 = arith.constant 0 : i32
    %dma_start3A_815 = arith.constant 0 : i32
    %dma_start3A_816 = tpu.memref_slice %arg7[%dma_start3A_813, %dma_start3A_814, %dma_start3A_815] : memref<10x64x128xf32, #tpu.memory_space<vmem>> -> memref<1x64x128xf32, #tpu.memory_space<vmem>>
    %dma_start3A_817 = tpu.memref_squeeze %dma_start3A_816 : memref<1x64x128xf32, #tpu.memory_space<vmem>> -> memref<64x128xf32, #tpu.memory_space<vmem>>
    %dma_start3A_818 = arith.constant 0 : i32
    %dma_start3A_819 = tpu.memref_slice %arg4[%mul3A_812, %dma_start3A_818] : memref<3276800x128xf32, #tpu.memory_space<hbm>> -> memref<64x128xf32, #tpu.memory_space<hbm>>
    %dma_start3A_820 = arith.constant 0 : i32
    %dma_start3A_821 = tpu.memref_slice %arg4[%mul3A_812, %dma_start3A_820] : memref<3276800x128xf32, #tpu.memory_space<hbm>> -> memref<64x128xf32, #tpu.memory_space<hbm>>
    %dma_start3A_822 = arith.constant 0 : i32
    %dma_start3A_823 = arith.constant 0 : i32
    %dma_start3A_824 = tpu.memref_slice %arg7[%dma_start3A_813, %dma_start3A_822, %dma_start3A_823] : memref<10x64x128xf32, #tpu.memory_space<vmem>> -> memref<1x64x128xf32, #tpu.memory_space<vmem>>
    %dma_start3A_825 = tpu.memref_squeeze %dma_start3A_824 : memref<1x64x128xf32, #tpu.memory_space<vmem>> -> memref<64x128xf32, #tpu.memory_space<vmem>>
    tpu.enqueue_dma source(%dma_start3A_825 : memref<64x128xf32, #tpu.memory_space<vmem>>) target(%dma_start3A_821 : memref<64x128xf32, #tpu.memory_space<hbm>>) target_semaphore(%arg23 : memref<!tpu.dma_semaphore, #tpu.memory_space<semaphore_mem>>)
    %dma_wait3A_826 = arith.constant 4 : i32
    %dma_wait3A_827 = arith.constant 0 : i32
    %dma_wait3A_828 = arith.constant 0 : i32
    %dma_wait3A_829 = tpu.memref_slice %arg7[%dma_wait3A_826, %dma_wait3A_827, %dma_wait3A_828] : memref<10x64x128xf32, #tpu.memory_space<vmem>> -> memref<1x64x128xf32, #tpu.memory_space<vmem>>
    %dma_wait3A_830 = tpu.memref_squeeze %dma_wait3A_829 : memref<1x64x128xf32, #tpu.memory_space<vmem>> -> memref<64x128xf32, #tpu.memory_space<vmem>>
    %dma_wait3A_831 = arith.constant 256 : i32
    %dma_wait3A_832 = tpu.memref_slice %arg5[%dma_wait3A_831] : memref<640xi32, #tpu.memory_space<vmem>> -> memref<64xi32, #tpu.memory_space<vmem>>
    %dma_wait3A_833 = arith.constant 0 : i32
    %dma_wait3A_834 = arith.constant 0 : i32
    %dma_wait3A_835 = tpu.memref_slice %arg2[%dma_wait3A_833, %dma_wait3A_834] : memref<46080x128xf32, #tpu.memory_space<hbm>> -> memref<46080x128xf32, #tpu.memory_space<hbm>>
    tpu.wait_indirect_dma semaphore(%arg14 : memref<!tpu.dma_semaphore, #tpu.memory_space<semaphore_mem>>) src(%dma_wait3A_835 : memref<46080x128xf32, #tpu.memory_space<hbm>>) dst(%dma_wait3A_830 : memref<64x128xf32, #tpu.memory_space<vmem>>)
    %add3A_836 = arith.constant 0 : i32
    %add3A_837 = arith.addi %mul3A_2, %add3A_836 : i32
    %add3A_838 = arith.constant 4 : i32
    %add3A_839 = arith.addi %add3A_837, %add3A_838 : i32
    %mul3A_840 = arith.constant 64 : i32
    %mul3A_841 = arith.muli %add3A_839, %mul3A_840 : i32
    %dma_start3A_842 = arith.constant 4 : i32
    %dma_start3A_843 = arith.constant 0 : i32
    %dma_start3A_844 = arith.constant 0 : i32
    %dma_start3A_845 = tpu.memref_slice %arg7[%dma_start3A_842, %dma_start3A_843, %dma_start3A_844] : memref<10x64x128xf32, #tpu.memory_space<vmem>> -> memref<1x64x128xf32, #tpu.memory_space<vmem>>
    %dma_start3A_846 = tpu.memref_squeeze %dma_start3A_845 : memref<1x64x128xf32, #tpu.memory_space<vmem>> -> memref<64x128xf32, #tpu.memory_space<vmem>>
    %dma_start3A_847 = arith.constant 0 : i32
    %dma_start3A_848 = tpu.memref_slice %arg4[%mul3A_841, %dma_start3A_847] : memref<3276800x128xf32, #tpu.memory_space<hbm>> -> memref<64x128xf32, #tpu.memory_space<hbm>>
    %dma_start3A_849 = arith.constant 0 : i32
    %dma_start3A_850 = tpu.memref_slice %arg4[%mul3A_841, %dma_start3A_849] : memref<3276800x128xf32, #tpu.memory_space<hbm>> -> memref<64x128xf32, #tpu.memory_space<hbm>>
    %dma_start3A_851 = arith.constant 0 : i32
    %dma_start3A_852 = arith.constant 0 : i32
    %dma_start3A_853 = tpu.memref_slice %arg7[%dma_start3A_842, %dma_start3A_851, %dma_start3A_852] : memref<10x64x128xf32, #tpu.memory_space<vmem>> -> memref<1x64x128xf32, #tpu.memory_space<vmem>>
    %dma_start3A_854 = tpu.memref_squeeze %dma_start3A_853 : memref<1x64x128xf32, #tpu.memory_space<vmem>> -> memref<64x128xf32, #tpu.memory_space<vmem>>
    tpu.enqueue_dma source(%dma_start3A_854 : memref<64x128xf32, #tpu.memory_space<vmem>>) target(%dma_start3A_850 : memref<64x128xf32, #tpu.memory_space<hbm>>) target_semaphore(%arg24 : memref<!tpu.dma_semaphore, #tpu.memory_space<semaphore_mem>>)
    %dma_wait3A_855 = arith.constant 5 : i32
    %dma_wait3A_856 = arith.constant 0 : i32
    %dma_wait3A_857 = arith.constant 0 : i32
    %dma_wait3A_858 = tpu.memref_slice %arg7[%dma_wait3A_855, %dma_wait3A_856, %dma_wait3A_857] : memref<10x64x128xf32, #tpu.memory_space<vmem>> -> memref<1x64x128xf32, #tpu.memory_space<vmem>>
    %dma_wait3A_859 = tpu.memref_squeeze %dma_wait3A_858 : memref<1x64x128xf32, #tpu.memory_space<vmem>> -> memref<64x128xf32, #tpu.memory_space<vmem>>
    %dma_wait3A_860 = arith.constant 320 : i32
    %dma_wait3A_861 = tpu.memref_slice %arg5[%dma_wait3A_860] : memref<640xi32, #tpu.memory_space<vmem>> -> memref<64xi32, #tpu.memory_space<vmem>>
    %dma_wait3A_862 = arith.constant 0 : i32
    %dma_wait3A_863 = arith.constant 0 : i32
    %dma_wait3A_864 = tpu.memref_slice %arg2[%dma_wait3A_862, %dma_wait3A_863] : memref<46080x128xf32, #tpu.memory_space<hbm>> -> memref<46080x128xf32, #tpu.memory_space<hbm>>
    tpu.wait_indirect_dma semaphore(%arg15 : memref<!tpu.dma_semaphore, #tpu.memory_space<semaphore_mem>>) src(%dma_wait3A_864 : memref<46080x128xf32, #tpu.memory_space<hbm>>) dst(%dma_wait3A_859 : memref<64x128xf32, #tpu.memory_space<vmem>>)
    %add3A_865 = arith.constant 0 : i32
    %add3A_866 = arith.addi %mul3A_2, %add3A_865 : i32
    %add3A_867 = arith.constant 5 : i32
    %add3A_868 = arith.addi %add3A_866, %add3A_867 : i32
    %mul3A_869 = arith.constant 64 : i32
    %mul3A_870 = arith.muli %add3A_868, %mul3A_869 : i32
    %dma_start3A_871 = arith.constant 5 : i32
    %dma_start3A_872 = arith.constant 0 : i32
    %dma_start3A_873 = arith.constant 0 : i32
    %dma_start3A_874 = tpu.memref_slice %arg7[%dma_start3A_871, %dma_start3A_872, %dma_start3A_873] : memref<10x64x128xf32, #tpu.memory_space<vmem>> -> memref<1x64x128xf32, #tpu.memory_space<vmem>>
    %dma_start3A_875 = tpu.memref_squeeze %dma_start3A_874 : memref<1x64x128xf32, #tpu.memory_space<vmem>> -> memref<64x128xf32, #tpu.memory_space<vmem>>
    %dma_start3A_876 = arith.constant 0 : i32
    %dma_start3A_877 = tpu.memref_slice %arg4[%mul3A_870, %dma_start3A_876] : memref<3276800x128xf32, #tpu.memory_space<hbm>> -> memref<64x128xf32, #tpu.memory_space<hbm>>
    %dma_start3A_878 = arith.constant 0 : i32
    %dma_start3A_879 = tpu.memref_slice %arg4[%mul3A_870, %dma_start3A_878] : memref<3276800x128xf32, #tpu.memory_space<hbm>> -> memref<64x128xf32, #tpu.memory_space<hbm>>
    %dma_start3A_880 = arith.constant 0 : i32
    %dma_start3A_881 = arith.constant 0 : i32
    %dma_start3A_882 = tpu.memref_slice %arg7[%dma_start3A_871, %dma_start3A_880, %dma_start3A_881] : memref<10x64x128xf32, #tpu.memory_space<vmem>> -> memref<1x64x128xf32, #tpu.memory_space<vmem>>
    %dma_start3A_883 = tpu.memref_squeeze %dma_start3A_882 : memref<1x64x128xf32, #tpu.memory_space<vmem>> -> memref<64x128xf32, #tpu.memory_space<vmem>>
    tpu.enqueue_dma source(%dma_start3A_883 : memref<64x128xf32, #tpu.memory_space<vmem>>) target(%dma_start3A_879 : memref<64x128xf32, #tpu.memory_space<hbm>>) target_semaphore(%arg25 : memref<!tpu.dma_semaphore, #tpu.memory_space<semaphore_mem>>)
    %dma_wait3A_884 = arith.constant 6 : i32
    %dma_wait3A_885 = arith.constant 0 : i32
    %dma_wait3A_886 = arith.constant 0 : i32
    %dma_wait3A_887 = tpu.memref_slice %arg7[%dma_wait3A_884, %dma_wait3A_885, %dma_wait3A_886] : memref<10x64x128xf32, #tpu.memory_space<vmem>> -> memref<1x64x128xf32, #tpu.memory_space<vmem>>
    %dma_wait3A_888 = tpu.memref_squeeze %dma_wait3A_887 : memref<1x64x128xf32, #tpu.memory_space<vmem>> -> memref<64x128xf32, #tpu.memory_space<vmem>>
    %dma_wait3A_889 = arith.constant 384 : i32
    %dma_wait3A_890 = tpu.memref_slice %arg5[%dma_wait3A_889] : memref<640xi32, #tpu.memory_space<vmem>> -> memref<64xi32, #tpu.memory_space<vmem>>
    %dma_wait3A_891 = arith.constant 0 : i32
    %dma_wait3A_892 = arith.constant 0 : i32
    %dma_wait3A_893 = tpu.memref_slice %arg2[%dma_wait3A_891, %dma_wait3A_892] : memref<46080x128xf32, #tpu.memory_space<hbm>> -> memref<46080x128xf32, #tpu.memory_space<hbm>>
    tpu.wait_indirect_dma semaphore(%arg16 : memref<!tpu.dma_semaphore, #tpu.memory_space<semaphore_mem>>) src(%dma_wait3A_893 : memref<46080x128xf32, #tpu.memory_space<hbm>>) dst(%dma_wait3A_888 : memref<64x128xf32, #tpu.memory_space<vmem>>)
    %add3A_894 = arith.constant 0 : i32
    %add3A_895 = arith.addi %mul3A_2, %add3A_894 : i32
    %add3A_896 = arith.constant 6 : i32
    %add3A_897 = arith.addi %add3A_895, %add3A_896 : i32
    %mul3A_898 = arith.constant 64 : i32
    %mul3A_899 = arith.muli %add3A_897, %mul3A_898 : i32
    %dma_start3A_900 = arith.constant 6 : i32
    %dma_start3A_901 = arith.constant 0 : i32
    %dma_start3A_902 = arith.constant 0 : i32
    %dma_start3A_903 = tpu.memref_slice %arg7[%dma_start3A_900, %dma_start3A_901, %dma_start3A_902] : memref<10x64x128xf32, #tpu.memory_space<vmem>> -> memref<1x64x128xf32, #tpu.memory_space<vmem>>
    %dma_start3A_904 = tpu.memref_squeeze %dma_start3A_903 : memref<1x64x128xf32, #tpu.memory_space<vmem>> -> memref<64x128xf32, #tpu.memory_space<vmem>>
    %dma_start3A_905 = arith.constant 0 : i32
    %dma_start3A_906 = tpu.memref_slice %arg4[%mul3A_899, %dma_start3A_905] : memref<3276800x128xf32, #tpu.memory_space<hbm>> -> memref<64x128xf32, #tpu.memory_space<hbm>>
    %dma_start3A_907 = arith.constant 0 : i32
    %dma_start3A_908 = tpu.memref_slice %arg4[%mul3A_899, %dma_start3A_907] : memref<3276800x128xf32, #tpu.memory_space<hbm>> -> memref<64x128xf32, #tpu.memory_space<hbm>>
    %dma_start3A_909 = arith.constant 0 : i32
    %dma_start3A_910 = arith.constant 0 : i32
    %dma_start3A_911 = tpu.memref_slice %arg7[%dma_start3A_900, %dma_start3A_909, %dma_start3A_910] : memref<10x64x128xf32, #tpu.memory_space<vmem>> -> memref<1x64x128xf32, #tpu.memory_space<vmem>>
    %dma_start3A_912 = tpu.memref_squeeze %dma_start3A_911 : memref<1x64x128xf32, #tpu.memory_space<vmem>> -> memref<64x128xf32, #tpu.memory_space<vmem>>
    tpu.enqueue_dma source(%dma_start3A_912 : memref<64x128xf32, #tpu.memory_space<vmem>>) target(%dma_start3A_908 : memref<64x128xf32, #tpu.memory_space<hbm>>) target_semaphore(%arg26 : memref<!tpu.dma_semaphore, #tpu.memory_space<semaphore_mem>>)
    %dma_wait3A_913 = arith.constant 7 : i32
    %dma_wait3A_914 = arith.constant 0 : i32
    %dma_wait3A_915 = arith.constant 0 : i32
    %dma_wait3A_916 = tpu.memref_slice %arg7[%dma_wait3A_913, %dma_wait3A_914, %dma_wait3A_915] : memref<10x64x128xf32, #tpu.memory_space<vmem>> -> memref<1x64x128xf32, #tpu.memory_space<vmem>>
    %dma_wait3A_917 = tpu.memref_squeeze %dma_wait3A_916 : memref<1x64x128xf32, #tpu.memory_space<vmem>> -> memref<64x128xf32, #tpu.memory_space<vmem>>
    %dma_wait3A_918 = arith.constant 448 : i32
    %dma_wait3A_919 = tpu.memref_slice %arg5[%dma_wait3A_918] : memref<640xi32, #tpu.memory_space<vmem>> -> memref<64xi32, #tpu.memory_space<vmem>>
    %dma_wait3A_920 = arith.constant 0 : i32
    %dma_wait3A_921 = arith.constant 0 : i32
    %dma_wait3A_922 = tpu.memref_slice %arg2[%dma_wait3A_920, %dma_wait3A_921] : memref<46080x128xf32, #tpu.memory_space<hbm>> -> memref<46080x128xf32, #tpu.memory_space<hbm>>
    tpu.wait_indirect_dma semaphore(%arg17 : memref<!tpu.dma_semaphore, #tpu.memory_space<semaphore_mem>>) src(%dma_wait3A_922 : memref<46080x128xf32, #tpu.memory_space<hbm>>) dst(%dma_wait3A_917 : memref<64x128xf32, #tpu.memory_space<vmem>>)
    %add3A_923 = arith.constant 0 : i32
    %add3A_924 = arith.addi %mul3A_2, %add3A_923 : i32
    %add3A_925 = arith.constant 7 : i32
    %add3A_926 = arith.addi %add3A_924, %add3A_925 : i32
    %mul3A_927 = arith.constant 64 : i32
    %mul3A_928 = arith.muli %add3A_926, %mul3A_927 : i32
    %dma_start3A_929 = arith.constant 7 : i32
    %dma_start3A_930 = arith.constant 0 : i32
    %dma_start3A_931 = arith.constant 0 : i32
    %dma_start3A_932 = tpu.memref_slice %arg7[%dma_start3A_929, %dma_start3A_930, %dma_start3A_931] : memref<10x64x128xf32, #tpu.memory_space<vmem>> -> memref<1x64x128xf32, #tpu.memory_space<vmem>>
    %dma_start3A_933 = tpu.memref_squeeze %dma_start3A_932 : memref<1x64x128xf32, #tpu.memory_space<vmem>> -> memref<64x128xf32, #tpu.memory_space<vmem>>
    %dma_start3A_934 = arith.constant 0 : i32
    %dma_start3A_935 = tpu.memref_slice %arg4[%mul3A_928, %dma_start3A_934] : memref<3276800x128xf32, #tpu.memory_space<hbm>> -> memref<64x128xf32, #tpu.memory_space<hbm>>
    %dma_start3A_936 = arith.constant 0 : i32
    %dma_start3A_937 = tpu.memref_slice %arg4[%mul3A_928, %dma_start3A_936] : memref<3276800x128xf32, #tpu.memory_space<hbm>> -> memref<64x128xf32, #tpu.memory_space<hbm>>
    %dma_start3A_938 = arith.constant 0 : i32
    %dma_start3A_939 = arith.constant 0 : i32
    %dma_start3A_940 = tpu.memref_slice %arg7[%dma_start3A_929, %dma_start3A_938, %dma_start3A_939] : memref<10x64x128xf32, #tpu.memory_space<vmem>> -> memref<1x64x128xf32, #tpu.memory_space<vmem>>
    %dma_start3A_941 = tpu.memref_squeeze %dma_start3A_940 : memref<1x64x128xf32, #tpu.memory_space<vmem>> -> memref<64x128xf32, #tpu.memory_space<vmem>>
    tpu.enqueue_dma source(%dma_start3A_941 : memref<64x128xf32, #tpu.memory_space<vmem>>) target(%dma_start3A_937 : memref<64x128xf32, #tpu.memory_space<hbm>>) target_semaphore(%arg27 : memref<!tpu.dma_semaphore, #tpu.memory_space<semaphore_mem>>)
    %dma_wait3A_942 = arith.constant 8 : i32
    %dma_wait3A_943 = arith.constant 0 : i32
    %dma_wait3A_944 = arith.constant 0 : i32
    %dma_wait3A_945 = tpu.memref_slice %arg7[%dma_wait3A_942, %dma_wait3A_943, %dma_wait3A_944] : memref<10x64x128xf32, #tpu.memory_space<vmem>> -> memref<1x64x128xf32, #tpu.memory_space<vmem>>
    %dma_wait3A_946 = tpu.memref_squeeze %dma_wait3A_945 : memref<1x64x128xf32, #tpu.memory_space<vmem>> -> memref<64x128xf32, #tpu.memory_space<vmem>>
    %dma_wait3A_947 = arith.constant 512 : i32
    %dma_wait3A_948 = tpu.memref_slice %arg5[%dma_wait3A_947] : memref<640xi32, #tpu.memory_space<vmem>> -> memref<64xi32, #tpu.memory_space<vmem>>
    %dma_wait3A_949 = arith.constant 0 : i32
    %dma_wait3A_950 = arith.constant 0 : i32
    %dma_wait3A_951 = tpu.memref_slice %arg2[%dma_wait3A_949, %dma_wait3A_950] : memref<46080x128xf32, #tpu.memory_space<hbm>> -> memref<46080x128xf32, #tpu.memory_space<hbm>>
    tpu.wait_indirect_dma semaphore(%arg18 : memref<!tpu.dma_semaphore, #tpu.memory_space<semaphore_mem>>) src(%dma_wait3A_951 : memref<46080x128xf32, #tpu.memory_space<hbm>>) dst(%dma_wait3A_946 : memref<64x128xf32, #tpu.memory_space<vmem>>)
    %add3A_952 = arith.constant 0 : i32
    %add3A_953 = arith.addi %mul3A_2, %add3A_952 : i32
    %add3A_954 = arith.constant 8 : i32
    %add3A_955 = arith.addi %add3A_953, %add3A_954 : i32
    %mul3A_956 = arith.constant 64 : i32
    %mul3A_957 = arith.muli %add3A_955, %mul3A_956 : i32
    %dma_start3A_958 = arith.constant 8 : i32
    %dma_start3A_959 = arith.constant 0 : i32
    %dma_start3A_960 = arith.constant 0 : i32
    %dma_start3A_961 = tpu.memref_slice %arg7[%dma_start3A_958, %dma_start3A_959, %dma_start3A_960] : memref<10x64x128xf32, #tpu.memory_space<vmem>> -> memref<1x64x128xf32, #tpu.memory_space<vmem>>
    %dma_start3A_962 = tpu.memref_squeeze %dma_start3A_961 : memref<1x64x128xf32, #tpu.memory_space<vmem>> -> memref<64x128xf32, #tpu.memory_space<vmem>>
    %dma_start3A_963 = arith.constant 0 : i32
    %dma_start3A_964 = tpu.memref_slice %arg4[%mul3A_957, %dma_start3A_963] : memref<3276800x128xf32, #tpu.memory_space<hbm>> -> memref<64x128xf32, #tpu.memory_space<hbm>>
    %dma_start3A_965 = arith.constant 0 : i32
    %dma_start3A_966 = tpu.memref_slice %arg4[%mul3A_957, %dma_start3A_965] : memref<3276800x128xf32, #tpu.memory_space<hbm>> -> memref<64x128xf32, #tpu.memory_space<hbm>>
    %dma_start3A_967 = arith.constant 0 : i32
    %dma_start3A_968 = arith.constant 0 : i32
    %dma_start3A_969 = tpu.memref_slice %arg7[%dma_start3A_958, %dma_start3A_967, %dma_start3A_968] : memref<10x64x128xf32, #tpu.memory_space<vmem>> -> memref<1x64x128xf32, #tpu.memory_space<vmem>>
    %dma_start3A_970 = tpu.memref_squeeze %dma_start3A_969 : memref<1x64x128xf32, #tpu.memory_space<vmem>> -> memref<64x128xf32, #tpu.memory_space<vmem>>
    tpu.enqueue_dma source(%dma_start3A_970 : memref<64x128xf32, #tpu.memory_space<vmem>>) target(%dma_start3A_966 : memref<64x128xf32, #tpu.memory_space<hbm>>) target_semaphore(%arg28 : memref<!tpu.dma_semaphore, #tpu.memory_space<semaphore_mem>>)
    %dma_wait3A_971 = arith.constant 9 : i32
    %dma_wait3A_972 = arith.constant 0 : i32
    %dma_wait3A_973 = arith.constant 0 : i32
    %dma_wait3A_974 = tpu.memref_slice %arg7[%dma_wait3A_971, %dma_wait3A_972, %dma_wait3A_973] : memref<10x64x128xf32, #tpu.memory_space<vmem>> -> memref<1x64x128xf32, #tpu.memory_space<vmem>>
    %dma_wait3A_975 = tpu.memref_squeeze %dma_wait3A_974 : memref<1x64x128xf32, #tpu.memory_space<vmem>> -> memref<64x128xf32, #tpu.memory_space<vmem>>
    %dma_wait3A_976 = arith.constant 576 : i32
    %dma_wait3A_977 = tpu.memref_slice %arg5[%dma_wait3A_976] : memref<640xi32, #tpu.memory_space<vmem>> -> memref<64xi32, #tpu.memory_space<vmem>>
    %dma_wait3A_978 = arith.constant 0 : i32
    %dma_wait3A_979 = arith.constant 0 : i32
    %dma_wait3A_980 = tpu.memref_slice %arg2[%dma_wait3A_978, %dma_wait3A_979] : memref<46080x128xf32, #tpu.memory_space<hbm>> -> memref<46080x128xf32, #tpu.memory_space<hbm>>
    tpu.wait_indirect_dma semaphore(%arg19 : memref<!tpu.dma_semaphore, #tpu.memory_space<semaphore_mem>>) src(%dma_wait3A_980 : memref<46080x128xf32, #tpu.memory_space<hbm>>) dst(%dma_wait3A_975 : memref<64x128xf32, #tpu.memory_space<vmem>>)
    %add3A_981 = arith.constant 0 : i32
    %add3A_982 = arith.addi %mul3A_2, %add3A_981 : i32
    %add3A_983 = arith.constant 9 : i32
    %add3A_984 = arith.addi %add3A_982, %add3A_983 : i32
    %mul3A_985 = arith.constant 64 : i32
    %mul3A_986 = arith.muli %add3A_984, %mul3A_985 : i32
    %dma_start3A_987 = arith.constant 9 : i32
    %dma_start3A_988 = arith.constant 0 : i32
    %dma_start3A_989 = arith.constant 0 : i32
    %dma_start3A_990 = tpu.memref_slice %arg7[%dma_start3A_987, %dma_start3A_988, %dma_start3A_989] : memref<10x64x128xf32, #tpu.memory_space<vmem>> -> memref<1x64x128xf32, #tpu.memory_space<vmem>>
    %dma_start3A_991 = tpu.memref_squeeze %dma_start3A_990 : memref<1x64x128xf32, #tpu.memory_space<vmem>> -> memref<64x128xf32, #tpu.memory_space<vmem>>
    %dma_start3A_992 = arith.constant 0 : i32
    %dma_start3A_993 = tpu.memref_slice %arg4[%mul3A_986, %dma_start3A_992] : memref<3276800x128xf32, #tpu.memory_space<hbm>> -> memref<64x128xf32, #tpu.memory_space<hbm>>
    %dma_start3A_994 = arith.constant 0 : i32
    %dma_start3A_995 = tpu.memref_slice %arg4[%mul3A_986, %dma_start3A_994] : memref<3276800x128xf32, #tpu.memory_space<hbm>> -> memref<64x128xf32, #tpu.memory_space<hbm>>
    %dma_start3A_996 = arith.constant 0 : i32
    %dma_start3A_997 = arith.constant 0 : i32
    %dma_start3A_998 = tpu.memref_slice %arg7[%dma_start3A_987, %dma_start3A_996, %dma_start3A_997] : memref<10x64x128xf32, #tpu.memory_space<vmem>> -> memref<1x64x128xf32, #tpu.memory_space<vmem>>
    %dma_start3A_999 = tpu.memref_squeeze %dma_start3A_998 : memref<1x64x128xf32, #tpu.memory_space<vmem>> -> memref<64x128xf32, #tpu.memory_space<vmem>>
    tpu.enqueue_dma source(%dma_start3A_999 : memref<64x128xf32, #tpu.memory_space<vmem>>) target(%dma_start3A_995 : memref<64x128xf32, #tpu.memory_space<hbm>>) target_semaphore(%arg29 : memref<!tpu.dma_semaphore, #tpu.memory_space<semaphore_mem>>)
    %scan3A = arith.constant 0 : i32
    %scan3A_1000 = arith.constant 0 : i32
    %scan3A_1001 = arith.constant 79 : i32
    %scan3A_1002 = arith.addi %scan3A_1000, %scan3A_1001 : i32
    %scan3A_1003 = arith.constant 1 : i32
    scf.for %scan3A_2384 = %scan3A_1000 to %scan3A_1002 step %scan3A_1003  : i32 {
      %mul3A_2385 = arith.constant 2 : i32
      %mul3A_2386 = arith.muli %mul3A_2385, %scan3A_2384 : i32
      %add3A_2387 = arith.constant 1 : i32
      %add3A_2388 = arith.addi %add3A_2387, %mul3A_2386 : i32
      %add3A_2389 = arith.constant 1 : i32
      %add3A_2390 = arith.addi %add3A_2388, %add3A_2389 : i32
      %mul3A_2391 = arith.constant 10 : i32
      %mul3A_2392 = arith.muli %add3A_2390, %mul3A_2391 : i32
      %add3A_2393 = arith.addi %mul3A_2, %mul3A_2392 : i32
      %mul3A_2394 = arith.constant 64 : i32
      %mul3A_2395 = arith.muli %add3A_2393, %mul3A_2394 : i32
      %dma_start3A_2396 = tpu.memref_slice %arg3[%mul3A_2395] : memref<3276800xi32, #tpu.memory_space<hbm>> -> memref<640xi32, #tpu.memory_space<hbm>>
      %dma_start3A_2397 = tpu.memref_slice %arg3[%mul3A_2395] : memref<3276800xi32, #tpu.memory_space<hbm>> -> memref<640xi32, #tpu.memory_space<hbm>>
      tpu.enqueue_dma source(%dma_start3A_2397 : memref<640xi32, #tpu.memory_space<hbm>>) target(%arg5 : memref<640xi32, #tpu.memory_space<vmem>>) target_semaphore(%arg8 : memref<!tpu.dma_semaphore, #tpu.memory_space<semaphore_mem>>)
      %mul3A_2398 = arith.constant 64 : i32
      %mul3A_2399 = arith.muli %mul3A_2, %mul3A_2398 : i32
      %dma_wait3A_2400 = tpu.memref_slice %arg3[%mul3A_2399] : memref<3276800xi32, #tpu.memory_space<hbm>> -> memref<640xi32, #tpu.memory_space<hbm>>
      %dma_wait3A_2401 = tpu.memref_slice %arg3[%mul3A_2399] : memref<3276800xi32, #tpu.memory_space<hbm>> -> memref<640xi32, #tpu.memory_space<hbm>>
      tpu.wait_dma2 semaphore(%arg9 : memref<!tpu.dma_semaphore, #tpu.memory_space<semaphore_mem>>) src(%dma_wait3A_2401 : memref<640xi32, #tpu.memory_space<hbm>>) dst(%arg6 : memref<640xi32, #tpu.memory_space<vmem>>)
      %iota3A_2402 = tpu.iota {dimensions = array<i32: 0>} : vector<16xi32>
      %broadcast_in_dim3A_2403 = arith.constant 1440 : i32
      %broadcast_in_dim3A_2404 = vector.broadcast %broadcast_in_dim3A_2403 : i32 to vector<16xi32>
      %mul3A_2405 = vector.broadcast %add3A : i32 to vector<16xi32>
      %mul3A_2406 = arith.muli %broadcast_in_dim3A_2404, %mul3A_2405 : vector<16xi32>
      %add3A_2407 = arith.constant 0 : i32
      %add3A_2408 = vector.broadcast %add3A_2407 : i32 to vector<16xi32>
      %add3A_2409 = arith.addi %mul3A_2406, %add3A_2408 : vector<16xi32>
      %mul3A_2410 = arith.constant 9 : i32
      %mul3A_2411 = vector.broadcast %mul3A_2410 : i32 to vector<16xi32>
      %mul3A_2412 = arith.muli %mul3A_2411, %iota3A_2402 : vector<16xi32>
      %add3A_2413 = arith.addi %add3A_2409, %mul3A_2412 : vector<16xi32>
      %get3A_2414 = arith.constant 0 : index
      %get3A_2415 = tpu.vector_load %arg6[%get3A_2414] {strides = array<i32>} : memref<640xi32, #tpu.memory_space<vmem>>, vector<16xi32>,
      %get3A_2416 = vector.shape_cast %get3A_2415 : vector<16xi32> to vector<16xi32>
      %add3A_2417 = arith.addi %get3A_2416, %add3A_2413 : vector<16xi32>
      %swap3A_2418 = arith.constant 0 : index
      %swap3A_2419 = tpu.vector_load %arg6[%swap3A_2418] {strides = array<i32>} : memref<640xi32, #tpu.memory_space<vmem>>, vector<16xi32>,
      %swap3A_2420 = vector.shape_cast %swap3A_2419 : vector<16xi32> to vector<16xi32>
      %swap3A_2421 = vector.shape_cast %add3A_2417 : vector<16xi32> to vector<16xi32>
      tpu.vector_store %arg6[%swap3A_2418], %swap3A_2421 {strides = array<i32>} : memref<640xi32, #tpu.memory_space<vmem>>, vector<16xi32>,
      %add3A_2422 = arith.constant 0 : i32
      %add3A_2423 = vector.broadcast %add3A_2422 : i32 to vector<16xi32>
      %add3A_2424 = arith.addi %mul3A_2406, %add3A_2423 : vector<16xi32>
      %mul3A_2425 = arith.constant 9 : i32
      %mul3A_2426 = vector.broadcast %mul3A_2425 : i32 to vector<16xi32>
      %mul3A_2427 = arith.muli %mul3A_2426, %iota3A_2402 : vector<16xi32>
      %add3A_2428 = arith.addi %add3A_2424, %mul3A_2427 : vector<16xi32>
      %get3A_2429 = arith.constant 16 : index
      %get3A_2430 = tpu.vector_load %arg6[%get3A_2429] {strides = array<i32>} : memref<640xi32, #tpu.memory_space<vmem>>, vector<16xi32>,
      %get3A_2431 = vector.shape_cast %get3A_2430 : vector<16xi32> to vector<16xi32>
      %add3A_2432 = arith.addi %get3A_2431, %add3A_2428 : vector<16xi32>
      %swap3A_2433 = arith.constant 16 : index
      %swap3A_2434 = tpu.vector_load %arg6[%swap3A_2433] {strides = array<i32>} : memref<640xi32, #tpu.memory_space<vmem>>, vector<16xi32>,
      %swap3A_2435 = vector.shape_cast %swap3A_2434 : vector<16xi32> to vector<16xi32>
      %swap3A_2436 = vector.shape_cast %add3A_2432 : vector<16xi32> to vector<16xi32>
      tpu.vector_store %arg6[%swap3A_2433], %swap3A_2436 {strides = array<i32>} : memref<640xi32, #tpu.memory_space<vmem>>, vector<16xi32>,
      %add3A_2437 = arith.constant 0 : i32
      %add3A_2438 = vector.broadcast %add3A_2437 : i32 to vector<16xi32>
      %add3A_2439 = arith.addi %mul3A_2406, %add3A_2438 : vector<16xi32>
      %mul3A_2440 = arith.constant 9 : i32
      %mul3A_2441 = vector.broadcast %mul3A_2440 : i32 to vector<16xi32>
      %mul3A_2442 = arith.muli %mul3A_2441, %iota3A_2402 : vector<16xi32>
      %add3A_2443 = arith.addi %add3A_2439, %mul3A_2442 : vector<16xi32>
      %get3A_2444 = arith.constant 32 : index
      %get3A_2445 = tpu.vector_load %arg6[%get3A_2444] {strides = array<i32>} : memref<640xi32, #tpu.memory_space<vmem>>, vector<16xi32>,
      %get3A_2446 = vector.shape_cast %get3A_2445 : vector<16xi32> to vector<16xi32>
      %add3A_2447 = arith.addi %get3A_2446, %add3A_2443 : vector<16xi32>
      %swap3A_2448 = arith.constant 32 : index
      %swap3A_2449 = tpu.vector_load %arg6[%swap3A_2448] {strides = array<i32>} : memref<640xi32, #tpu.memory_space<vmem>>, vector<16xi32>,
      %swap3A_2450 = vector.shape_cast %swap3A_2449 : vector<16xi32> to vector<16xi32>
      %swap3A_2451 = vector.shape_cast %add3A_2447 : vector<16xi32> to vector<16xi32>
      tpu.vector_store %arg6[%swap3A_2448], %swap3A_2451 {strides = array<i32>} : memref<640xi32, #tpu.memory_space<vmem>>, vector<16xi32>,
      %add3A_2452 = arith.constant 0 : i32
      %add3A_2453 = vector.broadcast %add3A_2452 : i32 to vector<16xi32>
      %add3A_2454 = arith.addi %mul3A_2406, %add3A_2453 : vector<16xi32>
      %mul3A_2455 = arith.constant 9 : i32
      %mul3A_2456 = vector.broadcast %mul3A_2455 : i32 to vector<16xi32>
      %mul3A_2457 = arith.muli %mul3A_2456, %iota3A_2402 : vector<16xi32>
      %add3A_2458 = arith.addi %add3A_2454, %mul3A_2457 : vector<16xi32>
      %get3A_2459 = arith.constant 48 : index
      %get3A_2460 = tpu.vector_load %arg6[%get3A_2459] {strides = array<i32>} : memref<640xi32, #tpu.memory_space<vmem>>, vector<16xi32>,
      %get3A_2461 = vector.shape_cast %get3A_2460 : vector<16xi32> to vector<16xi32>
      %add3A_2462 = arith.addi %get3A_2461, %add3A_2458 : vector<16xi32>
      %swap3A_2463 = arith.constant 48 : index
      %swap3A_2464 = tpu.vector_load %arg6[%swap3A_2463] {strides = array<i32>} : memref<640xi32, #tpu.memory_space<vmem>>, vector<16xi32>,
      %swap3A_2465 = vector.shape_cast %swap3A_2464 : vector<16xi32> to vector<16xi32>
      %swap3A_2466 = vector.shape_cast %add3A_2462 : vector<16xi32> to vector<16xi32>
      tpu.vector_store %arg6[%swap3A_2463], %swap3A_2466 {strides = array<i32>} : memref<640xi32, #tpu.memory_space<vmem>>, vector<16xi32>,
      %add3A_2467 = arith.constant 144 : i32
      %add3A_2468 = vector.broadcast %add3A_2467 : i32 to vector<16xi32>
      %add3A_2469 = arith.addi %mul3A_2406, %add3A_2468 : vector<16xi32>
      %mul3A_2470 = arith.constant 9 : i32
      %mul3A_2471 = vector.broadcast %mul3A_2470 : i32 to vector<16xi32>
      %mul3A_2472 = arith.muli %mul3A_2471, %iota3A_2402 : vector<16xi32>
      %add3A_2473 = arith.addi %add3A_2469, %mul3A_2472 : vector<16xi32>
      %get3A_2474 = arith.constant 64 : index
      %get3A_2475 = tpu.vector_load %arg6[%get3A_2474] {strides = array<i32>} : memref<640xi32, #tpu.memory_space<vmem>>, vector<16xi32>,
      %get3A_2476 = vector.shape_cast %get3A_2475 : vector<16xi32> to vector<16xi32>
      %add3A_2477 = arith.addi %get3A_2476, %add3A_2473 : vector<16xi32>
      %swap3A_2478 = arith.constant 64 : index
      %swap3A_2479 = tpu.vector_load %arg6[%swap3A_2478] {strides = array<i32>} : memref<640xi32, #tpu.memory_space<vmem>>, vector<16xi32>,
      %swap3A_2480 = vector.shape_cast %swap3A_2479 : vector<16xi32> to vector<16xi32>
      %swap3A_2481 = vector.shape_cast %add3A_2477 : vector<16xi32> to vector<16xi32>
      tpu.vector_store %arg6[%swap3A_2478], %swap3A_2481 {strides = array<i32>} : memref<640xi32, #tpu.memory_space<vmem>>, vector<16xi32>,
      %add3A_2482 = arith.constant 144 : i32
      %add3A_2483 = vector.broadcast %add3A_2482 : i32 to vector<16xi32>
      %add3A_2484 = arith.addi %mul3A_2406, %add3A_2483 : vector<16xi32>
      %mul3A_2485 = arith.constant 9 : i32
      %mul3A_2486 = vector.broadcast %mul3A_2485 : i32 to vector<16xi32>
      %mul3A_2487 = arith.muli %mul3A_2486, %iota3A_2402 : vector<16xi32>
      %add3A_2488 = arith.addi %add3A_2484, %mul3A_2487 : vector<16xi32>
      %get3A_2489 = arith.constant 80 : index
      %get3A_2490 = tpu.vector_load %arg6[%get3A_2489] {strides = array<i32>} : memref<640xi32, #tpu.memory_space<vmem>>, vector<16xi32>,
      %get3A_2491 = vector.shape_cast %get3A_2490 : vector<16xi32> to vector<16xi32>
      %add3A_2492 = arith.addi %get3A_2491, %add3A_2488 : vector<16xi32>
      %swap3A_2493 = arith.constant 80 : index
      %swap3A_2494 = tpu.vector_load %arg6[%swap3A_2493] {strides = array<i32>} : memref<640xi32, #tpu.memory_space<vmem>>, vector<16xi32>,
      %swap3A_2495 = vector.shape_cast %swap3A_2494 : vector<16xi32> to vector<16xi32>
      %swap3A_2496 = vector.shape_cast %add3A_2492 : vector<16xi32> to vector<16xi32>
      tpu.vector_store %arg6[%swap3A_2493], %swap3A_2496 {strides = array<i32>} : memref<640xi32, #tpu.memory_space<vmem>>, vector<16xi32>,
      %add3A_2497 = arith.constant 144 : i32
      %add3A_2498 = vector.broadcast %add3A_2497 : i32 to vector<16xi32>
      %add3A_2499 = arith.addi %mul3A_2406, %add3A_2498 : vector<16xi32>
      %mul3A_2500 = arith.constant 9 : i32
      %mul3A_2501 = vector.broadcast %mul3A_2500 : i32 to vector<16xi32>
      %mul3A_2502 = arith.muli %mul3A_2501, %iota3A_2402 : vector<16xi32>
      %add3A_2503 = arith.addi %add3A_2499, %mul3A_2502 : vector<16xi32>
      %get3A_2504 = arith.constant 96 : index
      %get3A_2505 = tpu.vector_load %arg6[%get3A_2504] {strides = array<i32>} : memref<640xi32, #tpu.memory_space<vmem>>, vector<16xi32>,
      %get3A_2506 = vector.shape_cast %get3A_2505 : vector<16xi32> to vector<16xi32>
      %add3A_2507 = arith.addi %get3A_2506, %add3A_2503 : vector<16xi32>
      %swap3A_2508 = arith.constant 96 : index
      %swap3A_2509 = tpu.vector_load %arg6[%swap3A_2508] {strides = array<i32>} : memref<640xi32, #tpu.memory_space<vmem>>, vector<16xi32>,
      %swap3A_2510 = vector.shape_cast %swap3A_2509 : vector<16xi32> to vector<16xi32>
      %swap3A_2511 = vector.shape_cast %add3A_2507 : vector<16xi32> to vector<16xi32>
      tpu.vector_store %arg6[%swap3A_2508], %swap3A_2511 {strides = array<i32>} : memref<640xi32, #tpu.memory_space<vmem>>, vector<16xi32>,
      %add3A_2512 = arith.constant 144 : i32
      %add3A_2513 = vector.broadcast %add3A_2512 : i32 to vector<16xi32>
      %add3A_2514 = arith.addi %mul3A_2406, %add3A_2513 : vector<16xi32>
      %mul3A_2515 = arith.constant 9 : i32
      %mul3A_2516 = vector.broadcast %mul3A_2515 : i32 to vector<16xi32>
      %mul3A_2517 = arith.muli %mul3A_2516, %iota3A_2402 : vector<16xi32>
      %add3A_2518 = arith.addi %add3A_2514, %mul3A_2517 : vector<16xi32>
      %get3A_2519 = arith.constant 112 : index
      %get3A_2520 = tpu.vector_load %arg6[%get3A_2519] {strides = array<i32>} : memref<640xi32, #tpu.memory_space<vmem>>, vector<16xi32>,
      %get3A_2521 = vector.shape_cast %get3A_2520 : vector<16xi32> to vector<16xi32>
      %add3A_2522 = arith.addi %get3A_2521, %add3A_2518 : vector<16xi32>
      %swap3A_2523 = arith.constant 112 : index
      %swap3A_2524 = tpu.vector_load %arg6[%swap3A_2523] {strides = array<i32>} : memref<640xi32, #tpu.memory_space<vmem>>, vector<16xi32>,
      %swap3A_2525 = vector.shape_cast %swap3A_2524 : vector<16xi32> to vector<16xi32>
      %swap3A_2526 = vector.shape_cast %add3A_2522 : vector<16xi32> to vector<16xi32>
      tpu.vector_store %arg6[%swap3A_2523], %swap3A_2526 {strides = array<i32>} : memref<640xi32, #tpu.memory_space<vmem>>, vector<16xi32>,
      %add3A_2527 = arith.constant 288 : i32
      %add3A_2528 = vector.broadcast %add3A_2527 : i32 to vector<16xi32>
      %add3A_2529 = arith.addi %mul3A_2406, %add3A_2528 : vector<16xi32>
      %mul3A_2530 = arith.constant 9 : i32
      %mul3A_2531 = vector.broadcast %mul3A_2530 : i32 to vector<16xi32>
      %mul3A_2532 = arith.muli %mul3A_2531, %iota3A_2402 : vector<16xi32>
      %add3A_2533 = arith.addi %add3A_2529, %mul3A_2532 : vector<16xi32>
      %get3A_2534 = arith.constant 128 : index
      %get3A_2535 = tpu.vector_load %arg6[%get3A_2534] {strides = array<i32>} : memref<640xi32, #tpu.memory_space<vmem>>, vector<16xi32>,
      %get3A_2536 = vector.shape_cast %get3A_2535 : vector<16xi32> to vector<16xi32>
      %add3A_2537 = arith.addi %get3A_2536, %add3A_2533 : vector<16xi32>
      %swap3A_2538 = arith.constant 128 : index
      %swap3A_2539 = tpu.vector_load %arg6[%swap3A_2538] {strides = array<i32>} : memref<640xi32, #tpu.memory_space<vmem>>, vector<16xi32>,
      %swap3A_2540 = vector.shape_cast %swap3A_2539 : vector<16xi32> to vector<16xi32>
      %swap3A_2541 = vector.shape_cast %add3A_2537 : vector<16xi32> to vector<16xi32>
      tpu.vector_store %arg6[%swap3A_2538], %swap3A_2541 {strides = array<i32>} : memref<640xi32, #tpu.memory_space<vmem>>, vector<16xi32>,
      %add3A_2542 = arith.constant 288 : i32
      %add3A_2543 = vector.broadcast %add3A_2542 : i32 to vector<16xi32>
      %add3A_2544 = arith.addi %mul3A_2406, %add3A_2543 : vector<16xi32>
      %mul3A_2545 = arith.constant 9 : i32
      %mul3A_2546 = vector.broadcast %mul3A_2545 : i32 to vector<16xi32>
      %mul3A_2547 = arith.muli %mul3A_2546, %iota3A_2402 : vector<16xi32>
      %add3A_2548 = arith.addi %add3A_2544, %mul3A_2547 : vector<16xi32>
      %get3A_2549 = arith.constant 144 : index
      %get3A_2550 = tpu.vector_load %arg6[%get3A_2549] {strides = array<i32>} : memref<640xi32, #tpu.memory_space<vmem>>, vector<16xi32>,
      %get3A_2551 = vector.shape_cast %get3A_2550 : vector<16xi32> to vector<16xi32>
      %add3A_2552 = arith.addi %get3A_2551, %add3A_2548 : vector<16xi32>
      %swap3A_2553 = arith.constant 144 : index
      %swap3A_2554 = tpu.vector_load %arg6[%swap3A_2553] {strides = array<i32>} : memref<640xi32, #tpu.memory_space<vmem>>, vector<16xi32>,
      %swap3A_2555 = vector.shape_cast %swap3A_2554 : vector<16xi32> to vector<16xi32>
      %swap3A_2556 = vector.shape_cast %add3A_2552 : vector<16xi32> to vector<16xi32>
      tpu.vector_store %arg6[%swap3A_2553], %swap3A_2556 {strides = array<i32>} : memref<640xi32, #tpu.memory_space<vmem>>, vector<16xi32>,
      %add3A_2557 = arith.constant 288 : i32
      %add3A_2558 = vector.broadcast %add3A_2557 : i32 to vector<16xi32>
      %add3A_2559 = arith.addi %mul3A_2406, %add3A_2558 : vector<16xi32>
      %mul3A_2560 = arith.constant 9 : i32
      %mul3A_2561 = vector.broadcast %mul3A_2560 : i32 to vector<16xi32>
      %mul3A_2562 = arith.muli %mul3A_2561, %iota3A_2402 : vector<16xi32>
      %add3A_2563 = arith.addi %add3A_2559, %mul3A_2562 : vector<16xi32>
      %get3A_2564 = arith.constant 160 : index
      %get3A_2565 = tpu.vector_load %arg6[%get3A_2564] {strides = array<i32>} : memref<640xi32, #tpu.memory_space<vmem>>, vector<16xi32>,
      %get3A_2566 = vector.shape_cast %get3A_2565 : vector<16xi32> to vector<16xi32>
      %add3A_2567 = arith.addi %get3A_2566, %add3A_2563 : vector<16xi32>
      %swap3A_2568 = arith.constant 160 : index
      %swap3A_2569 = tpu.vector_load %arg6[%swap3A_2568] {strides = array<i32>} : memref<640xi32, #tpu.memory_space<vmem>>, vector<16xi32>,
      %swap3A_2570 = vector.shape_cast %swap3A_2569 : vector<16xi32> to vector<16xi32>
      %swap3A_2571 = vector.shape_cast %add3A_2567 : vector<16xi32> to vector<16xi32>
      tpu.vector_store %arg6[%swap3A_2568], %swap3A_2571 {strides = array<i32>} : memref<640xi32, #tpu.memory_space<vmem>>, vector<16xi32>,
      %add3A_2572 = arith.constant 288 : i32
      %add3A_2573 = vector.broadcast %add3A_2572 : i32 to vector<16xi32>
      %add3A_2574 = arith.addi %mul3A_2406, %add3A_2573 : vector<16xi32>
      %mul3A_2575 = arith.constant 9 : i32
      %mul3A_2576 = vector.broadcast %mul3A_2575 : i32 to vector<16xi32>
      %mul3A_2577 = arith.muli %mul3A_2576, %iota3A_2402 : vector<16xi32>
      %add3A_2578 = arith.addi %add3A_2574, %mul3A_2577 : vector<16xi32>
      %get3A_2579 = arith.constant 176 : index
      %get3A_2580 = tpu.vector_load %arg6[%get3A_2579] {strides = array<i32>} : memref<640xi32, #tpu.memory_space<vmem>>, vector<16xi32>,
      %get3A_2581 = vector.shape_cast %get3A_2580 : vector<16xi32> to vector<16xi32>
      %add3A_2582 = arith.addi %get3A_2581, %add3A_2578 : vector<16xi32>
      %swap3A_2583 = arith.constant 176 : index
      %swap3A_2584 = tpu.vector_load %arg6[%swap3A_2583] {strides = array<i32>} : memref<640xi32, #tpu.memory_space<vmem>>, vector<16xi32>,
      %swap3A_2585 = vector.shape_cast %swap3A_2584 : vector<16xi32> to vector<16xi32>
      %swap3A_2586 = vector.shape_cast %add3A_2582 : vector<16xi32> to vector<16xi32>
      tpu.vector_store %arg6[%swap3A_2583], %swap3A_2586 {strides = array<i32>} : memref<640xi32, #tpu.memory_space<vmem>>, vector<16xi32>,
      %add3A_2587 = arith.constant 432 : i32
      %add3A_2588 = vector.broadcast %add3A_2587 : i32 to vector<16xi32>
      %add3A_2589 = arith.addi %mul3A_2406, %add3A_2588 : vector<16xi32>
      %mul3A_2590 = arith.constant 9 : i32
      %mul3A_2591 = vector.broadcast %mul3A_2590 : i32 to vector<16xi32>
      %mul3A_2592 = arith.muli %mul3A_2591, %iota3A_2402 : vector<16xi32>
      %add3A_2593 = arith.addi %add3A_2589, %mul3A_2592 : vector<16xi32>
      %get3A_2594 = arith.constant 192 : index
      %get3A_2595 = tpu.vector_load %arg6[%get3A_2594] {strides = array<i32>} : memref<640xi32, #tpu.memory_space<vmem>>, vector<16xi32>,
      %get3A_2596 = vector.shape_cast %get3A_2595 : vector<16xi32> to vector<16xi32>
      %add3A_2597 = arith.addi %get3A_2596, %add3A_2593 : vector<16xi32>
      %swap3A_2598 = arith.constant 192 : index
      %swap3A_2599 = tpu.vector_load %arg6[%swap3A_2598] {strides = array<i32>} : memref<640xi32, #tpu.memory_space<vmem>>, vector<16xi32>,
      %swap3A_2600 = vector.shape_cast %swap3A_2599 : vector<16xi32> to vector<16xi32>
      %swap3A_2601 = vector.shape_cast %add3A_2597 : vector<16xi32> to vector<16xi32>
      tpu.vector_store %arg6[%swap3A_2598], %swap3A_2601 {strides = array<i32>} : memref<640xi32, #tpu.memory_space<vmem>>, vector<16xi32>,
      %add3A_2602 = arith.constant 432 : i32
      %add3A_2603 = vector.broadcast %add3A_2602 : i32 to vector<16xi32>
      %add3A_2604 = arith.addi %mul3A_2406, %add3A_2603 : vector<16xi32>
      %mul3A_2605 = arith.constant 9 : i32
      %mul3A_2606 = vector.broadcast %mul3A_2605 : i32 to vector<16xi32>
      %mul3A_2607 = arith.muli %mul3A_2606, %iota3A_2402 : vector<16xi32>
      %add3A_2608 = arith.addi %add3A_2604, %mul3A_2607 : vector<16xi32>
      %get3A_2609 = arith.constant 208 : index
      %get3A_2610 = tpu.vector_load %arg6[%get3A_2609] {strides = array<i32>} : memref<640xi32, #tpu.memory_space<vmem>>, vector<16xi32>,
      %get3A_2611 = vector.shape_cast %get3A_2610 : vector<16xi32> to vector<16xi32>
      %add3A_2612 = arith.addi %get3A_2611, %add3A_2608 : vector<16xi32>
      %swap3A_2613 = arith.constant 208 : index
      %swap3A_2614 = tpu.vector_load %arg6[%swap3A_2613] {strides = array<i32>} : memref<640xi32, #tpu.memory_space<vmem>>, vector<16xi32>,
      %swap3A_2615 = vector.shape_cast %swap3A_2614 : vector<16xi32> to vector<16xi32>
      %swap3A_2616 = vector.shape_cast %add3A_2612 : vector<16xi32> to vector<16xi32>
      tpu.vector_store %arg6[%swap3A_2613], %swap3A_2616 {strides = array<i32>} : memref<640xi32, #tpu.memory_space<vmem>>, vector<16xi32>,
      %add3A_2617 = arith.constant 432 : i32
      %add3A_2618 = vector.broadcast %add3A_2617 : i32 to vector<16xi32>
      %add3A_2619 = arith.addi %mul3A_2406, %add3A_2618 : vector<16xi32>
      %mul3A_2620 = arith.constant 9 : i32
      %mul3A_2621 = vector.broadcast %mul3A_2620 : i32 to vector<16xi32>
      %mul3A_2622 = arith.muli %mul3A_2621, %iota3A_2402 : vector<16xi32>
      %add3A_2623 = arith.addi %add3A_2619, %mul3A_2622 : vector<16xi32>
      %get3A_2624 = arith.constant 224 : index
      %get3A_2625 = tpu.vector_load %arg6[%get3A_2624] {strides = array<i32>} : memref<640xi32, #tpu.memory_space<vmem>>, vector<16xi32>,
      %get3A_2626 = vector.shape_cast %get3A_2625 : vector<16xi32> to vector<16xi32>
      %add3A_2627 = arith.addi %get3A_2626, %add3A_2623 : vector<16xi32>
      %swap3A_2628 = arith.constant 224 : index
      %swap3A_2629 = tpu.vector_load %arg6[%swap3A_2628] {strides = array<i32>} : memref<640xi32, #tpu.memory_space<vmem>>, vector<16xi32>,
      %swap3A_2630 = vector.shape_cast %swap3A_2629 : vector<16xi32> to vector<16xi32>
      %swap3A_2631 = vector.shape_cast %add3A_2627 : vector<16xi32> to vector<16xi32>
      tpu.vector_store %arg6[%swap3A_2628], %swap3A_2631 {strides = array<i32>} : memref<640xi32, #tpu.memory_space<vmem>>, vector<16xi32>,
      %add3A_2632 = arith.constant 432 : i32
      %add3A_2633 = vector.broadcast %add3A_2632 : i32 to vector<16xi32>
      %add3A_2634 = arith.addi %mul3A_2406, %add3A_2633 : vector<16xi32>
      %mul3A_2635 = arith.constant 9 : i32
      %mul3A_2636 = vector.broadcast %mul3A_2635 : i32 to vector<16xi32>
      %mul3A_2637 = arith.muli %mul3A_2636, %iota3A_2402 : vector<16xi32>
      %add3A_2638 = arith.addi %add3A_2634, %mul3A_2637 : vector<16xi32>
      %get3A_2639 = arith.constant 240 : index
      %get3A_2640 = tpu.vector_load %arg6[%get3A_2639] {strides = array<i32>} : memref<640xi32, #tpu.memory_space<vmem>>, vector<16xi32>,
      %get3A_2641 = vector.shape_cast %get3A_2640 : vector<16xi32> to vector<16xi32>
      %add3A_2642 = arith.addi %get3A_2641, %add3A_2638 : vector<16xi32>
      %swap3A_2643 = arith.constant 240 : index
      %swap3A_2644 = tpu.vector_load %arg6[%swap3A_2643] {strides = array<i32>} : memref<640xi32, #tpu.memory_space<vmem>>, vector<16xi32>,
      %swap3A_2645 = vector.shape_cast %swap3A_2644 : vector<16xi32> to vector<16xi32>
      %swap3A_2646 = vector.shape_cast %add3A_2642 : vector<16xi32> to vector<16xi32>
      tpu.vector_store %arg6[%swap3A_2643], %swap3A_2646 {strides = array<i32>} : memref<640xi32, #tpu.memory_space<vmem>>, vector<16xi32>,
      %add3A_2647 = arith.constant 576 : i32
      %add3A_2648 = vector.broadcast %add3A_2647 : i32 to vector<16xi32>
      %add3A_2649 = arith.addi %mul3A_2406, %add3A_2648 : vector<16xi32>
      %mul3A_2650 = arith.constant 9 : i32
      %mul3A_2651 = vector.broadcast %mul3A_2650 : i32 to vector<16xi32>
      %mul3A_2652 = arith.muli %mul3A_2651, %iota3A_2402 : vector<16xi32>
      %add3A_2653 = arith.addi %add3A_2649, %mul3A_2652 : vector<16xi32>
      %get3A_2654 = arith.constant 256 : index
      %get3A_2655 = tpu.vector_load %arg6[%get3A_2654] {strides = array<i32>} : memref<640xi32, #tpu.memory_space<vmem>>, vector<16xi32>,
      %get3A_2656 = vector.shape_cast %get3A_2655 : vector<16xi32> to vector<16xi32>
      %add3A_2657 = arith.addi %get3A_2656, %add3A_2653 : vector<16xi32>
      %swap3A_2658 = arith.constant 256 : index
      %swap3A_2659 = tpu.vector_load %arg6[%swap3A_2658] {strides = array<i32>} : memref<640xi32, #tpu.memory_space<vmem>>, vector<16xi32>,
      %swap3A_2660 = vector.shape_cast %swap3A_2659 : vector<16xi32> to vector<16xi32>
      %swap3A_2661 = vector.shape_cast %add3A_2657 : vector<16xi32> to vector<16xi32>
      tpu.vector_store %arg6[%swap3A_2658], %swap3A_2661 {strides = array<i32>} : memref<640xi32, #tpu.memory_space<vmem>>, vector<16xi32>,
      %add3A_2662 = arith.constant 576 : i32
      %add3A_2663 = vector.broadcast %add3A_2662 : i32 to vector<16xi32>
      %add3A_2664 = arith.addi %mul3A_2406, %add3A_2663 : vector<16xi32>
      %mul3A_2665 = arith.constant 9 : i32
      %mul3A_2666 = vector.broadcast %mul3A_2665 : i32 to vector<16xi32>
      %mul3A_2667 = arith.muli %mul3A_2666, %iota3A_2402 : vector<16xi32>
      %add3A_2668 = arith.addi %add3A_2664, %mul3A_2667 : vector<16xi32>
      %get3A_2669 = arith.constant 272 : index
      %get3A_2670 = tpu.vector_load %arg6[%get3A_2669] {strides = array<i32>} : memref<640xi32, #tpu.memory_space<vmem>>, vector<16xi32>,
      %get3A_2671 = vector.shape_cast %get3A_2670 : vector<16xi32> to vector<16xi32>
      %add3A_2672 = arith.addi %get3A_2671, %add3A_2668 : vector<16xi32>
      %swap3A_2673 = arith.constant 272 : index
      %swap3A_2674 = tpu.vector_load %arg6[%swap3A_2673] {strides = array<i32>} : memref<640xi32, #tpu.memory_space<vmem>>, vector<16xi32>,
      %swap3A_2675 = vector.shape_cast %swap3A_2674 : vector<16xi32> to vector<16xi32>
      %swap3A_2676 = vector.shape_cast %add3A_2672 : vector<16xi32> to vector<16xi32>
      tpu.vector_store %arg6[%swap3A_2673], %swap3A_2676 {strides = array<i32>} : memref<640xi32, #tpu.memory_space<vmem>>, vector<16xi32>,
      %add3A_2677 = arith.constant 576 : i32
      %add3A_2678 = vector.broadcast %add3A_2677 : i32 to vector<16xi32>
      %add3A_2679 = arith.addi %mul3A_2406, %add3A_2678 : vector<16xi32>
      %mul3A_2680 = arith.constant 9 : i32
      %mul3A_2681 = vector.broadcast %mul3A_2680 : i32 to vector<16xi32>
      %mul3A_2682 = arith.muli %mul3A_2681, %iota3A_2402 : vector<16xi32>
      %add3A_2683 = arith.addi %add3A_2679, %mul3A_2682 : vector<16xi32>
      %get3A_2684 = arith.constant 288 : index
      %get3A_2685 = tpu.vector_load %arg6[%get3A_2684] {strides = array<i32>} : memref<640xi32, #tpu.memory_space<vmem>>, vector<16xi32>,
      %get3A_2686 = vector.shape_cast %get3A_2685 : vector<16xi32> to vector<16xi32>
      %add3A_2687 = arith.addi %get3A_2686, %add3A_2683 : vector<16xi32>
      %swap3A_2688 = arith.constant 288 : index
      %swap3A_2689 = tpu.vector_load %arg6[%swap3A_2688] {strides = array<i32>} : memref<640xi32, #tpu.memory_space<vmem>>, vector<16xi32>,
      %swap3A_2690 = vector.shape_cast %swap3A_2689 : vector<16xi32> to vector<16xi32>
      %swap3A_2691 = vector.shape_cast %add3A_2687 : vector<16xi32> to vector<16xi32>
      tpu.vector_store %arg6[%swap3A_2688], %swap3A_2691 {strides = array<i32>} : memref<640xi32, #tpu.memory_space<vmem>>, vector<16xi32>,
      %add3A_2692 = arith.constant 576 : i32
      %add3A_2693 = vector.broadcast %add3A_2692 : i32 to vector<16xi32>
      %add3A_2694 = arith.addi %mul3A_2406, %add3A_2693 : vector<16xi32>
      %mul3A_2695 = arith.constant 9 : i32
      %mul3A_2696 = vector.broadcast %mul3A_2695 : i32 to vector<16xi32>
      %mul3A_2697 = arith.muli %mul3A_2696, %iota3A_2402 : vector<16xi32>
      %add3A_2698 = arith.addi %add3A_2694, %mul3A_2697 : vector<16xi32>
      %get3A_2699 = arith.constant 304 : index
      %get3A_2700 = tpu.vector_load %arg6[%get3A_2699] {strides = array<i32>} : memref<640xi32, #tpu.memory_space<vmem>>, vector<16xi32>,
      %get3A_2701 = vector.shape_cast %get3A_2700 : vector<16xi32> to vector<16xi32>
      %add3A_2702 = arith.addi %get3A_2701, %add3A_2698 : vector<16xi32>
      %swap3A_2703 = arith.constant 304 : index
      %swap3A_2704 = tpu.vector_load %arg6[%swap3A_2703] {strides = array<i32>} : memref<640xi32, #tpu.memory_space<vmem>>, vector<16xi32>,
      %swap3A_2705 = vector.shape_cast %swap3A_2704 : vector<16xi32> to vector<16xi32>
      %swap3A_2706 = vector.shape_cast %add3A_2702 : vector<16xi32> to vector<16xi32>
      tpu.vector_store %arg6[%swap3A_2703], %swap3A_2706 {strides = array<i32>} : memref<640xi32, #tpu.memory_space<vmem>>, vector<16xi32>,
      %add3A_2707 = arith.constant 720 : i32
      %add3A_2708 = vector.broadcast %add3A_2707 : i32 to vector<16xi32>
      %add3A_2709 = arith.addi %mul3A_2406, %add3A_2708 : vector<16xi32>
      %mul3A_2710 = arith.constant 9 : i32
      %mul3A_2711 = vector.broadcast %mul3A_2710 : i32 to vector<16xi32>
      %mul3A_2712 = arith.muli %mul3A_2711, %iota3A_2402 : vector<16xi32>
      %add3A_2713 = arith.addi %add3A_2709, %mul3A_2712 : vector<16xi32>
      %get3A_2714 = arith.constant 320 : index
      %get3A_2715 = tpu.vector_load %arg6[%get3A_2714] {strides = array<i32>} : memref<640xi32, #tpu.memory_space<vmem>>, vector<16xi32>,
      %get3A_2716 = vector.shape_cast %get3A_2715 : vector<16xi32> to vector<16xi32>
      %add3A_2717 = arith.addi %get3A_2716, %add3A_2713 : vector<16xi32>
      %swap3A_2718 = arith.constant 320 : index
      %swap3A_2719 = tpu.vector_load %arg6[%swap3A_2718] {strides = array<i32>} : memref<640xi32, #tpu.memory_space<vmem>>, vector<16xi32>,
      %swap3A_2720 = vector.shape_cast %swap3A_2719 : vector<16xi32> to vector<16xi32>
      %swap3A_2721 = vector.shape_cast %add3A_2717 : vector<16xi32> to vector<16xi32>
      tpu.vector_store %arg6[%swap3A_2718], %swap3A_2721 {strides = array<i32>} : memref<640xi32, #tpu.memory_space<vmem>>, vector<16xi32>,
      %add3A_2722 = arith.constant 720 : i32
      %add3A_2723 = vector.broadcast %add3A_2722 : i32 to vector<16xi32>
      %add3A_2724 = arith.addi %mul3A_2406, %add3A_2723 : vector<16xi32>
      %mul3A_2725 = arith.constant 9 : i32
      %mul3A_2726 = vector.broadcast %mul3A_2725 : i32 to vector<16xi32>
      %mul3A_2727 = arith.muli %mul3A_2726, %iota3A_2402 : vector<16xi32>
      %add3A_2728 = arith.addi %add3A_2724, %mul3A_2727 : vector<16xi32>
      %get3A_2729 = arith.constant 336 : index
      %get3A_2730 = tpu.vector_load %arg6[%get3A_2729] {strides = array<i32>} : memref<640xi32, #tpu.memory_space<vmem>>, vector<16xi32>,
      %get3A_2731 = vector.shape_cast %get3A_2730 : vector<16xi32> to vector<16xi32>
      %add3A_2732 = arith.addi %get3A_2731, %add3A_2728 : vector<16xi32>
      %swap3A_2733 = arith.constant 336 : index
      %swap3A_2734 = tpu.vector_load %arg6[%swap3A_2733] {strides = array<i32>} : memref<640xi32, #tpu.memory_space<vmem>>, vector<16xi32>,
      %swap3A_2735 = vector.shape_cast %swap3A_2734 : vector<16xi32> to vector<16xi32>
      %swap3A_2736 = vector.shape_cast %add3A_2732 : vector<16xi32> to vector<16xi32>
      tpu.vector_store %arg6[%swap3A_2733], %swap3A_2736 {strides = array<i32>} : memref<640xi32, #tpu.memory_space<vmem>>, vector<16xi32>,
      %add3A_2737 = arith.constant 720 : i32
      %add3A_2738 = vector.broadcast %add3A_2737 : i32 to vector<16xi32>
      %add3A_2739 = arith.addi %mul3A_2406, %add3A_2738 : vector<16xi32>
      %mul3A_2740 = arith.constant 9 : i32
      %mul3A_2741 = vector.broadcast %mul3A_2740 : i32 to vector<16xi32>
      %mul3A_2742 = arith.muli %mul3A_2741, %iota3A_2402 : vector<16xi32>
      %add3A_2743 = arith.addi %add3A_2739, %mul3A_2742 : vector<16xi32>
      %get3A_2744 = arith.constant 352 : index
      %get3A_2745 = tpu.vector_load %arg6[%get3A_2744] {strides = array<i32>} : memref<640xi32, #tpu.memory_space<vmem>>, vector<16xi32>,
      %get3A_2746 = vector.shape_cast %get3A_2745 : vector<16xi32> to vector<16xi32>
      %add3A_2747 = arith.addi %get3A_2746, %add3A_2743 : vector<16xi32>
      %swap3A_2748 = arith.constant 352 : index
      %swap3A_2749 = tpu.vector_load %arg6[%swap3A_2748] {strides = array<i32>} : memref<640xi32, #tpu.memory_space<vmem>>, vector<16xi32>,
      %swap3A_2750 = vector.shape_cast %swap3A_2749 : vector<16xi32> to vector<16xi32>
      %swap3A_2751 = vector.shape_cast %add3A_2747 : vector<16xi32> to vector<16xi32>
      tpu.vector_store %arg6[%swap3A_2748], %swap3A_2751 {strides = array<i32>} : memref<640xi32, #tpu.memory_space<vmem>>, vector<16xi32>,
      %add3A_2752 = arith.constant 720 : i32
      %add3A_2753 = vector.broadcast %add3A_2752 : i32 to vector<16xi32>
      %add3A_2754 = arith.addi %mul3A_2406, %add3A_2753 : vector<16xi32>
      %mul3A_2755 = arith.constant 9 : i32
      %mul3A_2756 = vector.broadcast %mul3A_2755 : i32 to vector<16xi32>
      %mul3A_2757 = arith.muli %mul3A_2756, %iota3A_2402 : vector<16xi32>
      %add3A_2758 = arith.addi %add3A_2754, %mul3A_2757 : vector<16xi32>
      %get3A_2759 = arith.constant 368 : index
      %get3A_2760 = tpu.vector_load %arg6[%get3A_2759] {strides = array<i32>} : memref<640xi32, #tpu.memory_space<vmem>>, vector<16xi32>,
      %get3A_2761 = vector.shape_cast %get3A_2760 : vector<16xi32> to vector<16xi32>
      %add3A_2762 = arith.addi %get3A_2761, %add3A_2758 : vector<16xi32>
      %swap3A_2763 = arith.constant 368 : index
      %swap3A_2764 = tpu.vector_load %arg6[%swap3A_2763] {strides = array<i32>} : memref<640xi32, #tpu.memory_space<vmem>>, vector<16xi32>,
      %swap3A_2765 = vector.shape_cast %swap3A_2764 : vector<16xi32> to vector<16xi32>
      %swap3A_2766 = vector.shape_cast %add3A_2762 : vector<16xi32> to vector<16xi32>
      tpu.vector_store %arg6[%swap3A_2763], %swap3A_2766 {strides = array<i32>} : memref<640xi32, #tpu.memory_space<vmem>>, vector<16xi32>,
      %add3A_2767 = arith.constant 864 : i32
      %add3A_2768 = vector.broadcast %add3A_2767 : i32 to vector<16xi32>
      %add3A_2769 = arith.addi %mul3A_2406, %add3A_2768 : vector<16xi32>
      %mul3A_2770 = arith.constant 9 : i32
      %mul3A_2771 = vector.broadcast %mul3A_2770 : i32 to vector<16xi32>
      %mul3A_2772 = arith.muli %mul3A_2771, %iota3A_2402 : vector<16xi32>
      %add3A_2773 = arith.addi %add3A_2769, %mul3A_2772 : vector<16xi32>
      %get3A_2774 = arith.constant 384 : index
      %get3A_2775 = tpu.vector_load %arg6[%get3A_2774] {strides = array<i32>} : memref<640xi32, #tpu.memory_space<vmem>>, vector<16xi32>,
      %get3A_2776 = vector.shape_cast %get3A_2775 : vector<16xi32> to vector<16xi32>
      %add3A_2777 = arith.addi %get3A_2776, %add3A_2773 : vector<16xi32>
      %swap3A_2778 = arith.constant 384 : index
      %swap3A_2779 = tpu.vector_load %arg6[%swap3A_2778] {strides = array<i32>} : memref<640xi32, #tpu.memory_space<vmem>>, vector<16xi32>,
      %swap3A_2780 = vector.shape_cast %swap3A_2779 : vector<16xi32> to vector<16xi32>
      %swap3A_2781 = vector.shape_cast %add3A_2777 : vector<16xi32> to vector<16xi32>
      tpu.vector_store %arg6[%swap3A_2778], %swap3A_2781 {strides = array<i32>} : memref<640xi32, #tpu.memory_space<vmem>>, vector<16xi32>,
      %add3A_2782 = arith.constant 864 : i32
      %add3A_2783 = vector.broadcast %add3A_2782 : i32 to vector<16xi32>
      %add3A_2784 = arith.addi %mul3A_2406, %add3A_2783 : vector<16xi32>
      %mul3A_2785 = arith.constant 9 : i32
      %mul3A_2786 = vector.broadcast %mul3A_2785 : i32 to vector<16xi32>
      %mul3A_2787 = arith.muli %mul3A_2786, %iota3A_2402 : vector<16xi32>
      %add3A_2788 = arith.addi %add3A_2784, %mul3A_2787 : vector<16xi32>
      %get3A_2789 = arith.constant 400 : index
      %get3A_2790 = tpu.vector_load %arg6[%get3A_2789] {strides = array<i32>} : memref<640xi32, #tpu.memory_space<vmem>>, vector<16xi32>,
      %get3A_2791 = vector.shape_cast %get3A_2790 : vector<16xi32> to vector<16xi32>
      %add3A_2792 = arith.addi %get3A_2791, %add3A_2788 : vector<16xi32>
      %swap3A_2793 = arith.constant 400 : index
      %swap3A_2794 = tpu.vector_load %arg6[%swap3A_2793] {strides = array<i32>} : memref<640xi32, #tpu.memory_space<vmem>>, vector<16xi32>,
      %swap3A_2795 = vector.shape_cast %swap3A_2794 : vector<16xi32> to vector<16xi32>
      %swap3A_2796 = vector.shape_cast %add3A_2792 : vector<16xi32> to vector<16xi32>
      tpu.vector_store %arg6[%swap3A_2793], %swap3A_2796 {strides = array<i32>} : memref<640xi32, #tpu.memory_space<vmem>>, vector<16xi32>,
      %add3A_2797 = arith.constant 864 : i32
      %add3A_2798 = vector.broadcast %add3A_2797 : i32 to vector<16xi32>
      %add3A_2799 = arith.addi %mul3A_2406, %add3A_2798 : vector<16xi32>
      %mul3A_2800 = arith.constant 9 : i32
      %mul3A_2801 = vector.broadcast %mul3A_2800 : i32 to vector<16xi32>
      %mul3A_2802 = arith.muli %mul3A_2801, %iota3A_2402 : vector<16xi32>
      %add3A_2803 = arith.addi %add3A_2799, %mul3A_2802 : vector<16xi32>
      %get3A_2804 = arith.constant 416 : index
      %get3A_2805 = tpu.vector_load %arg6[%get3A_2804] {strides = array<i32>} : memref<640xi32, #tpu.memory_space<vmem>>, vector<16xi32>,
      %get3A_2806 = vector.shape_cast %get3A_2805 : vector<16xi32> to vector<16xi32>
      %add3A_2807 = arith.addi %get3A_2806, %add3A_2803 : vector<16xi32>
      %swap3A_2808 = arith.constant 416 : index
      %swap3A_2809 = tpu.vector_load %arg6[%swap3A_2808] {strides = array<i32>} : memref<640xi32, #tpu.memory_space<vmem>>, vector<16xi32>,
      %swap3A_2810 = vector.shape_cast %swap3A_2809 : vector<16xi32> to vector<16xi32>
      %swap3A_2811 = vector.shape_cast %add3A_2807 : vector<16xi32> to vector<16xi32>
      tpu.vector_store %arg6[%swap3A_2808], %swap3A_2811 {strides = array<i32>} : memref<640xi32, #tpu.memory_space<vmem>>, vector<16xi32>,
      %add3A_2812 = arith.constant 864 : i32
      %add3A_2813 = vector.broadcast %add3A_2812 : i32 to vector<16xi32>
      %add3A_2814 = arith.addi %mul3A_2406, %add3A_2813 : vector<16xi32>
      %mul3A_2815 = arith.constant 9 : i32
      %mul3A_2816 = vector.broadcast %mul3A_2815 : i32 to vector<16xi32>
      %mul3A_2817 = arith.muli %mul3A_2816, %iota3A_2402 : vector<16xi32>
      %add3A_2818 = arith.addi %add3A_2814, %mul3A_2817 : vector<16xi32>
      %get3A_2819 = arith.constant 432 : index
      %get3A_2820 = tpu.vector_load %arg6[%get3A_2819] {strides = array<i32>} : memref<640xi32, #tpu.memory_space<vmem>>, vector<16xi32>,
      %get3A_2821 = vector.shape_cast %get3A_2820 : vector<16xi32> to vector<16xi32>
      %add3A_2822 = arith.addi %get3A_2821, %add3A_2818 : vector<16xi32>
      %swap3A_2823 = arith.constant 432 : index
      %swap3A_2824 = tpu.vector_load %arg6[%swap3A_2823] {strides = array<i32>} : memref<640xi32, #tpu.memory_space<vmem>>, vector<16xi32>,
      %swap3A_2825 = vector.shape_cast %swap3A_2824 : vector<16xi32> to vector<16xi32>
      %swap3A_2826 = vector.shape_cast %add3A_2822 : vector<16xi32> to vector<16xi32>
      tpu.vector_store %arg6[%swap3A_2823], %swap3A_2826 {strides = array<i32>} : memref<640xi32, #tpu.memory_space<vmem>>, vector<16xi32>,
      %add3A_2827 = arith.constant 1008 : i32
      %add3A_2828 = vector.broadcast %add3A_2827 : i32 to vector<16xi32>
      %add3A_2829 = arith.addi %mul3A_2406, %add3A_2828 : vector<16xi32>
      %mul3A_2830 = arith.constant 9 : i32
      %mul3A_2831 = vector.broadcast %mul3A_2830 : i32 to vector<16xi32>
      %mul3A_2832 = arith.muli %mul3A_2831, %iota3A_2402 : vector<16xi32>
      %add3A_2833 = arith.addi %add3A_2829, %mul3A_2832 : vector<16xi32>
      %get3A_2834 = arith.constant 448 : index
      %get3A_2835 = tpu.vector_load %arg6[%get3A_2834] {strides = array<i32>} : memref<640xi32, #tpu.memory_space<vmem>>, vector<16xi32>,
      %get3A_2836 = vector.shape_cast %get3A_2835 : vector<16xi32> to vector<16xi32>
      %add3A_2837 = arith.addi %get3A_2836, %add3A_2833 : vector<16xi32>
      %swap3A_2838 = arith.constant 448 : index
      %swap3A_2839 = tpu.vector_load %arg6[%swap3A_2838] {strides = array<i32>} : memref<640xi32, #tpu.memory_space<vmem>>, vector<16xi32>,
      %swap3A_2840 = vector.shape_cast %swap3A_2839 : vector<16xi32> to vector<16xi32>
      %swap3A_2841 = vector.shape_cast %add3A_2837 : vector<16xi32> to vector<16xi32>
      tpu.vector_store %arg6[%swap3A_2838], %swap3A_2841 {strides = array<i32>} : memref<640xi32, #tpu.memory_space<vmem>>, vector<16xi32>,
      %add3A_2842 = arith.constant 1008 : i32
      %add3A_2843 = vector.broadcast %add3A_2842 : i32 to vector<16xi32>
      %add3A_2844 = arith.addi %mul3A_2406, %add3A_2843 : vector<16xi32>
      %mul3A_2845 = arith.constant 9 : i32
      %mul3A_2846 = vector.broadcast %mul3A_2845 : i32 to vector<16xi32>
      %mul3A_2847 = arith.muli %mul3A_2846, %iota3A_2402 : vector<16xi32>
      %add3A_2848 = arith.addi %add3A_2844, %mul3A_2847 : vector<16xi32>
      %get3A_2849 = arith.constant 464 : index
      %get3A_2850 = tpu.vector_load %arg6[%get3A_2849] {strides = array<i32>} : memref<640xi32, #tpu.memory_space<vmem>>, vector<16xi32>,
      %get3A_2851 = vector.shape_cast %get3A_2850 : vector<16xi32> to vector<16xi32>
      %add3A_2852 = arith.addi %get3A_2851, %add3A_2848 : vector<16xi32>
      %swap3A_2853 = arith.constant 464 : index
      %swap3A_2854 = tpu.vector_load %arg6[%swap3A_2853] {strides = array<i32>} : memref<640xi32, #tpu.memory_space<vmem>>, vector<16xi32>,
      %swap3A_2855 = vector.shape_cast %swap3A_2854 : vector<16xi32> to vector<16xi32>
      %swap3A_2856 = vector.shape_cast %add3A_2852 : vector<16xi32> to vector<16xi32>
      tpu.vector_store %arg6[%swap3A_2853], %swap3A_2856 {strides = array<i32>} : memref<640xi32, #tpu.memory_space<vmem>>, vector<16xi32>,
      %add3A_2857 = arith.constant 1008 : i32
      %add3A_2858 = vector.broadcast %add3A_2857 : i32 to vector<16xi32>
      %add3A_2859 = arith.addi %mul3A_2406, %add3A_2858 : vector<16xi32>
      %mul3A_2860 = arith.constant 9 : i32
      %mul3A_2861 = vector.broadcast %mul3A_2860 : i32 to vector<16xi32>
      %mul3A_2862 = arith.muli %mul3A_2861, %iota3A_2402 : vector<16xi32>
      %add3A_2863 = arith.addi %add3A_2859, %mul3A_2862 : vector<16xi32>
      %get3A_2864 = arith.constant 480 : index
      %get3A_2865 = tpu.vector_load %arg6[%get3A_2864] {strides = array<i32>} : memref<640xi32, #tpu.memory_space<vmem>>, vector<16xi32>,
      %get3A_2866 = vector.shape_cast %get3A_2865 : vector<16xi32> to vector<16xi32>
      %add3A_2867 = arith.addi %get3A_2866, %add3A_2863 : vector<16xi32>
      %swap3A_2868 = arith.constant 480 : index
      %swap3A_2869 = tpu.vector_load %arg6[%swap3A_2868] {strides = array<i32>} : memref<640xi32, #tpu.memory_space<vmem>>, vector<16xi32>,
      %swap3A_2870 = vector.shape_cast %swap3A_2869 : vector<16xi32> to vector<16xi32>
      %swap3A_2871 = vector.shape_cast %add3A_2867 : vector<16xi32> to vector<16xi32>
      tpu.vector_store %arg6[%swap3A_2868], %swap3A_2871 {strides = array<i32>} : memref<640xi32, #tpu.memory_space<vmem>>, vector<16xi32>,
      %add3A_2872 = arith.constant 1008 : i32
      %add3A_2873 = vector.broadcast %add3A_2872 : i32 to vector<16xi32>
      %add3A_2874 = arith.addi %mul3A_2406, %add3A_2873 : vector<16xi32>
      %mul3A_2875 = arith.constant 9 : i32
      %mul3A_2876 = vector.broadcast %mul3A_2875 : i32 to vector<16xi32>
      %mul3A_2877 = arith.muli %mul3A_2876, %iota3A_2402 : vector<16xi32>
      %add3A_2878 = arith.addi %add3A_2874, %mul3A_2877 : vector<16xi32>
      %get3A_2879 = arith.constant 496 : index
      %get3A_2880 = tpu.vector_load %arg6[%get3A_2879] {strides = array<i32>} : memref<640xi32, #tpu.memory_space<vmem>>, vector<16xi32>,
      %get3A_2881 = vector.shape_cast %get3A_2880 : vector<16xi32> to vector<16xi32>
      %add3A_2882 = arith.addi %get3A_2881, %add3A_2878 : vector<16xi32>
      %swap3A_2883 = arith.constant 496 : index
      %swap3A_2884 = tpu.vector_load %arg6[%swap3A_2883] {strides = array<i32>} : memref<640xi32, #tpu.memory_space<vmem>>, vector<16xi32>,
      %swap3A_2885 = vector.shape_cast %swap3A_2884 : vector<16xi32> to vector<16xi32>
      %swap3A_2886 = vector.shape_cast %add3A_2882 : vector<16xi32> to vector<16xi32>
      tpu.vector_store %arg6[%swap3A_2883], %swap3A_2886 {strides = array<i32>} : memref<640xi32, #tpu.memory_space<vmem>>, vector<16xi32>,
      %add3A_2887 = arith.constant 1152 : i32
      %add3A_2888 = vector.broadcast %add3A_2887 : i32 to vector<16xi32>
      %add3A_2889 = arith.addi %mul3A_2406, %add3A_2888 : vector<16xi32>
      %mul3A_2890 = arith.constant 9 : i32
      %mul3A_2891 = vector.broadcast %mul3A_2890 : i32 to vector<16xi32>
      %mul3A_2892 = arith.muli %mul3A_2891, %iota3A_2402 : vector<16xi32>
      %add3A_2893 = arith.addi %add3A_2889, %mul3A_2892 : vector<16xi32>
      %get3A_2894 = arith.constant 512 : index
      %get3A_2895 = tpu.vector_load %arg6[%get3A_2894] {strides = array<i32>} : memref<640xi32, #tpu.memory_space<vmem>>, vector<16xi32>,
      %get3A_2896 = vector.shape_cast %get3A_2895 : vector<16xi32> to vector<16xi32>
      %add3A_2897 = arith.addi %get3A_2896, %add3A_2893 : vector<16xi32>
      %swap3A_2898 = arith.constant 512 : index
      %swap3A_2899 = tpu.vector_load %arg6[%swap3A_2898] {strides = array<i32>} : memref<640xi32, #tpu.memory_space<vmem>>, vector<16xi32>,
      %swap3A_2900 = vector.shape_cast %swap3A_2899 : vector<16xi32> to vector<16xi32>
      %swap3A_2901 = vector.shape_cast %add3A_2897 : vector<16xi32> to vector<16xi32>
      tpu.vector_store %arg6[%swap3A_2898], %swap3A_2901 {strides = array<i32>} : memref<640xi32, #tpu.memory_space<vmem>>, vector<16xi32>,
      %add3A_2902 = arith.constant 1152 : i32
      %add3A_2903 = vector.broadcast %add3A_2902 : i32 to vector<16xi32>
      %add3A_2904 = arith.addi %mul3A_2406, %add3A_2903 : vector<16xi32>
      %mul3A_2905 = arith.constant 9 : i32
      %mul3A_2906 = vector.broadcast %mul3A_2905 : i32 to vector<16xi32>
      %mul3A_2907 = arith.muli %mul3A_2906, %iota3A_2402 : vector<16xi32>
      %add3A_2908 = arith.addi %add3A_2904, %mul3A_2907 : vector<16xi32>
      %get3A_2909 = arith.constant 528 : index
      %get3A_2910 = tpu.vector_load %arg6[%get3A_2909] {strides = array<i32>} : memref<640xi32, #tpu.memory_space<vmem>>, vector<16xi32>,
      %get3A_2911 = vector.shape_cast %get3A_2910 : vector<16xi32> to vector<16xi32>
      %add3A_2912 = arith.addi %get3A_2911, %add3A_2908 : vector<16xi32>
      %swap3A_2913 = arith.constant 528 : index
      %swap3A_2914 = tpu.vector_load %arg6[%swap3A_2913] {strides = array<i32>} : memref<640xi32, #tpu.memory_space<vmem>>, vector<16xi32>,
      %swap3A_2915 = vector.shape_cast %swap3A_2914 : vector<16xi32> to vector<16xi32>
      %swap3A_2916 = vector.shape_cast %add3A_2912 : vector<16xi32> to vector<16xi32>
      tpu.vector_store %arg6[%swap3A_2913], %swap3A_2916 {strides = array<i32>} : memref<640xi32, #tpu.memory_space<vmem>>, vector<16xi32>,
      %add3A_2917 = arith.constant 1152 : i32
      %add3A_2918 = vector.broadcast %add3A_2917 : i32 to vector<16xi32>
      %add3A_2919 = arith.addi %mul3A_2406, %add3A_2918 : vector<16xi32>
      %mul3A_2920 = arith.constant 9 : i32
      %mul3A_2921 = vector.broadcast %mul3A_2920 : i32 to vector<16xi32>
      %mul3A_2922 = arith.muli %mul3A_2921, %iota3A_2402 : vector<16xi32>
      %add3A_2923 = arith.addi %add3A_2919, %mul3A_2922 : vector<16xi32>
      %get3A_2924 = arith.constant 544 : index
      %get3A_2925 = tpu.vector_load %arg6[%get3A_2924] {strides = array<i32>} : memref<640xi32, #tpu.memory_space<vmem>>, vector<16xi32>,
      %get3A_2926 = vector.shape_cast %get3A_2925 : vector<16xi32> to vector<16xi32>
      %add3A_2927 = arith.addi %get3A_2926, %add3A_2923 : vector<16xi32>
      %swap3A_2928 = arith.constant 544 : index
      %swap3A_2929 = tpu.vector_load %arg6[%swap3A_2928] {strides = array<i32>} : memref<640xi32, #tpu.memory_space<vmem>>, vector<16xi32>,
      %swap3A_2930 = vector.shape_cast %swap3A_2929 : vector<16xi32> to vector<16xi32>
      %swap3A_2931 = vector.shape_cast %add3A_2927 : vector<16xi32> to vector<16xi32>
      tpu.vector_store %arg6[%swap3A_2928], %swap3A_2931 {strides = array<i32>} : memref<640xi32, #tpu.memory_space<vmem>>, vector<16xi32>,
      %add3A_2932 = arith.constant 1152 : i32
      %add3A_2933 = vector.broadcast %add3A_2932 : i32 to vector<16xi32>
      %add3A_2934 = arith.addi %mul3A_2406, %add3A_2933 : vector<16xi32>
      %mul3A_2935 = arith.constant 9 : i32
      %mul3A_2936 = vector.broadcast %mul3A_2935 : i32 to vector<16xi32>
      %mul3A_2937 = arith.muli %mul3A_2936, %iota3A_2402 : vector<16xi32>
      %add3A_2938 = arith.addi %add3A_2934, %mul3A_2937 : vector<16xi32>
      %get3A_2939 = arith.constant 560 : index
      %get3A_2940 = tpu.vector_load %arg6[%get3A_2939] {strides = array<i32>} : memref<640xi32, #tpu.memory_space<vmem>>, vector<16xi32>,
      %get3A_2941 = vector.shape_cast %get3A_2940 : vector<16xi32> to vector<16xi32>
      %add3A_2942 = arith.addi %get3A_2941, %add3A_2938 : vector<16xi32>
      %swap3A_2943 = arith.constant 560 : index
      %swap3A_2944 = tpu.vector_load %arg6[%swap3A_2943] {strides = array<i32>} : memref<640xi32, #tpu.memory_space<vmem>>, vector<16xi32>,
      %swap3A_2945 = vector.shape_cast %swap3A_2944 : vector<16xi32> to vector<16xi32>
      %swap3A_2946 = vector.shape_cast %add3A_2942 : vector<16xi32> to vector<16xi32>
      tpu.vector_store %arg6[%swap3A_2943], %swap3A_2946 {strides = array<i32>} : memref<640xi32, #tpu.memory_space<vmem>>, vector<16xi32>,
      %add3A_2947 = arith.constant 1296 : i32
      %add3A_2948 = vector.broadcast %add3A_2947 : i32 to vector<16xi32>
      %add3A_2949 = arith.addi %mul3A_2406, %add3A_2948 : vector<16xi32>
      %mul3A_2950 = arith.constant 9 : i32
      %mul3A_2951 = vector.broadcast %mul3A_2950 : i32 to vector<16xi32>
      %mul3A_2952 = arith.muli %mul3A_2951, %iota3A_2402 : vector<16xi32>
      %add3A_2953 = arith.addi %add3A_2949, %mul3A_2952 : vector<16xi32>
      %get3A_2954 = arith.constant 576 : index
      %get3A_2955 = tpu.vector_load %arg6[%get3A_2954] {strides = array<i32>} : memref<640xi32, #tpu.memory_space<vmem>>, vector<16xi32>,
      %get3A_2956 = vector.shape_cast %get3A_2955 : vector<16xi32> to vector<16xi32>
      %add3A_2957 = arith.addi %get3A_2956, %add3A_2953 : vector<16xi32>
      %swap3A_2958 = arith.constant 576 : index
      %swap3A_2959 = tpu.vector_load %arg6[%swap3A_2958] {strides = array<i32>} : memref<640xi32, #tpu.memory_space<vmem>>, vector<16xi32>,
      %swap3A_2960 = vector.shape_cast %swap3A_2959 : vector<16xi32> to vector<16xi32>
      %swap3A_2961 = vector.shape_cast %add3A_2957 : vector<16xi32> to vector<16xi32>
      tpu.vector_store %arg6[%swap3A_2958], %swap3A_2961 {strides = array<i32>} : memref<640xi32, #tpu.memory_space<vmem>>, vector<16xi32>,
      %add3A_2962 = arith.constant 1296 : i32
      %add3A_2963 = vector.broadcast %add3A_2962 : i32 to vector<16xi32>
      %add3A_2964 = arith.addi %mul3A_2406, %add3A_2963 : vector<16xi32>
      %mul3A_2965 = arith.constant 9 : i32
      %mul3A_2966 = vector.broadcast %mul3A_2965 : i32 to vector<16xi32>
      %mul3A_2967 = arith.muli %mul3A_2966, %iota3A_2402 : vector<16xi32>
      %add3A_2968 = arith.addi %add3A_2964, %mul3A_2967 : vector<16xi32>
      %get3A_2969 = arith.constant 592 : index
      %get3A_2970 = tpu.vector_load %arg6[%get3A_2969] {strides = array<i32>} : memref<640xi32, #tpu.memory_space<vmem>>, vector<16xi32>,
      %get3A_2971 = vector.shape_cast %get3A_2970 : vector<16xi32> to vector<16xi32>
      %add3A_2972 = arith.addi %get3A_2971, %add3A_2968 : vector<16xi32>
      %swap3A_2973 = arith.constant 592 : index
      %swap3A_2974 = tpu.vector_load %arg6[%swap3A_2973] {strides = array<i32>} : memref<640xi32, #tpu.memory_space<vmem>>, vector<16xi32>,
      %swap3A_2975 = vector.shape_cast %swap3A_2974 : vector<16xi32> to vector<16xi32>
      %swap3A_2976 = vector.shape_cast %add3A_2972 : vector<16xi32> to vector<16xi32>
      tpu.vector_store %arg6[%swap3A_2973], %swap3A_2976 {strides = array<i32>} : memref<640xi32, #tpu.memory_space<vmem>>, vector<16xi32>,
      %add3A_2977 = arith.constant 1296 : i32
      %add3A_2978 = vector.broadcast %add3A_2977 : i32 to vector<16xi32>
      %add3A_2979 = arith.addi %mul3A_2406, %add3A_2978 : vector<16xi32>
      %mul3A_2980 = arith.constant 9 : i32
      %mul3A_2981 = vector.broadcast %mul3A_2980 : i32 to vector<16xi32>
      %mul3A_2982 = arith.muli %mul3A_2981, %iota3A_2402 : vector<16xi32>
      %add3A_2983 = arith.addi %add3A_2979, %mul3A_2982 : vector<16xi32>
      %get3A_2984 = arith.constant 608 : index
      %get3A_2985 = tpu.vector_load %arg6[%get3A_2984] {strides = array<i32>} : memref<640xi32, #tpu.memory_space<vmem>>, vector<16xi32>,
      %get3A_2986 = vector.shape_cast %get3A_2985 : vector<16xi32> to vector<16xi32>
      %add3A_2987 = arith.addi %get3A_2986, %add3A_2983 : vector<16xi32>
      %swap3A_2988 = arith.constant 608 : index
      %swap3A_2989 = tpu.vector_load %arg6[%swap3A_2988] {strides = array<i32>} : memref<640xi32, #tpu.memory_space<vmem>>, vector<16xi32>,
      %swap3A_2990 = vector.shape_cast %swap3A_2989 : vector<16xi32> to vector<16xi32>
      %swap3A_2991 = vector.shape_cast %add3A_2987 : vector<16xi32> to vector<16xi32>
      tpu.vector_store %arg6[%swap3A_2988], %swap3A_2991 {strides = array<i32>} : memref<640xi32, #tpu.memory_space<vmem>>, vector<16xi32>,
      %add3A_2992 = arith.constant 1296 : i32
      %add3A_2993 = vector.broadcast %add3A_2992 : i32 to vector<16xi32>
      %add3A_2994 = arith.addi %mul3A_2406, %add3A_2993 : vector<16xi32>
      %mul3A_2995 = arith.constant 9 : i32
      %mul3A_2996 = vector.broadcast %mul3A_2995 : i32 to vector<16xi32>
      %mul3A_2997 = arith.muli %mul3A_2996, %iota3A_2402 : vector<16xi32>
      %add3A_2998 = arith.addi %add3A_2994, %mul3A_2997 : vector<16xi32>
      %get3A_2999 = arith.constant 624 : index
      %get3A_3000 = tpu.vector_load %arg6[%get3A_2999] {strides = array<i32>} : memref<640xi32, #tpu.memory_space<vmem>>, vector<16xi32>,
      %get3A_3001 = vector.shape_cast %get3A_3000 : vector<16xi32> to vector<16xi32>
      %add3A_3002 = arith.addi %get3A_3001, %add3A_2998 : vector<16xi32>
      %swap3A_3003 = arith.constant 624 : index
      %swap3A_3004 = tpu.vector_load %arg6[%swap3A_3003] {strides = array<i32>} : memref<640xi32, #tpu.memory_space<vmem>>, vector<16xi32>,
      %swap3A_3005 = vector.shape_cast %swap3A_3004 : vector<16xi32> to vector<16xi32>
      %swap3A_3006 = vector.shape_cast %add3A_3002 : vector<16xi32> to vector<16xi32>
      tpu.vector_store %arg6[%swap3A_3003], %swap3A_3006 {strides = array<i32>} : memref<640xi32, #tpu.memory_space<vmem>>, vector<16xi32>,
      %mul3A_3007 = arith.constant 10 : i32
      %mul3A_3008 = arith.muli %add3A_2388, %mul3A_3007 : i32
      %add3A_3009 = arith.addi %mul3A_2, %mul3A_3008 : i32
      %add3A_3010 = arith.constant 0 : i32
      %add3A_3011 = arith.addi %add3A_3009, %add3A_3010 : i32
      %mul3A_3012 = arith.constant 64 : i32
      %mul3A_3013 = arith.muli %add3A_3011, %mul3A_3012 : i32
      %dma_wait3A_3014 = arith.constant 0 : i32
      %dma_wait3A_3015 = arith.constant 0 : i32
      %dma_wait3A_3016 = arith.constant 0 : i32
      %dma_wait3A_3017 = tpu.memref_slice %arg7[%dma_wait3A_3014, %dma_wait3A_3015, %dma_wait3A_3016] : memref<10x64x128xf32, #tpu.memory_space<vmem>> -> memref<1x64x128xf32, #tpu.memory_space<vmem>>
      %dma_wait3A_3018 = tpu.memref_squeeze %dma_wait3A_3017 : memref<1x64x128xf32, #tpu.memory_space<vmem>> -> memref<64x128xf32, #tpu.memory_space<vmem>>
      %dma_wait3A_3019 = arith.constant 0 : i32
      %dma_wait3A_3020 = tpu.memref_slice %arg4[%mul3A_3013, %dma_wait3A_3019] : memref<3276800x128xf32, #tpu.memory_space<hbm>> -> memref<64x128xf32, #tpu.memory_space<hbm>>
      %dma_wait3A_3021 = arith.constant 0 : i32
      %dma_wait3A_3022 = tpu.memref_slice %arg4[%mul3A_3013, %dma_wait3A_3021] : memref<3276800x128xf32, #tpu.memory_space<hbm>> -> memref<64x128xf32, #tpu.memory_space<hbm>>
      %dma_wait3A_3023 = arith.constant 0 : i32
      %dma_wait3A_3024 = arith.constant 0 : i32
      %dma_wait3A_3025 = tpu.memref_slice %arg7[%dma_wait3A_3014, %dma_wait3A_3023, %dma_wait3A_3024] : memref<10x64x128xf32, #tpu.memory_space<vmem>> -> memref<1x64x128xf32, #tpu.memory_space<vmem>>
      %dma_wait3A_3026 = tpu.memref_squeeze %dma_wait3A_3025 : memref<1x64x128xf32, #tpu.memory_space<vmem>> -> memref<64x128xf32, #tpu.memory_space<vmem>>
      tpu.wait_dma2 semaphore(%arg20 : memref<!tpu.dma_semaphore, #tpu.memory_space<semaphore_mem>>) src(%dma_wait3A_3026 : memref<64x128xf32, #tpu.memory_space<vmem>>) dst(%dma_wait3A_3022 : memref<64x128xf32, #tpu.memory_space<hbm>>)
      %dma_start3A_3027 = arith.constant 0 : i32
      %dma_start3A_3028 = arith.constant 0 : i32
      %dma_start3A_3029 = arith.constant 0 : i32
      %dma_start3A_3030 = tpu.memref_slice %arg7[%dma_start3A_3027, %dma_start3A_3028, %dma_start3A_3029] : memref<10x64x128xf32, #tpu.memory_space<vmem>> -> memref<1x64x128xf32, #tpu.memory_space<vmem>>
      %dma_start3A_3031 = tpu.memref_squeeze %dma_start3A_3030 : memref<1x64x128xf32, #tpu.memory_space<vmem>> -> memref<64x128xf32, #tpu.memory_space<vmem>>
      %dma_start3A_3032 = arith.constant 0 : i32
      %dma_start3A_3033 = tpu.memref_slice %arg6[%dma_start3A_3032] : memref<640xi32, #tpu.memory_space<vmem>> -> memref<64xi32, #tpu.memory_space<vmem>>
      %dma_start3A_3034 = arith.constant 0 : i32
      %dma_start3A_3035 = arith.constant 0 : i32
      %dma_start3A_3036 = tpu.memref_slice %arg2[%dma_start3A_3034, %dma_start3A_3035] : memref<46080x128xf32, #tpu.memory_space<hbm>> -> memref<46080x128xf32, #tpu.memory_space<hbm>>
      tpu.enqueue_indirect_dma source(%dma_start3A_3036 : memref<46080x128xf32, #tpu.memory_space<hbm>>) target(%dma_start3A_3031 : memref<64x128xf32, #tpu.memory_space<vmem>>) offsets(%dma_start3A_3033 : memref<64xi32, #tpu.memory_space<vmem>>) semaphore(%arg10 : memref<!tpu.dma_semaphore, #tpu.memory_space<semaphore_mem>>)
      %mul3A_3037 = arith.constant 10 : i32
      %mul3A_3038 = arith.muli %add3A_2388, %mul3A_3037 : i32
      %add3A_3039 = arith.addi %mul3A_2, %mul3A_3038 : i32
      %add3A_3040 = arith.constant 1 : i32
      %add3A_3041 = arith.addi %add3A_3039, %add3A_3040 : i32
      %mul3A_3042 = arith.constant 64 : i32
      %mul3A_3043 = arith.muli %add3A_3041, %mul3A_3042 : i32
      %dma_wait3A_3044 = arith.constant 1 : i32
      %dma_wait3A_3045 = arith.constant 0 : i32
      %dma_wait3A_3046 = arith.constant 0 : i32
      %dma_wait3A_3047 = tpu.memref_slice %arg7[%dma_wait3A_3044, %dma_wait3A_3045, %dma_wait3A_3046] : memref<10x64x128xf32, #tpu.memory_space<vmem>> -> memref<1x64x128xf32, #tpu.memory_space<vmem>>
      %dma_wait3A_3048 = tpu.memref_squeeze %dma_wait3A_3047 : memref<1x64x128xf32, #tpu.memory_space<vmem>> -> memref<64x128xf32, #tpu.memory_space<vmem>>
      %dma_wait3A_3049 = arith.constant 0 : i32
      %dma_wait3A_3050 = tpu.memref_slice %arg4[%mul3A_3043, %dma_wait3A_3049] : memref<3276800x128xf32, #tpu.memory_space<hbm>> -> memref<64x128xf32, #tpu.memory_space<hbm>>
      %dma_wait3A_3051 = arith.constant 0 : i32
      %dma_wait3A_3052 = tpu.memref_slice %arg4[%mul3A_3043, %dma_wait3A_3051] : memref<3276800x128xf32, #tpu.memory_space<hbm>> -> memref<64x128xf32, #tpu.memory_space<hbm>>
      %dma_wait3A_3053 = arith.constant 0 : i32
      %dma_wait3A_3054 = arith.constant 0 : i32
      %dma_wait3A_3055 = tpu.memref_slice %arg7[%dma_wait3A_3044, %dma_wait3A_3053, %dma_wait3A_3054] : memref<10x64x128xf32, #tpu.memory_space<vmem>> -> memref<1x64x128xf32, #tpu.memory_space<vmem>>
      %dma_wait3A_3056 = tpu.memref_squeeze %dma_wait3A_3055 : memref<1x64x128xf32, #tpu.memory_space<vmem>> -> memref<64x128xf32, #tpu.memory_space<vmem>>
      tpu.wait_dma2 semaphore(%arg21 : memref<!tpu.dma_semaphore, #tpu.memory_space<semaphore_mem>>) src(%dma_wait3A_3056 : memref<64x128xf32, #tpu.memory_space<vmem>>) dst(%dma_wait3A_3052 : memref<64x128xf32, #tpu.memory_space<hbm>>)
      %dma_start3A_3057 = arith.constant 1 : i32
      %dma_start3A_3058 = arith.constant 0 : i32
      %dma_start3A_3059 = arith.constant 0 : i32
      %dma_start3A_3060 = tpu.memref_slice %arg7[%dma_start3A_3057, %dma_start3A_3058, %dma_start3A_3059] : memref<10x64x128xf32, #tpu.memory_space<vmem>> -> memref<1x64x128xf32, #tpu.memory_space<vmem>>
      %dma_start3A_3061 = tpu.memref_squeeze %dma_start3A_3060 : memref<1x64x128xf32, #tpu.memory_space<vmem>> -> memref<64x128xf32, #tpu.memory_space<vmem>>
      %dma_start3A_3062 = arith.constant 64 : i32
      %dma_start3A_3063 = tpu.memref_slice %arg6[%dma_start3A_3062] : memref<640xi32, #tpu.memory_space<vmem>> -> memref<64xi32, #tpu.memory_space<vmem>>
      %dma_start3A_3064 = arith.constant 0 : i32
      %dma_start3A_3065 = arith.constant 0 : i32
      %dma_start3A_3066 = tpu.memref_slice %arg2[%dma_start3A_3064, %dma_start3A_3065] : memref<46080x128xf32, #tpu.memory_space<hbm>> -> memref<46080x128xf32, #tpu.memory_space<hbm>>
      tpu.enqueue_indirect_dma source(%dma_start3A_3066 : memref<46080x128xf32, #tpu.memory_space<hbm>>) target(%dma_start3A_3061 : memref<64x128xf32, #tpu.memory_space<vmem>>) offsets(%dma_start3A_3063 : memref<64xi32, #tpu.memory_space<vmem>>) semaphore(%arg11 : memref<!tpu.dma_semaphore, #tpu.memory_space<semaphore_mem>>)
      %mul3A_3067 = arith.constant 10 : i32
      %mul3A_3068 = arith.muli %add3A_2388, %mul3A_3067 : i32
      %add3A_3069 = arith.addi %mul3A_2, %mul3A_3068 : i32
      %add3A_3070 = arith.constant 2 : i32
      %add3A_3071 = arith.addi %add3A_3069, %add3A_3070 : i32
      %mul3A_3072 = arith.constant 64 : i32
      %mul3A_3073 = arith.muli %add3A_3071, %mul3A_3072 : i32
      %dma_wait3A_3074 = arith.constant 2 : i32
      %dma_wait3A_3075 = arith.constant 0 : i32
      %dma_wait3A_3076 = arith.constant 0 : i32
      %dma_wait3A_3077 = tpu.memref_slice %arg7[%dma_wait3A_3074, %dma_wait3A_3075, %dma_wait3A_3076] : memref<10x64x128xf32, #tpu.memory_space<vmem>> -> memref<1x64x128xf32, #tpu.memory_space<vmem>>
      %dma_wait3A_3078 = tpu.memref_squeeze %dma_wait3A_3077 : memref<1x64x128xf32, #tpu.memory_space<vmem>> -> memref<64x128xf32, #tpu.memory_space<vmem>>
      %dma_wait3A_3079 = arith.constant 0 : i32
      %dma_wait3A_3080 = tpu.memref_slice %arg4[%mul3A_3073, %dma_wait3A_3079] : memref<3276800x128xf32, #tpu.memory_space<hbm>> -> memref<64x128xf32, #tpu.memory_space<hbm>>
      %dma_wait3A_3081 = arith.constant 0 : i32
      %dma_wait3A_3082 = tpu.memref_slice %arg4[%mul3A_3073, %dma_wait3A_3081] : memref<3276800x128xf32, #tpu.memory_space<hbm>> -> memref<64x128xf32, #tpu.memory_space<hbm>>
      %dma_wait3A_3083 = arith.constant 0 : i32
      %dma_wait3A_3084 = arith.constant 0 : i32
      %dma_wait3A_3085 = tpu.memref_slice %arg7[%dma_wait3A_3074, %dma_wait3A_3083, %dma_wait3A_3084] : memref<10x64x128xf32, #tpu.memory_space<vmem>> -> memref<1x64x128xf32, #tpu.memory_space<vmem>>
      %dma_wait3A_3086 = tpu.memref_squeeze %dma_wait3A_3085 : memref<1x64x128xf32, #tpu.memory_space<vmem>> -> memref<64x128xf32, #tpu.memory_space<vmem>>
      tpu.wait_dma2 semaphore(%arg22 : memref<!tpu.dma_semaphore, #tpu.memory_space<semaphore_mem>>) src(%dma_wait3A_3086 : memref<64x128xf32, #tpu.memory_space<vmem>>) dst(%dma_wait3A_3082 : memref<64x128xf32, #tpu.memory_space<hbm>>)
      %dma_start3A_3087 = arith.constant 2 : i32
      %dma_start3A_3088 = arith.constant 0 : i32
      %dma_start3A_3089 = arith.constant 0 : i32
      %dma_start3A_3090 = tpu.memref_slice %arg7[%dma_start3A_3087, %dma_start3A_3088, %dma_start3A_3089] : memref<10x64x128xf32, #tpu.memory_space<vmem>> -> memref<1x64x128xf32, #tpu.memory_space<vmem>>
      %dma_start3A_3091 = tpu.memref_squeeze %dma_start3A_3090 : memref<1x64x128xf32, #tpu.memory_space<vmem>> -> memref<64x128xf32, #tpu.memory_space<vmem>>
      %dma_start3A_3092 = arith.constant 128 : i32
      %dma_start3A_3093 = tpu.memref_slice %arg6[%dma_start3A_3092] : memref<640xi32, #tpu.memory_space<vmem>> -> memref<64xi32, #tpu.memory_space<vmem>>
      %dma_start3A_3094 = arith.constant 0 : i32
      %dma_start3A_3095 = arith.constant 0 : i32
      %dma_start3A_3096 = tpu.memref_slice %arg2[%dma_start3A_3094, %dma_start3A_3095] : memref<46080x128xf32, #tpu.memory_space<hbm>> -> memref<46080x128xf32, #tpu.memory_space<hbm>>
      tpu.enqueue_indirect_dma source(%dma_start3A_3096 : memref<46080x128xf32, #tpu.memory_space<hbm>>) target(%dma_start3A_3091 : memref<64x128xf32, #tpu.memory_space<vmem>>) offsets(%dma_start3A_3093 : memref<64xi32, #tpu.memory_space<vmem>>) semaphore(%arg12 : memref<!tpu.dma_semaphore, #tpu.memory_space<semaphore_mem>>)
      %mul3A_3097 = arith.constant 10 : i32
      %mul3A_3098 = arith.muli %add3A_2388, %mul3A_3097 : i32
      %add3A_3099 = arith.addi %mul3A_2, %mul3A_3098 : i32
      %add3A_3100 = arith.constant 3 : i32
      %add3A_3101 = arith.addi %add3A_3099, %add3A_3100 : i32
      %mul3A_3102 = arith.constant 64 : i32
      %mul3A_3103 = arith.muli %add3A_3101, %mul3A_3102 : i32
      %dma_wait3A_3104 = arith.constant 3 : i32
      %dma_wait3A_3105 = arith.constant 0 : i32
      %dma_wait3A_3106 = arith.constant 0 : i32
      %dma_wait3A_3107 = tpu.memref_slice %arg7[%dma_wait3A_3104, %dma_wait3A_3105, %dma_wait3A_3106] : memref<10x64x128xf32, #tpu.memory_space<vmem>> -> memref<1x64x128xf32, #tpu.memory_space<vmem>>
      %dma_wait3A_3108 = tpu.memref_squeeze %dma_wait3A_3107 : memref<1x64x128xf32, #tpu.memory_space<vmem>> -> memref<64x128xf32, #tpu.memory_space<vmem>>
      %dma_wait3A_3109 = arith.constant 0 : i32
      %dma_wait3A_3110 = tpu.memref_slice %arg4[%mul3A_3103, %dma_wait3A_3109] : memref<3276800x128xf32, #tpu.memory_space<hbm>> -> memref<64x128xf32, #tpu.memory_space<hbm>>
      %dma_wait3A_3111 = arith.constant 0 : i32
      %dma_wait3A_3112 = tpu.memref_slice %arg4[%mul3A_3103, %dma_wait3A_3111] : memref<3276800x128xf32, #tpu.memory_space<hbm>> -> memref<64x128xf32, #tpu.memory_space<hbm>>
      %dma_wait3A_3113 = arith.constant 0 : i32
      %dma_wait3A_3114 = arith.constant 0 : i32
      %dma_wait3A_3115 = tpu.memref_slice %arg7[%dma_wait3A_3104, %dma_wait3A_3113, %dma_wait3A_3114] : memref<10x64x128xf32, #tpu.memory_space<vmem>> -> memref<1x64x128xf32, #tpu.memory_space<vmem>>
      %dma_wait3A_3116 = tpu.memref_squeeze %dma_wait3A_3115 : memref<1x64x128xf32, #tpu.memory_space<vmem>> -> memref<64x128xf32, #tpu.memory_space<vmem>>
      tpu.wait_dma2 semaphore(%arg23 : memref<!tpu.dma_semaphore, #tpu.memory_space<semaphore_mem>>) src(%dma_wait3A_3116 : memref<64x128xf32, #tpu.memory_space<vmem>>) dst(%dma_wait3A_3112 : memref<64x128xf32, #tpu.memory_space<hbm>>)
      %dma_start3A_3117 = arith.constant 3 : i32
      %dma_start3A_3118 = arith.constant 0 : i32
      %dma_start3A_3119 = arith.constant 0 : i32
      %dma_start3A_3120 = tpu.memref_slice %arg7[%dma_start3A_3117, %dma_start3A_3118, %dma_start3A_3119] : memref<10x64x128xf32, #tpu.memory_space<vmem>> -> memref<1x64x128xf32, #tpu.memory_space<vmem>>
      %dma_start3A_3121 = tpu.memref_squeeze %dma_start3A_3120 : memref<1x64x128xf32, #tpu.memory_space<vmem>> -> memref<64x128xf32, #tpu.memory_space<vmem>>
      %dma_start3A_3122 = arith.constant 192 : i32
      %dma_start3A_3123 = tpu.memref_slice %arg6[%dma_start3A_3122] : memref<640xi32, #tpu.memory_space<vmem>> -> memref<64xi32, #tpu.memory_space<vmem>>
      %dma_start3A_3124 = arith.constant 0 : i32
      %dma_start3A_3125 = arith.constant 0 : i32
      %dma_start3A_3126 = tpu.memref_slice %arg2[%dma_start3A_3124, %dma_start3A_3125] : memref<46080x128xf32, #tpu.memory_space<hbm>> -> memref<46080x128xf32, #tpu.memory_space<hbm>>
      tpu.enqueue_indirect_dma source(%dma_start3A_3126 : memref<46080x128xf32, #tpu.memory_space<hbm>>) target(%dma_start3A_3121 : memref<64x128xf32, #tpu.memory_space<vmem>>) offsets(%dma_start3A_3123 : memref<64xi32, #tpu.memory_space<vmem>>) semaphore(%arg13 : memref<!tpu.dma_semaphore, #tpu.memory_space<semaphore_mem>>)
      %mul3A_3127 = arith.constant 10 : i32
      %mul3A_3128 = arith.muli %add3A_2388, %mul3A_3127 : i32
      %add3A_3129 = arith.addi %mul3A_2, %mul3A_3128 : i32
      %add3A_3130 = arith.constant 4 : i32
      %add3A_3131 = arith.addi %add3A_3129, %add3A_3130 : i32
      %mul3A_3132 = arith.constant 64 : i32
      %mul3A_3133 = arith.muli %add3A_3131, %mul3A_3132 : i32
      %dma_wait3A_3134 = arith.constant 4 : i32
      %dma_wait3A_3135 = arith.constant 0 : i32
      %dma_wait3A_3136 = arith.constant 0 : i32
      %dma_wait3A_3137 = tpu.memref_slice %arg7[%dma_wait3A_3134, %dma_wait3A_3135, %dma_wait3A_3136] : memref<10x64x128xf32, #tpu.memory_space<vmem>> -> memref<1x64x128xf32, #tpu.memory_space<vmem>>
      %dma_wait3A_3138 = tpu.memref_squeeze %dma_wait3A_3137 : memref<1x64x128xf32, #tpu.memory_space<vmem>> -> memref<64x128xf32, #tpu.memory_space<vmem>>
      %dma_wait3A_3139 = arith.constant 0 : i32
      %dma_wait3A_3140 = tpu.memref_slice %arg4[%mul3A_3133, %dma_wait3A_3139] : memref<3276800x128xf32, #tpu.memory_space<hbm>> -> memref<64x128xf32, #tpu.memory_space<hbm>>
      %dma_wait3A_3141 = arith.constant 0 : i32
      %dma_wait3A_3142 = tpu.memref_slice %arg4[%mul3A_3133, %dma_wait3A_3141] : memref<3276800x128xf32, #tpu.memory_space<hbm>> -> memref<64x128xf32, #tpu.memory_space<hbm>>
      %dma_wait3A_3143 = arith.constant 0 : i32
      %dma_wait3A_3144 = arith.constant 0 : i32
      %dma_wait3A_3145 = tpu.memref_slice %arg7[%dma_wait3A_3134, %dma_wait3A_3143, %dma_wait3A_3144] : memref<10x64x128xf32, #tpu.memory_space<vmem>> -> memref<1x64x128xf32, #tpu.memory_space<vmem>>
      %dma_wait3A_3146 = tpu.memref_squeeze %dma_wait3A_3145 : memref<1x64x128xf32, #tpu.memory_space<vmem>> -> memref<64x128xf32, #tpu.memory_space<vmem>>
      tpu.wait_dma2 semaphore(%arg24 : memref<!tpu.dma_semaphore, #tpu.memory_space<semaphore_mem>>) src(%dma_wait3A_3146 : memref<64x128xf32, #tpu.memory_space<vmem>>) dst(%dma_wait3A_3142 : memref<64x128xf32, #tpu.memory_space<hbm>>)
      %dma_start3A_3147 = arith.constant 4 : i32
      %dma_start3A_3148 = arith.constant 0 : i32
      %dma_start3A_3149 = arith.constant 0 : i32
      %dma_start3A_3150 = tpu.memref_slice %arg7[%dma_start3A_3147, %dma_start3A_3148, %dma_start3A_3149] : memref<10x64x128xf32, #tpu.memory_space<vmem>> -> memref<1x64x128xf32, #tpu.memory_space<vmem>>
      %dma_start3A_3151 = tpu.memref_squeeze %dma_start3A_3150 : memref<1x64x128xf32, #tpu.memory_space<vmem>> -> memref<64x128xf32, #tpu.memory_space<vmem>>
      %dma_start3A_3152 = arith.constant 256 : i32
      %dma_start3A_3153 = tpu.memref_slice %arg6[%dma_start3A_3152] : memref<640xi32, #tpu.memory_space<vmem>> -> memref<64xi32, #tpu.memory_space<vmem>>
      %dma_start3A_3154 = arith.constant 0 : i32
      %dma_start3A_3155 = arith.constant 0 : i32
      %dma_start3A_3156 = tpu.memref_slice %arg2[%dma_start3A_3154, %dma_start3A_3155] : memref<46080x128xf32, #tpu.memory_space<hbm>> -> memref<46080x128xf32, #tpu.memory_space<hbm>>
      tpu.enqueue_indirect_dma source(%dma_start3A_3156 : memref<46080x128xf32, #tpu.memory_space<hbm>>) target(%dma_start3A_3151 : memref<64x128xf32, #tpu.memory_space<vmem>>) offsets(%dma_start3A_3153 : memref<64xi32, #tpu.memory_space<vmem>>) semaphore(%arg14 : memref<!tpu.dma_semaphore, #tpu.memory_space<semaphore_mem>>)
      %mul3A_3157 = arith.constant 10 : i32
      %mul3A_3158 = arith.muli %add3A_2388, %mul3A_3157 : i32
      %add3A_3159 = arith.addi %mul3A_2, %mul3A_3158 : i32
      %add3A_3160 = arith.constant 5 : i32
      %add3A_3161 = arith.addi %add3A_3159, %add3A_3160 : i32
      %mul3A_3162 = arith.constant 64 : i32
      %mul3A_3163 = arith.muli %add3A_3161, %mul3A_3162 : i32
      %dma_wait3A_3164 = arith.constant 5 : i32
      %dma_wait3A_3165 = arith.constant 0 : i32
      %dma_wait3A_3166 = arith.constant 0 : i32
      %dma_wait3A_3167 = tpu.memref_slice %arg7[%dma_wait3A_3164, %dma_wait3A_3165, %dma_wait3A_3166] : memref<10x64x128xf32, #tpu.memory_space<vmem>> -> memref<1x64x128xf32, #tpu.memory_space<vmem>>
      %dma_wait3A_3168 = tpu.memref_squeeze %dma_wait3A_3167 : memref<1x64x128xf32, #tpu.memory_space<vmem>> -> memref<64x128xf32, #tpu.memory_space<vmem>>
      %dma_wait3A_3169 = arith.constant 0 : i32
      %dma_wait3A_3170 = tpu.memref_slice %arg4[%mul3A_3163, %dma_wait3A_3169] : memref<3276800x128xf32, #tpu.memory_space<hbm>> -> memref<64x128xf32, #tpu.memory_space<hbm>>
      %dma_wait3A_3171 = arith.constant 0 : i32
      %dma_wait3A_3172 = tpu.memref_slice %arg4[%mul3A_3163, %dma_wait3A_3171] : memref<3276800x128xf32, #tpu.memory_space<hbm>> -> memref<64x128xf32, #tpu.memory_space<hbm>>
      %dma_wait3A_3173 = arith.constant 0 : i32
      %dma_wait3A_3174 = arith.constant 0 : i32
      %dma_wait3A_3175 = tpu.memref_slice %arg7[%dma_wait3A_3164, %dma_wait3A_3173, %dma_wait3A_3174] : memref<10x64x128xf32, #tpu.memory_space<vmem>> -> memref<1x64x128xf32, #tpu.memory_space<vmem>>
      %dma_wait3A_3176 = tpu.memref_squeeze %dma_wait3A_3175 : memref<1x64x128xf32, #tpu.memory_space<vmem>> -> memref<64x128xf32, #tpu.memory_space<vmem>>
      tpu.wait_dma2 semaphore(%arg25 : memref<!tpu.dma_semaphore, #tpu.memory_space<semaphore_mem>>) src(%dma_wait3A_3176 : memref<64x128xf32, #tpu.memory_space<vmem>>) dst(%dma_wait3A_3172 : memref<64x128xf32, #tpu.memory_space<hbm>>)
      %dma_start3A_3177 = arith.constant 5 : i32
      %dma_start3A_3178 = arith.constant 0 : i32
      %dma_start3A_3179 = arith.constant 0 : i32
      %dma_start3A_3180 = tpu.memref_slice %arg7[%dma_start3A_3177, %dma_start3A_3178, %dma_start3A_3179] : memref<10x64x128xf32, #tpu.memory_space<vmem>> -> memref<1x64x128xf32, #tpu.memory_space<vmem>>
      %dma_start3A_3181 = tpu.memref_squeeze %dma_start3A_3180 : memref<1x64x128xf32, #tpu.memory_space<vmem>> -> memref<64x128xf32, #tpu.memory_space<vmem>>
      %dma_start3A_3182 = arith.constant 320 : i32
      %dma_start3A_3183 = tpu.memref_slice %arg6[%dma_start3A_3182] : memref<640xi32, #tpu.memory_space<vmem>> -> memref<64xi32, #tpu.memory_space<vmem>>
      %dma_start3A_3184 = arith.constant 0 : i32
      %dma_start3A_3185 = arith.constant 0 : i32
      %dma_start3A_3186 = tpu.memref_slice %arg2[%dma_start3A_3184, %dma_start3A_3185] : memref<46080x128xf32, #tpu.memory_space<hbm>> -> memref<46080x128xf32, #tpu.memory_space<hbm>>
      tpu.enqueue_indirect_dma source(%dma_start3A_3186 : memref<46080x128xf32, #tpu.memory_space<hbm>>) target(%dma_start3A_3181 : memref<64x128xf32, #tpu.memory_space<vmem>>) offsets(%dma_start3A_3183 : memref<64xi32, #tpu.memory_space<vmem>>) semaphore(%arg15 : memref<!tpu.dma_semaphore, #tpu.memory_space<semaphore_mem>>)
      %mul3A_3187 = arith.constant 10 : i32
      %mul3A_3188 = arith.muli %add3A_2388, %mul3A_3187 : i32
      %add3A_3189 = arith.addi %mul3A_2, %mul3A_3188 : i32
      %add3A_3190 = arith.constant 6 : i32
      %add3A_3191 = arith.addi %add3A_3189, %add3A_3190 : i32
      %mul3A_3192 = arith.constant 64 : i32
      %mul3A_3193 = arith.muli %add3A_3191, %mul3A_3192 : i32
      %dma_wait3A_3194 = arith.constant 6 : i32
      %dma_wait3A_3195 = arith.constant 0 : i32
      %dma_wait3A_3196 = arith.constant 0 : i32
      %dma_wait3A_3197 = tpu.memref_slice %arg7[%dma_wait3A_3194, %dma_wait3A_3195, %dma_wait3A_3196] : memref<10x64x128xf32, #tpu.memory_space<vmem>> -> memref<1x64x128xf32, #tpu.memory_space<vmem>>
      %dma_wait3A_3198 = tpu.memref_squeeze %dma_wait3A_3197 : memref<1x64x128xf32, #tpu.memory_space<vmem>> -> memref<64x128xf32, #tpu.memory_space<vmem>>
      %dma_wait3A_3199 = arith.constant 0 : i32
      %dma_wait3A_3200 = tpu.memref_slice %arg4[%mul3A_3193, %dma_wait3A_3199] : memref<3276800x128xf32, #tpu.memory_space<hbm>> -> memref<64x128xf32, #tpu.memory_space<hbm>>
      %dma_wait3A_3201 = arith.constant 0 : i32
      %dma_wait3A_3202 = tpu.memref_slice %arg4[%mul3A_3193, %dma_wait3A_3201] : memref<3276800x128xf32, #tpu.memory_space<hbm>> -> memref<64x128xf32, #tpu.memory_space<hbm>>
      %dma_wait3A_3203 = arith.constant 0 : i32
      %dma_wait3A_3204 = arith.constant 0 : i32
      %dma_wait3A_3205 = tpu.memref_slice %arg7[%dma_wait3A_3194, %dma_wait3A_3203, %dma_wait3A_3204] : memref<10x64x128xf32, #tpu.memory_space<vmem>> -> memref<1x64x128xf32, #tpu.memory_space<vmem>>
      %dma_wait3A_3206 = tpu.memref_squeeze %dma_wait3A_3205 : memref<1x64x128xf32, #tpu.memory_space<vmem>> -> memref<64x128xf32, #tpu.memory_space<vmem>>
      tpu.wait_dma2 semaphore(%arg26 : memref<!tpu.dma_semaphore, #tpu.memory_space<semaphore_mem>>) src(%dma_wait3A_3206 : memref<64x128xf32, #tpu.memory_space<vmem>>) dst(%dma_wait3A_3202 : memref<64x128xf32, #tpu.memory_space<hbm>>)
      %dma_start3A_3207 = arith.constant 6 : i32
      %dma_start3A_3208 = arith.constant 0 : i32
      %dma_start3A_3209 = arith.constant 0 : i32
      %dma_start3A_3210 = tpu.memref_slice %arg7[%dma_start3A_3207, %dma_start3A_3208, %dma_start3A_3209] : memref<10x64x128xf32, #tpu.memory_space<vmem>> -> memref<1x64x128xf32, #tpu.memory_space<vmem>>
      %dma_start3A_3211 = tpu.memref_squeeze %dma_start3A_3210 : memref<1x64x128xf32, #tpu.memory_space<vmem>> -> memref<64x128xf32, #tpu.memory_space<vmem>>
      %dma_start3A_3212 = arith.constant 384 : i32
      %dma_start3A_3213 = tpu.memref_slice %arg6[%dma_start3A_3212] : memref<640xi32, #tpu.memory_space<vmem>> -> memref<64xi32, #tpu.memory_space<vmem>>
      %dma_start3A_3214 = arith.constant 0 : i32
      %dma_start3A_3215 = arith.constant 0 : i32
      %dma_start3A_3216 = tpu.memref_slice %arg2[%dma_start3A_3214, %dma_start3A_3215] : memref<46080x128xf32, #tpu.memory_space<hbm>> -> memref<46080x128xf32, #tpu.memory_space<hbm>>
      tpu.enqueue_indirect_dma source(%dma_start3A_3216 : memref<46080x128xf32, #tpu.memory_space<hbm>>) target(%dma_start3A_3211 : memref<64x128xf32, #tpu.memory_space<vmem>>) offsets(%dma_start3A_3213 : memref<64xi32, #tpu.memory_space<vmem>>) semaphore(%arg16 : memref<!tpu.dma_semaphore, #tpu.memory_space<semaphore_mem>>)
      %mul3A_3217 = arith.constant 10 : i32
      %mul3A_3218 = arith.muli %add3A_2388, %mul3A_3217 : i32
      %add3A_3219 = arith.addi %mul3A_2, %mul3A_3218 : i32
      %add3A_3220 = arith.constant 7 : i32
      %add3A_3221 = arith.addi %add3A_3219, %add3A_3220 : i32
      %mul3A_3222 = arith.constant 64 : i32
      %mul3A_3223 = arith.muli %add3A_3221, %mul3A_3222 : i32
      %dma_wait3A_3224 = arith.constant 7 : i32
      %dma_wait3A_3225 = arith.constant 0 : i32
      %dma_wait3A_3226 = arith.constant 0 : i32
      %dma_wait3A_3227 = tpu.memref_slice %arg7[%dma_wait3A_3224, %dma_wait3A_3225, %dma_wait3A_3226] : memref<10x64x128xf32, #tpu.memory_space<vmem>> -> memref<1x64x128xf32, #tpu.memory_space<vmem>>
      %dma_wait3A_3228 = tpu.memref_squeeze %dma_wait3A_3227 : memref<1x64x128xf32, #tpu.memory_space<vmem>> -> memref<64x128xf32, #tpu.memory_space<vmem>>
      %dma_wait3A_3229 = arith.constant 0 : i32
      %dma_wait3A_3230 = tpu.memref_slice %arg4[%mul3A_3223, %dma_wait3A_3229] : memref<3276800x128xf32, #tpu.memory_space<hbm>> -> memref<64x128xf32, #tpu.memory_space<hbm>>
      %dma_wait3A_3231 = arith.constant 0 : i32
      %dma_wait3A_3232 = tpu.memref_slice %arg4[%mul3A_3223, %dma_wait3A_3231] : memref<3276800x128xf32, #tpu.memory_space<hbm>> -> memref<64x128xf32, #tpu.memory_space<hbm>>
      %dma_wait3A_3233 = arith.constant 0 : i32
      %dma_wait3A_3234 = arith.constant 0 : i32
      %dma_wait3A_3235 = tpu.memref_slice %arg7[%dma_wait3A_3224, %dma_wait3A_3233, %dma_wait3A_3234] : memref<10x64x128xf32, #tpu.memory_space<vmem>> -> memref<1x64x128xf32, #tpu.memory_space<vmem>>
      %dma_wait3A_3236 = tpu.memref_squeeze %dma_wait3A_3235 : memref<1x64x128xf32, #tpu.memory_space<vmem>> -> memref<64x128xf32, #tpu.memory_space<vmem>>
      tpu.wait_dma2 semaphore(%arg27 : memref<!tpu.dma_semaphore, #tpu.memory_space<semaphore_mem>>) src(%dma_wait3A_3236 : memref<64x128xf32, #tpu.memory_space<vmem>>) dst(%dma_wait3A_3232 : memref<64x128xf32, #tpu.memory_space<hbm>>)
      %dma_start3A_3237 = arith.constant 7 : i32
      %dma_start3A_3238 = arith.constant 0 : i32
      %dma_start3A_3239 = arith.constant 0 : i32
      %dma_start3A_3240 = tpu.memref_slice %arg7[%dma_start3A_3237, %dma_start3A_3238, %dma_start3A_3239] : memref<10x64x128xf32, #tpu.memory_space<vmem>> -> memref<1x64x128xf32, #tpu.memory_space<vmem>>
      %dma_start3A_3241 = tpu.memref_squeeze %dma_start3A_3240 : memref<1x64x128xf32, #tpu.memory_space<vmem>> -> memref<64x128xf32, #tpu.memory_space<vmem>>
      %dma_start3A_3242 = arith.constant 448 : i32
      %dma_start3A_3243 = tpu.memref_slice %arg6[%dma_start3A_3242] : memref<640xi32, #tpu.memory_space<vmem>> -> memref<64xi32, #tpu.memory_space<vmem>>
      %dma_start3A_3244 = arith.constant 0 : i32
      %dma_start3A_3245 = arith.constant 0 : i32
      %dma_start3A_3246 = tpu.memref_slice %arg2[%dma_start3A_3244, %dma_start3A_3245] : memref<46080x128xf32, #tpu.memory_space<hbm>> -> memref<46080x128xf32, #tpu.memory_space<hbm>>
      tpu.enqueue_indirect_dma source(%dma_start3A_3246 : memref<46080x128xf32, #tpu.memory_space<hbm>>) target(%dma_start3A_3241 : memref<64x128xf32, #tpu.memory_space<vmem>>) offsets(%dma_start3A_3243 : memref<64xi32, #tpu.memory_space<vmem>>) semaphore(%arg17 : memref<!tpu.dma_semaphore, #tpu.memory_space<semaphore_mem>>)
      %mul3A_3247 = arith.constant 10 : i32
      %mul3A_3248 = arith.muli %add3A_2388, %mul3A_3247 : i32
      %add3A_3249 = arith.addi %mul3A_2, %mul3A_3248 : i32
      %add3A_3250 = arith.constant 8 : i32
      %add3A_3251 = arith.addi %add3A_3249, %add3A_3250 : i32
      %mul3A_3252 = arith.constant 64 : i32
      %mul3A_3253 = arith.muli %add3A_3251, %mul3A_3252 : i32
      %dma_wait3A_3254 = arith.constant 8 : i32
      %dma_wait3A_3255 = arith.constant 0 : i32
      %dma_wait3A_3256 = arith.constant 0 : i32
      %dma_wait3A_3257 = tpu.memref_slice %arg7[%dma_wait3A_3254, %dma_wait3A_3255, %dma_wait3A_3256] : memref<10x64x128xf32, #tpu.memory_space<vmem>> -> memref<1x64x128xf32, #tpu.memory_space<vmem>>
      %dma_wait3A_3258 = tpu.memref_squeeze %dma_wait3A_3257 : memref<1x64x128xf32, #tpu.memory_space<vmem>> -> memref<64x128xf32, #tpu.memory_space<vmem>>
      %dma_wait3A_3259 = arith.constant 0 : i32
      %dma_wait3A_3260 = tpu.memref_slice %arg4[%mul3A_3253, %dma_wait3A_3259] : memref<3276800x128xf32, #tpu.memory_space<hbm>> -> memref<64x128xf32, #tpu.memory_space<hbm>>
      %dma_wait3A_3261 = arith.constant 0 : i32
      %dma_wait3A_3262 = tpu.memref_slice %arg4[%mul3A_3253, %dma_wait3A_3261] : memref<3276800x128xf32, #tpu.memory_space<hbm>> -> memref<64x128xf32, #tpu.memory_space<hbm>>
      %dma_wait3A_3263 = arith.constant 0 : i32
      %dma_wait3A_3264 = arith.constant 0 : i32
      %dma_wait3A_3265 = tpu.memref_slice %arg7[%dma_wait3A_3254, %dma_wait3A_3263, %dma_wait3A_3264] : memref<10x64x128xf32, #tpu.memory_space<vmem>> -> memref<1x64x128xf32, #tpu.memory_space<vmem>>
      %dma_wait3A_3266 = tpu.memref_squeeze %dma_wait3A_3265 : memref<1x64x128xf32, #tpu.memory_space<vmem>> -> memref<64x128xf32, #tpu.memory_space<vmem>>
      tpu.wait_dma2 semaphore(%arg28 : memref<!tpu.dma_semaphore, #tpu.memory_space<semaphore_mem>>) src(%dma_wait3A_3266 : memref<64x128xf32, #tpu.memory_space<vmem>>) dst(%dma_wait3A_3262 : memref<64x128xf32, #tpu.memory_space<hbm>>)
      %dma_start3A_3267 = arith.constant 8 : i32
      %dma_start3A_3268 = arith.constant 0 : i32
      %dma_start3A_3269 = arith.constant 0 : i32
      %dma_start3A_3270 = tpu.memref_slice %arg7[%dma_start3A_3267, %dma_start3A_3268, %dma_start3A_3269] : memref<10x64x128xf32, #tpu.memory_space<vmem>> -> memref<1x64x128xf32, #tpu.memory_space<vmem>>
      %dma_start3A_3271 = tpu.memref_squeeze %dma_start3A_3270 : memref<1x64x128xf32, #tpu.memory_space<vmem>> -> memref<64x128xf32, #tpu.memory_space<vmem>>
      %dma_start3A_3272 = arith.constant 512 : i32
      %dma_start3A_3273 = tpu.memref_slice %arg6[%dma_start3A_3272] : memref<640xi32, #tpu.memory_space<vmem>> -> memref<64xi32, #tpu.memory_space<vmem>>
      %dma_start3A_3274 = arith.constant 0 : i32
      %dma_start3A_3275 = arith.constant 0 : i32
      %dma_start3A_3276 = tpu.memref_slice %arg2[%dma_start3A_3274, %dma_start3A_3275] : memref<46080x128xf32, #tpu.memory_space<hbm>> -> memref<46080x128xf32, #tpu.memory_space<hbm>>
      tpu.enqueue_indirect_dma source(%dma_start3A_3276 : memref<46080x128xf32, #tpu.memory_space<hbm>>) target(%dma_start3A_3271 : memref<64x128xf32, #tpu.memory_space<vmem>>) offsets(%dma_start3A_3273 : memref<64xi32, #tpu.memory_space<vmem>>) semaphore(%arg18 : memref<!tpu.dma_semaphore, #tpu.memory_space<semaphore_mem>>)
      %mul3A_3277 = arith.constant 10 : i32
      %mul3A_3278 = arith.muli %add3A_2388, %mul3A_3277 : i32
      %add3A_3279 = arith.addi %mul3A_2, %mul3A_3278 : i32
      %add3A_3280 = arith.constant 9 : i32
      %add3A_3281 = arith.addi %add3A_3279, %add3A_3280 : i32
      %mul3A_3282 = arith.constant 64 : i32
      %mul3A_3283 = arith.muli %add3A_3281, %mul3A_3282 : i32
      %dma_wait3A_3284 = arith.constant 9 : i32
      %dma_wait3A_3285 = arith.constant 0 : i32
      %dma_wait3A_3286 = arith.constant 0 : i32
      %dma_wait3A_3287 = tpu.memref_slice %arg7[%dma_wait3A_3284, %dma_wait3A_3285, %dma_wait3A_3286] : memref<10x64x128xf32, #tpu.memory_space<vmem>> -> memref<1x64x128xf32, #tpu.memory_space<vmem>>
      %dma_wait3A_3288 = tpu.memref_squeeze %dma_wait3A_3287 : memref<1x64x128xf32, #tpu.memory_space<vmem>> -> memref<64x128xf32, #tpu.memory_space<vmem>>
      %dma_wait3A_3289 = arith.constant 0 : i32
      %dma_wait3A_3290 = tpu.memref_slice %arg4[%mul3A_3283, %dma_wait3A_3289] : memref<3276800x128xf32, #tpu.memory_space<hbm>> -> memref<64x128xf32, #tpu.memory_space<hbm>>
      %dma_wait3A_3291 = arith.constant 0 : i32
      %dma_wait3A_3292 = tpu.memref_slice %arg4[%mul3A_3283, %dma_wait3A_3291] : memref<3276800x128xf32, #tpu.memory_space<hbm>> -> memref<64x128xf32, #tpu.memory_space<hbm>>
      %dma_wait3A_3293 = arith.constant 0 : i32
      %dma_wait3A_3294 = arith.constant 0 : i32
      %dma_wait3A_3295 = tpu.memref_slice %arg7[%dma_wait3A_3284, %dma_wait3A_3293, %dma_wait3A_3294] : memref<10x64x128xf32, #tpu.memory_space<vmem>> -> memref<1x64x128xf32, #tpu.memory_space<vmem>>
      %dma_wait3A_3296 = tpu.memref_squeeze %dma_wait3A_3295 : memref<1x64x128xf32, #tpu.memory_space<vmem>> -> memref<64x128xf32, #tpu.memory_space<vmem>>
      tpu.wait_dma2 semaphore(%arg29 : memref<!tpu.dma_semaphore, #tpu.memory_space<semaphore_mem>>) src(%dma_wait3A_3296 : memref<64x128xf32, #tpu.memory_space<vmem>>) dst(%dma_wait3A_3292 : memref<64x128xf32, #tpu.memory_space<hbm>>)
      %dma_start3A_3297 = arith.constant 9 : i32
      %dma_start3A_3298 = arith.constant 0 : i32
      %dma_start3A_3299 = arith.constant 0 : i32
      %dma_start3A_3300 = tpu.memref_slice %arg7[%dma_start3A_3297, %dma_start3A_3298, %dma_start3A_3299] : memref<10x64x128xf32, #tpu.memory_space<vmem>> -> memref<1x64x128xf32, #tpu.memory_space<vmem>>
      %dma_start3A_3301 = tpu.memref_squeeze %dma_start3A_3300 : memref<1x64x128xf32, #tpu.memory_space<vmem>> -> memref<64x128xf32, #tpu.memory_space<vmem>>
      %dma_start3A_3302 = arith.constant 576 : i32
      %dma_start3A_3303 = tpu.memref_slice %arg6[%dma_start3A_3302] : memref<640xi32, #tpu.memory_space<vmem>> -> memref<64xi32, #tpu.memory_space<vmem>>
      %dma_start3A_3304 = arith.constant 0 : i32
      %dma_start3A_3305 = arith.constant 0 : i32
      %dma_start3A_3306 = tpu.memref_slice %arg2[%dma_start3A_3304, %dma_start3A_3305] : memref<46080x128xf32, #tpu.memory_space<hbm>> -> memref<46080x128xf32, #tpu.memory_space<hbm>>
      tpu.enqueue_indirect_dma source(%dma_start3A_3306 : memref<46080x128xf32, #tpu.memory_space<hbm>>) target(%dma_start3A_3301 : memref<64x128xf32, #tpu.memory_space<vmem>>) offsets(%dma_start3A_3303 : memref<64xi32, #tpu.memory_space<vmem>>) semaphore(%arg19 : memref<!tpu.dma_semaphore, #tpu.memory_space<semaphore_mem>>)
      %dma_wait3A_3307 = arith.constant 0 : i32
      %dma_wait3A_3308 = arith.constant 0 : i32
      %dma_wait3A_3309 = arith.constant 0 : i32
      %dma_wait3A_3310 = tpu.memref_slice %arg7[%dma_wait3A_3307, %dma_wait3A_3308, %dma_wait3A_3309] : memref<10x64x128xf32, #tpu.memory_space<vmem>> -> memref<1x64x128xf32, #tpu.memory_space<vmem>>
      %dma_wait3A_3311 = tpu.memref_squeeze %dma_wait3A_3310 : memref<1x64x128xf32, #tpu.memory_space<vmem>> -> memref<64x128xf32, #tpu.memory_space<vmem>>
      %dma_wait3A_3312 = arith.constant 0 : i32
      %dma_wait3A_3313 = tpu.memref_slice %arg6[%dma_wait3A_3312] : memref<640xi32, #tpu.memory_space<vmem>> -> memref<64xi32, #tpu.memory_space<vmem>>
      %dma_wait3A_3314 = arith.constant 0 : i32
      %dma_wait3A_3315 = arith.constant 0 : i32
      %dma_wait3A_3316 = tpu.memref_slice %arg2[%dma_wait3A_3314, %dma_wait3A_3315] : memref<46080x128xf32, #tpu.memory_space<hbm>> -> memref<46080x128xf32, #tpu.memory_space<hbm>>
      tpu.wait_indirect_dma semaphore(%arg10 : memref<!tpu.dma_semaphore, #tpu.memory_space<semaphore_mem>>) src(%dma_wait3A_3316 : memref<46080x128xf32, #tpu.memory_space<hbm>>) dst(%dma_wait3A_3311 : memref<64x128xf32, #tpu.memory_space<vmem>>)
      %mul3A_3317 = arith.constant 10 : i32
      %mul3A_3318 = arith.muli %add3A_2388, %mul3A_3317 : i32
      %add3A_3319 = arith.addi %mul3A_2, %mul3A_3318 : i32
      %add3A_3320 = arith.constant 0 : i32
      %add3A_3321 = arith.addi %add3A_3319, %add3A_3320 : i32
      %mul3A_3322 = arith.constant 64 : i32
      %mul3A_3323 = arith.muli %add3A_3321, %mul3A_3322 : i32
      %dma_start3A_3324 = arith.constant 0 : i32
      %dma_start3A_3325 = arith.constant 0 : i32
      %dma_start3A_3326 = arith.constant 0 : i32
      %dma_start3A_3327 = tpu.memref_slice %arg7[%dma_start3A_3324, %dma_start3A_3325, %dma_start3A_3326] : memref<10x64x128xf32, #tpu.memory_space<vmem>> -> memref<1x64x128xf32, #tpu.memory_space<vmem>>
      %dma_start3A_3328 = tpu.memref_squeeze %dma_start3A_3327 : memref<1x64x128xf32, #tpu.memory_space<vmem>> -> memref<64x128xf32, #tpu.memory_space<vmem>>
      %dma_start3A_3329 = arith.constant 0 : i32
      %dma_start3A_3330 = tpu.memref_slice %arg4[%mul3A_3323, %dma_start3A_3329] : memref<3276800x128xf32, #tpu.memory_space<hbm>> -> memref<64x128xf32, #tpu.memory_space<hbm>>
      %dma_start3A_3331 = arith.constant 0 : i32
      %dma_start3A_3332 = tpu.memref_slice %arg4[%mul3A_3323, %dma_start3A_3331] : memref<3276800x128xf32, #tpu.memory_space<hbm>> -> memref<64x128xf32, #tpu.memory_space<hbm>>
      %dma_start3A_3333 = arith.constant 0 : i32
      %dma_start3A_3334 = arith.constant 0 : i32
      %dma_start3A_3335 = tpu.memref_slice %arg7[%dma_start3A_3324, %dma_start3A_3333, %dma_start3A_3334] : memref<10x64x128xf32, #tpu.memory_space<vmem>> -> memref<1x64x128xf32, #tpu.memory_space<vmem>>
      %dma_start3A_3336 = tpu.memref_squeeze %dma_start3A_3335 : memref<1x64x128xf32, #tpu.memory_space<vmem>> -> memref<64x128xf32, #tpu.memory_space<vmem>>
      tpu.enqueue_dma source(%dma_start3A_3336 : memref<64x128xf32, #tpu.memory_space<vmem>>) target(%dma_start3A_3332 : memref<64x128xf32, #tpu.memory_space<hbm>>) target_semaphore(%arg20 : memref<!tpu.dma_semaphore, #tpu.memory_space<semaphore_mem>>)
      %dma_wait3A_3337 = arith.constant 1 : i32
      %dma_wait3A_3338 = arith.constant 0 : i32
      %dma_wait3A_3339 = arith.constant 0 : i32
      %dma_wait3A_3340 = tpu.memref_slice %arg7[%dma_wait3A_3337, %dma_wait3A_3338, %dma_wait3A_3339] : memref<10x64x128xf32, #tpu.memory_space<vmem>> -> memref<1x64x128xf32, #tpu.memory_space<vmem>>
      %dma_wait3A_3341 = tpu.memref_squeeze %dma_wait3A_3340 : memref<1x64x128xf32, #tpu.memory_space<vmem>> -> memref<64x128xf32, #tpu.memory_space<vmem>>
      %dma_wait3A_3342 = arith.constant 64 : i32
      %dma_wait3A_3343 = tpu.memref_slice %arg6[%dma_wait3A_3342] : memref<640xi32, #tpu.memory_space<vmem>> -> memref<64xi32, #tpu.memory_space<vmem>>
      %dma_wait3A_3344 = arith.constant 0 : i32
      %dma_wait3A_3345 = arith.constant 0 : i32
      %dma_wait3A_3346 = tpu.memref_slice %arg2[%dma_wait3A_3344, %dma_wait3A_3345] : memref<46080x128xf32, #tpu.memory_space<hbm>> -> memref<46080x128xf32, #tpu.memory_space<hbm>>
      tpu.wait_indirect_dma semaphore(%arg11 : memref<!tpu.dma_semaphore, #tpu.memory_space<semaphore_mem>>) src(%dma_wait3A_3346 : memref<46080x128xf32, #tpu.memory_space<hbm>>) dst(%dma_wait3A_3341 : memref<64x128xf32, #tpu.memory_space<vmem>>)
      %mul3A_3347 = arith.constant 10 : i32
      %mul3A_3348 = arith.muli %add3A_2388, %mul3A_3347 : i32
      %add3A_3349 = arith.addi %mul3A_2, %mul3A_3348 : i32
      %add3A_3350 = arith.constant 1 : i32
      %add3A_3351 = arith.addi %add3A_3349, %add3A_3350 : i32
      %mul3A_3352 = arith.constant 64 : i32
      %mul3A_3353 = arith.muli %add3A_3351, %mul3A_3352 : i32
      %dma_start3A_3354 = arith.constant 1 : i32
      %dma_start3A_3355 = arith.constant 0 : i32
      %dma_start3A_3356 = arith.constant 0 : i32
      %dma_start3A_3357 = tpu.memref_slice %arg7[%dma_start3A_3354, %dma_start3A_3355, %dma_start3A_3356] : memref<10x64x128xf32, #tpu.memory_space<vmem>> -> memref<1x64x128xf32, #tpu.memory_space<vmem>>
      %dma_start3A_3358 = tpu.memref_squeeze %dma_start3A_3357 : memref<1x64x128xf32, #tpu.memory_space<vmem>> -> memref<64x128xf32, #tpu.memory_space<vmem>>
      %dma_start3A_3359 = arith.constant 0 : i32
      %dma_start3A_3360 = tpu.memref_slice %arg4[%mul3A_3353, %dma_start3A_3359] : memref<3276800x128xf32, #tpu.memory_space<hbm>> -> memref<64x128xf32, #tpu.memory_space<hbm>>
      %dma_start3A_3361 = arith.constant 0 : i32
      %dma_start3A_3362 = tpu.memref_slice %arg4[%mul3A_3353, %dma_start3A_3361] : memref<3276800x128xf32, #tpu.memory_space<hbm>> -> memref<64x128xf32, #tpu.memory_space<hbm>>
      %dma_start3A_3363 = arith.constant 0 : i32
      %dma_start3A_3364 = arith.constant 0 : i32
      %dma_start3A_3365 = tpu.memref_slice %arg7[%dma_start3A_3354, %dma_start3A_3363, %dma_start3A_3364] : memref<10x64x128xf32, #tpu.memory_space<vmem>> -> memref<1x64x128xf32, #tpu.memory_space<vmem>>
      %dma_start3A_3366 = tpu.memref_squeeze %dma_start3A_3365 : memref<1x64x128xf32, #tpu.memory_space<vmem>> -> memref<64x128xf32, #tpu.memory_space<vmem>>
      tpu.enqueue_dma source(%dma_start3A_3366 : memref<64x128xf32, #tpu.memory_space<vmem>>) target(%dma_start3A_3362 : memref<64x128xf32, #tpu.memory_space<hbm>>) target_semaphore(%arg21 : memref<!tpu.dma_semaphore, #tpu.memory_space<semaphore_mem>>)
      %dma_wait3A_3367 = arith.constant 2 : i32
      %dma_wait3A_3368 = arith.constant 0 : i32
      %dma_wait3A_3369 = arith.constant 0 : i32
      %dma_wait3A_3370 = tpu.memref_slice %arg7[%dma_wait3A_3367, %dma_wait3A_3368, %dma_wait3A_3369] : memref<10x64x128xf32, #tpu.memory_space<vmem>> -> memref<1x64x128xf32, #tpu.memory_space<vmem>>
      %dma_wait3A_3371 = tpu.memref_squeeze %dma_wait3A_3370 : memref<1x64x128xf32, #tpu.memory_space<vmem>> -> memref<64x128xf32, #tpu.memory_space<vmem>>
      %dma_wait3A_3372 = arith.constant 128 : i32
      %dma_wait3A_3373 = tpu.memref_slice %arg6[%dma_wait3A_3372] : memref<640xi32, #tpu.memory_space<vmem>> -> memref<64xi32, #tpu.memory_space<vmem>>
      %dma_wait3A_3374 = arith.constant 0 : i32
      %dma_wait3A_3375 = arith.constant 0 : i32
      %dma_wait3A_3376 = tpu.memref_slice %arg2[%dma_wait3A_3374, %dma_wait3A_3375] : memref<46080x128xf32, #tpu.memory_space<hbm>> -> memref<46080x128xf32, #tpu.memory_space<hbm>>
      tpu.wait_indirect_dma semaphore(%arg12 : memref<!tpu.dma_semaphore, #tpu.memory_space<semaphore_mem>>) src(%dma_wait3A_3376 : memref<46080x128xf32, #tpu.memory_space<hbm>>) dst(%dma_wait3A_3371 : memref<64x128xf32, #tpu.memory_space<vmem>>)
      %mul3A_3377 = arith.constant 10 : i32
      %mul3A_3378 = arith.muli %add3A_2388, %mul3A_3377 : i32
      %add3A_3379 = arith.addi %mul3A_2, %mul3A_3378 : i32
      %add3A_3380 = arith.constant 2 : i32
      %add3A_3381 = arith.addi %add3A_3379, %add3A_3380 : i32
      %mul3A_3382 = arith.constant 64 : i32
      %mul3A_3383 = arith.muli %add3A_3381, %mul3A_3382 : i32
      %dma_start3A_3384 = arith.constant 2 : i32
      %dma_start3A_3385 = arith.constant 0 : i32
      %dma_start3A_3386 = arith.constant 0 : i32
      %dma_start3A_3387 = tpu.memref_slice %arg7[%dma_start3A_3384, %dma_start3A_3385, %dma_start3A_3386] : memref<10x64x128xf32, #tpu.memory_space<vmem>> -> memref<1x64x128xf32, #tpu.memory_space<vmem>>
      %dma_start3A_3388 = tpu.memref_squeeze %dma_start3A_3387 : memref<1x64x128xf32, #tpu.memory_space<vmem>> -> memref<64x128xf32, #tpu.memory_space<vmem>>
      %dma_start3A_3389 = arith.constant 0 : i32
      %dma_start3A_3390 = tpu.memref_slice %arg4[%mul3A_3383, %dma_start3A_3389] : memref<3276800x128xf32, #tpu.memory_space<hbm>> -> memref<64x128xf32, #tpu.memory_space<hbm>>
      %dma_start3A_3391 = arith.constant 0 : i32
      %dma_start3A_3392 = tpu.memref_slice %arg4[%mul3A_3383, %dma_start3A_3391] : memref<3276800x128xf32, #tpu.memory_space<hbm>> -> memref<64x128xf32, #tpu.memory_space<hbm>>
      %dma_start3A_3393 = arith.constant 0 : i32
      %dma_start3A_3394 = arith.constant 0 : i32
      %dma_start3A_3395 = tpu.memref_slice %arg7[%dma_start3A_3384, %dma_start3A_3393, %dma_start3A_3394] : memref<10x64x128xf32, #tpu.memory_space<vmem>> -> memref<1x64x128xf32, #tpu.memory_space<vmem>>
      %dma_start3A_3396 = tpu.memref_squeeze %dma_start3A_3395 : memref<1x64x128xf32, #tpu.memory_space<vmem>> -> memref<64x128xf32, #tpu.memory_space<vmem>>
      tpu.enqueue_dma source(%dma_start3A_3396 : memref<64x128xf32, #tpu.memory_space<vmem>>) target(%dma_start3A_3392 : memref<64x128xf32, #tpu.memory_space<hbm>>) target_semaphore(%arg22 : memref<!tpu.dma_semaphore, #tpu.memory_space<semaphore_mem>>)
      %dma_wait3A_3397 = arith.constant 3 : i32
      %dma_wait3A_3398 = arith.constant 0 : i32
      %dma_wait3A_3399 = arith.constant 0 : i32
      %dma_wait3A_3400 = tpu.memref_slice %arg7[%dma_wait3A_3397, %dma_wait3A_3398, %dma_wait3A_3399] : memref<10x64x128xf32, #tpu.memory_space<vmem>> -> memref<1x64x128xf32, #tpu.memory_space<vmem>>
      %dma_wait3A_3401 = tpu.memref_squeeze %dma_wait3A_3400 : memref<1x64x128xf32, #tpu.memory_space<vmem>> -> memref<64x128xf32, #tpu.memory_space<vmem>>
      %dma_wait3A_3402 = arith.constant 192 : i32
      %dma_wait3A_3403 = tpu.memref_slice %arg6[%dma_wait3A_3402] : memref<640xi32, #tpu.memory_space<vmem>> -> memref<64xi32, #tpu.memory_space<vmem>>
      %dma_wait3A_3404 = arith.constant 0 : i32
      %dma_wait3A_3405 = arith.constant 0 : i32
      %dma_wait3A_3406 = tpu.memref_slice %arg2[%dma_wait3A_3404, %dma_wait3A_3405] : memref<46080x128xf32, #tpu.memory_space<hbm>> -> memref<46080x128xf32, #tpu.memory_space<hbm>>
      tpu.wait_indirect_dma semaphore(%arg13 : memref<!tpu.dma_semaphore, #tpu.memory_space<semaphore_mem>>) src(%dma_wait3A_3406 : memref<46080x128xf32, #tpu.memory_space<hbm>>) dst(%dma_wait3A_3401 : memref<64x128xf32, #tpu.memory_space<vmem>>)
      %mul3A_3407 = arith.constant 10 : i32
      %mul3A_3408 = arith.muli %add3A_2388, %mul3A_3407 : i32
      %add3A_3409 = arith.addi %mul3A_2, %mul3A_3408 : i32
      %add3A_3410 = arith.constant 3 : i32
      %add3A_3411 = arith.addi %add3A_3409, %add3A_3410 : i32
      %mul3A_3412 = arith.constant 64 : i32
      %mul3A_3413 = arith.muli %add3A_3411, %mul3A_3412 : i32
      %dma_start3A_3414 = arith.constant 3 : i32
      %dma_start3A_3415 = arith.constant 0 : i32
      %dma_start3A_3416 = arith.constant 0 : i32
      %dma_start3A_3417 = tpu.memref_slice %arg7[%dma_start3A_3414, %dma_start3A_3415, %dma_start3A_3416] : memref<10x64x128xf32, #tpu.memory_space<vmem>> -> memref<1x64x128xf32, #tpu.memory_space<vmem>>
      %dma_start3A_3418 = tpu.memref_squeeze %dma_start3A_3417 : memref<1x64x128xf32, #tpu.memory_space<vmem>> -> memref<64x128xf32, #tpu.memory_space<vmem>>
      %dma_start3A_3419 = arith.constant 0 : i32
      %dma_start3A_3420 = tpu.memref_slice %arg4[%mul3A_3413, %dma_start3A_3419] : memref<3276800x128xf32, #tpu.memory_space<hbm>> -> memref<64x128xf32, #tpu.memory_space<hbm>>
      %dma_start3A_3421 = arith.constant 0 : i32
      %dma_start3A_3422 = tpu.memref_slice %arg4[%mul3A_3413, %dma_start3A_3421] : memref<3276800x128xf32, #tpu.memory_space<hbm>> -> memref<64x128xf32, #tpu.memory_space<hbm>>
      %dma_start3A_3423 = arith.constant 0 : i32
      %dma_start3A_3424 = arith.constant 0 : i32
      %dma_start3A_3425 = tpu.memref_slice %arg7[%dma_start3A_3414, %dma_start3A_3423, %dma_start3A_3424] : memref<10x64x128xf32, #tpu.memory_space<vmem>> -> memref<1x64x128xf32, #tpu.memory_space<vmem>>
      %dma_start3A_3426 = tpu.memref_squeeze %dma_start3A_3425 : memref<1x64x128xf32, #tpu.memory_space<vmem>> -> memref<64x128xf32, #tpu.memory_space<vmem>>
      tpu.enqueue_dma source(%dma_start3A_3426 : memref<64x128xf32, #tpu.memory_space<vmem>>) target(%dma_start3A_3422 : memref<64x128xf32, #tpu.memory_space<hbm>>) target_semaphore(%arg23 : memref<!tpu.dma_semaphore, #tpu.memory_space<semaphore_mem>>)
      %dma_wait3A_3427 = arith.constant 4 : i32
      %dma_wait3A_3428 = arith.constant 0 : i32
      %dma_wait3A_3429 = arith.constant 0 : i32
      %dma_wait3A_3430 = tpu.memref_slice %arg7[%dma_wait3A_3427, %dma_wait3A_3428, %dma_wait3A_3429] : memref<10x64x128xf32, #tpu.memory_space<vmem>> -> memref<1x64x128xf32, #tpu.memory_space<vmem>>
      %dma_wait3A_3431 = tpu.memref_squeeze %dma_wait3A_3430 : memref<1x64x128xf32, #tpu.memory_space<vmem>> -> memref<64x128xf32, #tpu.memory_space<vmem>>
      %dma_wait3A_3432 = arith.constant 256 : i32
      %dma_wait3A_3433 = tpu.memref_slice %arg6[%dma_wait3A_3432] : memref<640xi32, #tpu.memory_space<vmem>> -> memref<64xi32, #tpu.memory_space<vmem>>
      %dma_wait3A_3434 = arith.constant 0 : i32
      %dma_wait3A_3435 = arith.constant 0 : i32
      %dma_wait3A_3436 = tpu.memref_slice %arg2[%dma_wait3A_3434, %dma_wait3A_3435] : memref<46080x128xf32, #tpu.memory_space<hbm>> -> memref<46080x128xf32, #tpu.memory_space<hbm>>
      tpu.wait_indirect_dma semaphore(%arg14 : memref<!tpu.dma_semaphore, #tpu.memory_space<semaphore_mem>>) src(%dma_wait3A_3436 : memref<46080x128xf32, #tpu.memory_space<hbm>>) dst(%dma_wait3A_3431 : memref<64x128xf32, #tpu.memory_space<vmem>>)
      %mul3A_3437 = arith.constant 10 : i32
      %mul3A_3438 = arith.muli %add3A_2388, %mul3A_3437 : i32
      %add3A_3439 = arith.addi %mul3A_2, %mul3A_3438 : i32
      %add3A_3440 = arith.constant 4 : i32
      %add3A_3441 = arith.addi %add3A_3439, %add3A_3440 : i32
      %mul3A_3442 = arith.constant 64 : i32
      %mul3A_3443 = arith.muli %add3A_3441, %mul3A_3442 : i32
      %dma_start3A_3444 = arith.constant 4 : i32
      %dma_start3A_3445 = arith.constant 0 : i32
      %dma_start3A_3446 = arith.constant 0 : i32
      %dma_start3A_3447 = tpu.memref_slice %arg7[%dma_start3A_3444, %dma_start3A_3445, %dma_start3A_3446] : memref<10x64x128xf32, #tpu.memory_space<vmem>> -> memref<1x64x128xf32, #tpu.memory_space<vmem>>
      %dma_start3A_3448 = tpu.memref_squeeze %dma_start3A_3447 : memref<1x64x128xf32, #tpu.memory_space<vmem>> -> memref<64x128xf32, #tpu.memory_space<vmem>>
      %dma_start3A_3449 = arith.constant 0 : i32
      %dma_start3A_3450 = tpu.memref_slice %arg4[%mul3A_3443, %dma_start3A_3449] : memref<3276800x128xf32, #tpu.memory_space<hbm>> -> memref<64x128xf32, #tpu.memory_space<hbm>>
      %dma_start3A_3451 = arith.constant 0 : i32
      %dma_start3A_3452 = tpu.memref_slice %arg4[%mul3A_3443, %dma_start3A_3451] : memref<3276800x128xf32, #tpu.memory_space<hbm>> -> memref<64x128xf32, #tpu.memory_space<hbm>>
      %dma_start3A_3453 = arith.constant 0 : i32
      %dma_start3A_3454 = arith.constant 0 : i32
      %dma_start3A_3455 = tpu.memref_slice %arg7[%dma_start3A_3444, %dma_start3A_3453, %dma_start3A_3454] : memref<10x64x128xf32, #tpu.memory_space<vmem>> -> memref<1x64x128xf32, #tpu.memory_space<vmem>>
      %dma_start3A_3456 = tpu.memref_squeeze %dma_start3A_3455 : memref<1x64x128xf32, #tpu.memory_space<vmem>> -> memref<64x128xf32, #tpu.memory_space<vmem>>
      tpu.enqueue_dma source(%dma_start3A_3456 : memref<64x128xf32, #tpu.memory_space<vmem>>) target(%dma_start3A_3452 : memref<64x128xf32, #tpu.memory_space<hbm>>) target_semaphore(%arg24 : memref<!tpu.dma_semaphore, #tpu.memory_space<semaphore_mem>>)
      %dma_wait3A_3457 = arith.constant 5 : i32
      %dma_wait3A_3458 = arith.constant 0 : i32
      %dma_wait3A_3459 = arith.constant 0 : i32
      %dma_wait3A_3460 = tpu.memref_slice %arg7[%dma_wait3A_3457, %dma_wait3A_3458, %dma_wait3A_3459] : memref<10x64x128xf32, #tpu.memory_space<vmem>> -> memref<1x64x128xf32, #tpu.memory_space<vmem>>
      %dma_wait3A_3461 = tpu.memref_squeeze %dma_wait3A_3460 : memref<1x64x128xf32, #tpu.memory_space<vmem>> -> memref<64x128xf32, #tpu.memory_space<vmem>>
      %dma_wait3A_3462 = arith.constant 320 : i32
      %dma_wait3A_3463 = tpu.memref_slice %arg6[%dma_wait3A_3462] : memref<640xi32, #tpu.memory_space<vmem>> -> memref<64xi32, #tpu.memory_space<vmem>>
      %dma_wait3A_3464 = arith.constant 0 : i32
      %dma_wait3A_3465 = arith.constant 0 : i32
      %dma_wait3A_3466 = tpu.memref_slice %arg2[%dma_wait3A_3464, %dma_wait3A_3465] : memref<46080x128xf32, #tpu.memory_space<hbm>> -> memref<46080x128xf32, #tpu.memory_space<hbm>>
      tpu.wait_indirect_dma semaphore(%arg15 : memref<!tpu.dma_semaphore, #tpu.memory_space<semaphore_mem>>) src(%dma_wait3A_3466 : memref<46080x128xf32, #tpu.memory_space<hbm>>) dst(%dma_wait3A_3461 : memref<64x128xf32, #tpu.memory_space<vmem>>)
      %mul3A_3467 = arith.constant 10 : i32
      %mul3A_3468 = arith.muli %add3A_2388, %mul3A_3467 : i32
      %add3A_3469 = arith.addi %mul3A_2, %mul3A_3468 : i32
      %add3A_3470 = arith.constant 5 : i32
      %add3A_3471 = arith.addi %add3A_3469, %add3A_3470 : i32
      %mul3A_3472 = arith.constant 64 : i32
      %mul3A_3473 = arith.muli %add3A_3471, %mul3A_3472 : i32
      %dma_start3A_3474 = arith.constant 5 : i32
      %dma_start3A_3475 = arith.constant 0 : i32
      %dma_start3A_3476 = arith.constant 0 : i32
      %dma_start3A_3477 = tpu.memref_slice %arg7[%dma_start3A_3474, %dma_start3A_3475, %dma_start3A_3476] : memref<10x64x128xf32, #tpu.memory_space<vmem>> -> memref<1x64x128xf32, #tpu.memory_space<vmem>>
      %dma_start3A_3478 = tpu.memref_squeeze %dma_start3A_3477 : memref<1x64x128xf32, #tpu.memory_space<vmem>> -> memref<64x128xf32, #tpu.memory_space<vmem>>
      %dma_start3A_3479 = arith.constant 0 : i32
      %dma_start3A_3480 = tpu.memref_slice %arg4[%mul3A_3473, %dma_start3A_3479] : memref<3276800x128xf32, #tpu.memory_space<hbm>> -> memref<64x128xf32, #tpu.memory_space<hbm>>
      %dma_start3A_3481 = arith.constant 0 : i32
      %dma_start3A_3482 = tpu.memref_slice %arg4[%mul3A_3473, %dma_start3A_3481] : memref<3276800x128xf32, #tpu.memory_space<hbm>> -> memref<64x128xf32, #tpu.memory_space<hbm>>
      %dma_start3A_3483 = arith.constant 0 : i32
      %dma_start3A_3484 = arith.constant 0 : i32
      %dma_start3A_3485 = tpu.memref_slice %arg7[%dma_start3A_3474, %dma_start3A_3483, %dma_start3A_3484] : memref<10x64x128xf32, #tpu.memory_space<vmem>> -> memref<1x64x128xf32, #tpu.memory_space<vmem>>
      %dma_start3A_3486 = tpu.memref_squeeze %dma_start3A_3485 : memref<1x64x128xf32, #tpu.memory_space<vmem>> -> memref<64x128xf32, #tpu.memory_space<vmem>>
      tpu.enqueue_dma source(%dma_start3A_3486 : memref<64x128xf32, #tpu.memory_space<vmem>>) target(%dma_start3A_3482 : memref<64x128xf32, #tpu.memory_space<hbm>>) target_semaphore(%arg25 : memref<!tpu.dma_semaphore, #tpu.memory_space<semaphore_mem>>)
      %dma_wait3A_3487 = arith.constant 6 : i32
      %dma_wait3A_3488 = arith.constant 0 : i32
      %dma_wait3A_3489 = arith.constant 0 : i32
      %dma_wait3A_3490 = tpu.memref_slice %arg7[%dma_wait3A_3487, %dma_wait3A_3488, %dma_wait3A_3489] : memref<10x64x128xf32, #tpu.memory_space<vmem>> -> memref<1x64x128xf32, #tpu.memory_space<vmem>>
      %dma_wait3A_3491 = tpu.memref_squeeze %dma_wait3A_3490 : memref<1x64x128xf32, #tpu.memory_space<vmem>> -> memref<64x128xf32, #tpu.memory_space<vmem>>
      %dma_wait3A_3492 = arith.constant 384 : i32
      %dma_wait3A_3493 = tpu.memref_slice %arg6[%dma_wait3A_3492] : memref<640xi32, #tpu.memory_space<vmem>> -> memref<64xi32, #tpu.memory_space<vmem>>
      %dma_wait3A_3494 = arith.constant 0 : i32
      %dma_wait3A_3495 = arith.constant 0 : i32
      %dma_wait3A_3496 = tpu.memref_slice %arg2[%dma_wait3A_3494, %dma_wait3A_3495] : memref<46080x128xf32, #tpu.memory_space<hbm>> -> memref<46080x128xf32, #tpu.memory_space<hbm>>
      tpu.wait_indirect_dma semaphore(%arg16 : memref<!tpu.dma_semaphore, #tpu.memory_space<semaphore_mem>>) src(%dma_wait3A_3496 : memref<46080x128xf32, #tpu.memory_space<hbm>>) dst(%dma_wait3A_3491 : memref<64x128xf32, #tpu.memory_space<vmem>>)
      %mul3A_3497 = arith.constant 10 : i32
      %mul3A_3498 = arith.muli %add3A_2388, %mul3A_3497 : i32
      %add3A_3499 = arith.addi %mul3A_2, %mul3A_3498 : i32
      %add3A_3500 = arith.constant 6 : i32
      %add3A_3501 = arith.addi %add3A_3499, %add3A_3500 : i32
      %mul3A_3502 = arith.constant 64 : i32
      %mul3A_3503 = arith.muli %add3A_3501, %mul3A_3502 : i32
      %dma_start3A_3504 = arith.constant 6 : i32
      %dma_start3A_3505 = arith.constant 0 : i32
      %dma_start3A_3506 = arith.constant 0 : i32
      %dma_start3A_3507 = tpu.memref_slice %arg7[%dma_start3A_3504, %dma_start3A_3505, %dma_start3A_3506] : memref<10x64x128xf32, #tpu.memory_space<vmem>> -> memref<1x64x128xf32, #tpu.memory_space<vmem>>
      %dma_start3A_3508 = tpu.memref_squeeze %dma_start3A_3507 : memref<1x64x128xf32, #tpu.memory_space<vmem>> -> memref<64x128xf32, #tpu.memory_space<vmem>>
      %dma_start3A_3509 = arith.constant 0 : i32
      %dma_start3A_3510 = tpu.memref_slice %arg4[%mul3A_3503, %dma_start3A_3509] : memref<3276800x128xf32, #tpu.memory_space<hbm>> -> memref<64x128xf32, #tpu.memory_space<hbm>>
      %dma_start3A_3511 = arith.constant 0 : i32
      %dma_start3A_3512 = tpu.memref_slice %arg4[%mul3A_3503, %dma_start3A_3511] : memref<3276800x128xf32, #tpu.memory_space<hbm>> -> memref<64x128xf32, #tpu.memory_space<hbm>>
      %dma_start3A_3513 = arith.constant 0 : i32
      %dma_start3A_3514 = arith.constant 0 : i32
      %dma_start3A_3515 = tpu.memref_slice %arg7[%dma_start3A_3504, %dma_start3A_3513, %dma_start3A_3514] : memref<10x64x128xf32, #tpu.memory_space<vmem>> -> memref<1x64x128xf32, #tpu.memory_space<vmem>>
      %dma_start3A_3516 = tpu.memref_squeeze %dma_start3A_3515 : memref<1x64x128xf32, #tpu.memory_space<vmem>> -> memref<64x128xf32, #tpu.memory_space<vmem>>
      tpu.enqueue_dma source(%dma_start3A_3516 : memref<64x128xf32, #tpu.memory_space<vmem>>) target(%dma_start3A_3512 : memref<64x128xf32, #tpu.memory_space<hbm>>) target_semaphore(%arg26 : memref<!tpu.dma_semaphore, #tpu.memory_space<semaphore_mem>>)
      %dma_wait3A_3517 = arith.constant 7 : i32
      %dma_wait3A_3518 = arith.constant 0 : i32
      %dma_wait3A_3519 = arith.constant 0 : i32
      %dma_wait3A_3520 = tpu.memref_slice %arg7[%dma_wait3A_3517, %dma_wait3A_3518, %dma_wait3A_3519] : memref<10x64x128xf32, #tpu.memory_space<vmem>> -> memref<1x64x128xf32, #tpu.memory_space<vmem>>
      %dma_wait3A_3521 = tpu.memref_squeeze %dma_wait3A_3520 : memref<1x64x128xf32, #tpu.memory_space<vmem>> -> memref<64x128xf32, #tpu.memory_space<vmem>>
      %dma_wait3A_3522 = arith.constant 448 : i32
      %dma_wait3A_3523 = tpu.memref_slice %arg6[%dma_wait3A_3522] : memref<640xi32, #tpu.memory_space<vmem>> -> memref<64xi32, #tpu.memory_space<vmem>>
      %dma_wait3A_3524 = arith.constant 0 : i32
      %dma_wait3A_3525 = arith.constant 0 : i32
      %dma_wait3A_3526 = tpu.memref_slice %arg2[%dma_wait3A_3524, %dma_wait3A_3525] : memref<46080x128xf32, #tpu.memory_space<hbm>> -> memref<46080x128xf32, #tpu.memory_space<hbm>>
      tpu.wait_indirect_dma semaphore(%arg17 : memref<!tpu.dma_semaphore, #tpu.memory_space<semaphore_mem>>) src(%dma_wait3A_3526 : memref<46080x128xf32, #tpu.memory_space<hbm>>) dst(%dma_wait3A_3521 : memref<64x128xf32, #tpu.memory_space<vmem>>)
      %mul3A_3527 = arith.constant 10 : i32
      %mul3A_3528 = arith.muli %add3A_2388, %mul3A_3527 : i32
      %add3A_3529 = arith.addi %mul3A_2, %mul3A_3528 : i32
      %add3A_3530 = arith.constant 7 : i32
      %add3A_3531 = arith.addi %add3A_3529, %add3A_3530 : i32
      %mul3A_3532 = arith.constant 64 : i32
      %mul3A_3533 = arith.muli %add3A_3531, %mul3A_3532 : i32
      %dma_start3A_3534 = arith.constant 7 : i32
      %dma_start3A_3535 = arith.constant 0 : i32
      %dma_start3A_3536 = arith.constant 0 : i32
      %dma_start3A_3537 = tpu.memref_slice %arg7[%dma_start3A_3534, %dma_start3A_3535, %dma_start3A_3536] : memref<10x64x128xf32, #tpu.memory_space<vmem>> -> memref<1x64x128xf32, #tpu.memory_space<vmem>>
      %dma_start3A_3538 = tpu.memref_squeeze %dma_start3A_3537 : memref<1x64x128xf32, #tpu.memory_space<vmem>> -> memref<64x128xf32, #tpu.memory_space<vmem>>
      %dma_start3A_3539 = arith.constant 0 : i32
      %dma_start3A_3540 = tpu.memref_slice %arg4[%mul3A_3533, %dma_start3A_3539] : memref<3276800x128xf32, #tpu.memory_space<hbm>> -> memref<64x128xf32, #tpu.memory_space<hbm>>
      %dma_start3A_3541 = arith.constant 0 : i32
      %dma_start3A_3542 = tpu.memref_slice %arg4[%mul3A_3533, %dma_start3A_3541] : memref<3276800x128xf32, #tpu.memory_space<hbm>> -> memref<64x128xf32, #tpu.memory_space<hbm>>
      %dma_start3A_3543 = arith.constant 0 : i32
      %dma_start3A_3544 = arith.constant 0 : i32
      %dma_start3A_3545 = tpu.memref_slice %arg7[%dma_start3A_3534, %dma_start3A_3543, %dma_start3A_3544] : memref<10x64x128xf32, #tpu.memory_space<vmem>> -> memref<1x64x128xf32, #tpu.memory_space<vmem>>
      %dma_start3A_3546 = tpu.memref_squeeze %dma_start3A_3545 : memref<1x64x128xf32, #tpu.memory_space<vmem>> -> memref<64x128xf32, #tpu.memory_space<vmem>>
      tpu.enqueue_dma source(%dma_start3A_3546 : memref<64x128xf32, #tpu.memory_space<vmem>>) target(%dma_start3A_3542 : memref<64x128xf32, #tpu.memory_space<hbm>>) target_semaphore(%arg27 : memref<!tpu.dma_semaphore, #tpu.memory_space<semaphore_mem>>)
      %dma_wait3A_3547 = arith.constant 8 : i32
      %dma_wait3A_3548 = arith.constant 0 : i32
      %dma_wait3A_3549 = arith.constant 0 : i32
      %dma_wait3A_3550 = tpu.memref_slice %arg7[%dma_wait3A_3547, %dma_wait3A_3548, %dma_wait3A_3549] : memref<10x64x128xf32, #tpu.memory_space<vmem>> -> memref<1x64x128xf32, #tpu.memory_space<vmem>>
      %dma_wait3A_3551 = tpu.memref_squeeze %dma_wait3A_3550 : memref<1x64x128xf32, #tpu.memory_space<vmem>> -> memref<64x128xf32, #tpu.memory_space<vmem>>
      %dma_wait3A_3552 = arith.constant 512 : i32
      %dma_wait3A_3553 = tpu.memref_slice %arg6[%dma_wait3A_3552] : memref<640xi32, #tpu.memory_space<vmem>> -> memref<64xi32, #tpu.memory_space<vmem>>
      %dma_wait3A_3554 = arith.constant 0 : i32
      %dma_wait3A_3555 = arith.constant 0 : i32
      %dma_wait3A_3556 = tpu.memref_slice %arg2[%dma_wait3A_3554, %dma_wait3A_3555] : memref<46080x128xf32, #tpu.memory_space<hbm>> -> memref<46080x128xf32, #tpu.memory_space<hbm>>
      tpu.wait_indirect_dma semaphore(%arg18 : memref<!tpu.dma_semaphore, #tpu.memory_space<semaphore_mem>>) src(%dma_wait3A_3556 : memref<46080x128xf32, #tpu.memory_space<hbm>>) dst(%dma_wait3A_3551 : memref<64x128xf32, #tpu.memory_space<vmem>>)
      %mul3A_3557 = arith.constant 10 : i32
      %mul3A_3558 = arith.muli %add3A_2388, %mul3A_3557 : i32
      %add3A_3559 = arith.addi %mul3A_2, %mul3A_3558 : i32
      %add3A_3560 = arith.constant 8 : i32
      %add3A_3561 = arith.addi %add3A_3559, %add3A_3560 : i32
      %mul3A_3562 = arith.constant 64 : i32
      %mul3A_3563 = arith.muli %add3A_3561, %mul3A_3562 : i32
      %dma_start3A_3564 = arith.constant 8 : i32
      %dma_start3A_3565 = arith.constant 0 : i32
      %dma_start3A_3566 = arith.constant 0 : i32
      %dma_start3A_3567 = tpu.memref_slice %arg7[%dma_start3A_3564, %dma_start3A_3565, %dma_start3A_3566] : memref<10x64x128xf32, #tpu.memory_space<vmem>> -> memref<1x64x128xf32, #tpu.memory_space<vmem>>
      %dma_start3A_3568 = tpu.memref_squeeze %dma_start3A_3567 : memref<1x64x128xf32, #tpu.memory_space<vmem>> -> memref<64x128xf32, #tpu.memory_space<vmem>>
      %dma_start3A_3569 = arith.constant 0 : i32
      %dma_start3A_3570 = tpu.memref_slice %arg4[%mul3A_3563, %dma_start3A_3569] : memref<3276800x128xf32, #tpu.memory_space<hbm>> -> memref<64x128xf32, #tpu.memory_space<hbm>>
      %dma_start3A_3571 = arith.constant 0 : i32
      %dma_start3A_3572 = tpu.memref_slice %arg4[%mul3A_3563, %dma_start3A_3571] : memref<3276800x128xf32, #tpu.memory_space<hbm>> -> memref<64x128xf32, #tpu.memory_space<hbm>>
      %dma_start3A_3573 = arith.constant 0 : i32
      %dma_start3A_3574 = arith.constant 0 : i32
      %dma_start3A_3575 = tpu.memref_slice %arg7[%dma_start3A_3564, %dma_start3A_3573, %dma_start3A_3574] : memref<10x64x128xf32, #tpu.memory_space<vmem>> -> memref<1x64x128xf32, #tpu.memory_space<vmem>>
      %dma_start3A_3576 = tpu.memref_squeeze %dma_start3A_3575 : memref<1x64x128xf32, #tpu.memory_space<vmem>> -> memref<64x128xf32, #tpu.memory_space<vmem>>
      tpu.enqueue_dma source(%dma_start3A_3576 : memref<64x128xf32, #tpu.memory_space<vmem>>) target(%dma_start3A_3572 : memref<64x128xf32, #tpu.memory_space<hbm>>) target_semaphore(%arg28 : memref<!tpu.dma_semaphore, #tpu.memory_space<semaphore_mem>>)
      %dma_wait3A_3577 = arith.constant 9 : i32
      %dma_wait3A_3578 = arith.constant 0 : i32
      %dma_wait3A_3579 = arith.constant 0 : i32
      %dma_wait3A_3580 = tpu.memref_slice %arg7[%dma_wait3A_3577, %dma_wait3A_3578, %dma_wait3A_3579] : memref<10x64x128xf32, #tpu.memory_space<vmem>> -> memref<1x64x128xf32, #tpu.memory_space<vmem>>
      %dma_wait3A_3581 = tpu.memref_squeeze %dma_wait3A_3580 : memref<1x64x128xf32, #tpu.memory_space<vmem>> -> memref<64x128xf32, #tpu.memory_space<vmem>>
      %dma_wait3A_3582 = arith.constant 576 : i32
      %dma_wait3A_3583 = tpu.memref_slice %arg6[%dma_wait3A_3582] : memref<640xi32, #tpu.memory_space<vmem>> -> memref<64xi32, #tpu.memory_space<vmem>>
      %dma_wait3A_3584 = arith.constant 0 : i32
      %dma_wait3A_3585 = arith.constant 0 : i32
      %dma_wait3A_3586 = tpu.memref_slice %arg2[%dma_wait3A_3584, %dma_wait3A_3585] : memref<46080x128xf32, #tpu.memory_space<hbm>> -> memref<46080x128xf32, #tpu.memory_space<hbm>>
      tpu.wait_indirect_dma semaphore(%arg19 : memref<!tpu.dma_semaphore, #tpu.memory_space<semaphore_mem>>) src(%dma_wait3A_3586 : memref<46080x128xf32, #tpu.memory_space<hbm>>) dst(%dma_wait3A_3581 : memref<64x128xf32, #tpu.memory_space<vmem>>)
      %mul3A_3587 = arith.constant 10 : i32
      %mul3A_3588 = arith.muli %add3A_2388, %mul3A_3587 : i32
      %add3A_3589 = arith.addi %mul3A_2, %mul3A_3588 : i32
      %add3A_3590 = arith.constant 9 : i32
      %add3A_3591 = arith.addi %add3A_3589, %add3A_3590 : i32
      %mul3A_3592 = arith.constant 64 : i32
      %mul3A_3593 = arith.muli %add3A_3591, %mul3A_3592 : i32
      %dma_start3A_3594 = arith.constant 9 : i32
      %dma_start3A_3595 = arith.constant 0 : i32
      %dma_start3A_3596 = arith.constant 0 : i32
      %dma_start3A_3597 = tpu.memref_slice %arg7[%dma_start3A_3594, %dma_start3A_3595, %dma_start3A_3596] : memref<10x64x128xf32, #tpu.memory_space<vmem>> -> memref<1x64x128xf32, #tpu.memory_space<vmem>>
      %dma_start3A_3598 = tpu.memref_squeeze %dma_start3A_3597 : memref<1x64x128xf32, #tpu.memory_space<vmem>> -> memref<64x128xf32, #tpu.memory_space<vmem>>
      %dma_start3A_3599 = arith.constant 0 : i32
      %dma_start3A_3600 = tpu.memref_slice %arg4[%mul3A_3593, %dma_start3A_3599] : memref<3276800x128xf32, #tpu.memory_space<hbm>> -> memref<64x128xf32, #tpu.memory_space<hbm>>
      %dma_start3A_3601 = arith.constant 0 : i32
      %dma_start3A_3602 = tpu.memref_slice %arg4[%mul3A_3593, %dma_start3A_3601] : memref<3276800x128xf32, #tpu.memory_space<hbm>> -> memref<64x128xf32, #tpu.memory_space<hbm>>
      %dma_start3A_3603 = arith.constant 0 : i32
      %dma_start3A_3604 = arith.constant 0 : i32
      %dma_start3A_3605 = tpu.memref_slice %arg7[%dma_start3A_3594, %dma_start3A_3603, %dma_start3A_3604] : memref<10x64x128xf32, #tpu.memory_space<vmem>> -> memref<1x64x128xf32, #tpu.memory_space<vmem>>
      %dma_start3A_3606 = tpu.memref_squeeze %dma_start3A_3605 : memref<1x64x128xf32, #tpu.memory_space<vmem>> -> memref<64x128xf32, #tpu.memory_space<vmem>>
      tpu.enqueue_dma source(%dma_start3A_3606 : memref<64x128xf32, #tpu.memory_space<vmem>>) target(%dma_start3A_3602 : memref<64x128xf32, #tpu.memory_space<hbm>>) target_semaphore(%arg29 : memref<!tpu.dma_semaphore, #tpu.memory_space<semaphore_mem>>)
      %add3A_3607 = arith.constant 1 : i32
      %add3A_3608 = arith.addi %add3A_2388, %add3A_3607 : i32
      %add3A_3609 = arith.constant 1 : i32
      %add3A_3610 = arith.addi %add3A_3608, %add3A_3609 : i32
      %mul3A_3611 = arith.constant 10 : i32
      %mul3A_3612 = arith.muli %add3A_3610, %mul3A_3611 : i32
      %add3A_3613 = arith.addi %mul3A_2, %mul3A_3612 : i32
      %mul3A_3614 = arith.constant 64 : i32
      %mul3A_3615 = arith.muli %add3A_3613, %mul3A_3614 : i32
      %dma_start3A_3616 = tpu.memref_slice %arg3[%mul3A_3615] : memref<3276800xi32, #tpu.memory_space<hbm>> -> memref<640xi32, #tpu.memory_space<hbm>>
      %dma_start3A_3617 = tpu.memref_slice %arg3[%mul3A_3615] : memref<3276800xi32, #tpu.memory_space<hbm>> -> memref<640xi32, #tpu.memory_space<hbm>>
      tpu.enqueue_dma source(%dma_start3A_3617 : memref<640xi32, #tpu.memory_space<hbm>>) target(%arg6 : memref<640xi32, #tpu.memory_space<vmem>>) target_semaphore(%arg9 : memref<!tpu.dma_semaphore, #tpu.memory_space<semaphore_mem>>)
      %mul3A_3618 = arith.constant 64 : i32
      %mul3A_3619 = arith.muli %mul3A_2, %mul3A_3618 : i32
      %dma_wait3A_3620 = tpu.memref_slice %arg3[%mul3A_3619] : memref<3276800xi32, #tpu.memory_space<hbm>> -> memref<640xi32, #tpu.memory_space<hbm>>
      %dma_wait3A_3621 = tpu.memref_slice %arg3[%mul3A_3619] : memref<3276800xi32, #tpu.memory_space<hbm>> -> memref<640xi32, #tpu.memory_space<hbm>>
      tpu.wait_dma2 semaphore(%arg8 : memref<!tpu.dma_semaphore, #tpu.memory_space<semaphore_mem>>) src(%dma_wait3A_3621 : memref<640xi32, #tpu.memory_space<hbm>>) dst(%arg5 : memref<640xi32, #tpu.memory_space<vmem>>)
      %iota3A_3622 = tpu.iota {dimensions = array<i32: 0>} : vector<16xi32>
      %broadcast_in_dim3A_3623 = arith.constant 1440 : i32
      %broadcast_in_dim3A_3624 = vector.broadcast %broadcast_in_dim3A_3623 : i32 to vector<16xi32>
      %mul3A_3625 = vector.broadcast %add3A : i32 to vector<16xi32>
      %mul3A_3626 = arith.muli %broadcast_in_dim3A_3624, %mul3A_3625 : vector<16xi32>
      %add3A_3627 = arith.constant 0 : i32
      %add3A_3628 = vector.broadcast %add3A_3627 : i32 to vector<16xi32>
      %add3A_3629 = arith.addi %mul3A_3626, %add3A_3628 : vector<16xi32>
      %mul3A_3630 = arith.constant 9 : i32
      %mul3A_3631 = vector.broadcast %mul3A_3630 : i32 to vector<16xi32>
      %mul3A_3632 = arith.muli %mul3A_3631, %iota3A_3622 : vector<16xi32>
      %add3A_3633 = arith.addi %add3A_3629, %mul3A_3632 : vector<16xi32>
      %get3A_3634 = arith.constant 0 : index
      %get3A_3635 = tpu.vector_load %arg5[%get3A_3634] {strides = array<i32>} : memref<640xi32, #tpu.memory_space<vmem>>, vector<16xi32>,
      %get3A_3636 = vector.shape_cast %get3A_3635 : vector<16xi32> to vector<16xi32>
      %add3A_3637 = arith.addi %get3A_3636, %add3A_3633 : vector<16xi32>
      %swap3A_3638 = arith.constant 0 : index
      %swap3A_3639 = tpu.vector_load %arg5[%swap3A_3638] {strides = array<i32>} : memref<640xi32, #tpu.memory_space<vmem>>, vector<16xi32>,
      %swap3A_3640 = vector.shape_cast %swap3A_3639 : vector<16xi32> to vector<16xi32>
      %swap3A_3641 = vector.shape_cast %add3A_3637 : vector<16xi32> to vector<16xi32>
      tpu.vector_store %arg5[%swap3A_3638], %swap3A_3641 {strides = array<i32>} : memref<640xi32, #tpu.memory_space<vmem>>, vector<16xi32>,
      %add3A_3642 = arith.constant 0 : i32
      %add3A_3643 = vector.broadcast %add3A_3642 : i32 to vector<16xi32>
      %add3A_3644 = arith.addi %mul3A_3626, %add3A_3643 : vector<16xi32>
      %mul3A_3645 = arith.constant 9 : i32
      %mul3A_3646 = vector.broadcast %mul3A_3645 : i32 to vector<16xi32>
      %mul3A_3647 = arith.muli %mul3A_3646, %iota3A_3622 : vector<16xi32>
      %add3A_3648 = arith.addi %add3A_3644, %mul3A_3647 : vector<16xi32>
      %get3A_3649 = arith.constant 16 : index
      %get3A_3650 = tpu.vector_load %arg5[%get3A_3649] {strides = array<i32>} : memref<640xi32, #tpu.memory_space<vmem>>, vector<16xi32>,
      %get3A_3651 = vector.shape_cast %get3A_3650 : vector<16xi32> to vector<16xi32>
      %add3A_3652 = arith.addi %get3A_3651, %add3A_3648 : vector<16xi32>
      %swap3A_3653 = arith.constant 16 : index
      %swap3A_3654 = tpu.vector_load %arg5[%swap3A_3653] {strides = array<i32>} : memref<640xi32, #tpu.memory_space<vmem>>, vector<16xi32>,
      %swap3A_3655 = vector.shape_cast %swap3A_3654 : vector<16xi32> to vector<16xi32>
      %swap3A_3656 = vector.shape_cast %add3A_3652 : vector<16xi32> to vector<16xi32>
      tpu.vector_store %arg5[%swap3A_3653], %swap3A_3656 {strides = array<i32>} : memref<640xi32, #tpu.memory_space<vmem>>, vector<16xi32>,
      %add3A_3657 = arith.constant 0 : i32
      %add3A_3658 = vector.broadcast %add3A_3657 : i32 to vector<16xi32>
      %add3A_3659 = arith.addi %mul3A_3626, %add3A_3658 : vector<16xi32>
      %mul3A_3660 = arith.constant 9 : i32
      %mul3A_3661 = vector.broadcast %mul3A_3660 : i32 to vector<16xi32>
      %mul3A_3662 = arith.muli %mul3A_3661, %iota3A_3622 : vector<16xi32>
      %add3A_3663 = arith.addi %add3A_3659, %mul3A_3662 : vector<16xi32>
      %get3A_3664 = arith.constant 32 : index
      %get3A_3665 = tpu.vector_load %arg5[%get3A_3664] {strides = array<i32>} : memref<640xi32, #tpu.memory_space<vmem>>, vector<16xi32>,
      %get3A_3666 = vector.shape_cast %get3A_3665 : vector<16xi32> to vector<16xi32>
      %add3A_3667 = arith.addi %get3A_3666, %add3A_3663 : vector<16xi32>
      %swap3A_3668 = arith.constant 32 : index
      %swap3A_3669 = tpu.vector_load %arg5[%swap3A_3668] {strides = array<i32>} : memref<640xi32, #tpu.memory_space<vmem>>, vector<16xi32>,
      %swap3A_3670 = vector.shape_cast %swap3A_3669 : vector<16xi32> to vector<16xi32>
      %swap3A_3671 = vector.shape_cast %add3A_3667 : vector<16xi32> to vector<16xi32>
      tpu.vector_store %arg5[%swap3A_3668], %swap3A_3671 {strides = array<i32>} : memref<640xi32, #tpu.memory_space<vmem>>, vector<16xi32>,
      %add3A_3672 = arith.constant 0 : i32
      %add3A_3673 = vector.broadcast %add3A_3672 : i32 to vector<16xi32>
      %add3A_3674 = arith.addi %mul3A_3626, %add3A_3673 : vector<16xi32>
      %mul3A_3675 = arith.constant 9 : i32
      %mul3A_3676 = vector.broadcast %mul3A_3675 : i32 to vector<16xi32>
      %mul3A_3677 = arith.muli %mul3A_3676, %iota3A_3622 : vector<16xi32>
      %add3A_3678 = arith.addi %add3A_3674, %mul3A_3677 : vector<16xi32>
      %get3A_3679 = arith.constant 48 : index
      %get3A_3680 = tpu.vector_load %arg5[%get3A_3679] {strides = array<i32>} : memref<640xi32, #tpu.memory_space<vmem>>, vector<16xi32>,
      %get3A_3681 = vector.shape_cast %get3A_3680 : vector<16xi32> to vector<16xi32>
      %add3A_3682 = arith.addi %get3A_3681, %add3A_3678 : vector<16xi32>
      %swap3A_3683 = arith.constant 48 : index
      %swap3A_3684 = tpu.vector_load %arg5[%swap3A_3683] {strides = array<i32>} : memref<640xi32, #tpu.memory_space<vmem>>, vector<16xi32>,
      %swap3A_3685 = vector.shape_cast %swap3A_3684 : vector<16xi32> to vector<16xi32>
      %swap3A_3686 = vector.shape_cast %add3A_3682 : vector<16xi32> to vector<16xi32>
      tpu.vector_store %arg5[%swap3A_3683], %swap3A_3686 {strides = array<i32>} : memref<640xi32, #tpu.memory_space<vmem>>, vector<16xi32>,
      %add3A_3687 = arith.constant 144 : i32
      %add3A_3688 = vector.broadcast %add3A_3687 : i32 to vector<16xi32>
      %add3A_3689 = arith.addi %mul3A_3626, %add3A_3688 : vector<16xi32>
      %mul3A_3690 = arith.constant 9 : i32
      %mul3A_3691 = vector.broadcast %mul3A_3690 : i32 to vector<16xi32>
      %mul3A_3692 = arith.muli %mul3A_3691, %iota3A_3622 : vector<16xi32>
      %add3A_3693 = arith.addi %add3A_3689, %mul3A_3692 : vector<16xi32>
      %get3A_3694 = arith.constant 64 : index
      %get3A_3695 = tpu.vector_load %arg5[%get3A_3694] {strides = array<i32>} : memref<640xi32, #tpu.memory_space<vmem>>, vector<16xi32>,
      %get3A_3696 = vector.shape_cast %get3A_3695 : vector<16xi32> to vector<16xi32>
      %add3A_3697 = arith.addi %get3A_3696, %add3A_3693 : vector<16xi32>
      %swap3A_3698 = arith.constant 64 : index
      %swap3A_3699 = tpu.vector_load %arg5[%swap3A_3698] {strides = array<i32>} : memref<640xi32, #tpu.memory_space<vmem>>, vector<16xi32>,
      %swap3A_3700 = vector.shape_cast %swap3A_3699 : vector<16xi32> to vector<16xi32>
      %swap3A_3701 = vector.shape_cast %add3A_3697 : vector<16xi32> to vector<16xi32>
      tpu.vector_store %arg5[%swap3A_3698], %swap3A_3701 {strides = array<i32>} : memref<640xi32, #tpu.memory_space<vmem>>, vector<16xi32>,
      %add3A_3702 = arith.constant 144 : i32
      %add3A_3703 = vector.broadcast %add3A_3702 : i32 to vector<16xi32>
      %add3A_3704 = arith.addi %mul3A_3626, %add3A_3703 : vector<16xi32>
      %mul3A_3705 = arith.constant 9 : i32
      %mul3A_3706 = vector.broadcast %mul3A_3705 : i32 to vector<16xi32>
      %mul3A_3707 = arith.muli %mul3A_3706, %iota3A_3622 : vector<16xi32>
      %add3A_3708 = arith.addi %add3A_3704, %mul3A_3707 : vector<16xi32>
      %get3A_3709 = arith.constant 80 : index
      %get3A_3710 = tpu.vector_load %arg5[%get3A_3709] {strides = array<i32>} : memref<640xi32, #tpu.memory_space<vmem>>, vector<16xi32>,
      %get3A_3711 = vector.shape_cast %get3A_3710 : vector<16xi32> to vector<16xi32>
      %add3A_3712 = arith.addi %get3A_3711, %add3A_3708 : vector<16xi32>
      %swap3A_3713 = arith.constant 80 : index
      %swap3A_3714 = tpu.vector_load %arg5[%swap3A_3713] {strides = array<i32>} : memref<640xi32, #tpu.memory_space<vmem>>, vector<16xi32>,
      %swap3A_3715 = vector.shape_cast %swap3A_3714 : vector<16xi32> to vector<16xi32>
      %swap3A_3716 = vector.shape_cast %add3A_3712 : vector<16xi32> to vector<16xi32>
      tpu.vector_store %arg5[%swap3A_3713], %swap3A_3716 {strides = array<i32>} : memref<640xi32, #tpu.memory_space<vmem>>, vector<16xi32>,
      %add3A_3717 = arith.constant 144 : i32
      %add3A_3718 = vector.broadcast %add3A_3717 : i32 to vector<16xi32>
      %add3A_3719 = arith.addi %mul3A_3626, %add3A_3718 : vector<16xi32>
      %mul3A_3720 = arith.constant 9 : i32
      %mul3A_3721 = vector.broadcast %mul3A_3720 : i32 to vector<16xi32>
      %mul3A_3722 = arith.muli %mul3A_3721, %iota3A_3622 : vector<16xi32>
      %add3A_3723 = arith.addi %add3A_3719, %mul3A_3722 : vector<16xi32>
      %get3A_3724 = arith.constant 96 : index
      %get3A_3725 = tpu.vector_load %arg5[%get3A_3724] {strides = array<i32>} : memref<640xi32, #tpu.memory_space<vmem>>, vector<16xi32>,
      %get3A_3726 = vector.shape_cast %get3A_3725 : vector<16xi32> to vector<16xi32>
      %add3A_3727 = arith.addi %get3A_3726, %add3A_3723 : vector<16xi32>
      %swap3A_3728 = arith.constant 96 : index
      %swap3A_3729 = tpu.vector_load %arg5[%swap3A_3728] {strides = array<i32>} : memref<640xi32, #tpu.memory_space<vmem>>, vector<16xi32>,
      %swap3A_3730 = vector.shape_cast %swap3A_3729 : vector<16xi32> to vector<16xi32>
      %swap3A_3731 = vector.shape_cast %add3A_3727 : vector<16xi32> to vector<16xi32>
      tpu.vector_store %arg5[%swap3A_3728], %swap3A_3731 {strides = array<i32>} : memref<640xi32, #tpu.memory_space<vmem>>, vector<16xi32>,
      %add3A_3732 = arith.constant 144 : i32
      %add3A_3733 = vector.broadcast %add3A_3732 : i32 to vector<16xi32>
      %add3A_3734 = arith.addi %mul3A_3626, %add3A_3733 : vector<16xi32>
      %mul3A_3735 = arith.constant 9 : i32
      %mul3A_3736 = vector.broadcast %mul3A_3735 : i32 to vector<16xi32>
      %mul3A_3737 = arith.muli %mul3A_3736, %iota3A_3622 : vector<16xi32>
      %add3A_3738 = arith.addi %add3A_3734, %mul3A_3737 : vector<16xi32>
      %get3A_3739 = arith.constant 112 : index
      %get3A_3740 = tpu.vector_load %arg5[%get3A_3739] {strides = array<i32>} : memref<640xi32, #tpu.memory_space<vmem>>, vector<16xi32>,
      %get3A_3741 = vector.shape_cast %get3A_3740 : vector<16xi32> to vector<16xi32>
      %add3A_3742 = arith.addi %get3A_3741, %add3A_3738 : vector<16xi32>
      %swap3A_3743 = arith.constant 112 : index
      %swap3A_3744 = tpu.vector_load %arg5[%swap3A_3743] {strides = array<i32>} : memref<640xi32, #tpu.memory_space<vmem>>, vector<16xi32>,
      %swap3A_3745 = vector.shape_cast %swap3A_3744 : vector<16xi32> to vector<16xi32>
      %swap3A_3746 = vector.shape_cast %add3A_3742 : vector<16xi32> to vector<16xi32>
      tpu.vector_store %arg5[%swap3A_3743], %swap3A_3746 {strides = array<i32>} : memref<640xi32, #tpu.memory_space<vmem>>, vector<16xi32>,
      %add3A_3747 = arith.constant 288 : i32
      %add3A_3748 = vector.broadcast %add3A_3747 : i32 to vector<16xi32>
      %add3A_3749 = arith.addi %mul3A_3626, %add3A_3748 : vector<16xi32>
      %mul3A_3750 = arith.constant 9 : i32
      %mul3A_3751 = vector.broadcast %mul3A_3750 : i32 to vector<16xi32>
      %mul3A_3752 = arith.muli %mul3A_3751, %iota3A_3622 : vector<16xi32>
      %add3A_3753 = arith.addi %add3A_3749, %mul3A_3752 : vector<16xi32>
      %get3A_3754 = arith.constant 128 : index
      %get3A_3755 = tpu.vector_load %arg5[%get3A_3754] {strides = array<i32>} : memref<640xi32, #tpu.memory_space<vmem>>, vector<16xi32>,
      %get3A_3756 = vector.shape_cast %get3A_3755 : vector<16xi32> to vector<16xi32>
      %add3A_3757 = arith.addi %get3A_3756, %add3A_3753 : vector<16xi32>
      %swap3A_3758 = arith.constant 128 : index
      %swap3A_3759 = tpu.vector_load %arg5[%swap3A_3758] {strides = array<i32>} : memref<640xi32, #tpu.memory_space<vmem>>, vector<16xi32>,
      %swap3A_3760 = vector.shape_cast %swap3A_3759 : vector<16xi32> to vector<16xi32>
      %swap3A_3761 = vector.shape_cast %add3A_3757 : vector<16xi32> to vector<16xi32>
      tpu.vector_store %arg5[%swap3A_3758], %swap3A_3761 {strides = array<i32>} : memref<640xi32, #tpu.memory_space<vmem>>, vector<16xi32>,
      %add3A_3762 = arith.constant 288 : i32
      %add3A_3763 = vector.broadcast %add3A_3762 : i32 to vector<16xi32>
      %add3A_3764 = arith.addi %mul3A_3626, %add3A_3763 : vector<16xi32>
      %mul3A_3765 = arith.constant 9 : i32
      %mul3A_3766 = vector.broadcast %mul3A_3765 : i32 to vector<16xi32>
      %mul3A_3767 = arith.muli %mul3A_3766, %iota3A_3622 : vector<16xi32>
      %add3A_3768 = arith.addi %add3A_3764, %mul3A_3767 : vector<16xi32>
      %get3A_3769 = arith.constant 144 : index
      %get3A_3770 = tpu.vector_load %arg5[%get3A_3769] {strides = array<i32>} : memref<640xi32, #tpu.memory_space<vmem>>, vector<16xi32>,
      %get3A_3771 = vector.shape_cast %get3A_3770 : vector<16xi32> to vector<16xi32>
      %add3A_3772 = arith.addi %get3A_3771, %add3A_3768 : vector<16xi32>
      %swap3A_3773 = arith.constant 144 : index
      %swap3A_3774 = tpu.vector_load %arg5[%swap3A_3773] {strides = array<i32>} : memref<640xi32, #tpu.memory_space<vmem>>, vector<16xi32>,
      %swap3A_3775 = vector.shape_cast %swap3A_3774 : vector<16xi32> to vector<16xi32>
      %swap3A_3776 = vector.shape_cast %add3A_3772 : vector<16xi32> to vector<16xi32>
      tpu.vector_store %arg5[%swap3A_3773], %swap3A_3776 {strides = array<i32>} : memref<640xi32, #tpu.memory_space<vmem>>, vector<16xi32>,
      %add3A_3777 = arith.constant 288 : i32
      %add3A_3778 = vector.broadcast %add3A_3777 : i32 to vector<16xi32>
      %add3A_3779 = arith.addi %mul3A_3626, %add3A_3778 : vector<16xi32>
      %mul3A_3780 = arith.constant 9 : i32
      %mul3A_3781 = vector.broadcast %mul3A_3780 : i32 to vector<16xi32>
      %mul3A_3782 = arith.muli %mul3A_3781, %iota3A_3622 : vector<16xi32>
      %add3A_3783 = arith.addi %add3A_3779, %mul3A_3782 : vector<16xi32>
      %get3A_3784 = arith.constant 160 : index
      %get3A_3785 = tpu.vector_load %arg5[%get3A_3784] {strides = array<i32>} : memref<640xi32, #tpu.memory_space<vmem>>, vector<16xi32>,
      %get3A_3786 = vector.shape_cast %get3A_3785 : vector<16xi32> to vector<16xi32>
      %add3A_3787 = arith.addi %get3A_3786, %add3A_3783 : vector<16xi32>
      %swap3A_3788 = arith.constant 160 : index
      %swap3A_3789 = tpu.vector_load %arg5[%swap3A_3788] {strides = array<i32>} : memref<640xi32, #tpu.memory_space<vmem>>, vector<16xi32>,
      %swap3A_3790 = vector.shape_cast %swap3A_3789 : vector<16xi32> to vector<16xi32>
      %swap3A_3791 = vector.shape_cast %add3A_3787 : vector<16xi32> to vector<16xi32>
      tpu.vector_store %arg5[%swap3A_3788], %swap3A_3791 {strides = array<i32>} : memref<640xi32, #tpu.memory_space<vmem>>, vector<16xi32>,
      %add3A_3792 = arith.constant 288 : i32
      %add3A_3793 = vector.broadcast %add3A_3792 : i32 to vector<16xi32>
      %add3A_3794 = arith.addi %mul3A_3626, %add3A_3793 : vector<16xi32>
      %mul3A_3795 = arith.constant 9 : i32
      %mul3A_3796 = vector.broadcast %mul3A_3795 : i32 to vector<16xi32>
      %mul3A_3797 = arith.muli %mul3A_3796, %iota3A_3622 : vector<16xi32>
      %add3A_3798 = arith.addi %add3A_3794, %mul3A_3797 : vector<16xi32>
      %get3A_3799 = arith.constant 176 : index
      %get3A_3800 = tpu.vector_load %arg5[%get3A_3799] {strides = array<i32>} : memref<640xi32, #tpu.memory_space<vmem>>, vector<16xi32>,
      %get3A_3801 = vector.shape_cast %get3A_3800 : vector<16xi32> to vector<16xi32>
      %add3A_3802 = arith.addi %get3A_3801, %add3A_3798 : vector<16xi32>
      %swap3A_3803 = arith.constant 176 : index
      %swap3A_3804 = tpu.vector_load %arg5[%swap3A_3803] {strides = array<i32>} : memref<640xi32, #tpu.memory_space<vmem>>, vector<16xi32>,
      %swap3A_3805 = vector.shape_cast %swap3A_3804 : vector<16xi32> to vector<16xi32>
      %swap3A_3806 = vector.shape_cast %add3A_3802 : vector<16xi32> to vector<16xi32>
      tpu.vector_store %arg5[%swap3A_3803], %swap3A_3806 {strides = array<i32>} : memref<640xi32, #tpu.memory_space<vmem>>, vector<16xi32>,
      %add3A_3807 = arith.constant 432 : i32
      %add3A_3808 = vector.broadcast %add3A_3807 : i32 to vector<16xi32>
      %add3A_3809 = arith.addi %mul3A_3626, %add3A_3808 : vector<16xi32>
      %mul3A_3810 = arith.constant 9 : i32
      %mul3A_3811 = vector.broadcast %mul3A_3810 : i32 to vector<16xi32>
      %mul3A_3812 = arith.muli %mul3A_3811, %iota3A_3622 : vector<16xi32>
      %add3A_3813 = arith.addi %add3A_3809, %mul3A_3812 : vector<16xi32>
      %get3A_3814 = arith.constant 192 : index
      %get3A_3815 = tpu.vector_load %arg5[%get3A_3814] {strides = array<i32>} : memref<640xi32, #tpu.memory_space<vmem>>, vector<16xi32>,
      %get3A_3816 = vector.shape_cast %get3A_3815 : vector<16xi32> to vector<16xi32>
      %add3A_3817 = arith.addi %get3A_3816, %add3A_3813 : vector<16xi32>
      %swap3A_3818 = arith.constant 192 : index
      %swap3A_3819 = tpu.vector_load %arg5[%swap3A_3818] {strides = array<i32>} : memref<640xi32, #tpu.memory_space<vmem>>, vector<16xi32>,
      %swap3A_3820 = vector.shape_cast %swap3A_3819 : vector<16xi32> to vector<16xi32>
      %swap3A_3821 = vector.shape_cast %add3A_3817 : vector<16xi32> to vector<16xi32>
      tpu.vector_store %arg5[%swap3A_3818], %swap3A_3821 {strides = array<i32>} : memref<640xi32, #tpu.memory_space<vmem>>, vector<16xi32>,
      %add3A_3822 = arith.constant 432 : i32
      %add3A_3823 = vector.broadcast %add3A_3822 : i32 to vector<16xi32>
      %add3A_3824 = arith.addi %mul3A_3626, %add3A_3823 : vector<16xi32>
      %mul3A_3825 = arith.constant 9 : i32
      %mul3A_3826 = vector.broadcast %mul3A_3825 : i32 to vector<16xi32>
      %mul3A_3827 = arith.muli %mul3A_3826, %iota3A_3622 : vector<16xi32>
      %add3A_3828 = arith.addi %add3A_3824, %mul3A_3827 : vector<16xi32>
      %get3A_3829 = arith.constant 208 : index
      %get3A_3830 = tpu.vector_load %arg5[%get3A_3829] {strides = array<i32>} : memref<640xi32, #tpu.memory_space<vmem>>, vector<16xi32>,
      %get3A_3831 = vector.shape_cast %get3A_3830 : vector<16xi32> to vector<16xi32>
      %add3A_3832 = arith.addi %get3A_3831, %add3A_3828 : vector<16xi32>
      %swap3A_3833 = arith.constant 208 : index
      %swap3A_3834 = tpu.vector_load %arg5[%swap3A_3833] {strides = array<i32>} : memref<640xi32, #tpu.memory_space<vmem>>, vector<16xi32>,
      %swap3A_3835 = vector.shape_cast %swap3A_3834 : vector<16xi32> to vector<16xi32>
      %swap3A_3836 = vector.shape_cast %add3A_3832 : vector<16xi32> to vector<16xi32>
      tpu.vector_store %arg5[%swap3A_3833], %swap3A_3836 {strides = array<i32>} : memref<640xi32, #tpu.memory_space<vmem>>, vector<16xi32>,
      %add3A_3837 = arith.constant 432 : i32
      %add3A_3838 = vector.broadcast %add3A_3837 : i32 to vector<16xi32>
      %add3A_3839 = arith.addi %mul3A_3626, %add3A_3838 : vector<16xi32>
      %mul3A_3840 = arith.constant 9 : i32
      %mul3A_3841 = vector.broadcast %mul3A_3840 : i32 to vector<16xi32>
      %mul3A_3842 = arith.muli %mul3A_3841, %iota3A_3622 : vector<16xi32>
      %add3A_3843 = arith.addi %add3A_3839, %mul3A_3842 : vector<16xi32>
      %get3A_3844 = arith.constant 224 : index
      %get3A_3845 = tpu.vector_load %arg5[%get3A_3844] {strides = array<i32>} : memref<640xi32, #tpu.memory_space<vmem>>, vector<16xi32>,
      %get3A_3846 = vector.shape_cast %get3A_3845 : vector<16xi32> to vector<16xi32>
      %add3A_3847 = arith.addi %get3A_3846, %add3A_3843 : vector<16xi32>
      %swap3A_3848 = arith.constant 224 : index
      %swap3A_3849 = tpu.vector_load %arg5[%swap3A_3848] {strides = array<i32>} : memref<640xi32, #tpu.memory_space<vmem>>, vector<16xi32>,
      %swap3A_3850 = vector.shape_cast %swap3A_3849 : vector<16xi32> to vector<16xi32>
      %swap3A_3851 = vector.shape_cast %add3A_3847 : vector<16xi32> to vector<16xi32>
      tpu.vector_store %arg5[%swap3A_3848], %swap3A_3851 {strides = array<i32>} : memref<640xi32, #tpu.memory_space<vmem>>, vector<16xi32>,
      %add3A_3852 = arith.constant 432 : i32
      %add3A_3853 = vector.broadcast %add3A_3852 : i32 to vector<16xi32>
      %add3A_3854 = arith.addi %mul3A_3626, %add3A_3853 : vector<16xi32>
      %mul3A_3855 = arith.constant 9 : i32
      %mul3A_3856 = vector.broadcast %mul3A_3855 : i32 to vector<16xi32>
      %mul3A_3857 = arith.muli %mul3A_3856, %iota3A_3622 : vector<16xi32>
      %add3A_3858 = arith.addi %add3A_3854, %mul3A_3857 : vector<16xi32>
      %get3A_3859 = arith.constant 240 : index
      %get3A_3860 = tpu.vector_load %arg5[%get3A_3859] {strides = array<i32>} : memref<640xi32, #tpu.memory_space<vmem>>, vector<16xi32>,
      %get3A_3861 = vector.shape_cast %get3A_3860 : vector<16xi32> to vector<16xi32>
      %add3A_3862 = arith.addi %get3A_3861, %add3A_3858 : vector<16xi32>
      %swap3A_3863 = arith.constant 240 : index
      %swap3A_3864 = tpu.vector_load %arg5[%swap3A_3863] {strides = array<i32>} : memref<640xi32, #tpu.memory_space<vmem>>, vector<16xi32>,
      %swap3A_3865 = vector.shape_cast %swap3A_3864 : vector<16xi32> to vector<16xi32>
      %swap3A_3866 = vector.shape_cast %add3A_3862 : vector<16xi32> to vector<16xi32>
      tpu.vector_store %arg5[%swap3A_3863], %swap3A_3866 {strides = array<i32>} : memref<640xi32, #tpu.memory_space<vmem>>, vector<16xi32>,
      %add3A_3867 = arith.constant 576 : i32
      %add3A_3868 = vector.broadcast %add3A_3867 : i32 to vector<16xi32>
      %add3A_3869 = arith.addi %mul3A_3626, %add3A_3868 : vector<16xi32>
      %mul3A_3870 = arith.constant 9 : i32
      %mul3A_3871 = vector.broadcast %mul3A_3870 : i32 to vector<16xi32>
      %mul3A_3872 = arith.muli %mul3A_3871, %iota3A_3622 : vector<16xi32>
      %add3A_3873 = arith.addi %add3A_3869, %mul3A_3872 : vector<16xi32>
      %get3A_3874 = arith.constant 256 : index
      %get3A_3875 = tpu.vector_load %arg5[%get3A_3874] {strides = array<i32>} : memref<640xi32, #tpu.memory_space<vmem>>, vector<16xi32>,
      %get3A_3876 = vector.shape_cast %get3A_3875 : vector<16xi32> to vector<16xi32>
      %add3A_3877 = arith.addi %get3A_3876, %add3A_3873 : vector<16xi32>
      %swap3A_3878 = arith.constant 256 : index
      %swap3A_3879 = tpu.vector_load %arg5[%swap3A_3878] {strides = array<i32>} : memref<640xi32, #tpu.memory_space<vmem>>, vector<16xi32>,
      %swap3A_3880 = vector.shape_cast %swap3A_3879 : vector<16xi32> to vector<16xi32>
      %swap3A_3881 = vector.shape_cast %add3A_3877 : vector<16xi32> to vector<16xi32>
      tpu.vector_store %arg5[%swap3A_3878], %swap3A_3881 {strides = array<i32>} : memref<640xi32, #tpu.memory_space<vmem>>, vector<16xi32>,
      %add3A_3882 = arith.constant 576 : i32
      %add3A_3883 = vector.broadcast %add3A_3882 : i32 to vector<16xi32>
      %add3A_3884 = arith.addi %mul3A_3626, %add3A_3883 : vector<16xi32>
      %mul3A_3885 = arith.constant 9 : i32
      %mul3A_3886 = vector.broadcast %mul3A_3885 : i32 to vector<16xi32>
      %mul3A_3887 = arith.muli %mul3A_3886, %iota3A_3622 : vector<16xi32>
      %add3A_3888 = arith.addi %add3A_3884, %mul3A_3887 : vector<16xi32>
      %get3A_3889 = arith.constant 272 : index
      %get3A_3890 = tpu.vector_load %arg5[%get3A_3889] {strides = array<i32>} : memref<640xi32, #tpu.memory_space<vmem>>, vector<16xi32>,
      %get3A_3891 = vector.shape_cast %get3A_3890 : vector<16xi32> to vector<16xi32>
      %add3A_3892 = arith.addi %get3A_3891, %add3A_3888 : vector<16xi32>
      %swap3A_3893 = arith.constant 272 : index
      %swap3A_3894 = tpu.vector_load %arg5[%swap3A_3893] {strides = array<i32>} : memref<640xi32, #tpu.memory_space<vmem>>, vector<16xi32>,
      %swap3A_3895 = vector.shape_cast %swap3A_3894 : vector<16xi32> to vector<16xi32>
      %swap3A_3896 = vector.shape_cast %add3A_3892 : vector<16xi32> to vector<16xi32>
      tpu.vector_store %arg5[%swap3A_3893], %swap3A_3896 {strides = array<i32>} : memref<640xi32, #tpu.memory_space<vmem>>, vector<16xi32>,
      %add3A_3897 = arith.constant 576 : i32
      %add3A_3898 = vector.broadcast %add3A_3897 : i32 to vector<16xi32>
      %add3A_3899 = arith.addi %mul3A_3626, %add3A_3898 : vector<16xi32>
      %mul3A_3900 = arith.constant 9 : i32
      %mul3A_3901 = vector.broadcast %mul3A_3900 : i32 to vector<16xi32>
      %mul3A_3902 = arith.muli %mul3A_3901, %iota3A_3622 : vector<16xi32>
      %add3A_3903 = arith.addi %add3A_3899, %mul3A_3902 : vector<16xi32>
      %get3A_3904 = arith.constant 288 : index
      %get3A_3905 = tpu.vector_load %arg5[%get3A_3904] {strides = array<i32>} : memref<640xi32, #tpu.memory_space<vmem>>, vector<16xi32>,
      %get3A_3906 = vector.shape_cast %get3A_3905 : vector<16xi32> to vector<16xi32>
      %add3A_3907 = arith.addi %get3A_3906, %add3A_3903 : vector<16xi32>
      %swap3A_3908 = arith.constant 288 : index
      %swap3A_3909 = tpu.vector_load %arg5[%swap3A_3908] {strides = array<i32>} : memref<640xi32, #tpu.memory_space<vmem>>, vector<16xi32>,
      %swap3A_3910 = vector.shape_cast %swap3A_3909 : vector<16xi32> to vector<16xi32>
      %swap3A_3911 = vector.shape_cast %add3A_3907 : vector<16xi32> to vector<16xi32>
      tpu.vector_store %arg5[%swap3A_3908], %swap3A_3911 {strides = array<i32>} : memref<640xi32, #tpu.memory_space<vmem>>, vector<16xi32>,
      %add3A_3912 = arith.constant 576 : i32
      %add3A_3913 = vector.broadcast %add3A_3912 : i32 to vector<16xi32>
      %add3A_3914 = arith.addi %mul3A_3626, %add3A_3913 : vector<16xi32>
      %mul3A_3915 = arith.constant 9 : i32
      %mul3A_3916 = vector.broadcast %mul3A_3915 : i32 to vector<16xi32>
      %mul3A_3917 = arith.muli %mul3A_3916, %iota3A_3622 : vector<16xi32>
      %add3A_3918 = arith.addi %add3A_3914, %mul3A_3917 : vector<16xi32>
      %get3A_3919 = arith.constant 304 : index
      %get3A_3920 = tpu.vector_load %arg5[%get3A_3919] {strides = array<i32>} : memref<640xi32, #tpu.memory_space<vmem>>, vector<16xi32>,
      %get3A_3921 = vector.shape_cast %get3A_3920 : vector<16xi32> to vector<16xi32>
      %add3A_3922 = arith.addi %get3A_3921, %add3A_3918 : vector<16xi32>
      %swap3A_3923 = arith.constant 304 : index
      %swap3A_3924 = tpu.vector_load %arg5[%swap3A_3923] {strides = array<i32>} : memref<640xi32, #tpu.memory_space<vmem>>, vector<16xi32>,
      %swap3A_3925 = vector.shape_cast %swap3A_3924 : vector<16xi32> to vector<16xi32>
      %swap3A_3926 = vector.shape_cast %add3A_3922 : vector<16xi32> to vector<16xi32>
      tpu.vector_store %arg5[%swap3A_3923], %swap3A_3926 {strides = array<i32>} : memref<640xi32, #tpu.memory_space<vmem>>, vector<16xi32>,
      %add3A_3927 = arith.constant 720 : i32
      %add3A_3928 = vector.broadcast %add3A_3927 : i32 to vector<16xi32>
      %add3A_3929 = arith.addi %mul3A_3626, %add3A_3928 : vector<16xi32>
      %mul3A_3930 = arith.constant 9 : i32
      %mul3A_3931 = vector.broadcast %mul3A_3930 : i32 to vector<16xi32>
      %mul3A_3932 = arith.muli %mul3A_3931, %iota3A_3622 : vector<16xi32>
      %add3A_3933 = arith.addi %add3A_3929, %mul3A_3932 : vector<16xi32>
      %get3A_3934 = arith.constant 320 : index
      %get3A_3935 = tpu.vector_load %arg5[%get3A_3934] {strides = array<i32>} : memref<640xi32, #tpu.memory_space<vmem>>, vector<16xi32>,
      %get3A_3936 = vector.shape_cast %get3A_3935 : vector<16xi32> to vector<16xi32>
      %add3A_3937 = arith.addi %get3A_3936, %add3A_3933 : vector<16xi32>
      %swap3A_3938 = arith.constant 320 : index
      %swap3A_3939 = tpu.vector_load %arg5[%swap3A_3938] {strides = array<i32>} : memref<640xi32, #tpu.memory_space<vmem>>, vector<16xi32>,
      %swap3A_3940 = vector.shape_cast %swap3A_3939 : vector<16xi32> to vector<16xi32>
      %swap3A_3941 = vector.shape_cast %add3A_3937 : vector<16xi32> to vector<16xi32>
      tpu.vector_store %arg5[%swap3A_3938], %swap3A_3941 {strides = array<i32>} : memref<640xi32, #tpu.memory_space<vmem>>, vector<16xi32>,
      %add3A_3942 = arith.constant 720 : i32
      %add3A_3943 = vector.broadcast %add3A_3942 : i32 to vector<16xi32>
      %add3A_3944 = arith.addi %mul3A_3626, %add3A_3943 : vector<16xi32>
      %mul3A_3945 = arith.constant 9 : i32
      %mul3A_3946 = vector.broadcast %mul3A_3945 : i32 to vector<16xi32>
      %mul3A_3947 = arith.muli %mul3A_3946, %iota3A_3622 : vector<16xi32>
      %add3A_3948 = arith.addi %add3A_3944, %mul3A_3947 : vector<16xi32>
      %get3A_3949 = arith.constant 336 : index
      %get3A_3950 = tpu.vector_load %arg5[%get3A_3949] {strides = array<i32>} : memref<640xi32, #tpu.memory_space<vmem>>, vector<16xi32>,
      %get3A_3951 = vector.shape_cast %get3A_3950 : vector<16xi32> to vector<16xi32>
      %add3A_3952 = arith.addi %get3A_3951, %add3A_3948 : vector<16xi32>
      %swap3A_3953 = arith.constant 336 : index
      %swap3A_3954 = tpu.vector_load %arg5[%swap3A_3953] {strides = array<i32>} : memref<640xi32, #tpu.memory_space<vmem>>, vector<16xi32>,
      %swap3A_3955 = vector.shape_cast %swap3A_3954 : vector<16xi32> to vector<16xi32>
      %swap3A_3956 = vector.shape_cast %add3A_3952 : vector<16xi32> to vector<16xi32>
      tpu.vector_store %arg5[%swap3A_3953], %swap3A_3956 {strides = array<i32>} : memref<640xi32, #tpu.memory_space<vmem>>, vector<16xi32>,
      %add3A_3957 = arith.constant 720 : i32
      %add3A_3958 = vector.broadcast %add3A_3957 : i32 to vector<16xi32>
      %add3A_3959 = arith.addi %mul3A_3626, %add3A_3958 : vector<16xi32>
      %mul3A_3960 = arith.constant 9 : i32
      %mul3A_3961 = vector.broadcast %mul3A_3960 : i32 to vector<16xi32>
      %mul3A_3962 = arith.muli %mul3A_3961, %iota3A_3622 : vector<16xi32>
      %add3A_3963 = arith.addi %add3A_3959, %mul3A_3962 : vector<16xi32>
      %get3A_3964 = arith.constant 352 : index
      %get3A_3965 = tpu.vector_load %arg5[%get3A_3964] {strides = array<i32>} : memref<640xi32, #tpu.memory_space<vmem>>, vector<16xi32>,
      %get3A_3966 = vector.shape_cast %get3A_3965 : vector<16xi32> to vector<16xi32>
      %add3A_3967 = arith.addi %get3A_3966, %add3A_3963 : vector<16xi32>
      %swap3A_3968 = arith.constant 352 : index
      %swap3A_3969 = tpu.vector_load %arg5[%swap3A_3968] {strides = array<i32>} : memref<640xi32, #tpu.memory_space<vmem>>, vector<16xi32>,
      %swap3A_3970 = vector.shape_cast %swap3A_3969 : vector<16xi32> to vector<16xi32>
      %swap3A_3971 = vector.shape_cast %add3A_3967 : vector<16xi32> to vector<16xi32>
      tpu.vector_store %arg5[%swap3A_3968], %swap3A_3971 {strides = array<i32>} : memref<640xi32, #tpu.memory_space<vmem>>, vector<16xi32>,
      %add3A_3972 = arith.constant 720 : i32
      %add3A_3973 = vector.broadcast %add3A_3972 : i32 to vector<16xi32>
      %add3A_3974 = arith.addi %mul3A_3626, %add3A_3973 : vector<16xi32>
      %mul3A_3975 = arith.constant 9 : i32
      %mul3A_3976 = vector.broadcast %mul3A_3975 : i32 to vector<16xi32>
      %mul3A_3977 = arith.muli %mul3A_3976, %iota3A_3622 : vector<16xi32>
      %add3A_3978 = arith.addi %add3A_3974, %mul3A_3977 : vector<16xi32>
      %get3A_3979 = arith.constant 368 : index
      %get3A_3980 = tpu.vector_load %arg5[%get3A_3979] {strides = array<i32>} : memref<640xi32, #tpu.memory_space<vmem>>, vector<16xi32>,
      %get3A_3981 = vector.shape_cast %get3A_3980 : vector<16xi32> to vector<16xi32>
      %add3A_3982 = arith.addi %get3A_3981, %add3A_3978 : vector<16xi32>
      %swap3A_3983 = arith.constant 368 : index
      %swap3A_3984 = tpu.vector_load %arg5[%swap3A_3983] {strides = array<i32>} : memref<640xi32, #tpu.memory_space<vmem>>, vector<16xi32>,
      %swap3A_3985 = vector.shape_cast %swap3A_3984 : vector<16xi32> to vector<16xi32>
      %swap3A_3986 = vector.shape_cast %add3A_3982 : vector<16xi32> to vector<16xi32>
      tpu.vector_store %arg5[%swap3A_3983], %swap3A_3986 {strides = array<i32>} : memref<640xi32, #tpu.memory_space<vmem>>, vector<16xi32>,
      %add3A_3987 = arith.constant 864 : i32
      %add3A_3988 = vector.broadcast %add3A_3987 : i32 to vector<16xi32>
      %add3A_3989 = arith.addi %mul3A_3626, %add3A_3988 : vector<16xi32>
      %mul3A_3990 = arith.constant 9 : i32
      %mul3A_3991 = vector.broadcast %mul3A_3990 : i32 to vector<16xi32>
      %mul3A_3992 = arith.muli %mul3A_3991, %iota3A_3622 : vector<16xi32>
      %add3A_3993 = arith.addi %add3A_3989, %mul3A_3992 : vector<16xi32>
      %get3A_3994 = arith.constant 384 : index
      %get3A_3995 = tpu.vector_load %arg5[%get3A_3994] {strides = array<i32>} : memref<640xi32, #tpu.memory_space<vmem>>, vector<16xi32>,
      %get3A_3996 = vector.shape_cast %get3A_3995 : vector<16xi32> to vector<16xi32>
      %add3A_3997 = arith.addi %get3A_3996, %add3A_3993 : vector<16xi32>
      %swap3A_3998 = arith.constant 384 : index
      %swap3A_3999 = tpu.vector_load %arg5[%swap3A_3998] {strides = array<i32>} : memref<640xi32, #tpu.memory_space<vmem>>, vector<16xi32>,
      %swap3A_4000 = vector.shape_cast %swap3A_3999 : vector<16xi32> to vector<16xi32>
      %swap3A_4001 = vector.shape_cast %add3A_3997 : vector<16xi32> to vector<16xi32>
      tpu.vector_store %arg5[%swap3A_3998], %swap3A_4001 {strides = array<i32>} : memref<640xi32, #tpu.memory_space<vmem>>, vector<16xi32>,
      %add3A_4002 = arith.constant 864 : i32
      %add3A_4003 = vector.broadcast %add3A_4002 : i32 to vector<16xi32>
      %add3A_4004 = arith.addi %mul3A_3626, %add3A_4003 : vector<16xi32>
      %mul3A_4005 = arith.constant 9 : i32
      %mul3A_4006 = vector.broadcast %mul3A_4005 : i32 to vector<16xi32>
      %mul3A_4007 = arith.muli %mul3A_4006, %iota3A_3622 : vector<16xi32>
      %add3A_4008 = arith.addi %add3A_4004, %mul3A_4007 : vector<16xi32>
      %get3A_4009 = arith.constant 400 : index
      %get3A_4010 = tpu.vector_load %arg5[%get3A_4009] {strides = array<i32>} : memref<640xi32, #tpu.memory_space<vmem>>, vector<16xi32>,
      %get3A_4011 = vector.shape_cast %get3A_4010 : vector<16xi32> to vector<16xi32>
      %add3A_4012 = arith.addi %get3A_4011, %add3A_4008 : vector<16xi32>
      %swap3A_4013 = arith.constant 400 : index
      %swap3A_4014 = tpu.vector_load %arg5[%swap3A_4013] {strides = array<i32>} : memref<640xi32, #tpu.memory_space<vmem>>, vector<16xi32>,
      %swap3A_4015 = vector.shape_cast %swap3A_4014 : vector<16xi32> to vector<16xi32>
      %swap3A_4016 = vector.shape_cast %add3A_4012 : vector<16xi32> to vector<16xi32>
      tpu.vector_store %arg5[%swap3A_4013], %swap3A_4016 {strides = array<i32>} : memref<640xi32, #tpu.memory_space<vmem>>, vector<16xi32>,
      %add3A_4017 = arith.constant 864 : i32
      %add3A_4018 = vector.broadcast %add3A_4017 : i32 to vector<16xi32>
      %add3A_4019 = arith.addi %mul3A_3626, %add3A_4018 : vector<16xi32>
      %mul3A_4020 = arith.constant 9 : i32
      %mul3A_4021 = vector.broadcast %mul3A_4020 : i32 to vector<16xi32>
      %mul3A_4022 = arith.muli %mul3A_4021, %iota3A_3622 : vector<16xi32>
      %add3A_4023 = arith.addi %add3A_4019, %mul3A_4022 : vector<16xi32>
      %get3A_4024 = arith.constant 416 : index
      %get3A_4025 = tpu.vector_load %arg5[%get3A_4024] {strides = array<i32>} : memref<640xi32, #tpu.memory_space<vmem>>, vector<16xi32>,
      %get3A_4026 = vector.shape_cast %get3A_4025 : vector<16xi32> to vector<16xi32>
      %add3A_4027 = arith.addi %get3A_4026, %add3A_4023 : vector<16xi32>
      %swap3A_4028 = arith.constant 416 : index
      %swap3A_4029 = tpu.vector_load %arg5[%swap3A_4028] {strides = array<i32>} : memref<640xi32, #tpu.memory_space<vmem>>, vector<16xi32>,
      %swap3A_4030 = vector.shape_cast %swap3A_4029 : vector<16xi32> to vector<16xi32>
      %swap3A_4031 = vector.shape_cast %add3A_4027 : vector<16xi32> to vector<16xi32>
      tpu.vector_store %arg5[%swap3A_4028], %swap3A_4031 {strides = array<i32>} : memref<640xi32, #tpu.memory_space<vmem>>, vector<16xi32>,
      %add3A_4032 = arith.constant 864 : i32
      %add3A_4033 = vector.broadcast %add3A_4032 : i32 to vector<16xi32>
      %add3A_4034 = arith.addi %mul3A_3626, %add3A_4033 : vector<16xi32>
      %mul3A_4035 = arith.constant 9 : i32
      %mul3A_4036 = vector.broadcast %mul3A_4035 : i32 to vector<16xi32>
      %mul3A_4037 = arith.muli %mul3A_4036, %iota3A_3622 : vector<16xi32>
      %add3A_4038 = arith.addi %add3A_4034, %mul3A_4037 : vector<16xi32>
      %get3A_4039 = arith.constant 432 : index
      %get3A_4040 = tpu.vector_load %arg5[%get3A_4039] {strides = array<i32>} : memref<640xi32, #tpu.memory_space<vmem>>, vector<16xi32>,
      %get3A_4041 = vector.shape_cast %get3A_4040 : vector<16xi32> to vector<16xi32>
      %add3A_4042 = arith.addi %get3A_4041, %add3A_4038 : vector<16xi32>
      %swap3A_4043 = arith.constant 432 : index
      %swap3A_4044 = tpu.vector_load %arg5[%swap3A_4043] {strides = array<i32>} : memref<640xi32, #tpu.memory_space<vmem>>, vector<16xi32>,
      %swap3A_4045 = vector.shape_cast %swap3A_4044 : vector<16xi32> to vector<16xi32>
      %swap3A_4046 = vector.shape_cast %add3A_4042 : vector<16xi32> to vector<16xi32>
      tpu.vector_store %arg5[%swap3A_4043], %swap3A_4046 {strides = array<i32>} : memref<640xi32, #tpu.memory_space<vmem>>, vector<16xi32>,
      %add3A_4047 = arith.constant 1008 : i32
      %add3A_4048 = vector.broadcast %add3A_4047 : i32 to vector<16xi32>
      %add3A_4049 = arith.addi %mul3A_3626, %add3A_4048 : vector<16xi32>
      %mul3A_4050 = arith.constant 9 : i32
      %mul3A_4051 = vector.broadcast %mul3A_4050 : i32 to vector<16xi32>
      %mul3A_4052 = arith.muli %mul3A_4051, %iota3A_3622 : vector<16xi32>
      %add3A_4053 = arith.addi %add3A_4049, %mul3A_4052 : vector<16xi32>
      %get3A_4054 = arith.constant 448 : index
      %get3A_4055 = tpu.vector_load %arg5[%get3A_4054] {strides = array<i32>} : memref<640xi32, #tpu.memory_space<vmem>>, vector<16xi32>,
      %get3A_4056 = vector.shape_cast %get3A_4055 : vector<16xi32> to vector<16xi32>
      %add3A_4057 = arith.addi %get3A_4056, %add3A_4053 : vector<16xi32>
      %swap3A_4058 = arith.constant 448 : index
      %swap3A_4059 = tpu.vector_load %arg5[%swap3A_4058] {strides = array<i32>} : memref<640xi32, #tpu.memory_space<vmem>>, vector<16xi32>,
      %swap3A_4060 = vector.shape_cast %swap3A_4059 : vector<16xi32> to vector<16xi32>
      %swap3A_4061 = vector.shape_cast %add3A_4057 : vector<16xi32> to vector<16xi32>
      tpu.vector_store %arg5[%swap3A_4058], %swap3A_4061 {strides = array<i32>} : memref<640xi32, #tpu.memory_space<vmem>>, vector<16xi32>,
      %add3A_4062 = arith.constant 1008 : i32
      %add3A_4063 = vector.broadcast %add3A_4062 : i32 to vector<16xi32>
      %add3A_4064 = arith.addi %mul3A_3626, %add3A_4063 : vector<16xi32>
      %mul3A_4065 = arith.constant 9 : i32
      %mul3A_4066 = vector.broadcast %mul3A_4065 : i32 to vector<16xi32>
      %mul3A_4067 = arith.muli %mul3A_4066, %iota3A_3622 : vector<16xi32>
      %add3A_4068 = arith.addi %add3A_4064, %mul3A_4067 : vector<16xi32>
      %get3A_4069 = arith.constant 464 : index
      %get3A_4070 = tpu.vector_load %arg5[%get3A_4069] {strides = array<i32>} : memref<640xi32, #tpu.memory_space<vmem>>, vector<16xi32>,
      %get3A_4071 = vector.shape_cast %get3A_4070 : vector<16xi32> to vector<16xi32>
      %add3A_4072 = arith.addi %get3A_4071, %add3A_4068 : vector<16xi32>
      %swap3A_4073 = arith.constant 464 : index
      %swap3A_4074 = tpu.vector_load %arg5[%swap3A_4073] {strides = array<i32>} : memref<640xi32, #tpu.memory_space<vmem>>, vector<16xi32>,
      %swap3A_4075 = vector.shape_cast %swap3A_4074 : vector<16xi32> to vector<16xi32>
      %swap3A_4076 = vector.shape_cast %add3A_4072 : vector<16xi32> to vector<16xi32>
      tpu.vector_store %arg5[%swap3A_4073], %swap3A_4076 {strides = array<i32>} : memref<640xi32, #tpu.memory_space<vmem>>, vector<16xi32>,
      %add3A_4077 = arith.constant 1008 : i32
      %add3A_4078 = vector.broadcast %add3A_4077 : i32 to vector<16xi32>
      %add3A_4079 = arith.addi %mul3A_3626, %add3A_4078 : vector<16xi32>
      %mul3A_4080 = arith.constant 9 : i32
      %mul3A_4081 = vector.broadcast %mul3A_4080 : i32 to vector<16xi32>
      %mul3A_4082 = arith.muli %mul3A_4081, %iota3A_3622 : vector<16xi32>
      %add3A_4083 = arith.addi %add3A_4079, %mul3A_4082 : vector<16xi32>
      %get3A_4084 = arith.constant 480 : index
      %get3A_4085 = tpu.vector_load %arg5[%get3A_4084] {strides = array<i32>} : memref<640xi32, #tpu.memory_space<vmem>>, vector<16xi32>,
      %get3A_4086 = vector.shape_cast %get3A_4085 : vector<16xi32> to vector<16xi32>
      %add3A_4087 = arith.addi %get3A_4086, %add3A_4083 : vector<16xi32>
      %swap3A_4088 = arith.constant 480 : index
      %swap3A_4089 = tpu.vector_load %arg5[%swap3A_4088] {strides = array<i32>} : memref<640xi32, #tpu.memory_space<vmem>>, vector<16xi32>,
      %swap3A_4090 = vector.shape_cast %swap3A_4089 : vector<16xi32> to vector<16xi32>
      %swap3A_4091 = vector.shape_cast %add3A_4087 : vector<16xi32> to vector<16xi32>
      tpu.vector_store %arg5[%swap3A_4088], %swap3A_4091 {strides = array<i32>} : memref<640xi32, #tpu.memory_space<vmem>>, vector<16xi32>,
      %add3A_4092 = arith.constant 1008 : i32
      %add3A_4093 = vector.broadcast %add3A_4092 : i32 to vector<16xi32>
      %add3A_4094 = arith.addi %mul3A_3626, %add3A_4093 : vector<16xi32>
      %mul3A_4095 = arith.constant 9 : i32
      %mul3A_4096 = vector.broadcast %mul3A_4095 : i32 to vector<16xi32>
      %mul3A_4097 = arith.muli %mul3A_4096, %iota3A_3622 : vector<16xi32>
      %add3A_4098 = arith.addi %add3A_4094, %mul3A_4097 : vector<16xi32>
      %get3A_4099 = arith.constant 496 : index
      %get3A_4100 = tpu.vector_load %arg5[%get3A_4099] {strides = array<i32>} : memref<640xi32, #tpu.memory_space<vmem>>, vector<16xi32>,
      %get3A_4101 = vector.shape_cast %get3A_4100 : vector<16xi32> to vector<16xi32>
      %add3A_4102 = arith.addi %get3A_4101, %add3A_4098 : vector<16xi32>
      %swap3A_4103 = arith.constant 496 : index
      %swap3A_4104 = tpu.vector_load %arg5[%swap3A_4103] {strides = array<i32>} : memref<640xi32, #tpu.memory_space<vmem>>, vector<16xi32>,
      %swap3A_4105 = vector.shape_cast %swap3A_4104 : vector<16xi32> to vector<16xi32>
      %swap3A_4106 = vector.shape_cast %add3A_4102 : vector<16xi32> to vector<16xi32>
      tpu.vector_store %arg5[%swap3A_4103], %swap3A_4106 {strides = array<i32>} : memref<640xi32, #tpu.memory_space<vmem>>, vector<16xi32>,
      %add3A_4107 = arith.constant 1152 : i32
      %add3A_4108 = vector.broadcast %add3A_4107 : i32 to vector<16xi32>
      %add3A_4109 = arith.addi %mul3A_3626, %add3A_4108 : vector<16xi32>
      %mul3A_4110 = arith.constant 9 : i32
      %mul3A_4111 = vector.broadcast %mul3A_4110 : i32 to vector<16xi32>
      %mul3A_4112 = arith.muli %mul3A_4111, %iota3A_3622 : vector<16xi32>
      %add3A_4113 = arith.addi %add3A_4109, %mul3A_4112 : vector<16xi32>
      %get3A_4114 = arith.constant 512 : index
      %get3A_4115 = tpu.vector_load %arg5[%get3A_4114] {strides = array<i32>} : memref<640xi32, #tpu.memory_space<vmem>>, vector<16xi32>,
      %get3A_4116 = vector.shape_cast %get3A_4115 : vector<16xi32> to vector<16xi32>
      %add3A_4117 = arith.addi %get3A_4116, %add3A_4113 : vector<16xi32>
      %swap3A_4118 = arith.constant 512 : index
      %swap3A_4119 = tpu.vector_load %arg5[%swap3A_4118] {strides = array<i32>} : memref<640xi32, #tpu.memory_space<vmem>>, vector<16xi32>,
      %swap3A_4120 = vector.shape_cast %swap3A_4119 : vector<16xi32> to vector<16xi32>
      %swap3A_4121 = vector.shape_cast %add3A_4117 : vector<16xi32> to vector<16xi32>
      tpu.vector_store %arg5[%swap3A_4118], %swap3A_4121 {strides = array<i32>} : memref<640xi32, #tpu.memory_space<vmem>>, vector<16xi32>,
      %add3A_4122 = arith.constant 1152 : i32
      %add3A_4123 = vector.broadcast %add3A_4122 : i32 to vector<16xi32>
      %add3A_4124 = arith.addi %mul3A_3626, %add3A_4123 : vector<16xi32>
      %mul3A_4125 = arith.constant 9 : i32
      %mul3A_4126 = vector.broadcast %mul3A_4125 : i32 to vector<16xi32>
      %mul3A_4127 = arith.muli %mul3A_4126, %iota3A_3622 : vector<16xi32>
      %add3A_4128 = arith.addi %add3A_4124, %mul3A_4127 : vector<16xi32>
      %get3A_4129 = arith.constant 528 : index
      %get3A_4130 = tpu.vector_load %arg5[%get3A_4129] {strides = array<i32>} : memref<640xi32, #tpu.memory_space<vmem>>, vector<16xi32>,
      %get3A_4131 = vector.shape_cast %get3A_4130 : vector<16xi32> to vector<16xi32>
      %add3A_4132 = arith.addi %get3A_4131, %add3A_4128 : vector<16xi32>
      %swap3A_4133 = arith.constant 528 : index
      %swap3A_4134 = tpu.vector_load %arg5[%swap3A_4133] {strides = array<i32>} : memref<640xi32, #tpu.memory_space<vmem>>, vector<16xi32>,
      %swap3A_4135 = vector.shape_cast %swap3A_4134 : vector<16xi32> to vector<16xi32>
      %swap3A_4136 = vector.shape_cast %add3A_4132 : vector<16xi32> to vector<16xi32>
      tpu.vector_store %arg5[%swap3A_4133], %swap3A_4136 {strides = array<i32>} : memref<640xi32, #tpu.memory_space<vmem>>, vector<16xi32>,
      %add3A_4137 = arith.constant 1152 : i32
      %add3A_4138 = vector.broadcast %add3A_4137 : i32 to vector<16xi32>
      %add3A_4139 = arith.addi %mul3A_3626, %add3A_4138 : vector<16xi32>
      %mul3A_4140 = arith.constant 9 : i32
      %mul3A_4141 = vector.broadcast %mul3A_4140 : i32 to vector<16xi32>
      %mul3A_4142 = arith.muli %mul3A_4141, %iota3A_3622 : vector<16xi32>
      %add3A_4143 = arith.addi %add3A_4139, %mul3A_4142 : vector<16xi32>
      %get3A_4144 = arith.constant 544 : index
      %get3A_4145 = tpu.vector_load %arg5[%get3A_4144] {strides = array<i32>} : memref<640xi32, #tpu.memory_space<vmem>>, vector<16xi32>,
      %get3A_4146 = vector.shape_cast %get3A_4145 : vector<16xi32> to vector<16xi32>
      %add3A_4147 = arith.addi %get3A_4146, %add3A_4143 : vector<16xi32>
      %swap3A_4148 = arith.constant 544 : index
      %swap3A_4149 = tpu.vector_load %arg5[%swap3A_4148] {strides = array<i32>} : memref<640xi32, #tpu.memory_space<vmem>>, vector<16xi32>,
      %swap3A_4150 = vector.shape_cast %swap3A_4149 : vector<16xi32> to vector<16xi32>
      %swap3A_4151 = vector.shape_cast %add3A_4147 : vector<16xi32> to vector<16xi32>
      tpu.vector_store %arg5[%swap3A_4148], %swap3A_4151 {strides = array<i32>} : memref<640xi32, #tpu.memory_space<vmem>>, vector<16xi32>,
      %add3A_4152 = arith.constant 1152 : i32
      %add3A_4153 = vector.broadcast %add3A_4152 : i32 to vector<16xi32>
      %add3A_4154 = arith.addi %mul3A_3626, %add3A_4153 : vector<16xi32>
      %mul3A_4155 = arith.constant 9 : i32
      %mul3A_4156 = vector.broadcast %mul3A_4155 : i32 to vector<16xi32>
      %mul3A_4157 = arith.muli %mul3A_4156, %iota3A_3622 : vector<16xi32>
      %add3A_4158 = arith.addi %add3A_4154, %mul3A_4157 : vector<16xi32>
      %get3A_4159 = arith.constant 560 : index
      %get3A_4160 = tpu.vector_load %arg5[%get3A_4159] {strides = array<i32>} : memref<640xi32, #tpu.memory_space<vmem>>, vector<16xi32>,
      %get3A_4161 = vector.shape_cast %get3A_4160 : vector<16xi32> to vector<16xi32>
      %add3A_4162 = arith.addi %get3A_4161, %add3A_4158 : vector<16xi32>
      %swap3A_4163 = arith.constant 560 : index
      %swap3A_4164 = tpu.vector_load %arg5[%swap3A_4163] {strides = array<i32>} : memref<640xi32, #tpu.memory_space<vmem>>, vector<16xi32>,
      %swap3A_4165 = vector.shape_cast %swap3A_4164 : vector<16xi32> to vector<16xi32>
      %swap3A_4166 = vector.shape_cast %add3A_4162 : vector<16xi32> to vector<16xi32>
      tpu.vector_store %arg5[%swap3A_4163], %swap3A_4166 {strides = array<i32>} : memref<640xi32, #tpu.memory_space<vmem>>, vector<16xi32>,
      %add3A_4167 = arith.constant 1296 : i32
      %add3A_4168 = vector.broadcast %add3A_4167 : i32 to vector<16xi32>
      %add3A_4169 = arith.addi %mul3A_3626, %add3A_4168 : vector<16xi32>
      %mul3A_4170 = arith.constant 9 : i32
      %mul3A_4171 = vector.broadcast %mul3A_4170 : i32 to vector<16xi32>
      %mul3A_4172 = arith.muli %mul3A_4171, %iota3A_3622 : vector<16xi32>
      %add3A_4173 = arith.addi %add3A_4169, %mul3A_4172 : vector<16xi32>
      %get3A_4174 = arith.constant 576 : index
      %get3A_4175 = tpu.vector_load %arg5[%get3A_4174] {strides = array<i32>} : memref<640xi32, #tpu.memory_space<vmem>>, vector<16xi32>,
      %get3A_4176 = vector.shape_cast %get3A_4175 : vector<16xi32> to vector<16xi32>
      %add3A_4177 = arith.addi %get3A_4176, %add3A_4173 : vector<16xi32>
      %swap3A_4178 = arith.constant 576 : index
      %swap3A_4179 = tpu.vector_load %arg5[%swap3A_4178] {strides = array<i32>} : memref<640xi32, #tpu.memory_space<vmem>>, vector<16xi32>,
      %swap3A_4180 = vector.shape_cast %swap3A_4179 : vector<16xi32> to vector<16xi32>
      %swap3A_4181 = vector.shape_cast %add3A_4177 : vector<16xi32> to vector<16xi32>
      tpu.vector_store %arg5[%swap3A_4178], %swap3A_4181 {strides = array<i32>} : memref<640xi32, #tpu.memory_space<vmem>>, vector<16xi32>,
      %add3A_4182 = arith.constant 1296 : i32
      %add3A_4183 = vector.broadcast %add3A_4182 : i32 to vector<16xi32>
      %add3A_4184 = arith.addi %mul3A_3626, %add3A_4183 : vector<16xi32>
      %mul3A_4185 = arith.constant 9 : i32
      %mul3A_4186 = vector.broadcast %mul3A_4185 : i32 to vector<16xi32>
      %mul3A_4187 = arith.muli %mul3A_4186, %iota3A_3622 : vector<16xi32>
      %add3A_4188 = arith.addi %add3A_4184, %mul3A_4187 : vector<16xi32>
      %get3A_4189 = arith.constant 592 : index
      %get3A_4190 = tpu.vector_load %arg5[%get3A_4189] {strides = array<i32>} : memref<640xi32, #tpu.memory_space<vmem>>, vector<16xi32>,
      %get3A_4191 = vector.shape_cast %get3A_4190 : vector<16xi32> to vector<16xi32>
      %add3A_4192 = arith.addi %get3A_4191, %add3A_4188 : vector<16xi32>
      %swap3A_4193 = arith.constant 592 : index
      %swap3A_4194 = tpu.vector_load %arg5[%swap3A_4193] {strides = array<i32>} : memref<640xi32, #tpu.memory_space<vmem>>, vector<16xi32>,
      %swap3A_4195 = vector.shape_cast %swap3A_4194 : vector<16xi32> to vector<16xi32>
      %swap3A_4196 = vector.shape_cast %add3A_4192 : vector<16xi32> to vector<16xi32>
      tpu.vector_store %arg5[%swap3A_4193], %swap3A_4196 {strides = array<i32>} : memref<640xi32, #tpu.memory_space<vmem>>, vector<16xi32>,
      %add3A_4197 = arith.constant 1296 : i32
      %add3A_4198 = vector.broadcast %add3A_4197 : i32 to vector<16xi32>
      %add3A_4199 = arith.addi %mul3A_3626, %add3A_4198 : vector<16xi32>
      %mul3A_4200 = arith.constant 9 : i32
      %mul3A_4201 = vector.broadcast %mul3A_4200 : i32 to vector<16xi32>
      %mul3A_4202 = arith.muli %mul3A_4201, %iota3A_3622 : vector<16xi32>
      %add3A_4203 = arith.addi %add3A_4199, %mul3A_4202 : vector<16xi32>
      %get3A_4204 = arith.constant 608 : index
      %get3A_4205 = tpu.vector_load %arg5[%get3A_4204] {strides = array<i32>} : memref<640xi32, #tpu.memory_space<vmem>>, vector<16xi32>,
      %get3A_4206 = vector.shape_cast %get3A_4205 : vector<16xi32> to vector<16xi32>
      %add3A_4207 = arith.addi %get3A_4206, %add3A_4203 : vector<16xi32>
      %swap3A_4208 = arith.constant 608 : index
      %swap3A_4209 = tpu.vector_load %arg5[%swap3A_4208] {strides = array<i32>} : memref<640xi32, #tpu.memory_space<vmem>>, vector<16xi32>,
      %swap3A_4210 = vector.shape_cast %swap3A_4209 : vector<16xi32> to vector<16xi32>
      %swap3A_4211 = vector.shape_cast %add3A_4207 : vector<16xi32> to vector<16xi32>
      tpu.vector_store %arg5[%swap3A_4208], %swap3A_4211 {strides = array<i32>} : memref<640xi32, #tpu.memory_space<vmem>>, vector<16xi32>,
      %add3A_4212 = arith.constant 1296 : i32
      %add3A_4213 = vector.broadcast %add3A_4212 : i32 to vector<16xi32>
      %add3A_4214 = arith.addi %mul3A_3626, %add3A_4213 : vector<16xi32>
      %mul3A_4215 = arith.constant 9 : i32
      %mul3A_4216 = vector.broadcast %mul3A_4215 : i32 to vector<16xi32>
      %mul3A_4217 = arith.muli %mul3A_4216, %iota3A_3622 : vector<16xi32>
      %add3A_4218 = arith.addi %add3A_4214, %mul3A_4217 : vector<16xi32>
      %get3A_4219 = arith.constant 624 : index
      %get3A_4220 = tpu.vector_load %arg5[%get3A_4219] {strides = array<i32>} : memref<640xi32, #tpu.memory_space<vmem>>, vector<16xi32>,
      %get3A_4221 = vector.shape_cast %get3A_4220 : vector<16xi32> to vector<16xi32>
      %add3A_4222 = arith.addi %get3A_4221, %add3A_4218 : vector<16xi32>
      %swap3A_4223 = arith.constant 624 : index
      %swap3A_4224 = tpu.vector_load %arg5[%swap3A_4223] {strides = array<i32>} : memref<640xi32, #tpu.memory_space<vmem>>, vector<16xi32>,
      %swap3A_4225 = vector.shape_cast %swap3A_4224 : vector<16xi32> to vector<16xi32>
      %swap3A_4226 = vector.shape_cast %add3A_4222 : vector<16xi32> to vector<16xi32>
      tpu.vector_store %arg5[%swap3A_4223], %swap3A_4226 {strides = array<i32>} : memref<640xi32, #tpu.memory_space<vmem>>, vector<16xi32>,
      %mul3A_4227 = arith.constant 10 : i32
      %mul3A_4228 = arith.muli %add3A_3608, %mul3A_4227 : i32
      %add3A_4229 = arith.addi %mul3A_2, %mul3A_4228 : i32
      %add3A_4230 = arith.constant 0 : i32
      %add3A_4231 = arith.addi %add3A_4229, %add3A_4230 : i32
      %mul3A_4232 = arith.constant 64 : i32
      %mul3A_4233 = arith.muli %add3A_4231, %mul3A_4232 : i32
      %dma_wait3A_4234 = arith.constant 0 : i32
      %dma_wait3A_4235 = arith.constant 0 : i32
      %dma_wait3A_4236 = arith.constant 0 : i32
      %dma_wait3A_4237 = tpu.memref_slice %arg7[%dma_wait3A_4234, %dma_wait3A_4235, %dma_wait3A_4236] : memref<10x64x128xf32, #tpu.memory_space<vmem>> -> memref<1x64x128xf32, #tpu.memory_space<vmem>>
      %dma_wait3A_4238 = tpu.memref_squeeze %dma_wait3A_4237 : memref<1x64x128xf32, #tpu.memory_space<vmem>> -> memref<64x128xf32, #tpu.memory_space<vmem>>
      %dma_wait3A_4239 = arith.constant 0 : i32
      %dma_wait3A_4240 = tpu.memref_slice %arg4[%mul3A_4233, %dma_wait3A_4239] : memref<3276800x128xf32, #tpu.memory_space<hbm>> -> memref<64x128xf32, #tpu.memory_space<hbm>>
      %dma_wait3A_4241 = arith.constant 0 : i32
      %dma_wait3A_4242 = tpu.memref_slice %arg4[%mul3A_4233, %dma_wait3A_4241] : memref<3276800x128xf32, #tpu.memory_space<hbm>> -> memref<64x128xf32, #tpu.memory_space<hbm>>
      %dma_wait3A_4243 = arith.constant 0 : i32
      %dma_wait3A_4244 = arith.constant 0 : i32
      %dma_wait3A_4245 = tpu.memref_slice %arg7[%dma_wait3A_4234, %dma_wait3A_4243, %dma_wait3A_4244] : memref<10x64x128xf32, #tpu.memory_space<vmem>> -> memref<1x64x128xf32, #tpu.memory_space<vmem>>
      %dma_wait3A_4246 = tpu.memref_squeeze %dma_wait3A_4245 : memref<1x64x128xf32, #tpu.memory_space<vmem>> -> memref<64x128xf32, #tpu.memory_space<vmem>>
      tpu.wait_dma2 semaphore(%arg20 : memref<!tpu.dma_semaphore, #tpu.memory_space<semaphore_mem>>) src(%dma_wait3A_4246 : memref<64x128xf32, #tpu.memory_space<vmem>>) dst(%dma_wait3A_4242 : memref<64x128xf32, #tpu.memory_space<hbm>>)
      %dma_start3A_4247 = arith.constant 0 : i32
      %dma_start3A_4248 = arith.constant 0 : i32
      %dma_start3A_4249 = arith.constant 0 : i32
      %dma_start3A_4250 = tpu.memref_slice %arg7[%dma_start3A_4247, %dma_start3A_4248, %dma_start3A_4249] : memref<10x64x128xf32, #tpu.memory_space<vmem>> -> memref<1x64x128xf32, #tpu.memory_space<vmem>>
      %dma_start3A_4251 = tpu.memref_squeeze %dma_start3A_4250 : memref<1x64x128xf32, #tpu.memory_space<vmem>> -> memref<64x128xf32, #tpu.memory_space<vmem>>
      %dma_start3A_4252 = arith.constant 0 : i32
      %dma_start3A_4253 = tpu.memref_slice %arg5[%dma_start3A_4252] : memref<640xi32, #tpu.memory_space<vmem>> -> memref<64xi32, #tpu.memory_space<vmem>>
      %dma_start3A_4254 = arith.constant 0 : i32
      %dma_start3A_4255 = arith.constant 0 : i32
      %dma_start3A_4256 = tpu.memref_slice %arg2[%dma_start3A_4254, %dma_start3A_4255] : memref<46080x128xf32, #tpu.memory_space<hbm>> -> memref<46080x128xf32, #tpu.memory_space<hbm>>
      tpu.enqueue_indirect_dma source(%dma_start3A_4256 : memref<46080x128xf32, #tpu.memory_space<hbm>>) target(%dma_start3A_4251 : memref<64x128xf32, #tpu.memory_space<vmem>>) offsets(%dma_start3A_4253 : memref<64xi32, #tpu.memory_space<vmem>>) semaphore(%arg10 : memref<!tpu.dma_semaphore, #tpu.memory_space<semaphore_mem>>)
      %mul3A_4257 = arith.constant 10 : i32
      %mul3A_4258 = arith.muli %add3A_3608, %mul3A_4257 : i32
      %add3A_4259 = arith.addi %mul3A_2, %mul3A_4258 : i32
      %add3A_4260 = arith.constant 1 : i32
      %add3A_4261 = arith.addi %add3A_4259, %add3A_4260 : i32
      %mul3A_4262 = arith.constant 64 : i32
      %mul3A_4263 = arith.muli %add3A_4261, %mul3A_4262 : i32
      %dma_wait3A_4264 = arith.constant 1 : i32
      %dma_wait3A_4265 = arith.constant 0 : i32
      %dma_wait3A_4266 = arith.constant 0 : i32
      %dma_wait3A_4267 = tpu.memref_slice %arg7[%dma_wait3A_4264, %dma_wait3A_4265, %dma_wait3A_4266] : memref<10x64x128xf32, #tpu.memory_space<vmem>> -> memref<1x64x128xf32, #tpu.memory_space<vmem>>
      %dma_wait3A_4268 = tpu.memref_squeeze %dma_wait3A_4267 : memref<1x64x128xf32, #tpu.memory_space<vmem>> -> memref<64x128xf32, #tpu.memory_space<vmem>>
      %dma_wait3A_4269 = arith.constant 0 : i32
      %dma_wait3A_4270 = tpu.memref_slice %arg4[%mul3A_4263, %dma_wait3A_4269] : memref<3276800x128xf32, #tpu.memory_space<hbm>> -> memref<64x128xf32, #tpu.memory_space<hbm>>
      %dma_wait3A_4271 = arith.constant 0 : i32
      %dma_wait3A_4272 = tpu.memref_slice %arg4[%mul3A_4263, %dma_wait3A_4271] : memref<3276800x128xf32, #tpu.memory_space<hbm>> -> memref<64x128xf32, #tpu.memory_space<hbm>>
      %dma_wait3A_4273 = arith.constant 0 : i32
      %dma_wait3A_4274 = arith.constant 0 : i32
      %dma_wait3A_4275 = tpu.memref_slice %arg7[%dma_wait3A_4264, %dma_wait3A_4273, %dma_wait3A_4274] : memref<10x64x128xf32, #tpu.memory_space<vmem>> -> memref<1x64x128xf32, #tpu.memory_space<vmem>>
      %dma_wait3A_4276 = tpu.memref_squeeze %dma_wait3A_4275 : memref<1x64x128xf32, #tpu.memory_space<vmem>> -> memref<64x128xf32, #tpu.memory_space<vmem>>
      tpu.wait_dma2 semaphore(%arg21 : memref<!tpu.dma_semaphore, #tpu.memory_space<semaphore_mem>>) src(%dma_wait3A_4276 : memref<64x128xf32, #tpu.memory_space<vmem>>) dst(%dma_wait3A_4272 : memref<64x128xf32, #tpu.memory_space<hbm>>)
      %dma_start3A_4277 = arith.constant 1 : i32
      %dma_start3A_4278 = arith.constant 0 : i32
      %dma_start3A_4279 = arith.constant 0 : i32
      %dma_start3A_4280 = tpu.memref_slice %arg7[%dma_start3A_4277, %dma_start3A_4278, %dma_start3A_4279] : memref<10x64x128xf32, #tpu.memory_space<vmem>> -> memref<1x64x128xf32, #tpu.memory_space<vmem>>
      %dma_start3A_4281 = tpu.memref_squeeze %dma_start3A_4280 : memref<1x64x128xf32, #tpu.memory_space<vmem>> -> memref<64x128xf32, #tpu.memory_space<vmem>>
      %dma_start3A_4282 = arith.constant 64 : i32
      %dma_start3A_4283 = tpu.memref_slice %arg5[%dma_start3A_4282] : memref<640xi32, #tpu.memory_space<vmem>> -> memref<64xi32, #tpu.memory_space<vmem>>
      %dma_start3A_4284 = arith.constant 0 : i32
      %dma_start3A_4285 = arith.constant 0 : i32
      %dma_start3A_4286 = tpu.memref_slice %arg2[%dma_start3A_4284, %dma_start3A_4285] : memref<46080x128xf32, #tpu.memory_space<hbm>> -> memref<46080x128xf32, #tpu.memory_space<hbm>>
      tpu.enqueue_indirect_dma source(%dma_start3A_4286 : memref<46080x128xf32, #tpu.memory_space<hbm>>) target(%dma_start3A_4281 : memref<64x128xf32, #tpu.memory_space<vmem>>) offsets(%dma_start3A_4283 : memref<64xi32, #tpu.memory_space<vmem>>) semaphore(%arg11 : memref<!tpu.dma_semaphore, #tpu.memory_space<semaphore_mem>>)
      %mul3A_4287 = arith.constant 10 : i32
      %mul3A_4288 = arith.muli %add3A_3608, %mul3A_4287 : i32
      %add3A_4289 = arith.addi %mul3A_2, %mul3A_4288 : i32
      %add3A_4290 = arith.constant 2 : i32
      %add3A_4291 = arith.addi %add3A_4289, %add3A_4290 : i32
      %mul3A_4292 = arith.constant 64 : i32
      %mul3A_4293 = arith.muli %add3A_4291, %mul3A_4292 : i32
      %dma_wait3A_4294 = arith.constant 2 : i32
      %dma_wait3A_4295 = arith.constant 0 : i32
      %dma_wait3A_4296 = arith.constant 0 : i32
      %dma_wait3A_4297 = tpu.memref_slice %arg7[%dma_wait3A_4294, %dma_wait3A_4295, %dma_wait3A_4296] : memref<10x64x128xf32, #tpu.memory_space<vmem>> -> memref<1x64x128xf32, #tpu.memory_space<vmem>>
      %dma_wait3A_4298 = tpu.memref_squeeze %dma_wait3A_4297 : memref<1x64x128xf32, #tpu.memory_space<vmem>> -> memref<64x128xf32, #tpu.memory_space<vmem>>
      %dma_wait3A_4299 = arith.constant 0 : i32
      %dma_wait3A_4300 = tpu.memref_slice %arg4[%mul3A_4293, %dma_wait3A_4299] : memref<3276800x128xf32, #tpu.memory_space<hbm>> -> memref<64x128xf32, #tpu.memory_space<hbm>>
      %dma_wait3A_4301 = arith.constant 0 : i32
      %dma_wait3A_4302 = tpu.memref_slice %arg4[%mul3A_4293, %dma_wait3A_4301] : memref<3276800x128xf32, #tpu.memory_space<hbm>> -> memref<64x128xf32, #tpu.memory_space<hbm>>
      %dma_wait3A_4303 = arith.constant 0 : i32
      %dma_wait3A_4304 = arith.constant 0 : i32
      %dma_wait3A_4305 = tpu.memref_slice %arg7[%dma_wait3A_4294, %dma_wait3A_4303, %dma_wait3A_4304] : memref<10x64x128xf32, #tpu.memory_space<vmem>> -> memref<1x64x128xf32, #tpu.memory_space<vmem>>
      %dma_wait3A_4306 = tpu.memref_squeeze %dma_wait3A_4305 : memref<1x64x128xf32, #tpu.memory_space<vmem>> -> memref<64x128xf32, #tpu.memory_space<vmem>>
      tpu.wait_dma2 semaphore(%arg22 : memref<!tpu.dma_semaphore, #tpu.memory_space<semaphore_mem>>) src(%dma_wait3A_4306 : memref<64x128xf32, #tpu.memory_space<vmem>>) dst(%dma_wait3A_4302 : memref<64x128xf32, #tpu.memory_space<hbm>>)
      %dma_start3A_4307 = arith.constant 2 : i32
      %dma_start3A_4308 = arith.constant 0 : i32
      %dma_start3A_4309 = arith.constant 0 : i32
      %dma_start3A_4310 = tpu.memref_slice %arg7[%dma_start3A_4307, %dma_start3A_4308, %dma_start3A_4309] : memref<10x64x128xf32, #tpu.memory_space<vmem>> -> memref<1x64x128xf32, #tpu.memory_space<vmem>>
      %dma_start3A_4311 = tpu.memref_squeeze %dma_start3A_4310 : memref<1x64x128xf32, #tpu.memory_space<vmem>> -> memref<64x128xf32, #tpu.memory_space<vmem>>
      %dma_start3A_4312 = arith.constant 128 : i32
      %dma_start3A_4313 = tpu.memref_slice %arg5[%dma_start3A_4312] : memref<640xi32, #tpu.memory_space<vmem>> -> memref<64xi32, #tpu.memory_space<vmem>>
      %dma_start3A_4314 = arith.constant 0 : i32
      %dma_start3A_4315 = arith.constant 0 : i32
      %dma_start3A_4316 = tpu.memref_slice %arg2[%dma_start3A_4314, %dma_start3A_4315] : memref<46080x128xf32, #tpu.memory_space<hbm>> -> memref<46080x128xf32, #tpu.memory_space<hbm>>
      tpu.enqueue_indirect_dma source(%dma_start3A_4316 : memref<46080x128xf32, #tpu.memory_space<hbm>>) target(%dma_start3A_4311 : memref<64x128xf32, #tpu.memory_space<vmem>>) offsets(%dma_start3A_4313 : memref<64xi32, #tpu.memory_space<vmem>>) semaphore(%arg12 : memref<!tpu.dma_semaphore, #tpu.memory_space<semaphore_mem>>)
      %mul3A_4317 = arith.constant 10 : i32
      %mul3A_4318 = arith.muli %add3A_3608, %mul3A_4317 : i32
      %add3A_4319 = arith.addi %mul3A_2, %mul3A_4318 : i32
      %add3A_4320 = arith.constant 3 : i32
      %add3A_4321 = arith.addi %add3A_4319, %add3A_4320 : i32
      %mul3A_4322 = arith.constant 64 : i32
      %mul3A_4323 = arith.muli %add3A_4321, %mul3A_4322 : i32
      %dma_wait3A_4324 = arith.constant 3 : i32
      %dma_wait3A_4325 = arith.constant 0 : i32
      %dma_wait3A_4326 = arith.constant 0 : i32
      %dma_wait3A_4327 = tpu.memref_slice %arg7[%dma_wait3A_4324, %dma_wait3A_4325, %dma_wait3A_4326] : memref<10x64x128xf32, #tpu.memory_space<vmem>> -> memref<1x64x128xf32, #tpu.memory_space<vmem>>
      %dma_wait3A_4328 = tpu.memref_squeeze %dma_wait3A_4327 : memref<1x64x128xf32, #tpu.memory_space<vmem>> -> memref<64x128xf32, #tpu.memory_space<vmem>>
      %dma_wait3A_4329 = arith.constant 0 : i32
      %dma_wait3A_4330 = tpu.memref_slice %arg4[%mul3A_4323, %dma_wait3A_4329] : memref<3276800x128xf32, #tpu.memory_space<hbm>> -> memref<64x128xf32, #tpu.memory_space<hbm>>
      %dma_wait3A_4331 = arith.constant 0 : i32
      %dma_wait3A_4332 = tpu.memref_slice %arg4[%mul3A_4323, %dma_wait3A_4331] : memref<3276800x128xf32, #tpu.memory_space<hbm>> -> memref<64x128xf32, #tpu.memory_space<hbm>>
      %dma_wait3A_4333 = arith.constant 0 : i32
      %dma_wait3A_4334 = arith.constant 0 : i32
      %dma_wait3A_4335 = tpu.memref_slice %arg7[%dma_wait3A_4324, %dma_wait3A_4333, %dma_wait3A_4334] : memref<10x64x128xf32, #tpu.memory_space<vmem>> -> memref<1x64x128xf32, #tpu.memory_space<vmem>>
      %dma_wait3A_4336 = tpu.memref_squeeze %dma_wait3A_4335 : memref<1x64x128xf32, #tpu.memory_space<vmem>> -> memref<64x128xf32, #tpu.memory_space<vmem>>
      tpu.wait_dma2 semaphore(%arg23 : memref<!tpu.dma_semaphore, #tpu.memory_space<semaphore_mem>>) src(%dma_wait3A_4336 : memref<64x128xf32, #tpu.memory_space<vmem>>) dst(%dma_wait3A_4332 : memref<64x128xf32, #tpu.memory_space<hbm>>)
      %dma_start3A_4337 = arith.constant 3 : i32
      %dma_start3A_4338 = arith.constant 0 : i32
      %dma_start3A_4339 = arith.constant 0 : i32
      %dma_start3A_4340 = tpu.memref_slice %arg7[%dma_start3A_4337, %dma_start3A_4338, %dma_start3A_4339] : memref<10x64x128xf32, #tpu.memory_space<vmem>> -> memref<1x64x128xf32, #tpu.memory_space<vmem>>
      %dma_start3A_4341 = tpu.memref_squeeze %dma_start3A_4340 : memref<1x64x128xf32, #tpu.memory_space<vmem>> -> memref<64x128xf32, #tpu.memory_space<vmem>>
      %dma_start3A_4342 = arith.constant 192 : i32
      %dma_start3A_4343 = tpu.memref_slice %arg5[%dma_start3A_4342] : memref<640xi32, #tpu.memory_space<vmem>> -> memref<64xi32, #tpu.memory_space<vmem>>
      %dma_start3A_4344 = arith.constant 0 : i32
      %dma_start3A_4345 = arith.constant 0 : i32
      %dma_start3A_4346 = tpu.memref_slice %arg2[%dma_start3A_4344, %dma_start3A_4345] : memref<46080x128xf32, #tpu.memory_space<hbm>> -> memref<46080x128xf32, #tpu.memory_space<hbm>>
      tpu.enqueue_indirect_dma source(%dma_start3A_4346 : memref<46080x128xf32, #tpu.memory_space<hbm>>) target(%dma_start3A_4341 : memref<64x128xf32, #tpu.memory_space<vmem>>) offsets(%dma_start3A_4343 : memref<64xi32, #tpu.memory_space<vmem>>) semaphore(%arg13 : memref<!tpu.dma_semaphore, #tpu.memory_space<semaphore_mem>>)
      %mul3A_4347 = arith.constant 10 : i32
      %mul3A_4348 = arith.muli %add3A_3608, %mul3A_4347 : i32
      %add3A_4349 = arith.addi %mul3A_2, %mul3A_4348 : i32
      %add3A_4350 = arith.constant 4 : i32
      %add3A_4351 = arith.addi %add3A_4349, %add3A_4350 : i32
      %mul3A_4352 = arith.constant 64 : i32
      %mul3A_4353 = arith.muli %add3A_4351, %mul3A_4352 : i32
      %dma_wait3A_4354 = arith.constant 4 : i32
      %dma_wait3A_4355 = arith.constant 0 : i32
      %dma_wait3A_4356 = arith.constant 0 : i32
      %dma_wait3A_4357 = tpu.memref_slice %arg7[%dma_wait3A_4354, %dma_wait3A_4355, %dma_wait3A_4356] : memref<10x64x128xf32, #tpu.memory_space<vmem>> -> memref<1x64x128xf32, #tpu.memory_space<vmem>>
      %dma_wait3A_4358 = tpu.memref_squeeze %dma_wait3A_4357 : memref<1x64x128xf32, #tpu.memory_space<vmem>> -> memref<64x128xf32, #tpu.memory_space<vmem>>
      %dma_wait3A_4359 = arith.constant 0 : i32
      %dma_wait3A_4360 = tpu.memref_slice %arg4[%mul3A_4353, %dma_wait3A_4359] : memref<3276800x128xf32, #tpu.memory_space<hbm>> -> memref<64x128xf32, #tpu.memory_space<hbm>>
      %dma_wait3A_4361 = arith.constant 0 : i32
      %dma_wait3A_4362 = tpu.memref_slice %arg4[%mul3A_4353, %dma_wait3A_4361] : memref<3276800x128xf32, #tpu.memory_space<hbm>> -> memref<64x128xf32, #tpu.memory_space<hbm>>
      %dma_wait3A_4363 = arith.constant 0 : i32
      %dma_wait3A_4364 = arith.constant 0 : i32
      %dma_wait3A_4365 = tpu.memref_slice %arg7[%dma_wait3A_4354, %dma_wait3A_4363, %dma_wait3A_4364] : memref<10x64x128xf32, #tpu.memory_space<vmem>> -> memref<1x64x128xf32, #tpu.memory_space<vmem>>
      %dma_wait3A_4366 = tpu.memref_squeeze %dma_wait3A_4365 : memref<1x64x128xf32, #tpu.memory_space<vmem>> -> memref<64x128xf32, #tpu.memory_space<vmem>>
      tpu.wait_dma2 semaphore(%arg24 : memref<!tpu.dma_semaphore, #tpu.memory_space<semaphore_mem>>) src(%dma_wait3A_4366 : memref<64x128xf32, #tpu.memory_space<vmem>>) dst(%dma_wait3A_4362 : memref<64x128xf32, #tpu.memory_space<hbm>>)
      %dma_start3A_4367 = arith.constant 4 : i32
      %dma_start3A_4368 = arith.constant 0 : i32
      %dma_start3A_4369 = arith.constant 0 : i32
      %dma_start3A_4370 = tpu.memref_slice %arg7[%dma_start3A_4367, %dma_start3A_4368, %dma_start3A_4369] : memref<10x64x128xf32, #tpu.memory_space<vmem>> -> memref<1x64x128xf32, #tpu.memory_space<vmem>>
      %dma_start3A_4371 = tpu.memref_squeeze %dma_start3A_4370 : memref<1x64x128xf32, #tpu.memory_space<vmem>> -> memref<64x128xf32, #tpu.memory_space<vmem>>
      %dma_start3A_4372 = arith.constant 256 : i32
      %dma_start3A_4373 = tpu.memref_slice %arg5[%dma_start3A_4372] : memref<640xi32, #tpu.memory_space<vmem>> -> memref<64xi32, #tpu.memory_space<vmem>>
      %dma_start3A_4374 = arith.constant 0 : i32
      %dma_start3A_4375 = arith.constant 0 : i32
      %dma_start3A_4376 = tpu.memref_slice %arg2[%dma_start3A_4374, %dma_start3A_4375] : memref<46080x128xf32, #tpu.memory_space<hbm>> -> memref<46080x128xf32, #tpu.memory_space<hbm>>
      tpu.enqueue_indirect_dma source(%dma_start3A_4376 : memref<46080x128xf32, #tpu.memory_space<hbm>>) target(%dma_start3A_4371 : memref<64x128xf32, #tpu.memory_space<vmem>>) offsets(%dma_start3A_4373 : memref<64xi32, #tpu.memory_space<vmem>>) semaphore(%arg14 : memref<!tpu.dma_semaphore, #tpu.memory_space<semaphore_mem>>)
      %mul3A_4377 = arith.constant 10 : i32
      %mul3A_4378 = arith.muli %add3A_3608, %mul3A_4377 : i32
      %add3A_4379 = arith.addi %mul3A_2, %mul3A_4378 : i32
      %add3A_4380 = arith.constant 5 : i32
      %add3A_4381 = arith.addi %add3A_4379, %add3A_4380 : i32
      %mul3A_4382 = arith.constant 64 : i32
      %mul3A_4383 = arith.muli %add3A_4381, %mul3A_4382 : i32
      %dma_wait3A_4384 = arith.constant 5 : i32
      %dma_wait3A_4385 = arith.constant 0 : i32
      %dma_wait3A_4386 = arith.constant 0 : i32
      %dma_wait3A_4387 = tpu.memref_slice %arg7[%dma_wait3A_4384, %dma_wait3A_4385, %dma_wait3A_4386] : memref<10x64x128xf32, #tpu.memory_space<vmem>> -> memref<1x64x128xf32, #tpu.memory_space<vmem>>
      %dma_wait3A_4388 = tpu.memref_squeeze %dma_wait3A_4387 : memref<1x64x128xf32, #tpu.memory_space<vmem>> -> memref<64x128xf32, #tpu.memory_space<vmem>>
      %dma_wait3A_4389 = arith.constant 0 : i32
      %dma_wait3A_4390 = tpu.memref_slice %arg4[%mul3A_4383, %dma_wait3A_4389] : memref<3276800x128xf32, #tpu.memory_space<hbm>> -> memref<64x128xf32, #tpu.memory_space<hbm>>
      %dma_wait3A_4391 = arith.constant 0 : i32
      %dma_wait3A_4392 = tpu.memref_slice %arg4[%mul3A_4383, %dma_wait3A_4391] : memref<3276800x128xf32, #tpu.memory_space<hbm>> -> memref<64x128xf32, #tpu.memory_space<hbm>>
      %dma_wait3A_4393 = arith.constant 0 : i32
      %dma_wait3A_4394 = arith.constant 0 : i32
      %dma_wait3A_4395 = tpu.memref_slice %arg7[%dma_wait3A_4384, %dma_wait3A_4393, %dma_wait3A_4394] : memref<10x64x128xf32, #tpu.memory_space<vmem>> -> memref<1x64x128xf32, #tpu.memory_space<vmem>>
      %dma_wait3A_4396 = tpu.memref_squeeze %dma_wait3A_4395 : memref<1x64x128xf32, #tpu.memory_space<vmem>> -> memref<64x128xf32, #tpu.memory_space<vmem>>
      tpu.wait_dma2 semaphore(%arg25 : memref<!tpu.dma_semaphore, #tpu.memory_space<semaphore_mem>>) src(%dma_wait3A_4396 : memref<64x128xf32, #tpu.memory_space<vmem>>) dst(%dma_wait3A_4392 : memref<64x128xf32, #tpu.memory_space<hbm>>)
      %dma_start3A_4397 = arith.constant 5 : i32
      %dma_start3A_4398 = arith.constant 0 : i32
      %dma_start3A_4399 = arith.constant 0 : i32
      %dma_start3A_4400 = tpu.memref_slice %arg7[%dma_start3A_4397, %dma_start3A_4398, %dma_start3A_4399] : memref<10x64x128xf32, #tpu.memory_space<vmem>> -> memref<1x64x128xf32, #tpu.memory_space<vmem>>
      %dma_start3A_4401 = tpu.memref_squeeze %dma_start3A_4400 : memref<1x64x128xf32, #tpu.memory_space<vmem>> -> memref<64x128xf32, #tpu.memory_space<vmem>>
      %dma_start3A_4402 = arith.constant 320 : i32
      %dma_start3A_4403 = tpu.memref_slice %arg5[%dma_start3A_4402] : memref<640xi32, #tpu.memory_space<vmem>> -> memref<64xi32, #tpu.memory_space<vmem>>
      %dma_start3A_4404 = arith.constant 0 : i32
      %dma_start3A_4405 = arith.constant 0 : i32
      %dma_start3A_4406 = tpu.memref_slice %arg2[%dma_start3A_4404, %dma_start3A_4405] : memref<46080x128xf32, #tpu.memory_space<hbm>> -> memref<46080x128xf32, #tpu.memory_space<hbm>>
      tpu.enqueue_indirect_dma source(%dma_start3A_4406 : memref<46080x128xf32, #tpu.memory_space<hbm>>) target(%dma_start3A_4401 : memref<64x128xf32, #tpu.memory_space<vmem>>) offsets(%dma_start3A_4403 : memref<64xi32, #tpu.memory_space<vmem>>) semaphore(%arg15 : memref<!tpu.dma_semaphore, #tpu.memory_space<semaphore_mem>>)
      %mul3A_4407 = arith.constant 10 : i32
      %mul3A_4408 = arith.muli %add3A_3608, %mul3A_4407 : i32
      %add3A_4409 = arith.addi %mul3A_2, %mul3A_4408 : i32
      %add3A_4410 = arith.constant 6 : i32
      %add3A_4411 = arith.addi %add3A_4409, %add3A_4410 : i32
      %mul3A_4412 = arith.constant 64 : i32
      %mul3A_4413 = arith.muli %add3A_4411, %mul3A_4412 : i32
      %dma_wait3A_4414 = arith.constant 6 : i32
      %dma_wait3A_4415 = arith.constant 0 : i32
      %dma_wait3A_4416 = arith.constant 0 : i32
      %dma_wait3A_4417 = tpu.memref_slice %arg7[%dma_wait3A_4414, %dma_wait3A_4415, %dma_wait3A_4416] : memref<10x64x128xf32, #tpu.memory_space<vmem>> -> memref<1x64x128xf32, #tpu.memory_space<vmem>>
      %dma_wait3A_4418 = tpu.memref_squeeze %dma_wait3A_4417 : memref<1x64x128xf32, #tpu.memory_space<vmem>> -> memref<64x128xf32, #tpu.memory_space<vmem>>
      %dma_wait3A_4419 = arith.constant 0 : i32
      %dma_wait3A_4420 = tpu.memref_slice %arg4[%mul3A_4413, %dma_wait3A_4419] : memref<3276800x128xf32, #tpu.memory_space<hbm>> -> memref<64x128xf32, #tpu.memory_space<hbm>>
      %dma_wait3A_4421 = arith.constant 0 : i32
      %dma_wait3A_4422 = tpu.memref_slice %arg4[%mul3A_4413, %dma_wait3A_4421] : memref<3276800x128xf32, #tpu.memory_space<hbm>> -> memref<64x128xf32, #tpu.memory_space<hbm>>
      %dma_wait3A_4423 = arith.constant 0 : i32
      %dma_wait3A_4424 = arith.constant 0 : i32
      %dma_wait3A_4425 = tpu.memref_slice %arg7[%dma_wait3A_4414, %dma_wait3A_4423, %dma_wait3A_4424] : memref<10x64x128xf32, #tpu.memory_space<vmem>> -> memref<1x64x128xf32, #tpu.memory_space<vmem>>
      %dma_wait3A_4426 = tpu.memref_squeeze %dma_wait3A_4425 : memref<1x64x128xf32, #tpu.memory_space<vmem>> -> memref<64x128xf32, #tpu.memory_space<vmem>>
      tpu.wait_dma2 semaphore(%arg26 : memref<!tpu.dma_semaphore, #tpu.memory_space<semaphore_mem>>) src(%dma_wait3A_4426 : memref<64x128xf32, #tpu.memory_space<vmem>>) dst(%dma_wait3A_4422 : memref<64x128xf32, #tpu.memory_space<hbm>>)
      %dma_start3A_4427 = arith.constant 6 : i32
      %dma_start3A_4428 = arith.constant 0 : i32
      %dma_start3A_4429 = arith.constant 0 : i32
      %dma_start3A_4430 = tpu.memref_slice %arg7[%dma_start3A_4427, %dma_start3A_4428, %dma_start3A_4429] : memref<10x64x128xf32, #tpu.memory_space<vmem>> -> memref<1x64x128xf32, #tpu.memory_space<vmem>>
      %dma_start3A_4431 = tpu.memref_squeeze %dma_start3A_4430 : memref<1x64x128xf32, #tpu.memory_space<vmem>> -> memref<64x128xf32, #tpu.memory_space<vmem>>
      %dma_start3A_4432 = arith.constant 384 : i32
      %dma_start3A_4433 = tpu.memref_slice %arg5[%dma_start3A_4432] : memref<640xi32, #tpu.memory_space<vmem>> -> memref<64xi32, #tpu.memory_space<vmem>>
      %dma_start3A_4434 = arith.constant 0 : i32
      %dma_start3A_4435 = arith.constant 0 : i32
      %dma_start3A_4436 = tpu.memref_slice %arg2[%dma_start3A_4434, %dma_start3A_4435] : memref<46080x128xf32, #tpu.memory_space<hbm>> -> memref<46080x128xf32, #tpu.memory_space<hbm>>
      tpu.enqueue_indirect_dma source(%dma_start3A_4436 : memref<46080x128xf32, #tpu.memory_space<hbm>>) target(%dma_start3A_4431 : memref<64x128xf32, #tpu.memory_space<vmem>>) offsets(%dma_start3A_4433 : memref<64xi32, #tpu.memory_space<vmem>>) semaphore(%arg16 : memref<!tpu.dma_semaphore, #tpu.memory_space<semaphore_mem>>)
      %mul3A_4437 = arith.constant 10 : i32
      %mul3A_4438 = arith.muli %add3A_3608, %mul3A_4437 : i32
      %add3A_4439 = arith.addi %mul3A_2, %mul3A_4438 : i32
      %add3A_4440 = arith.constant 7 : i32
      %add3A_4441 = arith.addi %add3A_4439, %add3A_4440 : i32
      %mul3A_4442 = arith.constant 64 : i32
      %mul3A_4443 = arith.muli %add3A_4441, %mul3A_4442 : i32
      %dma_wait3A_4444 = arith.constant 7 : i32
      %dma_wait3A_4445 = arith.constant 0 : i32
      %dma_wait3A_4446 = arith.constant 0 : i32
      %dma_wait3A_4447 = tpu.memref_slice %arg7[%dma_wait3A_4444, %dma_wait3A_4445, %dma_wait3A_4446] : memref<10x64x128xf32, #tpu.memory_space<vmem>> -> memref<1x64x128xf32, #tpu.memory_space<vmem>>
      %dma_wait3A_4448 = tpu.memref_squeeze %dma_wait3A_4447 : memref<1x64x128xf32, #tpu.memory_space<vmem>> -> memref<64x128xf32, #tpu.memory_space<vmem>>
      %dma_wait3A_4449 = arith.constant 0 : i32
      %dma_wait3A_4450 = tpu.memref_slice %arg4[%mul3A_4443, %dma_wait3A_4449] : memref<3276800x128xf32, #tpu.memory_space<hbm>> -> memref<64x128xf32, #tpu.memory_space<hbm>>
      %dma_wait3A_4451 = arith.constant 0 : i32
      %dma_wait3A_4452 = tpu.memref_slice %arg4[%mul3A_4443, %dma_wait3A_4451] : memref<3276800x128xf32, #tpu.memory_space<hbm>> -> memref<64x128xf32, #tpu.memory_space<hbm>>
      %dma_wait3A_4453 = arith.constant 0 : i32
      %dma_wait3A_4454 = arith.constant 0 : i32
      %dma_wait3A_4455 = tpu.memref_slice %arg7[%dma_wait3A_4444, %dma_wait3A_4453, %dma_wait3A_4454] : memref<10x64x128xf32, #tpu.memory_space<vmem>> -> memref<1x64x128xf32, #tpu.memory_space<vmem>>
      %dma_wait3A_4456 = tpu.memref_squeeze %dma_wait3A_4455 : memref<1x64x128xf32, #tpu.memory_space<vmem>> -> memref<64x128xf32, #tpu.memory_space<vmem>>
      tpu.wait_dma2 semaphore(%arg27 : memref<!tpu.dma_semaphore, #tpu.memory_space<semaphore_mem>>) src(%dma_wait3A_4456 : memref<64x128xf32, #tpu.memory_space<vmem>>) dst(%dma_wait3A_4452 : memref<64x128xf32, #tpu.memory_space<hbm>>)
      %dma_start3A_4457 = arith.constant 7 : i32
      %dma_start3A_4458 = arith.constant 0 : i32
      %dma_start3A_4459 = arith.constant 0 : i32
      %dma_start3A_4460 = tpu.memref_slice %arg7[%dma_start3A_4457, %dma_start3A_4458, %dma_start3A_4459] : memref<10x64x128xf32, #tpu.memory_space<vmem>> -> memref<1x64x128xf32, #tpu.memory_space<vmem>>
      %dma_start3A_4461 = tpu.memref_squeeze %dma_start3A_4460 : memref<1x64x128xf32, #tpu.memory_space<vmem>> -> memref<64x128xf32, #tpu.memory_space<vmem>>
      %dma_start3A_4462 = arith.constant 448 : i32
      %dma_start3A_4463 = tpu.memref_slice %arg5[%dma_start3A_4462] : memref<640xi32, #tpu.memory_space<vmem>> -> memref<64xi32, #tpu.memory_space<vmem>>
      %dma_start3A_4464 = arith.constant 0 : i32
      %dma_start3A_4465 = arith.constant 0 : i32
      %dma_start3A_4466 = tpu.memref_slice %arg2[%dma_start3A_4464, %dma_start3A_4465] : memref<46080x128xf32, #tpu.memory_space<hbm>> -> memref<46080x128xf32, #tpu.memory_space<hbm>>
      tpu.enqueue_indirect_dma source(%dma_start3A_4466 : memref<46080x128xf32, #tpu.memory_space<hbm>>) target(%dma_start3A_4461 : memref<64x128xf32, #tpu.memory_space<vmem>>) offsets(%dma_start3A_4463 : memref<64xi32, #tpu.memory_space<vmem>>) semaphore(%arg17 : memref<!tpu.dma_semaphore, #tpu.memory_space<semaphore_mem>>)
      %mul3A_4467 = arith.constant 10 : i32
      %mul3A_4468 = arith.muli %add3A_3608, %mul3A_4467 : i32
      %add3A_4469 = arith.addi %mul3A_2, %mul3A_4468 : i32
      %add3A_4470 = arith.constant 8 : i32
      %add3A_4471 = arith.addi %add3A_4469, %add3A_4470 : i32
      %mul3A_4472 = arith.constant 64 : i32
      %mul3A_4473 = arith.muli %add3A_4471, %mul3A_4472 : i32
      %dma_wait3A_4474 = arith.constant 8 : i32
      %dma_wait3A_4475 = arith.constant 0 : i32
      %dma_wait3A_4476 = arith.constant 0 : i32
      %dma_wait3A_4477 = tpu.memref_slice %arg7[%dma_wait3A_4474, %dma_wait3A_4475, %dma_wait3A_4476] : memref<10x64x128xf32, #tpu.memory_space<vmem>> -> memref<1x64x128xf32, #tpu.memory_space<vmem>>
      %dma_wait3A_4478 = tpu.memref_squeeze %dma_wait3A_4477 : memref<1x64x128xf32, #tpu.memory_space<vmem>> -> memref<64x128xf32, #tpu.memory_space<vmem>>
      %dma_wait3A_4479 = arith.constant 0 : i32
      %dma_wait3A_4480 = tpu.memref_slice %arg4[%mul3A_4473, %dma_wait3A_4479] : memref<3276800x128xf32, #tpu.memory_space<hbm>> -> memref<64x128xf32, #tpu.memory_space<hbm>>
      %dma_wait3A_4481 = arith.constant 0 : i32
      %dma_wait3A_4482 = tpu.memref_slice %arg4[%mul3A_4473, %dma_wait3A_4481] : memref<3276800x128xf32, #tpu.memory_space<hbm>> -> memref<64x128xf32, #tpu.memory_space<hbm>>
      %dma_wait3A_4483 = arith.constant 0 : i32
      %dma_wait3A_4484 = arith.constant 0 : i32
      %dma_wait3A_4485 = tpu.memref_slice %arg7[%dma_wait3A_4474, %dma_wait3A_4483, %dma_wait3A_4484] : memref<10x64x128xf32, #tpu.memory_space<vmem>> -> memref<1x64x128xf32, #tpu.memory_space<vmem>>
      %dma_wait3A_4486 = tpu.memref_squeeze %dma_wait3A_4485 : memref<1x64x128xf32, #tpu.memory_space<vmem>> -> memref<64x128xf32, #tpu.memory_space<vmem>>
      tpu.wait_dma2 semaphore(%arg28 : memref<!tpu.dma_semaphore, #tpu.memory_space<semaphore_mem>>) src(%dma_wait3A_4486 : memref<64x128xf32, #tpu.memory_space<vmem>>) dst(%dma_wait3A_4482 : memref<64x128xf32, #tpu.memory_space<hbm>>)
      %dma_start3A_4487 = arith.constant 8 : i32
      %dma_start3A_4488 = arith.constant 0 : i32
      %dma_start3A_4489 = arith.constant 0 : i32
      %dma_start3A_4490 = tpu.memref_slice %arg7[%dma_start3A_4487, %dma_start3A_4488, %dma_start3A_4489] : memref<10x64x128xf32, #tpu.memory_space<vmem>> -> memref<1x64x128xf32, #tpu.memory_space<vmem>>
      %dma_start3A_4491 = tpu.memref_squeeze %dma_start3A_4490 : memref<1x64x128xf32, #tpu.memory_space<vmem>> -> memref<64x128xf32, #tpu.memory_space<vmem>>
      %dma_start3A_4492 = arith.constant 512 : i32
      %dma_start3A_4493 = tpu.memref_slice %arg5[%dma_start3A_4492] : memref<640xi32, #tpu.memory_space<vmem>> -> memref<64xi32, #tpu.memory_space<vmem>>
      %dma_start3A_4494 = arith.constant 0 : i32
      %dma_start3A_4495 = arith.constant 0 : i32
      %dma_start3A_4496 = tpu.memref_slice %arg2[%dma_start3A_4494, %dma_start3A_4495] : memref<46080x128xf32, #tpu.memory_space<hbm>> -> memref<46080x128xf32, #tpu.memory_space<hbm>>
      tpu.enqueue_indirect_dma source(%dma_start3A_4496 : memref<46080x128xf32, #tpu.memory_space<hbm>>) target(%dma_start3A_4491 : memref<64x128xf32, #tpu.memory_space<vmem>>) offsets(%dma_start3A_4493 : memref<64xi32, #tpu.memory_space<vmem>>) semaphore(%arg18 : memref<!tpu.dma_semaphore, #tpu.memory_space<semaphore_mem>>)
      %mul3A_4497 = arith.constant 10 : i32
      %mul3A_4498 = arith.muli %add3A_3608, %mul3A_4497 : i32
      %add3A_4499 = arith.addi %mul3A_2, %mul3A_4498 : i32
      %add3A_4500 = arith.constant 9 : i32
      %add3A_4501 = arith.addi %add3A_4499, %add3A_4500 : i32
      %mul3A_4502 = arith.constant 64 : i32
      %mul3A_4503 = arith.muli %add3A_4501, %mul3A_4502 : i32
      %dma_wait3A_4504 = arith.constant 9 : i32
      %dma_wait3A_4505 = arith.constant 0 : i32
      %dma_wait3A_4506 = arith.constant 0 : i32
      %dma_wait3A_4507 = tpu.memref_slice %arg7[%dma_wait3A_4504, %dma_wait3A_4505, %dma_wait3A_4506] : memref<10x64x128xf32, #tpu.memory_space<vmem>> -> memref<1x64x128xf32, #tpu.memory_space<vmem>>
      %dma_wait3A_4508 = tpu.memref_squeeze %dma_wait3A_4507 : memref<1x64x128xf32, #tpu.memory_space<vmem>> -> memref<64x128xf32, #tpu.memory_space<vmem>>
      %dma_wait3A_4509 = arith.constant 0 : i32
      %dma_wait3A_4510 = tpu.memref_slice %arg4[%mul3A_4503, %dma_wait3A_4509] : memref<3276800x128xf32, #tpu.memory_space<hbm>> -> memref<64x128xf32, #tpu.memory_space<hbm>>
      %dma_wait3A_4511 = arith.constant 0 : i32
      %dma_wait3A_4512 = tpu.memref_slice %arg4[%mul3A_4503, %dma_wait3A_4511] : memref<3276800x128xf32, #tpu.memory_space<hbm>> -> memref<64x128xf32, #tpu.memory_space<hbm>>
      %dma_wait3A_4513 = arith.constant 0 : i32
      %dma_wait3A_4514 = arith.constant 0 : i32
      %dma_wait3A_4515 = tpu.memref_slice %arg7[%dma_wait3A_4504, %dma_wait3A_4513, %dma_wait3A_4514] : memref<10x64x128xf32, #tpu.memory_space<vmem>> -> memref<1x64x128xf32, #tpu.memory_space<vmem>>
      %dma_wait3A_4516 = tpu.memref_squeeze %dma_wait3A_4515 : memref<1x64x128xf32, #tpu.memory_space<vmem>> -> memref<64x128xf32, #tpu.memory_space<vmem>>
      tpu.wait_dma2 semaphore(%arg29 : memref<!tpu.dma_semaphore, #tpu.memory_space<semaphore_mem>>) src(%dma_wait3A_4516 : memref<64x128xf32, #tpu.memory_space<vmem>>) dst(%dma_wait3A_4512 : memref<64x128xf32, #tpu.memory_space<hbm>>)
      %dma_start3A_4517 = arith.constant 9 : i32
      %dma_start3A_4518 = arith.constant 0 : i32
      %dma_start3A_4519 = arith.constant 0 : i32
      %dma_start3A_4520 = tpu.memref_slice %arg7[%dma_start3A_4517, %dma_start3A_4518, %dma_start3A_4519] : memref<10x64x128xf32, #tpu.memory_space<vmem>> -> memref<1x64x128xf32, #tpu.memory_space<vmem>>
      %dma_start3A_4521 = tpu.memref_squeeze %dma_start3A_4520 : memref<1x64x128xf32, #tpu.memory_space<vmem>> -> memref<64x128xf32, #tpu.memory_space<vmem>>
      %dma_start3A_4522 = arith.constant 576 : i32
      %dma_start3A_4523 = tpu.memref_slice %arg5[%dma_start3A_4522] : memref<640xi32, #tpu.memory_space<vmem>> -> memref<64xi32, #tpu.memory_space<vmem>>
      %dma_start3A_4524 = arith.constant 0 : i32
      %dma_start3A_4525 = arith.constant 0 : i32
      %dma_start3A_4526 = tpu.memref_slice %arg2[%dma_start3A_4524, %dma_start3A_4525] : memref<46080x128xf32, #tpu.memory_space<hbm>> -> memref<46080x128xf32, #tpu.memory_space<hbm>>
      tpu.enqueue_indirect_dma source(%dma_start3A_4526 : memref<46080x128xf32, #tpu.memory_space<hbm>>) target(%dma_start3A_4521 : memref<64x128xf32, #tpu.memory_space<vmem>>) offsets(%dma_start3A_4523 : memref<64xi32, #tpu.memory_space<vmem>>) semaphore(%arg19 : memref<!tpu.dma_semaphore, #tpu.memory_space<semaphore_mem>>)
      %dma_wait3A_4527 = arith.constant 0 : i32
      %dma_wait3A_4528 = arith.constant 0 : i32
      %dma_wait3A_4529 = arith.constant 0 : i32
      %dma_wait3A_4530 = tpu.memref_slice %arg7[%dma_wait3A_4527, %dma_wait3A_4528, %dma_wait3A_4529] : memref<10x64x128xf32, #tpu.memory_space<vmem>> -> memref<1x64x128xf32, #tpu.memory_space<vmem>>
      %dma_wait3A_4531 = tpu.memref_squeeze %dma_wait3A_4530 : memref<1x64x128xf32, #tpu.memory_space<vmem>> -> memref<64x128xf32, #tpu.memory_space<vmem>>
      %dma_wait3A_4532 = arith.constant 0 : i32
      %dma_wait3A_4533 = tpu.memref_slice %arg5[%dma_wait3A_4532] : memref<640xi32, #tpu.memory_space<vmem>> -> memref<64xi32, #tpu.memory_space<vmem>>
      %dma_wait3A_4534 = arith.constant 0 : i32
      %dma_wait3A_4535 = arith.constant 0 : i32
      %dma_wait3A_4536 = tpu.memref_slice %arg2[%dma_wait3A_4534, %dma_wait3A_4535] : memref<46080x128xf32, #tpu.memory_space<hbm>> -> memref<46080x128xf32, #tpu.memory_space<hbm>>
      tpu.wait_indirect_dma semaphore(%arg10 : memref<!tpu.dma_semaphore, #tpu.memory_space<semaphore_mem>>) src(%dma_wait3A_4536 : memref<46080x128xf32, #tpu.memory_space<hbm>>) dst(%dma_wait3A_4531 : memref<64x128xf32, #tpu.memory_space<vmem>>)
      %mul3A_4537 = arith.constant 10 : i32
      %mul3A_4538 = arith.muli %add3A_3608, %mul3A_4537 : i32
      %add3A_4539 = arith.addi %mul3A_2, %mul3A_4538 : i32
      %add3A_4540 = arith.constant 0 : i32
      %add3A_4541 = arith.addi %add3A_4539, %add3A_4540 : i32
      %mul3A_4542 = arith.constant 64 : i32
      %mul3A_4543 = arith.muli %add3A_4541, %mul3A_4542 : i32
      %dma_start3A_4544 = arith.constant 0 : i32
      %dma_start3A_4545 = arith.constant 0 : i32
      %dma_start3A_4546 = arith.constant 0 : i32
      %dma_start3A_4547 = tpu.memref_slice %arg7[%dma_start3A_4544, %dma_start3A_4545, %dma_start3A_4546] : memref<10x64x128xf32, #tpu.memory_space<vmem>> -> memref<1x64x128xf32, #tpu.memory_space<vmem>>
      %dma_start3A_4548 = tpu.memref_squeeze %dma_start3A_4547 : memref<1x64x128xf32, #tpu.memory_space<vmem>> -> memref<64x128xf32, #tpu.memory_space<vmem>>
      %dma_start3A_4549 = arith.constant 0 : i32
      %dma_start3A_4550 = tpu.memref_slice %arg4[%mul3A_4543, %dma_start3A_4549] : memref<3276800x128xf32, #tpu.memory_space<hbm>> -> memref<64x128xf32, #tpu.memory_space<hbm>>
      %dma_start3A_4551 = arith.constant 0 : i32
      %dma_start3A_4552 = tpu.memref_slice %arg4[%mul3A_4543, %dma_start3A_4551] : memref<3276800x128xf32, #tpu.memory_space<hbm>> -> memref<64x128xf32, #tpu.memory_space<hbm>>
      %dma_start3A_4553 = arith.constant 0 : i32
      %dma_start3A_4554 = arith.constant 0 : i32
      %dma_start3A_4555 = tpu.memref_slice %arg7[%dma_start3A_4544, %dma_start3A_4553, %dma_start3A_4554] : memref<10x64x128xf32, #tpu.memory_space<vmem>> -> memref<1x64x128xf32, #tpu.memory_space<vmem>>
      %dma_start3A_4556 = tpu.memref_squeeze %dma_start3A_4555 : memref<1x64x128xf32, #tpu.memory_space<vmem>> -> memref<64x128xf32, #tpu.memory_space<vmem>>
      tpu.enqueue_dma source(%dma_start3A_4556 : memref<64x128xf32, #tpu.memory_space<vmem>>) target(%dma_start3A_4552 : memref<64x128xf32, #tpu.memory_space<hbm>>) target_semaphore(%arg20 : memref<!tpu.dma_semaphore, #tpu.memory_space<semaphore_mem>>)
      %dma_wait3A_4557 = arith.constant 1 : i32
      %dma_wait3A_4558 = arith.constant 0 : i32
      %dma_wait3A_4559 = arith.constant 0 : i32
      %dma_wait3A_4560 = tpu.memref_slice %arg7[%dma_wait3A_4557, %dma_wait3A_4558, %dma_wait3A_4559] : memref<10x64x128xf32, #tpu.memory_space<vmem>> -> memref<1x64x128xf32, #tpu.memory_space<vmem>>
      %dma_wait3A_4561 = tpu.memref_squeeze %dma_wait3A_4560 : memref<1x64x128xf32, #tpu.memory_space<vmem>> -> memref<64x128xf32, #tpu.memory_space<vmem>>
      %dma_wait3A_4562 = arith.constant 64 : i32
      %dma_wait3A_4563 = tpu.memref_slice %arg5[%dma_wait3A_4562] : memref<640xi32, #tpu.memory_space<vmem>> -> memref<64xi32, #tpu.memory_space<vmem>>
      %dma_wait3A_4564 = arith.constant 0 : i32
      %dma_wait3A_4565 = arith.constant 0 : i32
      %dma_wait3A_4566 = tpu.memref_slice %arg2[%dma_wait3A_4564, %dma_wait3A_4565] : memref<46080x128xf32, #tpu.memory_space<hbm>> -> memref<46080x128xf32, #tpu.memory_space<hbm>>
      tpu.wait_indirect_dma semaphore(%arg11 : memref<!tpu.dma_semaphore, #tpu.memory_space<semaphore_mem>>) src(%dma_wait3A_4566 : memref<46080x128xf32, #tpu.memory_space<hbm>>) dst(%dma_wait3A_4561 : memref<64x128xf32, #tpu.memory_space<vmem>>)
      %mul3A_4567 = arith.constant 10 : i32
      %mul3A_4568 = arith.muli %add3A_3608, %mul3A_4567 : i32
      %add3A_4569 = arith.addi %mul3A_2, %mul3A_4568 : i32
      %add3A_4570 = arith.constant 1 : i32
      %add3A_4571 = arith.addi %add3A_4569, %add3A_4570 : i32
      %mul3A_4572 = arith.constant 64 : i32
      %mul3A_4573 = arith.muli %add3A_4571, %mul3A_4572 : i32
      %dma_start3A_4574 = arith.constant 1 : i32
      %dma_start3A_4575 = arith.constant 0 : i32
      %dma_start3A_4576 = arith.constant 0 : i32
      %dma_start3A_4577 = tpu.memref_slice %arg7[%dma_start3A_4574, %dma_start3A_4575, %dma_start3A_4576] : memref<10x64x128xf32, #tpu.memory_space<vmem>> -> memref<1x64x128xf32, #tpu.memory_space<vmem>>
      %dma_start3A_4578 = tpu.memref_squeeze %dma_start3A_4577 : memref<1x64x128xf32, #tpu.memory_space<vmem>> -> memref<64x128xf32, #tpu.memory_space<vmem>>
      %dma_start3A_4579 = arith.constant 0 : i32
      %dma_start3A_4580 = tpu.memref_slice %arg4[%mul3A_4573, %dma_start3A_4579] : memref<3276800x128xf32, #tpu.memory_space<hbm>> -> memref<64x128xf32, #tpu.memory_space<hbm>>
      %dma_start3A_4581 = arith.constant 0 : i32
      %dma_start3A_4582 = tpu.memref_slice %arg4[%mul3A_4573, %dma_start3A_4581] : memref<3276800x128xf32, #tpu.memory_space<hbm>> -> memref<64x128xf32, #tpu.memory_space<hbm>>
      %dma_start3A_4583 = arith.constant 0 : i32
      %dma_start3A_4584 = arith.constant 0 : i32
      %dma_start3A_4585 = tpu.memref_slice %arg7[%dma_start3A_4574, %dma_start3A_4583, %dma_start3A_4584] : memref<10x64x128xf32, #tpu.memory_space<vmem>> -> memref<1x64x128xf32, #tpu.memory_space<vmem>>
      %dma_start3A_4586 = tpu.memref_squeeze %dma_start3A_4585 : memref<1x64x128xf32, #tpu.memory_space<vmem>> -> memref<64x128xf32, #tpu.memory_space<vmem>>
      tpu.enqueue_dma source(%dma_start3A_4586 : memref<64x128xf32, #tpu.memory_space<vmem>>) target(%dma_start3A_4582 : memref<64x128xf32, #tpu.memory_space<hbm>>) target_semaphore(%arg21 : memref<!tpu.dma_semaphore, #tpu.memory_space<semaphore_mem>>)
      %dma_wait3A_4587 = arith.constant 2 : i32
      %dma_wait3A_4588 = arith.constant 0 : i32
      %dma_wait3A_4589 = arith.constant 0 : i32
      %dma_wait3A_4590 = tpu.memref_slice %arg7[%dma_wait3A_4587, %dma_wait3A_4588, %dma_wait3A_4589] : memref<10x64x128xf32, #tpu.memory_space<vmem>> -> memref<1x64x128xf32, #tpu.memory_space<vmem>>
      %dma_wait3A_4591 = tpu.memref_squeeze %dma_wait3A_4590 : memref<1x64x128xf32, #tpu.memory_space<vmem>> -> memref<64x128xf32, #tpu.memory_space<vmem>>
      %dma_wait3A_4592 = arith.constant 128 : i32
      %dma_wait3A_4593 = tpu.memref_slice %arg5[%dma_wait3A_4592] : memref<640xi32, #tpu.memory_space<vmem>> -> memref<64xi32, #tpu.memory_space<vmem>>
      %dma_wait3A_4594 = arith.constant 0 : i32
      %dma_wait3A_4595 = arith.constant 0 : i32
      %dma_wait3A_4596 = tpu.memref_slice %arg2[%dma_wait3A_4594, %dma_wait3A_4595] : memref<46080x128xf32, #tpu.memory_space<hbm>> -> memref<46080x128xf32, #tpu.memory_space<hbm>>
      tpu.wait_indirect_dma semaphore(%arg12 : memref<!tpu.dma_semaphore, #tpu.memory_space<semaphore_mem>>) src(%dma_wait3A_4596 : memref<46080x128xf32, #tpu.memory_space<hbm>>) dst(%dma_wait3A_4591 : memref<64x128xf32, #tpu.memory_space<vmem>>)
      %mul3A_4597 = arith.constant 10 : i32
      %mul3A_4598 = arith.muli %add3A_3608, %mul3A_4597 : i32
      %add3A_4599 = arith.addi %mul3A_2, %mul3A_4598 : i32
      %add3A_4600 = arith.constant 2 : i32
      %add3A_4601 = arith.addi %add3A_4599, %add3A_4600 : i32
      %mul3A_4602 = arith.constant 64 : i32
      %mul3A_4603 = arith.muli %add3A_4601, %mul3A_4602 : i32
      %dma_start3A_4604 = arith.constant 2 : i32
      %dma_start3A_4605 = arith.constant 0 : i32
      %dma_start3A_4606 = arith.constant 0 : i32
      %dma_start3A_4607 = tpu.memref_slice %arg7[%dma_start3A_4604, %dma_start3A_4605, %dma_start3A_4606] : memref<10x64x128xf32, #tpu.memory_space<vmem>> -> memref<1x64x128xf32, #tpu.memory_space<vmem>>
      %dma_start3A_4608 = tpu.memref_squeeze %dma_start3A_4607 : memref<1x64x128xf32, #tpu.memory_space<vmem>> -> memref<64x128xf32, #tpu.memory_space<vmem>>
      %dma_start3A_4609 = arith.constant 0 : i32
      %dma_start3A_4610 = tpu.memref_slice %arg4[%mul3A_4603, %dma_start3A_4609] : memref<3276800x128xf32, #tpu.memory_space<hbm>> -> memref<64x128xf32, #tpu.memory_space<hbm>>
      %dma_start3A_4611 = arith.constant 0 : i32
      %dma_start3A_4612 = tpu.memref_slice %arg4[%mul3A_4603, %dma_start3A_4611] : memref<3276800x128xf32, #tpu.memory_space<hbm>> -> memref<64x128xf32, #tpu.memory_space<hbm>>
      %dma_start3A_4613 = arith.constant 0 : i32
      %dma_start3A_4614 = arith.constant 0 : i32
      %dma_start3A_4615 = tpu.memref_slice %arg7[%dma_start3A_4604, %dma_start3A_4613, %dma_start3A_4614] : memref<10x64x128xf32, #tpu.memory_space<vmem>> -> memref<1x64x128xf32, #tpu.memory_space<vmem>>
      %dma_start3A_4616 = tpu.memref_squeeze %dma_start3A_4615 : memref<1x64x128xf32, #tpu.memory_space<vmem>> -> memref<64x128xf32, #tpu.memory_space<vmem>>
      tpu.enqueue_dma source(%dma_start3A_4616 : memref<64x128xf32, #tpu.memory_space<vmem>>) target(%dma_start3A_4612 : memref<64x128xf32, #tpu.memory_space<hbm>>) target_semaphore(%arg22 : memref<!tpu.dma_semaphore, #tpu.memory_space<semaphore_mem>>)
      %dma_wait3A_4617 = arith.constant 3 : i32
      %dma_wait3A_4618 = arith.constant 0 : i32
      %dma_wait3A_4619 = arith.constant 0 : i32
      %dma_wait3A_4620 = tpu.memref_slice %arg7[%dma_wait3A_4617, %dma_wait3A_4618, %dma_wait3A_4619] : memref<10x64x128xf32, #tpu.memory_space<vmem>> -> memref<1x64x128xf32, #tpu.memory_space<vmem>>
      %dma_wait3A_4621 = tpu.memref_squeeze %dma_wait3A_4620 : memref<1x64x128xf32, #tpu.memory_space<vmem>> -> memref<64x128xf32, #tpu.memory_space<vmem>>
      %dma_wait3A_4622 = arith.constant 192 : i32
      %dma_wait3A_4623 = tpu.memref_slice %arg5[%dma_wait3A_4622] : memref<640xi32, #tpu.memory_space<vmem>> -> memref<64xi32, #tpu.memory_space<vmem>>
      %dma_wait3A_4624 = arith.constant 0 : i32
      %dma_wait3A_4625 = arith.constant 0 : i32
      %dma_wait3A_4626 = tpu.memref_slice %arg2[%dma_wait3A_4624, %dma_wait3A_4625] : memref<46080x128xf32, #tpu.memory_space<hbm>> -> memref<46080x128xf32, #tpu.memory_space<hbm>>
      tpu.wait_indirect_dma semaphore(%arg13 : memref<!tpu.dma_semaphore, #tpu.memory_space<semaphore_mem>>) src(%dma_wait3A_4626 : memref<46080x128xf32, #tpu.memory_space<hbm>>) dst(%dma_wait3A_4621 : memref<64x128xf32, #tpu.memory_space<vmem>>)
      %mul3A_4627 = arith.constant 10 : i32
      %mul3A_4628 = arith.muli %add3A_3608, %mul3A_4627 : i32
      %add3A_4629 = arith.addi %mul3A_2, %mul3A_4628 : i32
      %add3A_4630 = arith.constant 3 : i32
      %add3A_4631 = arith.addi %add3A_4629, %add3A_4630 : i32
      %mul3A_4632 = arith.constant 64 : i32
      %mul3A_4633 = arith.muli %add3A_4631, %mul3A_4632 : i32
      %dma_start3A_4634 = arith.constant 3 : i32
      %dma_start3A_4635 = arith.constant 0 : i32
      %dma_start3A_4636 = arith.constant 0 : i32
      %dma_start3A_4637 = tpu.memref_slice %arg7[%dma_start3A_4634, %dma_start3A_4635, %dma_start3A_4636] : memref<10x64x128xf32, #tpu.memory_space<vmem>> -> memref<1x64x128xf32, #tpu.memory_space<vmem>>
      %dma_start3A_4638 = tpu.memref_squeeze %dma_start3A_4637 : memref<1x64x128xf32, #tpu.memory_space<vmem>> -> memref<64x128xf32, #tpu.memory_space<vmem>>
      %dma_start3A_4639 = arith.constant 0 : i32
      %dma_start3A_4640 = tpu.memref_slice %arg4[%mul3A_4633, %dma_start3A_4639] : memref<3276800x128xf32, #tpu.memory_space<hbm>> -> memref<64x128xf32, #tpu.memory_space<hbm>>
      %dma_start3A_4641 = arith.constant 0 : i32
      %dma_start3A_4642 = tpu.memref_slice %arg4[%mul3A_4633, %dma_start3A_4641] : memref<3276800x128xf32, #tpu.memory_space<hbm>> -> memref<64x128xf32, #tpu.memory_space<hbm>>
      %dma_start3A_4643 = arith.constant 0 : i32
      %dma_start3A_4644 = arith.constant 0 : i32
      %dma_start3A_4645 = tpu.memref_slice %arg7[%dma_start3A_4634, %dma_start3A_4643, %dma_start3A_4644] : memref<10x64x128xf32, #tpu.memory_space<vmem>> -> memref<1x64x128xf32, #tpu.memory_space<vmem>>
      %dma_start3A_4646 = tpu.memref_squeeze %dma_start3A_4645 : memref<1x64x128xf32, #tpu.memory_space<vmem>> -> memref<64x128xf32, #tpu.memory_space<vmem>>
      tpu.enqueue_dma source(%dma_start3A_4646 : memref<64x128xf32, #tpu.memory_space<vmem>>) target(%dma_start3A_4642 : memref<64x128xf32, #tpu.memory_space<hbm>>) target_semaphore(%arg23 : memref<!tpu.dma_semaphore, #tpu.memory_space<semaphore_mem>>)
      %dma_wait3A_4647 = arith.constant 4 : i32
      %dma_wait3A_4648 = arith.constant 0 : i32
      %dma_wait3A_4649 = arith.constant 0 : i32
      %dma_wait3A_4650 = tpu.memref_slice %arg7[%dma_wait3A_4647, %dma_wait3A_4648, %dma_wait3A_4649] : memref<10x64x128xf32, #tpu.memory_space<vmem>> -> memref<1x64x128xf32, #tpu.memory_space<vmem>>
      %dma_wait3A_4651 = tpu.memref_squeeze %dma_wait3A_4650 : memref<1x64x128xf32, #tpu.memory_space<vmem>> -> memref<64x128xf32, #tpu.memory_space<vmem>>
      %dma_wait3A_4652 = arith.constant 256 : i32
      %dma_wait3A_4653 = tpu.memref_slice %arg5[%dma_wait3A_4652] : memref<640xi32, #tpu.memory_space<vmem>> -> memref<64xi32, #tpu.memory_space<vmem>>
      %dma_wait3A_4654 = arith.constant 0 : i32
      %dma_wait3A_4655 = arith.constant 0 : i32
      %dma_wait3A_4656 = tpu.memref_slice %arg2[%dma_wait3A_4654, %dma_wait3A_4655] : memref<46080x128xf32, #tpu.memory_space<hbm>> -> memref<46080x128xf32, #tpu.memory_space<hbm>>
      tpu.wait_indirect_dma semaphore(%arg14 : memref<!tpu.dma_semaphore, #tpu.memory_space<semaphore_mem>>) src(%dma_wait3A_4656 : memref<46080x128xf32, #tpu.memory_space<hbm>>) dst(%dma_wait3A_4651 : memref<64x128xf32, #tpu.memory_space<vmem>>)
      %mul3A_4657 = arith.constant 10 : i32
      %mul3A_4658 = arith.muli %add3A_3608, %mul3A_4657 : i32
      %add3A_4659 = arith.addi %mul3A_2, %mul3A_4658 : i32
      %add3A_4660 = arith.constant 4 : i32
      %add3A_4661 = arith.addi %add3A_4659, %add3A_4660 : i32
      %mul3A_4662 = arith.constant 64 : i32
      %mul3A_4663 = arith.muli %add3A_4661, %mul3A_4662 : i32
      %dma_start3A_4664 = arith.constant 4 : i32
      %dma_start3A_4665 = arith.constant 0 : i32
      %dma_start3A_4666 = arith.constant 0 : i32
      %dma_start3A_4667 = tpu.memref_slice %arg7[%dma_start3A_4664, %dma_start3A_4665, %dma_start3A_4666] : memref<10x64x128xf32, #tpu.memory_space<vmem>> -> memref<1x64x128xf32, #tpu.memory_space<vmem>>
      %dma_start3A_4668 = tpu.memref_squeeze %dma_start3A_4667 : memref<1x64x128xf32, #tpu.memory_space<vmem>> -> memref<64x128xf32, #tpu.memory_space<vmem>>
      %dma_start3A_4669 = arith.constant 0 : i32
      %dma_start3A_4670 = tpu.memref_slice %arg4[%mul3A_4663, %dma_start3A_4669] : memref<3276800x128xf32, #tpu.memory_space<hbm>> -> memref<64x128xf32, #tpu.memory_space<hbm>>
      %dma_start3A_4671 = arith.constant 0 : i32
      %dma_start3A_4672 = tpu.memref_slice %arg4[%mul3A_4663, %dma_start3A_4671] : memref<3276800x128xf32, #tpu.memory_space<hbm>> -> memref<64x128xf32, #tpu.memory_space<hbm>>
      %dma_start3A_4673 = arith.constant 0 : i32
      %dma_start3A_4674 = arith.constant 0 : i32
      %dma_start3A_4675 = tpu.memref_slice %arg7[%dma_start3A_4664, %dma_start3A_4673, %dma_start3A_4674] : memref<10x64x128xf32, #tpu.memory_space<vmem>> -> memref<1x64x128xf32, #tpu.memory_space<vmem>>
      %dma_start3A_4676 = tpu.memref_squeeze %dma_start3A_4675 : memref<1x64x128xf32, #tpu.memory_space<vmem>> -> memref<64x128xf32, #tpu.memory_space<vmem>>
      tpu.enqueue_dma source(%dma_start3A_4676 : memref<64x128xf32, #tpu.memory_space<vmem>>) target(%dma_start3A_4672 : memref<64x128xf32, #tpu.memory_space<hbm>>) target_semaphore(%arg24 : memref<!tpu.dma_semaphore, #tpu.memory_space<semaphore_mem>>)
      %dma_wait3A_4677 = arith.constant 5 : i32
      %dma_wait3A_4678 = arith.constant 0 : i32
      %dma_wait3A_4679 = arith.constant 0 : i32
      %dma_wait3A_4680 = tpu.memref_slice %arg7[%dma_wait3A_4677, %dma_wait3A_4678, %dma_wait3A_4679] : memref<10x64x128xf32, #tpu.memory_space<vmem>> -> memref<1x64x128xf32, #tpu.memory_space<vmem>>
      %dma_wait3A_4681 = tpu.memref_squeeze %dma_wait3A_4680 : memref<1x64x128xf32, #tpu.memory_space<vmem>> -> memref<64x128xf32, #tpu.memory_space<vmem>>
      %dma_wait3A_4682 = arith.constant 320 : i32
      %dma_wait3A_4683 = tpu.memref_slice %arg5[%dma_wait3A_4682] : memref<640xi32, #tpu.memory_space<vmem>> -> memref<64xi32, #tpu.memory_space<vmem>>
      %dma_wait3A_4684 = arith.constant 0 : i32
      %dma_wait3A_4685 = arith.constant 0 : i32
      %dma_wait3A_4686 = tpu.memref_slice %arg2[%dma_wait3A_4684, %dma_wait3A_4685] : memref<46080x128xf32, #tpu.memory_space<hbm>> -> memref<46080x128xf32, #tpu.memory_space<hbm>>
      tpu.wait_indirect_dma semaphore(%arg15 : memref<!tpu.dma_semaphore, #tpu.memory_space<semaphore_mem>>) src(%dma_wait3A_4686 : memref<46080x128xf32, #tpu.memory_space<hbm>>) dst(%dma_wait3A_4681 : memref<64x128xf32, #tpu.memory_space<vmem>>)
      %mul3A_4687 = arith.constant 10 : i32
      %mul3A_4688 = arith.muli %add3A_3608, %mul3A_4687 : i32
      %add3A_4689 = arith.addi %mul3A_2, %mul3A_4688 : i32
      %add3A_4690 = arith.constant 5 : i32
      %add3A_4691 = arith.addi %add3A_4689, %add3A_4690 : i32
      %mul3A_4692 = arith.constant 64 : i32
      %mul3A_4693 = arith.muli %add3A_4691, %mul3A_4692 : i32
      %dma_start3A_4694 = arith.constant 5 : i32
      %dma_start3A_4695 = arith.constant 0 : i32
      %dma_start3A_4696 = arith.constant 0 : i32
      %dma_start3A_4697 = tpu.memref_slice %arg7[%dma_start3A_4694, %dma_start3A_4695, %dma_start3A_4696] : memref<10x64x128xf32, #tpu.memory_space<vmem>> -> memref<1x64x128xf32, #tpu.memory_space<vmem>>
      %dma_start3A_4698 = tpu.memref_squeeze %dma_start3A_4697 : memref<1x64x128xf32, #tpu.memory_space<vmem>> -> memref<64x128xf32, #tpu.memory_space<vmem>>
      %dma_start3A_4699 = arith.constant 0 : i32
      %dma_start3A_4700 = tpu.memref_slice %arg4[%mul3A_4693, %dma_start3A_4699] : memref<3276800x128xf32, #tpu.memory_space<hbm>> -> memref<64x128xf32, #tpu.memory_space<hbm>>
      %dma_start3A_4701 = arith.constant 0 : i32
      %dma_start3A_4702 = tpu.memref_slice %arg4[%mul3A_4693, %dma_start3A_4701] : memref<3276800x128xf32, #tpu.memory_space<hbm>> -> memref<64x128xf32, #tpu.memory_space<hbm>>
      %dma_start3A_4703 = arith.constant 0 : i32
      %dma_start3A_4704 = arith.constant 0 : i32
      %dma_start3A_4705 = tpu.memref_slice %arg7[%dma_start3A_4694, %dma_start3A_4703, %dma_start3A_4704] : memref<10x64x128xf32, #tpu.memory_space<vmem>> -> memref<1x64x128xf32, #tpu.memory_space<vmem>>
      %dma_start3A_4706 = tpu.memref_squeeze %dma_start3A_4705 : memref<1x64x128xf32, #tpu.memory_space<vmem>> -> memref<64x128xf32, #tpu.memory_space<vmem>>
      tpu.enqueue_dma source(%dma_start3A_4706 : memref<64x128xf32, #tpu.memory_space<vmem>>) target(%dma_start3A_4702 : memref<64x128xf32, #tpu.memory_space<hbm>>) target_semaphore(%arg25 : memref<!tpu.dma_semaphore, #tpu.memory_space<semaphore_mem>>)
      %dma_wait3A_4707 = arith.constant 6 : i32
      %dma_wait3A_4708 = arith.constant 0 : i32
      %dma_wait3A_4709 = arith.constant 0 : i32
      %dma_wait3A_4710 = tpu.memref_slice %arg7[%dma_wait3A_4707, %dma_wait3A_4708, %dma_wait3A_4709] : memref<10x64x128xf32, #tpu.memory_space<vmem>> -> memref<1x64x128xf32, #tpu.memory_space<vmem>>
      %dma_wait3A_4711 = tpu.memref_squeeze %dma_wait3A_4710 : memref<1x64x128xf32, #tpu.memory_space<vmem>> -> memref<64x128xf32, #tpu.memory_space<vmem>>
      %dma_wait3A_4712 = arith.constant 384 : i32
      %dma_wait3A_4713 = tpu.memref_slice %arg5[%dma_wait3A_4712] : memref<640xi32, #tpu.memory_space<vmem>> -> memref<64xi32, #tpu.memory_space<vmem>>
      %dma_wait3A_4714 = arith.constant 0 : i32
      %dma_wait3A_4715 = arith.constant 0 : i32
      %dma_wait3A_4716 = tpu.memref_slice %arg2[%dma_wait3A_4714, %dma_wait3A_4715] : memref<46080x128xf32, #tpu.memory_space<hbm>> -> memref<46080x128xf32, #tpu.memory_space<hbm>>
      tpu.wait_indirect_dma semaphore(%arg16 : memref<!tpu.dma_semaphore, #tpu.memory_space<semaphore_mem>>) src(%dma_wait3A_4716 : memref<46080x128xf32, #tpu.memory_space<hbm>>) dst(%dma_wait3A_4711 : memref<64x128xf32, #tpu.memory_space<vmem>>)
      %mul3A_4717 = arith.constant 10 : i32
      %mul3A_4718 = arith.muli %add3A_3608, %mul3A_4717 : i32
      %add3A_4719 = arith.addi %mul3A_2, %mul3A_4718 : i32
      %add3A_4720 = arith.constant 6 : i32
      %add3A_4721 = arith.addi %add3A_4719, %add3A_4720 : i32
      %mul3A_4722 = arith.constant 64 : i32
      %mul3A_4723 = arith.muli %add3A_4721, %mul3A_4722 : i32
      %dma_start3A_4724 = arith.constant 6 : i32
      %dma_start3A_4725 = arith.constant 0 : i32
      %dma_start3A_4726 = arith.constant 0 : i32
      %dma_start3A_4727 = tpu.memref_slice %arg7[%dma_start3A_4724, %dma_start3A_4725, %dma_start3A_4726] : memref<10x64x128xf32, #tpu.memory_space<vmem>> -> memref<1x64x128xf32, #tpu.memory_space<vmem>>
      %dma_start3A_4728 = tpu.memref_squeeze %dma_start3A_4727 : memref<1x64x128xf32, #tpu.memory_space<vmem>> -> memref<64x128xf32, #tpu.memory_space<vmem>>
      %dma_start3A_4729 = arith.constant 0 : i32
      %dma_start3A_4730 = tpu.memref_slice %arg4[%mul3A_4723, %dma_start3A_4729] : memref<3276800x128xf32, #tpu.memory_space<hbm>> -> memref<64x128xf32, #tpu.memory_space<hbm>>
      %dma_start3A_4731 = arith.constant 0 : i32
      %dma_start3A_4732 = tpu.memref_slice %arg4[%mul3A_4723, %dma_start3A_4731] : memref<3276800x128xf32, #tpu.memory_space<hbm>> -> memref<64x128xf32, #tpu.memory_space<hbm>>
      %dma_start3A_4733 = arith.constant 0 : i32
      %dma_start3A_4734 = arith.constant 0 : i32
      %dma_start3A_4735 = tpu.memref_slice %arg7[%dma_start3A_4724, %dma_start3A_4733, %dma_start3A_4734] : memref<10x64x128xf32, #tpu.memory_space<vmem>> -> memref<1x64x128xf32, #tpu.memory_space<vmem>>
      %dma_start3A_4736 = tpu.memref_squeeze %dma_start3A_4735 : memref<1x64x128xf32, #tpu.memory_space<vmem>> -> memref<64x128xf32, #tpu.memory_space<vmem>>
      tpu.enqueue_dma source(%dma_start3A_4736 : memref<64x128xf32, #tpu.memory_space<vmem>>) target(%dma_start3A_4732 : memref<64x128xf32, #tpu.memory_space<hbm>>) target_semaphore(%arg26 : memref<!tpu.dma_semaphore, #tpu.memory_space<semaphore_mem>>)
      %dma_wait3A_4737 = arith.constant 7 : i32
      %dma_wait3A_4738 = arith.constant 0 : i32
      %dma_wait3A_4739 = arith.constant 0 : i32
      %dma_wait3A_4740 = tpu.memref_slice %arg7[%dma_wait3A_4737, %dma_wait3A_4738, %dma_wait3A_4739] : memref<10x64x128xf32, #tpu.memory_space<vmem>> -> memref<1x64x128xf32, #tpu.memory_space<vmem>>
      %dma_wait3A_4741 = tpu.memref_squeeze %dma_wait3A_4740 : memref<1x64x128xf32, #tpu.memory_space<vmem>> -> memref<64x128xf32, #tpu.memory_space<vmem>>
      %dma_wait3A_4742 = arith.constant 448 : i32
      %dma_wait3A_4743 = tpu.memref_slice %arg5[%dma_wait3A_4742] : memref<640xi32, #tpu.memory_space<vmem>> -> memref<64xi32, #tpu.memory_space<vmem>>
      %dma_wait3A_4744 = arith.constant 0 : i32
      %dma_wait3A_4745 = arith.constant 0 : i32
      %dma_wait3A_4746 = tpu.memref_slice %arg2[%dma_wait3A_4744, %dma_wait3A_4745] : memref<46080x128xf32, #tpu.memory_space<hbm>> -> memref<46080x128xf32, #tpu.memory_space<hbm>>
      tpu.wait_indirect_dma semaphore(%arg17 : memref<!tpu.dma_semaphore, #tpu.memory_space<semaphore_mem>>) src(%dma_wait3A_4746 : memref<46080x128xf32, #tpu.memory_space<hbm>>) dst(%dma_wait3A_4741 : memref<64x128xf32, #tpu.memory_space<vmem>>)
      %mul3A_4747 = arith.constant 10 : i32
      %mul3A_4748 = arith.muli %add3A_3608, %mul3A_4747 : i32
      %add3A_4749 = arith.addi %mul3A_2, %mul3A_4748 : i32
      %add3A_4750 = arith.constant 7 : i32
      %add3A_4751 = arith.addi %add3A_4749, %add3A_4750 : i32
      %mul3A_4752 = arith.constant 64 : i32
      %mul3A_4753 = arith.muli %add3A_4751, %mul3A_4752 : i32
      %dma_start3A_4754 = arith.constant 7 : i32
      %dma_start3A_4755 = arith.constant 0 : i32
      %dma_start3A_4756 = arith.constant 0 : i32
      %dma_start3A_4757 = tpu.memref_slice %arg7[%dma_start3A_4754, %dma_start3A_4755, %dma_start3A_4756] : memref<10x64x128xf32, #tpu.memory_space<vmem>> -> memref<1x64x128xf32, #tpu.memory_space<vmem>>
      %dma_start3A_4758 = tpu.memref_squeeze %dma_start3A_4757 : memref<1x64x128xf32, #tpu.memory_space<vmem>> -> memref<64x128xf32, #tpu.memory_space<vmem>>
      %dma_start3A_4759 = arith.constant 0 : i32
      %dma_start3A_4760 = tpu.memref_slice %arg4[%mul3A_4753, %dma_start3A_4759] : memref<3276800x128xf32, #tpu.memory_space<hbm>> -> memref<64x128xf32, #tpu.memory_space<hbm>>
      %dma_start3A_4761 = arith.constant 0 : i32
      %dma_start3A_4762 = tpu.memref_slice %arg4[%mul3A_4753, %dma_start3A_4761] : memref<3276800x128xf32, #tpu.memory_space<hbm>> -> memref<64x128xf32, #tpu.memory_space<hbm>>
      %dma_start3A_4763 = arith.constant 0 : i32
      %dma_start3A_4764 = arith.constant 0 : i32
      %dma_start3A_4765 = tpu.memref_slice %arg7[%dma_start3A_4754, %dma_start3A_4763, %dma_start3A_4764] : memref<10x64x128xf32, #tpu.memory_space<vmem>> -> memref<1x64x128xf32, #tpu.memory_space<vmem>>
      %dma_start3A_4766 = tpu.memref_squeeze %dma_start3A_4765 : memref<1x64x128xf32, #tpu.memory_space<vmem>> -> memref<64x128xf32, #tpu.memory_space<vmem>>
      tpu.enqueue_dma source(%dma_start3A_4766 : memref<64x128xf32, #tpu.memory_space<vmem>>) target(%dma_start3A_4762 : memref<64x128xf32, #tpu.memory_space<hbm>>) target_semaphore(%arg27 : memref<!tpu.dma_semaphore, #tpu.memory_space<semaphore_mem>>)
      %dma_wait3A_4767 = arith.constant 8 : i32
      %dma_wait3A_4768 = arith.constant 0 : i32
      %dma_wait3A_4769 = arith.constant 0 : i32
      %dma_wait3A_4770 = tpu.memref_slice %arg7[%dma_wait3A_4767, %dma_wait3A_4768, %dma_wait3A_4769] : memref<10x64x128xf32, #tpu.memory_space<vmem>> -> memref<1x64x128xf32, #tpu.memory_space<vmem>>
      %dma_wait3A_4771 = tpu.memref_squeeze %dma_wait3A_4770 : memref<1x64x128xf32, #tpu.memory_space<vmem>> -> memref<64x128xf32, #tpu.memory_space<vmem>>
      %dma_wait3A_4772 = arith.constant 512 : i32
      %dma_wait3A_4773 = tpu.memref_slice %arg5[%dma_wait3A_4772] : memref<640xi32, #tpu.memory_space<vmem>> -> memref<64xi32, #tpu.memory_space<vmem>>
      %dma_wait3A_4774 = arith.constant 0 : i32
      %dma_wait3A_4775 = arith.constant 0 : i32
      %dma_wait3A_4776 = tpu.memref_slice %arg2[%dma_wait3A_4774, %dma_wait3A_4775] : memref<46080x128xf32, #tpu.memory_space<hbm>> -> memref<46080x128xf32, #tpu.memory_space<hbm>>
      tpu.wait_indirect_dma semaphore(%arg18 : memref<!tpu.dma_semaphore, #tpu.memory_space<semaphore_mem>>) src(%dma_wait3A_4776 : memref<46080x128xf32, #tpu.memory_space<hbm>>) dst(%dma_wait3A_4771 : memref<64x128xf32, #tpu.memory_space<vmem>>)
      %mul3A_4777 = arith.constant 10 : i32
      %mul3A_4778 = arith.muli %add3A_3608, %mul3A_4777 : i32
      %add3A_4779 = arith.addi %mul3A_2, %mul3A_4778 : i32
      %add3A_4780 = arith.constant 8 : i32
      %add3A_4781 = arith.addi %add3A_4779, %add3A_4780 : i32
      %mul3A_4782 = arith.constant 64 : i32
      %mul3A_4783 = arith.muli %add3A_4781, %mul3A_4782 : i32
      %dma_start3A_4784 = arith.constant 8 : i32
      %dma_start3A_4785 = arith.constant 0 : i32
      %dma_start3A_4786 = arith.constant 0 : i32
      %dma_start3A_4787 = tpu.memref_slice %arg7[%dma_start3A_4784, %dma_start3A_4785, %dma_start3A_4786] : memref<10x64x128xf32, #tpu.memory_space<vmem>> -> memref<1x64x128xf32, #tpu.memory_space<vmem>>
      %dma_start3A_4788 = tpu.memref_squeeze %dma_start3A_4787 : memref<1x64x128xf32, #tpu.memory_space<vmem>> -> memref<64x128xf32, #tpu.memory_space<vmem>>
      %dma_start3A_4789 = arith.constant 0 : i32
      %dma_start3A_4790 = tpu.memref_slice %arg4[%mul3A_4783, %dma_start3A_4789] : memref<3276800x128xf32, #tpu.memory_space<hbm>> -> memref<64x128xf32, #tpu.memory_space<hbm>>
      %dma_start3A_4791 = arith.constant 0 : i32
      %dma_start3A_4792 = tpu.memref_slice %arg4[%mul3A_4783, %dma_start3A_4791] : memref<3276800x128xf32, #tpu.memory_space<hbm>> -> memref<64x128xf32, #tpu.memory_space<hbm>>
      %dma_start3A_4793 = arith.constant 0 : i32
      %dma_start3A_4794 = arith.constant 0 : i32
      %dma_start3A_4795 = tpu.memref_slice %arg7[%dma_start3A_4784, %dma_start3A_4793, %dma_start3A_4794] : memref<10x64x128xf32, #tpu.memory_space<vmem>> -> memref<1x64x128xf32, #tpu.memory_space<vmem>>
      %dma_start3A_4796 = tpu.memref_squeeze %dma_start3A_4795 : memref<1x64x128xf32, #tpu.memory_space<vmem>> -> memref<64x128xf32, #tpu.memory_space<vmem>>
      tpu.enqueue_dma source(%dma_start3A_4796 : memref<64x128xf32, #tpu.memory_space<vmem>>) target(%dma_start3A_4792 : memref<64x128xf32, #tpu.memory_space<hbm>>) target_semaphore(%arg28 : memref<!tpu.dma_semaphore, #tpu.memory_space<semaphore_mem>>)
      %dma_wait3A_4797 = arith.constant 9 : i32
      %dma_wait3A_4798 = arith.constant 0 : i32
      %dma_wait3A_4799 = arith.constant 0 : i32
      %dma_wait3A_4800 = tpu.memref_slice %arg7[%dma_wait3A_4797, %dma_wait3A_4798, %dma_wait3A_4799] : memref<10x64x128xf32, #tpu.memory_space<vmem>> -> memref<1x64x128xf32, #tpu.memory_space<vmem>>
      %dma_wait3A_4801 = tpu.memref_squeeze %dma_wait3A_4800 : memref<1x64x128xf32, #tpu.memory_space<vmem>> -> memref<64x128xf32, #tpu.memory_space<vmem>>
      %dma_wait3A_4802 = arith.constant 576 : i32
      %dma_wait3A_4803 = tpu.memref_slice %arg5[%dma_wait3A_4802] : memref<640xi32, #tpu.memory_space<vmem>> -> memref<64xi32, #tpu.memory_space<vmem>>
      %dma_wait3A_4804 = arith.constant 0 : i32
      %dma_wait3A_4805 = arith.constant 0 : i32
      %dma_wait3A_4806 = tpu.memref_slice %arg2[%dma_wait3A_4804, %dma_wait3A_4805] : memref<46080x128xf32, #tpu.memory_space<hbm>> -> memref<46080x128xf32, #tpu.memory_space<hbm>>
      tpu.wait_indirect_dma semaphore(%arg19 : memref<!tpu.dma_semaphore, #tpu.memory_space<semaphore_mem>>) src(%dma_wait3A_4806 : memref<46080x128xf32, #tpu.memory_space<hbm>>) dst(%dma_wait3A_4801 : memref<64x128xf32, #tpu.memory_space<vmem>>)
      %mul3A_4807 = arith.constant 10 : i32
      %mul3A_4808 = arith.muli %add3A_3608, %mul3A_4807 : i32
      %add3A_4809 = arith.addi %mul3A_2, %mul3A_4808 : i32
      %add3A_4810 = arith.constant 9 : i32
      %add3A_4811 = arith.addi %add3A_4809, %add3A_4810 : i32
      %mul3A_4812 = arith.constant 64 : i32
      %mul3A_4813 = arith.muli %add3A_4811, %mul3A_4812 : i32
      %dma_start3A_4814 = arith.constant 9 : i32
      %dma_start3A_4815 = arith.constant 0 : i32
      %dma_start3A_4816 = arith.constant 0 : i32
      %dma_start3A_4817 = tpu.memref_slice %arg7[%dma_start3A_4814, %dma_start3A_4815, %dma_start3A_4816] : memref<10x64x128xf32, #tpu.memory_space<vmem>> -> memref<1x64x128xf32, #tpu.memory_space<vmem>>
      %dma_start3A_4818 = tpu.memref_squeeze %dma_start3A_4817 : memref<1x64x128xf32, #tpu.memory_space<vmem>> -> memref<64x128xf32, #tpu.memory_space<vmem>>
      %dma_start3A_4819 = arith.constant 0 : i32
      %dma_start3A_4820 = tpu.memref_slice %arg4[%mul3A_4813, %dma_start3A_4819] : memref<3276800x128xf32, #tpu.memory_space<hbm>> -> memref<64x128xf32, #tpu.memory_space<hbm>>
      %dma_start3A_4821 = arith.constant 0 : i32
      %dma_start3A_4822 = tpu.memref_slice %arg4[%mul3A_4813, %dma_start3A_4821] : memref<3276800x128xf32, #tpu.memory_space<hbm>> -> memref<64x128xf32, #tpu.memory_space<hbm>>
      %dma_start3A_4823 = arith.constant 0 : i32
      %dma_start3A_4824 = arith.constant 0 : i32
      %dma_start3A_4825 = tpu.memref_slice %arg7[%dma_start3A_4814, %dma_start3A_4823, %dma_start3A_4824] : memref<10x64x128xf32, #tpu.memory_space<vmem>> -> memref<1x64x128xf32, #tpu.memory_space<vmem>>
      %dma_start3A_4826 = tpu.memref_squeeze %dma_start3A_4825 : memref<1x64x128xf32, #tpu.memory_space<vmem>> -> memref<64x128xf32, #tpu.memory_space<vmem>>
      tpu.enqueue_dma source(%dma_start3A_4826 : memref<64x128xf32, #tpu.memory_space<vmem>>) target(%dma_start3A_4822 : memref<64x128xf32, #tpu.memory_space<hbm>>) target_semaphore(%arg29 : memref<!tpu.dma_semaphore, #tpu.memory_space<semaphore_mem>>)
    }
    %scan3A_1004 = arith.constant 79 : i32
    %mul3A_1005 = arith.constant 64 : i32
    %mul3A_1006 = arith.muli %mul3A_2, %mul3A_1005 : i32
    %dma_wait3A_1007 = tpu.memref_slice %arg3[%mul3A_1006] : memref<3276800xi32, #tpu.memory_space<hbm>> -> memref<640xi32, #tpu.memory_space<hbm>>
    %dma_wait3A_1008 = tpu.memref_slice %arg3[%mul3A_1006] : memref<3276800xi32, #tpu.memory_space<hbm>> -> memref<640xi32, #tpu.memory_space<hbm>>
    tpu.wait_dma2 semaphore(%arg9 : memref<!tpu.dma_semaphore, #tpu.memory_space<semaphore_mem>>) src(%dma_wait3A_1008 : memref<640xi32, #tpu.memory_space<hbm>>) dst(%arg6 : memref<640xi32, #tpu.memory_space<vmem>>)
    %iota3A_1009 = tpu.iota {dimensions = array<i32: 0>} : vector<16xi32>
    %broadcast_in_dim3A_1010 = arith.constant 1440 : i32
    %broadcast_in_dim3A_1011 = vector.broadcast %broadcast_in_dim3A_1010 : i32 to vector<16xi32>
    %mul3A_1012 = vector.broadcast %add3A : i32 to vector<16xi32>
    %mul3A_1013 = arith.muli %broadcast_in_dim3A_1011, %mul3A_1012 : vector<16xi32>
    %add3A_1014 = arith.constant 0 : i32
    %add3A_1015 = vector.broadcast %add3A_1014 : i32 to vector<16xi32>
    %add3A_1016 = arith.addi %mul3A_1013, %add3A_1015 : vector<16xi32>
    %mul3A_1017 = arith.constant 9 : i32
    %mul3A_1018 = vector.broadcast %mul3A_1017 : i32 to vector<16xi32>
    %mul3A_1019 = arith.muli %mul3A_1018, %iota3A_1009 : vector<16xi32>
    %add3A_1020 = arith.addi %add3A_1016, %mul3A_1019 : vector<16xi32>
    %get3A_1021 = arith.constant 0 : index
    %get3A_1022 = tpu.vector_load %arg6[%get3A_1021] {strides = array<i32>} : memref<640xi32, #tpu.memory_space<vmem>>, vector<16xi32>,
    %get3A_1023 = vector.shape_cast %get3A_1022 : vector<16xi32> to vector<16xi32>
    %add3A_1024 = arith.addi %get3A_1023, %add3A_1020 : vector<16xi32>
    %swap3A_1025 = arith.constant 0 : index
    %swap3A_1026 = tpu.vector_load %arg6[%swap3A_1025] {strides = array<i32>} : memref<640xi32, #tpu.memory_space<vmem>>, vector<16xi32>,
    %swap3A_1027 = vector.shape_cast %swap3A_1026 : vector<16xi32> to vector<16xi32>
    %swap3A_1028 = vector.shape_cast %add3A_1024 : vector<16xi32> to vector<16xi32>
    tpu.vector_store %arg6[%swap3A_1025], %swap3A_1028 {strides = array<i32>} : memref<640xi32, #tpu.memory_space<vmem>>, vector<16xi32>,
    %add3A_1029 = arith.constant 0 : i32
    %add3A_1030 = vector.broadcast %add3A_1029 : i32 to vector<16xi32>
    %add3A_1031 = arith.addi %mul3A_1013, %add3A_1030 : vector<16xi32>
    %mul3A_1032 = arith.constant 9 : i32
    %mul3A_1033 = vector.broadcast %mul3A_1032 : i32 to vector<16xi32>
    %mul3A_1034 = arith.muli %mul3A_1033, %iota3A_1009 : vector<16xi32>
    %add3A_1035 = arith.addi %add3A_1031, %mul3A_1034 : vector<16xi32>
    %get3A_1036 = arith.constant 16 : index
    %get3A_1037 = tpu.vector_load %arg6[%get3A_1036] {strides = array<i32>} : memref<640xi32, #tpu.memory_space<vmem>>, vector<16xi32>,
    %get3A_1038 = vector.shape_cast %get3A_1037 : vector<16xi32> to vector<16xi32>
    %add3A_1039 = arith.addi %get3A_1038, %add3A_1035 : vector<16xi32>
    %swap3A_1040 = arith.constant 16 : index
    %swap3A_1041 = tpu.vector_load %arg6[%swap3A_1040] {strides = array<i32>} : memref<640xi32, #tpu.memory_space<vmem>>, vector<16xi32>,
    %swap3A_1042 = vector.shape_cast %swap3A_1041 : vector<16xi32> to vector<16xi32>
    %swap3A_1043 = vector.shape_cast %add3A_1039 : vector<16xi32> to vector<16xi32>
    tpu.vector_store %arg6[%swap3A_1040], %swap3A_1043 {strides = array<i32>} : memref<640xi32, #tpu.memory_space<vmem>>, vector<16xi32>,
    %add3A_1044 = arith.constant 0 : i32
    %add3A_1045 = vector.broadcast %add3A_1044 : i32 to vector<16xi32>
    %add3A_1046 = arith.addi %mul3A_1013, %add3A_1045 : vector<16xi32>
    %mul3A_1047 = arith.constant 9 : i32
    %mul3A_1048 = vector.broadcast %mul3A_1047 : i32 to vector<16xi32>
    %mul3A_1049 = arith.muli %mul3A_1048, %iota3A_1009 : vector<16xi32>
    %add3A_1050 = arith.addi %add3A_1046, %mul3A_1049 : vector<16xi32>
    %get3A_1051 = arith.constant 32 : index
    %get3A_1052 = tpu.vector_load %arg6[%get3A_1051] {strides = array<i32>} : memref<640xi32, #tpu.memory_space<vmem>>, vector<16xi32>,
    %get3A_1053 = vector.shape_cast %get3A_1052 : vector<16xi32> to vector<16xi32>
    %add3A_1054 = arith.addi %get3A_1053, %add3A_1050 : vector<16xi32>
    %swap3A_1055 = arith.constant 32 : index
    %swap3A_1056 = tpu.vector_load %arg6[%swap3A_1055] {strides = array<i32>} : memref<640xi32, #tpu.memory_space<vmem>>, vector<16xi32>,
    %swap3A_1057 = vector.shape_cast %swap3A_1056 : vector<16xi32> to vector<16xi32>
    %swap3A_1058 = vector.shape_cast %add3A_1054 : vector<16xi32> to vector<16xi32>
    tpu.vector_store %arg6[%swap3A_1055], %swap3A_1058 {strides = array<i32>} : memref<640xi32, #tpu.memory_space<vmem>>, vector<16xi32>,
    %add3A_1059 = arith.constant 0 : i32
    %add3A_1060 = vector.broadcast %add3A_1059 : i32 to vector<16xi32>
    %add3A_1061 = arith.addi %mul3A_1013, %add3A_1060 : vector<16xi32>
    %mul3A_1062 = arith.constant 9 : i32
    %mul3A_1063 = vector.broadcast %mul3A_1062 : i32 to vector<16xi32>
    %mul3A_1064 = arith.muli %mul3A_1063, %iota3A_1009 : vector<16xi32>
    %add3A_1065 = arith.addi %add3A_1061, %mul3A_1064 : vector<16xi32>
    %get3A_1066 = arith.constant 48 : index
    %get3A_1067 = tpu.vector_load %arg6[%get3A_1066] {strides = array<i32>} : memref<640xi32, #tpu.memory_space<vmem>>, vector<16xi32>,
    %get3A_1068 = vector.shape_cast %get3A_1067 : vector<16xi32> to vector<16xi32>
    %add3A_1069 = arith.addi %get3A_1068, %add3A_1065 : vector<16xi32>
    %swap3A_1070 = arith.constant 48 : index
    %swap3A_1071 = tpu.vector_load %arg6[%swap3A_1070] {strides = array<i32>} : memref<640xi32, #tpu.memory_space<vmem>>, vector<16xi32>,
    %swap3A_1072 = vector.shape_cast %swap3A_1071 : vector<16xi32> to vector<16xi32>
    %swap3A_1073 = vector.shape_cast %add3A_1069 : vector<16xi32> to vector<16xi32>
    tpu.vector_store %arg6[%swap3A_1070], %swap3A_1073 {strides = array<i32>} : memref<640xi32, #tpu.memory_space<vmem>>, vector<16xi32>,
    %add3A_1074 = arith.constant 144 : i32
    %add3A_1075 = vector.broadcast %add3A_1074 : i32 to vector<16xi32>
    %add3A_1076 = arith.addi %mul3A_1013, %add3A_1075 : vector<16xi32>
    %mul3A_1077 = arith.constant 9 : i32
    %mul3A_1078 = vector.broadcast %mul3A_1077 : i32 to vector<16xi32>
    %mul3A_1079 = arith.muli %mul3A_1078, %iota3A_1009 : vector<16xi32>
    %add3A_1080 = arith.addi %add3A_1076, %mul3A_1079 : vector<16xi32>
    %get3A_1081 = arith.constant 64 : index
    %get3A_1082 = tpu.vector_load %arg6[%get3A_1081] {strides = array<i32>} : memref<640xi32, #tpu.memory_space<vmem>>, vector<16xi32>,
    %get3A_1083 = vector.shape_cast %get3A_1082 : vector<16xi32> to vector<16xi32>
    %add3A_1084 = arith.addi %get3A_1083, %add3A_1080 : vector<16xi32>
    %swap3A_1085 = arith.constant 64 : index
    %swap3A_1086 = tpu.vector_load %arg6[%swap3A_1085] {strides = array<i32>} : memref<640xi32, #tpu.memory_space<vmem>>, vector<16xi32>,
    %swap3A_1087 = vector.shape_cast %swap3A_1086 : vector<16xi32> to vector<16xi32>
    %swap3A_1088 = vector.shape_cast %add3A_1084 : vector<16xi32> to vector<16xi32>
    tpu.vector_store %arg6[%swap3A_1085], %swap3A_1088 {strides = array<i32>} : memref<640xi32, #tpu.memory_space<vmem>>, vector<16xi32>,
    %add3A_1089 = arith.constant 144 : i32
    %add3A_1090 = vector.broadcast %add3A_1089 : i32 to vector<16xi32>
    %add3A_1091 = arith.addi %mul3A_1013, %add3A_1090 : vector<16xi32>
    %mul3A_1092 = arith.constant 9 : i32
    %mul3A_1093 = vector.broadcast %mul3A_1092 : i32 to vector<16xi32>
    %mul3A_1094 = arith.muli %mul3A_1093, %iota3A_1009 : vector<16xi32>
    %add3A_1095 = arith.addi %add3A_1091, %mul3A_1094 : vector<16xi32>
    %get3A_1096 = arith.constant 80 : index
    %get3A_1097 = tpu.vector_load %arg6[%get3A_1096] {strides = array<i32>} : memref<640xi32, #tpu.memory_space<vmem>>, vector<16xi32>,
    %get3A_1098 = vector.shape_cast %get3A_1097 : vector<16xi32> to vector<16xi32>
    %add3A_1099 = arith.addi %get3A_1098, %add3A_1095 : vector<16xi32>
    %swap3A_1100 = arith.constant 80 : index
    %swap3A_1101 = tpu.vector_load %arg6[%swap3A_1100] {strides = array<i32>} : memref<640xi32, #tpu.memory_space<vmem>>, vector<16xi32>,
    %swap3A_1102 = vector.shape_cast %swap3A_1101 : vector<16xi32> to vector<16xi32>
    %swap3A_1103 = vector.shape_cast %add3A_1099 : vector<16xi32> to vector<16xi32>
    tpu.vector_store %arg6[%swap3A_1100], %swap3A_1103 {strides = array<i32>} : memref<640xi32, #tpu.memory_space<vmem>>, vector<16xi32>,
    %add3A_1104 = arith.constant 144 : i32
    %add3A_1105 = vector.broadcast %add3A_1104 : i32 to vector<16xi32>
    %add3A_1106 = arith.addi %mul3A_1013, %add3A_1105 : vector<16xi32>
    %mul3A_1107 = arith.constant 9 : i32
    %mul3A_1108 = vector.broadcast %mul3A_1107 : i32 to vector<16xi32>
    %mul3A_1109 = arith.muli %mul3A_1108, %iota3A_1009 : vector<16xi32>
    %add3A_1110 = arith.addi %add3A_1106, %mul3A_1109 : vector<16xi32>
    %get3A_1111 = arith.constant 96 : index
    %get3A_1112 = tpu.vector_load %arg6[%get3A_1111] {strides = array<i32>} : memref<640xi32, #tpu.memory_space<vmem>>, vector<16xi32>,
    %get3A_1113 = vector.shape_cast %get3A_1112 : vector<16xi32> to vector<16xi32>
    %add3A_1114 = arith.addi %get3A_1113, %add3A_1110 : vector<16xi32>
    %swap3A_1115 = arith.constant 96 : index
    %swap3A_1116 = tpu.vector_load %arg6[%swap3A_1115] {strides = array<i32>} : memref<640xi32, #tpu.memory_space<vmem>>, vector<16xi32>,
    %swap3A_1117 = vector.shape_cast %swap3A_1116 : vector<16xi32> to vector<16xi32>
    %swap3A_1118 = vector.shape_cast %add3A_1114 : vector<16xi32> to vector<16xi32>
    tpu.vector_store %arg6[%swap3A_1115], %swap3A_1118 {strides = array<i32>} : memref<640xi32, #tpu.memory_space<vmem>>, vector<16xi32>,
    %add3A_1119 = arith.constant 144 : i32
    %add3A_1120 = vector.broadcast %add3A_1119 : i32 to vector<16xi32>
    %add3A_1121 = arith.addi %mul3A_1013, %add3A_1120 : vector<16xi32>
    %mul3A_1122 = arith.constant 9 : i32
    %mul3A_1123 = vector.broadcast %mul3A_1122 : i32 to vector<16xi32>
    %mul3A_1124 = arith.muli %mul3A_1123, %iota3A_1009 : vector<16xi32>
    %add3A_1125 = arith.addi %add3A_1121, %mul3A_1124 : vector<16xi32>
    %get3A_1126 = arith.constant 112 : index
    %get3A_1127 = tpu.vector_load %arg6[%get3A_1126] {strides = array<i32>} : memref<640xi32, #tpu.memory_space<vmem>>, vector<16xi32>,
    %get3A_1128 = vector.shape_cast %get3A_1127 : vector<16xi32> to vector<16xi32>
    %add3A_1129 = arith.addi %get3A_1128, %add3A_1125 : vector<16xi32>
    %swap3A_1130 = arith.constant 112 : index
    %swap3A_1131 = tpu.vector_load %arg6[%swap3A_1130] {strides = array<i32>} : memref<640xi32, #tpu.memory_space<vmem>>, vector<16xi32>,
    %swap3A_1132 = vector.shape_cast %swap3A_1131 : vector<16xi32> to vector<16xi32>
    %swap3A_1133 = vector.shape_cast %add3A_1129 : vector<16xi32> to vector<16xi32>
    tpu.vector_store %arg6[%swap3A_1130], %swap3A_1133 {strides = array<i32>} : memref<640xi32, #tpu.memory_space<vmem>>, vector<16xi32>,
    %add3A_1134 = arith.constant 288 : i32
    %add3A_1135 = vector.broadcast %add3A_1134 : i32 to vector<16xi32>
    %add3A_1136 = arith.addi %mul3A_1013, %add3A_1135 : vector<16xi32>
    %mul3A_1137 = arith.constant 9 : i32
    %mul3A_1138 = vector.broadcast %mul3A_1137 : i32 to vector<16xi32>
    %mul3A_1139 = arith.muli %mul3A_1138, %iota3A_1009 : vector<16xi32>
    %add3A_1140 = arith.addi %add3A_1136, %mul3A_1139 : vector<16xi32>
    %get3A_1141 = arith.constant 128 : index
    %get3A_1142 = tpu.vector_load %arg6[%get3A_1141] {strides = array<i32>} : memref<640xi32, #tpu.memory_space<vmem>>, vector<16xi32>,
    %get3A_1143 = vector.shape_cast %get3A_1142 : vector<16xi32> to vector<16xi32>
    %add3A_1144 = arith.addi %get3A_1143, %add3A_1140 : vector<16xi32>
    %swap3A_1145 = arith.constant 128 : index
    %swap3A_1146 = tpu.vector_load %arg6[%swap3A_1145] {strides = array<i32>} : memref<640xi32, #tpu.memory_space<vmem>>, vector<16xi32>,
    %swap3A_1147 = vector.shape_cast %swap3A_1146 : vector<16xi32> to vector<16xi32>
    %swap3A_1148 = vector.shape_cast %add3A_1144 : vector<16xi32> to vector<16xi32>
    tpu.vector_store %arg6[%swap3A_1145], %swap3A_1148 {strides = array<i32>} : memref<640xi32, #tpu.memory_space<vmem>>, vector<16xi32>,
    %add3A_1149 = arith.constant 288 : i32
    %add3A_1150 = vector.broadcast %add3A_1149 : i32 to vector<16xi32>
    %add3A_1151 = arith.addi %mul3A_1013, %add3A_1150 : vector<16xi32>
    %mul3A_1152 = arith.constant 9 : i32
    %mul3A_1153 = vector.broadcast %mul3A_1152 : i32 to vector<16xi32>
    %mul3A_1154 = arith.muli %mul3A_1153, %iota3A_1009 : vector<16xi32>
    %add3A_1155 = arith.addi %add3A_1151, %mul3A_1154 : vector<16xi32>
    %get3A_1156 = arith.constant 144 : index
    %get3A_1157 = tpu.vector_load %arg6[%get3A_1156] {strides = array<i32>} : memref<640xi32, #tpu.memory_space<vmem>>, vector<16xi32>,
    %get3A_1158 = vector.shape_cast %get3A_1157 : vector<16xi32> to vector<16xi32>
    %add3A_1159 = arith.addi %get3A_1158, %add3A_1155 : vector<16xi32>
    %swap3A_1160 = arith.constant 144 : index
    %swap3A_1161 = tpu.vector_load %arg6[%swap3A_1160] {strides = array<i32>} : memref<640xi32, #tpu.memory_space<vmem>>, vector<16xi32>,
    %swap3A_1162 = vector.shape_cast %swap3A_1161 : vector<16xi32> to vector<16xi32>
    %swap3A_1163 = vector.shape_cast %add3A_1159 : vector<16xi32> to vector<16xi32>
    tpu.vector_store %arg6[%swap3A_1160], %swap3A_1163 {strides = array<i32>} : memref<640xi32, #tpu.memory_space<vmem>>, vector<16xi32>,
    %add3A_1164 = arith.constant 288 : i32
    %add3A_1165 = vector.broadcast %add3A_1164 : i32 to vector<16xi32>
    %add3A_1166 = arith.addi %mul3A_1013, %add3A_1165 : vector<16xi32>
    %mul3A_1167 = arith.constant 9 : i32
    %mul3A_1168 = vector.broadcast %mul3A_1167 : i32 to vector<16xi32>
    %mul3A_1169 = arith.muli %mul3A_1168, %iota3A_1009 : vector<16xi32>
    %add3A_1170 = arith.addi %add3A_1166, %mul3A_1169 : vector<16xi32>
    %get3A_1171 = arith.constant 160 : index
    %get3A_1172 = tpu.vector_load %arg6[%get3A_1171] {strides = array<i32>} : memref<640xi32, #tpu.memory_space<vmem>>, vector<16xi32>,
    %get3A_1173 = vector.shape_cast %get3A_1172 : vector<16xi32> to vector<16xi32>
    %add3A_1174 = arith.addi %get3A_1173, %add3A_1170 : vector<16xi32>
    %swap3A_1175 = arith.constant 160 : index
    %swap3A_1176 = tpu.vector_load %arg6[%swap3A_1175] {strides = array<i32>} : memref<640xi32, #tpu.memory_space<vmem>>, vector<16xi32>,
    %swap3A_1177 = vector.shape_cast %swap3A_1176 : vector<16xi32> to vector<16xi32>
    %swap3A_1178 = vector.shape_cast %add3A_1174 : vector<16xi32> to vector<16xi32>
    tpu.vector_store %arg6[%swap3A_1175], %swap3A_1178 {strides = array<i32>} : memref<640xi32, #tpu.memory_space<vmem>>, vector<16xi32>,
    %add3A_1179 = arith.constant 288 : i32
    %add3A_1180 = vector.broadcast %add3A_1179 : i32 to vector<16xi32>
    %add3A_1181 = arith.addi %mul3A_1013, %add3A_1180 : vector<16xi32>
    %mul3A_1182 = arith.constant 9 : i32
    %mul3A_1183 = vector.broadcast %mul3A_1182 : i32 to vector<16xi32>
    %mul3A_1184 = arith.muli %mul3A_1183, %iota3A_1009 : vector<16xi32>
    %add3A_1185 = arith.addi %add3A_1181, %mul3A_1184 : vector<16xi32>
    %get3A_1186 = arith.constant 176 : index
    %get3A_1187 = tpu.vector_load %arg6[%get3A_1186] {strides = array<i32>} : memref<640xi32, #tpu.memory_space<vmem>>, vector<16xi32>,
    %get3A_1188 = vector.shape_cast %get3A_1187 : vector<16xi32> to vector<16xi32>
    %add3A_1189 = arith.addi %get3A_1188, %add3A_1185 : vector<16xi32>
    %swap3A_1190 = arith.constant 176 : index
    %swap3A_1191 = tpu.vector_load %arg6[%swap3A_1190] {strides = array<i32>} : memref<640xi32, #tpu.memory_space<vmem>>, vector<16xi32>,
    %swap3A_1192 = vector.shape_cast %swap3A_1191 : vector<16xi32> to vector<16xi32>
    %swap3A_1193 = vector.shape_cast %add3A_1189 : vector<16xi32> to vector<16xi32>
    tpu.vector_store %arg6[%swap3A_1190], %swap3A_1193 {strides = array<i32>} : memref<640xi32, #tpu.memory_space<vmem>>, vector<16xi32>,
    %add3A_1194 = arith.constant 432 : i32
    %add3A_1195 = vector.broadcast %add3A_1194 : i32 to vector<16xi32>
    %add3A_1196 = arith.addi %mul3A_1013, %add3A_1195 : vector<16xi32>
    %mul3A_1197 = arith.constant 9 : i32
    %mul3A_1198 = vector.broadcast %mul3A_1197 : i32 to vector<16xi32>
    %mul3A_1199 = arith.muli %mul3A_1198, %iota3A_1009 : vector<16xi32>
    %add3A_1200 = arith.addi %add3A_1196, %mul3A_1199 : vector<16xi32>
    %get3A_1201 = arith.constant 192 : index
    %get3A_1202 = tpu.vector_load %arg6[%get3A_1201] {strides = array<i32>} : memref<640xi32, #tpu.memory_space<vmem>>, vector<16xi32>,
    %get3A_1203 = vector.shape_cast %get3A_1202 : vector<16xi32> to vector<16xi32>
    %add3A_1204 = arith.addi %get3A_1203, %add3A_1200 : vector<16xi32>
    %swap3A_1205 = arith.constant 192 : index
    %swap3A_1206 = tpu.vector_load %arg6[%swap3A_1205] {strides = array<i32>} : memref<640xi32, #tpu.memory_space<vmem>>, vector<16xi32>,
    %swap3A_1207 = vector.shape_cast %swap3A_1206 : vector<16xi32> to vector<16xi32>
    %swap3A_1208 = vector.shape_cast %add3A_1204 : vector<16xi32> to vector<16xi32>
    tpu.vector_store %arg6[%swap3A_1205], %swap3A_1208 {strides = array<i32>} : memref<640xi32, #tpu.memory_space<vmem>>, vector<16xi32>,
    %add3A_1209 = arith.constant 432 : i32
    %add3A_1210 = vector.broadcast %add3A_1209 : i32 to vector<16xi32>
    %add3A_1211 = arith.addi %mul3A_1013, %add3A_1210 : vector<16xi32>
    %mul3A_1212 = arith.constant 9 : i32
    %mul3A_1213 = vector.broadcast %mul3A_1212 : i32 to vector<16xi32>
    %mul3A_1214 = arith.muli %mul3A_1213, %iota3A_1009 : vector<16xi32>
    %add3A_1215 = arith.addi %add3A_1211, %mul3A_1214 : vector<16xi32>
    %get3A_1216 = arith.constant 208 : index
    %get3A_1217 = tpu.vector_load %arg6[%get3A_1216] {strides = array<i32>} : memref<640xi32, #tpu.memory_space<vmem>>, vector<16xi32>,
    %get3A_1218 = vector.shape_cast %get3A_1217 : vector<16xi32> to vector<16xi32>
    %add3A_1219 = arith.addi %get3A_1218, %add3A_1215 : vector<16xi32>
    %swap3A_1220 = arith.constant 208 : index
    %swap3A_1221 = tpu.vector_load %arg6[%swap3A_1220] {strides = array<i32>} : memref<640xi32, #tpu.memory_space<vmem>>, vector<16xi32>,
    %swap3A_1222 = vector.shape_cast %swap3A_1221 : vector<16xi32> to vector<16xi32>
    %swap3A_1223 = vector.shape_cast %add3A_1219 : vector<16xi32> to vector<16xi32>
    tpu.vector_store %arg6[%swap3A_1220], %swap3A_1223 {strides = array<i32>} : memref<640xi32, #tpu.memory_space<vmem>>, vector<16xi32>,
    %add3A_1224 = arith.constant 432 : i32
    %add3A_1225 = vector.broadcast %add3A_1224 : i32 to vector<16xi32>
    %add3A_1226 = arith.addi %mul3A_1013, %add3A_1225 : vector<16xi32>
    %mul3A_1227 = arith.constant 9 : i32
    %mul3A_1228 = vector.broadcast %mul3A_1227 : i32 to vector<16xi32>
    %mul3A_1229 = arith.muli %mul3A_1228, %iota3A_1009 : vector<16xi32>
    %add3A_1230 = arith.addi %add3A_1226, %mul3A_1229 : vector<16xi32>
    %get3A_1231 = arith.constant 224 : index
    %get3A_1232 = tpu.vector_load %arg6[%get3A_1231] {strides = array<i32>} : memref<640xi32, #tpu.memory_space<vmem>>, vector<16xi32>,
    %get3A_1233 = vector.shape_cast %get3A_1232 : vector<16xi32> to vector<16xi32>
    %add3A_1234 = arith.addi %get3A_1233, %add3A_1230 : vector<16xi32>
    %swap3A_1235 = arith.constant 224 : index
    %swap3A_1236 = tpu.vector_load %arg6[%swap3A_1235] {strides = array<i32>} : memref<640xi32, #tpu.memory_space<vmem>>, vector<16xi32>,
    %swap3A_1237 = vector.shape_cast %swap3A_1236 : vector<16xi32> to vector<16xi32>
    %swap3A_1238 = vector.shape_cast %add3A_1234 : vector<16xi32> to vector<16xi32>
    tpu.vector_store %arg6[%swap3A_1235], %swap3A_1238 {strides = array<i32>} : memref<640xi32, #tpu.memory_space<vmem>>, vector<16xi32>,
    %add3A_1239 = arith.constant 432 : i32
    %add3A_1240 = vector.broadcast %add3A_1239 : i32 to vector<16xi32>
    %add3A_1241 = arith.addi %mul3A_1013, %add3A_1240 : vector<16xi32>
    %mul3A_1242 = arith.constant 9 : i32
    %mul3A_1243 = vector.broadcast %mul3A_1242 : i32 to vector<16xi32>
    %mul3A_1244 = arith.muli %mul3A_1243, %iota3A_1009 : vector<16xi32>
    %add3A_1245 = arith.addi %add3A_1241, %mul3A_1244 : vector<16xi32>
    %get3A_1246 = arith.constant 240 : index
    %get3A_1247 = tpu.vector_load %arg6[%get3A_1246] {strides = array<i32>} : memref<640xi32, #tpu.memory_space<vmem>>, vector<16xi32>,
    %get3A_1248 = vector.shape_cast %get3A_1247 : vector<16xi32> to vector<16xi32>
    %add3A_1249 = arith.addi %get3A_1248, %add3A_1245 : vector<16xi32>
    %swap3A_1250 = arith.constant 240 : index
    %swap3A_1251 = tpu.vector_load %arg6[%swap3A_1250] {strides = array<i32>} : memref<640xi32, #tpu.memory_space<vmem>>, vector<16xi32>,
    %swap3A_1252 = vector.shape_cast %swap3A_1251 : vector<16xi32> to vector<16xi32>
    %swap3A_1253 = vector.shape_cast %add3A_1249 : vector<16xi32> to vector<16xi32>
    tpu.vector_store %arg6[%swap3A_1250], %swap3A_1253 {strides = array<i32>} : memref<640xi32, #tpu.memory_space<vmem>>, vector<16xi32>,
    %add3A_1254 = arith.constant 576 : i32
    %add3A_1255 = vector.broadcast %add3A_1254 : i32 to vector<16xi32>
    %add3A_1256 = arith.addi %mul3A_1013, %add3A_1255 : vector<16xi32>
    %mul3A_1257 = arith.constant 9 : i32
    %mul3A_1258 = vector.broadcast %mul3A_1257 : i32 to vector<16xi32>
    %mul3A_1259 = arith.muli %mul3A_1258, %iota3A_1009 : vector<16xi32>
    %add3A_1260 = arith.addi %add3A_1256, %mul3A_1259 : vector<16xi32>
    %get3A_1261 = arith.constant 256 : index
    %get3A_1262 = tpu.vector_load %arg6[%get3A_1261] {strides = array<i32>} : memref<640xi32, #tpu.memory_space<vmem>>, vector<16xi32>,
    %get3A_1263 = vector.shape_cast %get3A_1262 : vector<16xi32> to vector<16xi32>
    %add3A_1264 = arith.addi %get3A_1263, %add3A_1260 : vector<16xi32>
    %swap3A_1265 = arith.constant 256 : index
    %swap3A_1266 = tpu.vector_load %arg6[%swap3A_1265] {strides = array<i32>} : memref<640xi32, #tpu.memory_space<vmem>>, vector<16xi32>,
    %swap3A_1267 = vector.shape_cast %swap3A_1266 : vector<16xi32> to vector<16xi32>
    %swap3A_1268 = vector.shape_cast %add3A_1264 : vector<16xi32> to vector<16xi32>
    tpu.vector_store %arg6[%swap3A_1265], %swap3A_1268 {strides = array<i32>} : memref<640xi32, #tpu.memory_space<vmem>>, vector<16xi32>,
    %add3A_1269 = arith.constant 576 : i32
    %add3A_1270 = vector.broadcast %add3A_1269 : i32 to vector<16xi32>
    %add3A_1271 = arith.addi %mul3A_1013, %add3A_1270 : vector<16xi32>
    %mul3A_1272 = arith.constant 9 : i32
    %mul3A_1273 = vector.broadcast %mul3A_1272 : i32 to vector<16xi32>
    %mul3A_1274 = arith.muli %mul3A_1273, %iota3A_1009 : vector<16xi32>
    %add3A_1275 = arith.addi %add3A_1271, %mul3A_1274 : vector<16xi32>
    %get3A_1276 = arith.constant 272 : index
    %get3A_1277 = tpu.vector_load %arg6[%get3A_1276] {strides = array<i32>} : memref<640xi32, #tpu.memory_space<vmem>>, vector<16xi32>,
    %get3A_1278 = vector.shape_cast %get3A_1277 : vector<16xi32> to vector<16xi32>
    %add3A_1279 = arith.addi %get3A_1278, %add3A_1275 : vector<16xi32>
    %swap3A_1280 = arith.constant 272 : index
    %swap3A_1281 = tpu.vector_load %arg6[%swap3A_1280] {strides = array<i32>} : memref<640xi32, #tpu.memory_space<vmem>>, vector<16xi32>,
    %swap3A_1282 = vector.shape_cast %swap3A_1281 : vector<16xi32> to vector<16xi32>
    %swap3A_1283 = vector.shape_cast %add3A_1279 : vector<16xi32> to vector<16xi32>
    tpu.vector_store %arg6[%swap3A_1280], %swap3A_1283 {strides = array<i32>} : memref<640xi32, #tpu.memory_space<vmem>>, vector<16xi32>,
    %add3A_1284 = arith.constant 576 : i32
    %add3A_1285 = vector.broadcast %add3A_1284 : i32 to vector<16xi32>
    %add3A_1286 = arith.addi %mul3A_1013, %add3A_1285 : vector<16xi32>
    %mul3A_1287 = arith.constant 9 : i32
    %mul3A_1288 = vector.broadcast %mul3A_1287 : i32 to vector<16xi32>
    %mul3A_1289 = arith.muli %mul3A_1288, %iota3A_1009 : vector<16xi32>
    %add3A_1290 = arith.addi %add3A_1286, %mul3A_1289 : vector<16xi32>
    %get3A_1291 = arith.constant 288 : index
    %get3A_1292 = tpu.vector_load %arg6[%get3A_1291] {strides = array<i32>} : memref<640xi32, #tpu.memory_space<vmem>>, vector<16xi32>,
    %get3A_1293 = vector.shape_cast %get3A_1292 : vector<16xi32> to vector<16xi32>
    %add3A_1294 = arith.addi %get3A_1293, %add3A_1290 : vector<16xi32>
    %swap3A_1295 = arith.constant 288 : index
    %swap3A_1296 = tpu.vector_load %arg6[%swap3A_1295] {strides = array<i32>} : memref<640xi32, #tpu.memory_space<vmem>>, vector<16xi32>,
    %swap3A_1297 = vector.shape_cast %swap3A_1296 : vector<16xi32> to vector<16xi32>
    %swap3A_1298 = vector.shape_cast %add3A_1294 : vector<16xi32> to vector<16xi32>
    tpu.vector_store %arg6[%swap3A_1295], %swap3A_1298 {strides = array<i32>} : memref<640xi32, #tpu.memory_space<vmem>>, vector<16xi32>,
    %add3A_1299 = arith.constant 576 : i32
    %add3A_1300 = vector.broadcast %add3A_1299 : i32 to vector<16xi32>
    %add3A_1301 = arith.addi %mul3A_1013, %add3A_1300 : vector<16xi32>
    %mul3A_1302 = arith.constant 9 : i32
    %mul3A_1303 = vector.broadcast %mul3A_1302 : i32 to vector<16xi32>
    %mul3A_1304 = arith.muli %mul3A_1303, %iota3A_1009 : vector<16xi32>
    %add3A_1305 = arith.addi %add3A_1301, %mul3A_1304 : vector<16xi32>
    %get3A_1306 = arith.constant 304 : index
    %get3A_1307 = tpu.vector_load %arg6[%get3A_1306] {strides = array<i32>} : memref<640xi32, #tpu.memory_space<vmem>>, vector<16xi32>,
    %get3A_1308 = vector.shape_cast %get3A_1307 : vector<16xi32> to vector<16xi32>
    %add3A_1309 = arith.addi %get3A_1308, %add3A_1305 : vector<16xi32>
    %swap3A_1310 = arith.constant 304 : index
    %swap3A_1311 = tpu.vector_load %arg6[%swap3A_1310] {strides = array<i32>} : memref<640xi32, #tpu.memory_space<vmem>>, vector<16xi32>,
    %swap3A_1312 = vector.shape_cast %swap3A_1311 : vector<16xi32> to vector<16xi32>
    %swap3A_1313 = vector.shape_cast %add3A_1309 : vector<16xi32> to vector<16xi32>
    tpu.vector_store %arg6[%swap3A_1310], %swap3A_1313 {strides = array<i32>} : memref<640xi32, #tpu.memory_space<vmem>>, vector<16xi32>,
    %add3A_1314 = arith.constant 720 : i32
    %add3A_1315 = vector.broadcast %add3A_1314 : i32 to vector<16xi32>
    %add3A_1316 = arith.addi %mul3A_1013, %add3A_1315 : vector<16xi32>
    %mul3A_1317 = arith.constant 9 : i32
    %mul3A_1318 = vector.broadcast %mul3A_1317 : i32 to vector<16xi32>
    %mul3A_1319 = arith.muli %mul3A_1318, %iota3A_1009 : vector<16xi32>
    %add3A_1320 = arith.addi %add3A_1316, %mul3A_1319 : vector<16xi32>
    %get3A_1321 = arith.constant 320 : index
    %get3A_1322 = tpu.vector_load %arg6[%get3A_1321] {strides = array<i32>} : memref<640xi32, #tpu.memory_space<vmem>>, vector<16xi32>,
    %get3A_1323 = vector.shape_cast %get3A_1322 : vector<16xi32> to vector<16xi32>
    %add3A_1324 = arith.addi %get3A_1323, %add3A_1320 : vector<16xi32>
    %swap3A_1325 = arith.constant 320 : index
    %swap3A_1326 = tpu.vector_load %arg6[%swap3A_1325] {strides = array<i32>} : memref<640xi32, #tpu.memory_space<vmem>>, vector<16xi32>,
    %swap3A_1327 = vector.shape_cast %swap3A_1326 : vector<16xi32> to vector<16xi32>
    %swap3A_1328 = vector.shape_cast %add3A_1324 : vector<16xi32> to vector<16xi32>
    tpu.vector_store %arg6[%swap3A_1325], %swap3A_1328 {strides = array<i32>} : memref<640xi32, #tpu.memory_space<vmem>>, vector<16xi32>,
    %add3A_1329 = arith.constant 720 : i32
    %add3A_1330 = vector.broadcast %add3A_1329 : i32 to vector<16xi32>
    %add3A_1331 = arith.addi %mul3A_1013, %add3A_1330 : vector<16xi32>
    %mul3A_1332 = arith.constant 9 : i32
    %mul3A_1333 = vector.broadcast %mul3A_1332 : i32 to vector<16xi32>
    %mul3A_1334 = arith.muli %mul3A_1333, %iota3A_1009 : vector<16xi32>
    %add3A_1335 = arith.addi %add3A_1331, %mul3A_1334 : vector<16xi32>
    %get3A_1336 = arith.constant 336 : index
    %get3A_1337 = tpu.vector_load %arg6[%get3A_1336] {strides = array<i32>} : memref<640xi32, #tpu.memory_space<vmem>>, vector<16xi32>,
    %get3A_1338 = vector.shape_cast %get3A_1337 : vector<16xi32> to vector<16xi32>
    %add3A_1339 = arith.addi %get3A_1338, %add3A_1335 : vector<16xi32>
    %swap3A_1340 = arith.constant 336 : index
    %swap3A_1341 = tpu.vector_load %arg6[%swap3A_1340] {strides = array<i32>} : memref<640xi32, #tpu.memory_space<vmem>>, vector<16xi32>,
    %swap3A_1342 = vector.shape_cast %swap3A_1341 : vector<16xi32> to vector<16xi32>
    %swap3A_1343 = vector.shape_cast %add3A_1339 : vector<16xi32> to vector<16xi32>
    tpu.vector_store %arg6[%swap3A_1340], %swap3A_1343 {strides = array<i32>} : memref<640xi32, #tpu.memory_space<vmem>>, vector<16xi32>,
    %add3A_1344 = arith.constant 720 : i32
    %add3A_1345 = vector.broadcast %add3A_1344 : i32 to vector<16xi32>
    %add3A_1346 = arith.addi %mul3A_1013, %add3A_1345 : vector<16xi32>
    %mul3A_1347 = arith.constant 9 : i32
    %mul3A_1348 = vector.broadcast %mul3A_1347 : i32 to vector<16xi32>
    %mul3A_1349 = arith.muli %mul3A_1348, %iota3A_1009 : vector<16xi32>
    %add3A_1350 = arith.addi %add3A_1346, %mul3A_1349 : vector<16xi32>
    %get3A_1351 = arith.constant 352 : index
    %get3A_1352 = tpu.vector_load %arg6[%get3A_1351] {strides = array<i32>} : memref<640xi32, #tpu.memory_space<vmem>>, vector<16xi32>,
    %get3A_1353 = vector.shape_cast %get3A_1352 : vector<16xi32> to vector<16xi32>
    %add3A_1354 = arith.addi %get3A_1353, %add3A_1350 : vector<16xi32>
    %swap3A_1355 = arith.constant 352 : index
    %swap3A_1356 = tpu.vector_load %arg6[%swap3A_1355] {strides = array<i32>} : memref<640xi32, #tpu.memory_space<vmem>>, vector<16xi32>,
    %swap3A_1357 = vector.shape_cast %swap3A_1356 : vector<16xi32> to vector<16xi32>
    %swap3A_1358 = vector.shape_cast %add3A_1354 : vector<16xi32> to vector<16xi32>
    tpu.vector_store %arg6[%swap3A_1355], %swap3A_1358 {strides = array<i32>} : memref<640xi32, #tpu.memory_space<vmem>>, vector<16xi32>,
    %add3A_1359 = arith.constant 720 : i32
    %add3A_1360 = vector.broadcast %add3A_1359 : i32 to vector<16xi32>
    %add3A_1361 = arith.addi %mul3A_1013, %add3A_1360 : vector<16xi32>
    %mul3A_1362 = arith.constant 9 : i32
    %mul3A_1363 = vector.broadcast %mul3A_1362 : i32 to vector<16xi32>
    %mul3A_1364 = arith.muli %mul3A_1363, %iota3A_1009 : vector<16xi32>
    %add3A_1365 = arith.addi %add3A_1361, %mul3A_1364 : vector<16xi32>
    %get3A_1366 = arith.constant 368 : index
    %get3A_1367 = tpu.vector_load %arg6[%get3A_1366] {strides = array<i32>} : memref<640xi32, #tpu.memory_space<vmem>>, vector<16xi32>,
    %get3A_1368 = vector.shape_cast %get3A_1367 : vector<16xi32> to vector<16xi32>
    %add3A_1369 = arith.addi %get3A_1368, %add3A_1365 : vector<16xi32>
    %swap3A_1370 = arith.constant 368 : index
    %swap3A_1371 = tpu.vector_load %arg6[%swap3A_1370] {strides = array<i32>} : memref<640xi32, #tpu.memory_space<vmem>>, vector<16xi32>,
    %swap3A_1372 = vector.shape_cast %swap3A_1371 : vector<16xi32> to vector<16xi32>
    %swap3A_1373 = vector.shape_cast %add3A_1369 : vector<16xi32> to vector<16xi32>
    tpu.vector_store %arg6[%swap3A_1370], %swap3A_1373 {strides = array<i32>} : memref<640xi32, #tpu.memory_space<vmem>>, vector<16xi32>,
    %add3A_1374 = arith.constant 864 : i32
    %add3A_1375 = vector.broadcast %add3A_1374 : i32 to vector<16xi32>
    %add3A_1376 = arith.addi %mul3A_1013, %add3A_1375 : vector<16xi32>
    %mul3A_1377 = arith.constant 9 : i32
    %mul3A_1378 = vector.broadcast %mul3A_1377 : i32 to vector<16xi32>
    %mul3A_1379 = arith.muli %mul3A_1378, %iota3A_1009 : vector<16xi32>
    %add3A_1380 = arith.addi %add3A_1376, %mul3A_1379 : vector<16xi32>
    %get3A_1381 = arith.constant 384 : index
    %get3A_1382 = tpu.vector_load %arg6[%get3A_1381] {strides = array<i32>} : memref<640xi32, #tpu.memory_space<vmem>>, vector<16xi32>,
    %get3A_1383 = vector.shape_cast %get3A_1382 : vector<16xi32> to vector<16xi32>
    %add3A_1384 = arith.addi %get3A_1383, %add3A_1380 : vector<16xi32>
    %swap3A_1385 = arith.constant 384 : index
    %swap3A_1386 = tpu.vector_load %arg6[%swap3A_1385] {strides = array<i32>} : memref<640xi32, #tpu.memory_space<vmem>>, vector<16xi32>,
    %swap3A_1387 = vector.shape_cast %swap3A_1386 : vector<16xi32> to vector<16xi32>
    %swap3A_1388 = vector.shape_cast %add3A_1384 : vector<16xi32> to vector<16xi32>
    tpu.vector_store %arg6[%swap3A_1385], %swap3A_1388 {strides = array<i32>} : memref<640xi32, #tpu.memory_space<vmem>>, vector<16xi32>,
    %add3A_1389 = arith.constant 864 : i32
    %add3A_1390 = vector.broadcast %add3A_1389 : i32 to vector<16xi32>
    %add3A_1391 = arith.addi %mul3A_1013, %add3A_1390 : vector<16xi32>
    %mul3A_1392 = arith.constant 9 : i32
    %mul3A_1393 = vector.broadcast %mul3A_1392 : i32 to vector<16xi32>
    %mul3A_1394 = arith.muli %mul3A_1393, %iota3A_1009 : vector<16xi32>
    %add3A_1395 = arith.addi %add3A_1391, %mul3A_1394 : vector<16xi32>
    %get3A_1396 = arith.constant 400 : index
    %get3A_1397 = tpu.vector_load %arg6[%get3A_1396] {strides = array<i32>} : memref<640xi32, #tpu.memory_space<vmem>>, vector<16xi32>,
    %get3A_1398 = vector.shape_cast %get3A_1397 : vector<16xi32> to vector<16xi32>
    %add3A_1399 = arith.addi %get3A_1398, %add3A_1395 : vector<16xi32>
    %swap3A_1400 = arith.constant 400 : index
    %swap3A_1401 = tpu.vector_load %arg6[%swap3A_1400] {strides = array<i32>} : memref<640xi32, #tpu.memory_space<vmem>>, vector<16xi32>,
    %swap3A_1402 = vector.shape_cast %swap3A_1401 : vector<16xi32> to vector<16xi32>
    %swap3A_1403 = vector.shape_cast %add3A_1399 : vector<16xi32> to vector<16xi32>
    tpu.vector_store %arg6[%swap3A_1400], %swap3A_1403 {strides = array<i32>} : memref<640xi32, #tpu.memory_space<vmem>>, vector<16xi32>,
    %add3A_1404 = arith.constant 864 : i32
    %add3A_1405 = vector.broadcast %add3A_1404 : i32 to vector<16xi32>
    %add3A_1406 = arith.addi %mul3A_1013, %add3A_1405 : vector<16xi32>
    %mul3A_1407 = arith.constant 9 : i32
    %mul3A_1408 = vector.broadcast %mul3A_1407 : i32 to vector<16xi32>
    %mul3A_1409 = arith.muli %mul3A_1408, %iota3A_1009 : vector<16xi32>
    %add3A_1410 = arith.addi %add3A_1406, %mul3A_1409 : vector<16xi32>
    %get3A_1411 = arith.constant 416 : index
    %get3A_1412 = tpu.vector_load %arg6[%get3A_1411] {strides = array<i32>} : memref<640xi32, #tpu.memory_space<vmem>>, vector<16xi32>,
    %get3A_1413 = vector.shape_cast %get3A_1412 : vector<16xi32> to vector<16xi32>
    %add3A_1414 = arith.addi %get3A_1413, %add3A_1410 : vector<16xi32>
    %swap3A_1415 = arith.constant 416 : index
    %swap3A_1416 = tpu.vector_load %arg6[%swap3A_1415] {strides = array<i32>} : memref<640xi32, #tpu.memory_space<vmem>>, vector<16xi32>,
    %swap3A_1417 = vector.shape_cast %swap3A_1416 : vector<16xi32> to vector<16xi32>
    %swap3A_1418 = vector.shape_cast %add3A_1414 : vector<16xi32> to vector<16xi32>
    tpu.vector_store %arg6[%swap3A_1415], %swap3A_1418 {strides = array<i32>} : memref<640xi32, #tpu.memory_space<vmem>>, vector<16xi32>,
    %add3A_1419 = arith.constant 864 : i32
    %add3A_1420 = vector.broadcast %add3A_1419 : i32 to vector<16xi32>
    %add3A_1421 = arith.addi %mul3A_1013, %add3A_1420 : vector<16xi32>
    %mul3A_1422 = arith.constant 9 : i32
    %mul3A_1423 = vector.broadcast %mul3A_1422 : i32 to vector<16xi32>
    %mul3A_1424 = arith.muli %mul3A_1423, %iota3A_1009 : vector<16xi32>
    %add3A_1425 = arith.addi %add3A_1421, %mul3A_1424 : vector<16xi32>
    %get3A_1426 = arith.constant 432 : index
    %get3A_1427 = tpu.vector_load %arg6[%get3A_1426] {strides = array<i32>} : memref<640xi32, #tpu.memory_space<vmem>>, vector<16xi32>,
    %get3A_1428 = vector.shape_cast %get3A_1427 : vector<16xi32> to vector<16xi32>
    %add3A_1429 = arith.addi %get3A_1428, %add3A_1425 : vector<16xi32>
    %swap3A_1430 = arith.constant 432 : index
    %swap3A_1431 = tpu.vector_load %arg6[%swap3A_1430] {strides = array<i32>} : memref<640xi32, #tpu.memory_space<vmem>>, vector<16xi32>,
    %swap3A_1432 = vector.shape_cast %swap3A_1431 : vector<16xi32> to vector<16xi32>
    %swap3A_1433 = vector.shape_cast %add3A_1429 : vector<16xi32> to vector<16xi32>
    tpu.vector_store %arg6[%swap3A_1430], %swap3A_1433 {strides = array<i32>} : memref<640xi32, #tpu.memory_space<vmem>>, vector<16xi32>,
    %add3A_1434 = arith.constant 1008 : i32
    %add3A_1435 = vector.broadcast %add3A_1434 : i32 to vector<16xi32>
    %add3A_1436 = arith.addi %mul3A_1013, %add3A_1435 : vector<16xi32>
    %mul3A_1437 = arith.constant 9 : i32
    %mul3A_1438 = vector.broadcast %mul3A_1437 : i32 to vector<16xi32>
    %mul3A_1439 = arith.muli %mul3A_1438, %iota3A_1009 : vector<16xi32>
    %add3A_1440 = arith.addi %add3A_1436, %mul3A_1439 : vector<16xi32>
    %get3A_1441 = arith.constant 448 : index
    %get3A_1442 = tpu.vector_load %arg6[%get3A_1441] {strides = array<i32>} : memref<640xi32, #tpu.memory_space<vmem>>, vector<16xi32>,
    %get3A_1443 = vector.shape_cast %get3A_1442 : vector<16xi32> to vector<16xi32>
    %add3A_1444 = arith.addi %get3A_1443, %add3A_1440 : vector<16xi32>
    %swap3A_1445 = arith.constant 448 : index
    %swap3A_1446 = tpu.vector_load %arg6[%swap3A_1445] {strides = array<i32>} : memref<640xi32, #tpu.memory_space<vmem>>, vector<16xi32>,
    %swap3A_1447 = vector.shape_cast %swap3A_1446 : vector<16xi32> to vector<16xi32>
    %swap3A_1448 = vector.shape_cast %add3A_1444 : vector<16xi32> to vector<16xi32>
    tpu.vector_store %arg6[%swap3A_1445], %swap3A_1448 {strides = array<i32>} : memref<640xi32, #tpu.memory_space<vmem>>, vector<16xi32>,
    %add3A_1449 = arith.constant 1008 : i32
    %add3A_1450 = vector.broadcast %add3A_1449 : i32 to vector<16xi32>
    %add3A_1451 = arith.addi %mul3A_1013, %add3A_1450 : vector<16xi32>
    %mul3A_1452 = arith.constant 9 : i32
    %mul3A_1453 = vector.broadcast %mul3A_1452 : i32 to vector<16xi32>
    %mul3A_1454 = arith.muli %mul3A_1453, %iota3A_1009 : vector<16xi32>
    %add3A_1455 = arith.addi %add3A_1451, %mul3A_1454 : vector<16xi32>
    %get3A_1456 = arith.constant 464 : index
    %get3A_1457 = tpu.vector_load %arg6[%get3A_1456] {strides = array<i32>} : memref<640xi32, #tpu.memory_space<vmem>>, vector<16xi32>,
    %get3A_1458 = vector.shape_cast %get3A_1457 : vector<16xi32> to vector<16xi32>
    %add3A_1459 = arith.addi %get3A_1458, %add3A_1455 : vector<16xi32>
    %swap3A_1460 = arith.constant 464 : index
    %swap3A_1461 = tpu.vector_load %arg6[%swap3A_1460] {strides = array<i32>} : memref<640xi32, #tpu.memory_space<vmem>>, vector<16xi32>,
    %swap3A_1462 = vector.shape_cast %swap3A_1461 : vector<16xi32> to vector<16xi32>
    %swap3A_1463 = vector.shape_cast %add3A_1459 : vector<16xi32> to vector<16xi32>
    tpu.vector_store %arg6[%swap3A_1460], %swap3A_1463 {strides = array<i32>} : memref<640xi32, #tpu.memory_space<vmem>>, vector<16xi32>,
    %add3A_1464 = arith.constant 1008 : i32
    %add3A_1465 = vector.broadcast %add3A_1464 : i32 to vector<16xi32>
    %add3A_1466 = arith.addi %mul3A_1013, %add3A_1465 : vector<16xi32>
    %mul3A_1467 = arith.constant 9 : i32
    %mul3A_1468 = vector.broadcast %mul3A_1467 : i32 to vector<16xi32>
    %mul3A_1469 = arith.muli %mul3A_1468, %iota3A_1009 : vector<16xi32>
    %add3A_1470 = arith.addi %add3A_1466, %mul3A_1469 : vector<16xi32>
    %get3A_1471 = arith.constant 480 : index
    %get3A_1472 = tpu.vector_load %arg6[%get3A_1471] {strides = array<i32>} : memref<640xi32, #tpu.memory_space<vmem>>, vector<16xi32>,
    %get3A_1473 = vector.shape_cast %get3A_1472 : vector<16xi32> to vector<16xi32>
    %add3A_1474 = arith.addi %get3A_1473, %add3A_1470 : vector<16xi32>
    %swap3A_1475 = arith.constant 480 : index
    %swap3A_1476 = tpu.vector_load %arg6[%swap3A_1475] {strides = array<i32>} : memref<640xi32, #tpu.memory_space<vmem>>, vector<16xi32>,
    %swap3A_1477 = vector.shape_cast %swap3A_1476 : vector<16xi32> to vector<16xi32>
    %swap3A_1478 = vector.shape_cast %add3A_1474 : vector<16xi32> to vector<16xi32>
    tpu.vector_store %arg6[%swap3A_1475], %swap3A_1478 {strides = array<i32>} : memref<640xi32, #tpu.memory_space<vmem>>, vector<16xi32>,
    %add3A_1479 = arith.constant 1008 : i32
    %add3A_1480 = vector.broadcast %add3A_1479 : i32 to vector<16xi32>
    %add3A_1481 = arith.addi %mul3A_1013, %add3A_1480 : vector<16xi32>
    %mul3A_1482 = arith.constant 9 : i32
    %mul3A_1483 = vector.broadcast %mul3A_1482 : i32 to vector<16xi32>
    %mul3A_1484 = arith.muli %mul3A_1483, %iota3A_1009 : vector<16xi32>
    %add3A_1485 = arith.addi %add3A_1481, %mul3A_1484 : vector<16xi32>
    %get3A_1486 = arith.constant 496 : index
    %get3A_1487 = tpu.vector_load %arg6[%get3A_1486] {strides = array<i32>} : memref<640xi32, #tpu.memory_space<vmem>>, vector<16xi32>,
    %get3A_1488 = vector.shape_cast %get3A_1487 : vector<16xi32> to vector<16xi32>
    %add3A_1489 = arith.addi %get3A_1488, %add3A_1485 : vector<16xi32>
    %swap3A_1490 = arith.constant 496 : index
    %swap3A_1491 = tpu.vector_load %arg6[%swap3A_1490] {strides = array<i32>} : memref<640xi32, #tpu.memory_space<vmem>>, vector<16xi32>,
    %swap3A_1492 = vector.shape_cast %swap3A_1491 : vector<16xi32> to vector<16xi32>
    %swap3A_1493 = vector.shape_cast %add3A_1489 : vector<16xi32> to vector<16xi32>
    tpu.vector_store %arg6[%swap3A_1490], %swap3A_1493 {strides = array<i32>} : memref<640xi32, #tpu.memory_space<vmem>>, vector<16xi32>,
    %add3A_1494 = arith.constant 1152 : i32
    %add3A_1495 = vector.broadcast %add3A_1494 : i32 to vector<16xi32>
    %add3A_1496 = arith.addi %mul3A_1013, %add3A_1495 : vector<16xi32>
    %mul3A_1497 = arith.constant 9 : i32
    %mul3A_1498 = vector.broadcast %mul3A_1497 : i32 to vector<16xi32>
    %mul3A_1499 = arith.muli %mul3A_1498, %iota3A_1009 : vector<16xi32>
    %add3A_1500 = arith.addi %add3A_1496, %mul3A_1499 : vector<16xi32>
    %get3A_1501 = arith.constant 512 : index
    %get3A_1502 = tpu.vector_load %arg6[%get3A_1501] {strides = array<i32>} : memref<640xi32, #tpu.memory_space<vmem>>, vector<16xi32>,
    %get3A_1503 = vector.shape_cast %get3A_1502 : vector<16xi32> to vector<16xi32>
    %add3A_1504 = arith.addi %get3A_1503, %add3A_1500 : vector<16xi32>
    %swap3A_1505 = arith.constant 512 : index
    %swap3A_1506 = tpu.vector_load %arg6[%swap3A_1505] {strides = array<i32>} : memref<640xi32, #tpu.memory_space<vmem>>, vector<16xi32>,
    %swap3A_1507 = vector.shape_cast %swap3A_1506 : vector<16xi32> to vector<16xi32>
    %swap3A_1508 = vector.shape_cast %add3A_1504 : vector<16xi32> to vector<16xi32>
    tpu.vector_store %arg6[%swap3A_1505], %swap3A_1508 {strides = array<i32>} : memref<640xi32, #tpu.memory_space<vmem>>, vector<16xi32>,
    %add3A_1509 = arith.constant 1152 : i32
    %add3A_1510 = vector.broadcast %add3A_1509 : i32 to vector<16xi32>
    %add3A_1511 = arith.addi %mul3A_1013, %add3A_1510 : vector<16xi32>
    %mul3A_1512 = arith.constant 9 : i32
    %mul3A_1513 = vector.broadcast %mul3A_1512 : i32 to vector<16xi32>
    %mul3A_1514 = arith.muli %mul3A_1513, %iota3A_1009 : vector<16xi32>
    %add3A_1515 = arith.addi %add3A_1511, %mul3A_1514 : vector<16xi32>
    %get3A_1516 = arith.constant 528 : index
    %get3A_1517 = tpu.vector_load %arg6[%get3A_1516] {strides = array<i32>} : memref<640xi32, #tpu.memory_space<vmem>>, vector<16xi32>,
    %get3A_1518 = vector.shape_cast %get3A_1517 : vector<16xi32> to vector<16xi32>
    %add3A_1519 = arith.addi %get3A_1518, %add3A_1515 : vector<16xi32>
    %swap3A_1520 = arith.constant 528 : index
    %swap3A_1521 = tpu.vector_load %arg6[%swap3A_1520] {strides = array<i32>} : memref<640xi32, #tpu.memory_space<vmem>>, vector<16xi32>,
    %swap3A_1522 = vector.shape_cast %swap3A_1521 : vector<16xi32> to vector<16xi32>
    %swap3A_1523 = vector.shape_cast %add3A_1519 : vector<16xi32> to vector<16xi32>
    tpu.vector_store %arg6[%swap3A_1520], %swap3A_1523 {strides = array<i32>} : memref<640xi32, #tpu.memory_space<vmem>>, vector<16xi32>,
    %add3A_1524 = arith.constant 1152 : i32
    %add3A_1525 = vector.broadcast %add3A_1524 : i32 to vector<16xi32>
    %add3A_1526 = arith.addi %mul3A_1013, %add3A_1525 : vector<16xi32>
    %mul3A_1527 = arith.constant 9 : i32
    %mul3A_1528 = vector.broadcast %mul3A_1527 : i32 to vector<16xi32>
    %mul3A_1529 = arith.muli %mul3A_1528, %iota3A_1009 : vector<16xi32>
    %add3A_1530 = arith.addi %add3A_1526, %mul3A_1529 : vector<16xi32>
    %get3A_1531 = arith.constant 544 : index
    %get3A_1532 = tpu.vector_load %arg6[%get3A_1531] {strides = array<i32>} : memref<640xi32, #tpu.memory_space<vmem>>, vector<16xi32>,
    %get3A_1533 = vector.shape_cast %get3A_1532 : vector<16xi32> to vector<16xi32>
    %add3A_1534 = arith.addi %get3A_1533, %add3A_1530 : vector<16xi32>
    %swap3A_1535 = arith.constant 544 : index
    %swap3A_1536 = tpu.vector_load %arg6[%swap3A_1535] {strides = array<i32>} : memref<640xi32, #tpu.memory_space<vmem>>, vector<16xi32>,
    %swap3A_1537 = vector.shape_cast %swap3A_1536 : vector<16xi32> to vector<16xi32>
    %swap3A_1538 = vector.shape_cast %add3A_1534 : vector<16xi32> to vector<16xi32>
    tpu.vector_store %arg6[%swap3A_1535], %swap3A_1538 {strides = array<i32>} : memref<640xi32, #tpu.memory_space<vmem>>, vector<16xi32>,
    %add3A_1539 = arith.constant 1152 : i32
    %add3A_1540 = vector.broadcast %add3A_1539 : i32 to vector<16xi32>
    %add3A_1541 = arith.addi %mul3A_1013, %add3A_1540 : vector<16xi32>
    %mul3A_1542 = arith.constant 9 : i32
    %mul3A_1543 = vector.broadcast %mul3A_1542 : i32 to vector<16xi32>
    %mul3A_1544 = arith.muli %mul3A_1543, %iota3A_1009 : vector<16xi32>
    %add3A_1545 = arith.addi %add3A_1541, %mul3A_1544 : vector<16xi32>
    %get3A_1546 = arith.constant 560 : index
    %get3A_1547 = tpu.vector_load %arg6[%get3A_1546] {strides = array<i32>} : memref<640xi32, #tpu.memory_space<vmem>>, vector<16xi32>,
    %get3A_1548 = vector.shape_cast %get3A_1547 : vector<16xi32> to vector<16xi32>
    %add3A_1549 = arith.addi %get3A_1548, %add3A_1545 : vector<16xi32>
    %swap3A_1550 = arith.constant 560 : index
    %swap3A_1551 = tpu.vector_load %arg6[%swap3A_1550] {strides = array<i32>} : memref<640xi32, #tpu.memory_space<vmem>>, vector<16xi32>,
    %swap3A_1552 = vector.shape_cast %swap3A_1551 : vector<16xi32> to vector<16xi32>
    %swap3A_1553 = vector.shape_cast %add3A_1549 : vector<16xi32> to vector<16xi32>
    tpu.vector_store %arg6[%swap3A_1550], %swap3A_1553 {strides = array<i32>} : memref<640xi32, #tpu.memory_space<vmem>>, vector<16xi32>,
    %add3A_1554 = arith.constant 1296 : i32
    %add3A_1555 = vector.broadcast %add3A_1554 : i32 to vector<16xi32>
    %add3A_1556 = arith.addi %mul3A_1013, %add3A_1555 : vector<16xi32>
    %mul3A_1557 = arith.constant 9 : i32
    %mul3A_1558 = vector.broadcast %mul3A_1557 : i32 to vector<16xi32>
    %mul3A_1559 = arith.muli %mul3A_1558, %iota3A_1009 : vector<16xi32>
    %add3A_1560 = arith.addi %add3A_1556, %mul3A_1559 : vector<16xi32>
    %get3A_1561 = arith.constant 576 : index
    %get3A_1562 = tpu.vector_load %arg6[%get3A_1561] {strides = array<i32>} : memref<640xi32, #tpu.memory_space<vmem>>, vector<16xi32>,
    %get3A_1563 = vector.shape_cast %get3A_1562 : vector<16xi32> to vector<16xi32>
    %add3A_1564 = arith.addi %get3A_1563, %add3A_1560 : vector<16xi32>
    %swap3A_1565 = arith.constant 576 : index
    %swap3A_1566 = tpu.vector_load %arg6[%swap3A_1565] {strides = array<i32>} : memref<640xi32, #tpu.memory_space<vmem>>, vector<16xi32>,
    %swap3A_1567 = vector.shape_cast %swap3A_1566 : vector<16xi32> to vector<16xi32>
    %swap3A_1568 = vector.shape_cast %add3A_1564 : vector<16xi32> to vector<16xi32>
    tpu.vector_store %arg6[%swap3A_1565], %swap3A_1568 {strides = array<i32>} : memref<640xi32, #tpu.memory_space<vmem>>, vector<16xi32>,
    %add3A_1569 = arith.constant 1296 : i32
    %add3A_1570 = vector.broadcast %add3A_1569 : i32 to vector<16xi32>
    %add3A_1571 = arith.addi %mul3A_1013, %add3A_1570 : vector<16xi32>
    %mul3A_1572 = arith.constant 9 : i32
    %mul3A_1573 = vector.broadcast %mul3A_1572 : i32 to vector<16xi32>
    %mul3A_1574 = arith.muli %mul3A_1573, %iota3A_1009 : vector<16xi32>
    %add3A_1575 = arith.addi %add3A_1571, %mul3A_1574 : vector<16xi32>
    %get3A_1576 = arith.constant 592 : index
    %get3A_1577 = tpu.vector_load %arg6[%get3A_1576] {strides = array<i32>} : memref<640xi32, #tpu.memory_space<vmem>>, vector<16xi32>,
    %get3A_1578 = vector.shape_cast %get3A_1577 : vector<16xi32> to vector<16xi32>
    %add3A_1579 = arith.addi %get3A_1578, %add3A_1575 : vector<16xi32>
    %swap3A_1580 = arith.constant 592 : index
    %swap3A_1581 = tpu.vector_load %arg6[%swap3A_1580] {strides = array<i32>} : memref<640xi32, #tpu.memory_space<vmem>>, vector<16xi32>,
    %swap3A_1582 = vector.shape_cast %swap3A_1581 : vector<16xi32> to vector<16xi32>
    %swap3A_1583 = vector.shape_cast %add3A_1579 : vector<16xi32> to vector<16xi32>
    tpu.vector_store %arg6[%swap3A_1580], %swap3A_1583 {strides = array<i32>} : memref<640xi32, #tpu.memory_space<vmem>>, vector<16xi32>,
    %add3A_1584 = arith.constant 1296 : i32
    %add3A_1585 = vector.broadcast %add3A_1584 : i32 to vector<16xi32>
    %add3A_1586 = arith.addi %mul3A_1013, %add3A_1585 : vector<16xi32>
    %mul3A_1587 = arith.constant 9 : i32
    %mul3A_1588 = vector.broadcast %mul3A_1587 : i32 to vector<16xi32>
    %mul3A_1589 = arith.muli %mul3A_1588, %iota3A_1009 : vector<16xi32>
    %add3A_1590 = arith.addi %add3A_1586, %mul3A_1589 : vector<16xi32>
    %get3A_1591 = arith.constant 608 : index
    %get3A_1592 = tpu.vector_load %arg6[%get3A_1591] {strides = array<i32>} : memref<640xi32, #tpu.memory_space<vmem>>, vector<16xi32>,
    %get3A_1593 = vector.shape_cast %get3A_1592 : vector<16xi32> to vector<16xi32>
    %add3A_1594 = arith.addi %get3A_1593, %add3A_1590 : vector<16xi32>
    %swap3A_1595 = arith.constant 608 : index
    %swap3A_1596 = tpu.vector_load %arg6[%swap3A_1595] {strides = array<i32>} : memref<640xi32, #tpu.memory_space<vmem>>, vector<16xi32>,
    %swap3A_1597 = vector.shape_cast %swap3A_1596 : vector<16xi32> to vector<16xi32>
    %swap3A_1598 = vector.shape_cast %add3A_1594 : vector<16xi32> to vector<16xi32>
    tpu.vector_store %arg6[%swap3A_1595], %swap3A_1598 {strides = array<i32>} : memref<640xi32, #tpu.memory_space<vmem>>, vector<16xi32>,
    %add3A_1599 = arith.constant 1296 : i32
    %add3A_1600 = vector.broadcast %add3A_1599 : i32 to vector<16xi32>
    %add3A_1601 = arith.addi %mul3A_1013, %add3A_1600 : vector<16xi32>
    %mul3A_1602 = arith.constant 9 : i32
    %mul3A_1603 = vector.broadcast %mul3A_1602 : i32 to vector<16xi32>
    %mul3A_1604 = arith.muli %mul3A_1603, %iota3A_1009 : vector<16xi32>
    %add3A_1605 = arith.addi %add3A_1601, %mul3A_1604 : vector<16xi32>
    %get3A_1606 = arith.constant 624 : index
    %get3A_1607 = tpu.vector_load %arg6[%get3A_1606] {strides = array<i32>} : memref<640xi32, #tpu.memory_space<vmem>>, vector<16xi32>,
    %get3A_1608 = vector.shape_cast %get3A_1607 : vector<16xi32> to vector<16xi32>
    %add3A_1609 = arith.addi %get3A_1608, %add3A_1605 : vector<16xi32>
    %swap3A_1610 = arith.constant 624 : index
    %swap3A_1611 = tpu.vector_load %arg6[%swap3A_1610] {strides = array<i32>} : memref<640xi32, #tpu.memory_space<vmem>>, vector<16xi32>,
    %swap3A_1612 = vector.shape_cast %swap3A_1611 : vector<16xi32> to vector<16xi32>
    %swap3A_1613 = vector.shape_cast %add3A_1609 : vector<16xi32> to vector<16xi32>
    tpu.vector_store %arg6[%swap3A_1610], %swap3A_1613 {strides = array<i32>} : memref<640xi32, #tpu.memory_space<vmem>>, vector<16xi32>,
    %add3A_1614 = arith.constant 1590 : i32
    %add3A_1615 = arith.addi %mul3A_2, %add3A_1614 : i32
    %add3A_1616 = arith.constant 0 : i32
    %add3A_1617 = arith.addi %add3A_1615, %add3A_1616 : i32
    %mul3A_1618 = arith.constant 64 : i32
    %mul3A_1619 = arith.muli %add3A_1617, %mul3A_1618 : i32
    %dma_wait3A_1620 = arith.constant 0 : i32
    %dma_wait3A_1621 = arith.constant 0 : i32
    %dma_wait3A_1622 = arith.constant 0 : i32
    %dma_wait3A_1623 = tpu.memref_slice %arg7[%dma_wait3A_1620, %dma_wait3A_1621, %dma_wait3A_1622] : memref<10x64x128xf32, #tpu.memory_space<vmem>> -> memref<1x64x128xf32, #tpu.memory_space<vmem>>
    %dma_wait3A_1624 = tpu.memref_squeeze %dma_wait3A_1623 : memref<1x64x128xf32, #tpu.memory_space<vmem>> -> memref<64x128xf32, #tpu.memory_space<vmem>>
    %dma_wait3A_1625 = arith.constant 0 : i32
    %dma_wait3A_1626 = tpu.memref_slice %arg4[%mul3A_1619, %dma_wait3A_1625] : memref<3276800x128xf32, #tpu.memory_space<hbm>> -> memref<64x128xf32, #tpu.memory_space<hbm>>
    %dma_wait3A_1627 = arith.constant 0 : i32
    %dma_wait3A_1628 = tpu.memref_slice %arg4[%mul3A_1619, %dma_wait3A_1627] : memref<3276800x128xf32, #tpu.memory_space<hbm>> -> memref<64x128xf32, #tpu.memory_space<hbm>>
    %dma_wait3A_1629 = arith.constant 0 : i32
    %dma_wait3A_1630 = arith.constant 0 : i32
    %dma_wait3A_1631 = tpu.memref_slice %arg7[%dma_wait3A_1620, %dma_wait3A_1629, %dma_wait3A_1630] : memref<10x64x128xf32, #tpu.memory_space<vmem>> -> memref<1x64x128xf32, #tpu.memory_space<vmem>>
    %dma_wait3A_1632 = tpu.memref_squeeze %dma_wait3A_1631 : memref<1x64x128xf32, #tpu.memory_space<vmem>> -> memref<64x128xf32, #tpu.memory_space<vmem>>
    tpu.wait_dma2 semaphore(%arg20 : memref<!tpu.dma_semaphore, #tpu.memory_space<semaphore_mem>>) src(%dma_wait3A_1632 : memref<64x128xf32, #tpu.memory_space<vmem>>) dst(%dma_wait3A_1628 : memref<64x128xf32, #tpu.memory_space<hbm>>)
    %dma_start3A_1633 = arith.constant 0 : i32
    %dma_start3A_1634 = arith.constant 0 : i32
    %dma_start3A_1635 = arith.constant 0 : i32
    %dma_start3A_1636 = tpu.memref_slice %arg7[%dma_start3A_1633, %dma_start3A_1634, %dma_start3A_1635] : memref<10x64x128xf32, #tpu.memory_space<vmem>> -> memref<1x64x128xf32, #tpu.memory_space<vmem>>
    %dma_start3A_1637 = tpu.memref_squeeze %dma_start3A_1636 : memref<1x64x128xf32, #tpu.memory_space<vmem>> -> memref<64x128xf32, #tpu.memory_space<vmem>>
    %dma_start3A_1638 = arith.constant 0 : i32
    %dma_start3A_1639 = tpu.memref_slice %arg6[%dma_start3A_1638] : memref<640xi32, #tpu.memory_space<vmem>> -> memref<64xi32, #tpu.memory_space<vmem>>
    %dma_start3A_1640 = arith.constant 0 : i32
    %dma_start3A_1641 = arith.constant 0 : i32
    %dma_start3A_1642 = tpu.memref_slice %arg2[%dma_start3A_1640, %dma_start3A_1641] : memref<46080x128xf32, #tpu.memory_space<hbm>> -> memref<46080x128xf32, #tpu.memory_space<hbm>>
    tpu.enqueue_indirect_dma source(%dma_start3A_1642 : memref<46080x128xf32, #tpu.memory_space<hbm>>) target(%dma_start3A_1637 : memref<64x128xf32, #tpu.memory_space<vmem>>) offsets(%dma_start3A_1639 : memref<64xi32, #tpu.memory_space<vmem>>) semaphore(%arg10 : memref<!tpu.dma_semaphore, #tpu.memory_space<semaphore_mem>>)
    %add3A_1643 = arith.constant 1590 : i32
    %add3A_1644 = arith.addi %mul3A_2, %add3A_1643 : i32
    %add3A_1645 = arith.constant 1 : i32
    %add3A_1646 = arith.addi %add3A_1644, %add3A_1645 : i32
    %mul3A_1647 = arith.constant 64 : i32
    %mul3A_1648 = arith.muli %add3A_1646, %mul3A_1647 : i32
    %dma_wait3A_1649 = arith.constant 1 : i32
    %dma_wait3A_1650 = arith.constant 0 : i32
    %dma_wait3A_1651 = arith.constant 0 : i32
    %dma_wait3A_1652 = tpu.memref_slice %arg7[%dma_wait3A_1649, %dma_wait3A_1650, %dma_wait3A_1651] : memref<10x64x128xf32, #tpu.memory_space<vmem>> -> memref<1x64x128xf32, #tpu.memory_space<vmem>>
    %dma_wait3A_1653 = tpu.memref_squeeze %dma_wait3A_1652 : memref<1x64x128xf32, #tpu.memory_space<vmem>> -> memref<64x128xf32, #tpu.memory_space<vmem>>
    %dma_wait3A_1654 = arith.constant 0 : i32
    %dma_wait3A_1655 = tpu.memref_slice %arg4[%mul3A_1648, %dma_wait3A_1654] : memref<3276800x128xf32, #tpu.memory_space<hbm>> -> memref<64x128xf32, #tpu.memory_space<hbm>>
    %dma_wait3A_1656 = arith.constant 0 : i32
    %dma_wait3A_1657 = tpu.memref_slice %arg4[%mul3A_1648, %dma_wait3A_1656] : memref<3276800x128xf32, #tpu.memory_space<hbm>> -> memref<64x128xf32, #tpu.memory_space<hbm>>
    %dma_wait3A_1658 = arith.constant 0 : i32
    %dma_wait3A_1659 = arith.constant 0 : i32
    %dma_wait3A_1660 = tpu.memref_slice %arg7[%dma_wait3A_1649, %dma_wait3A_1658, %dma_wait3A_1659] : memref<10x64x128xf32, #tpu.memory_space<vmem>> -> memref<1x64x128xf32, #tpu.memory_space<vmem>>
    %dma_wait3A_1661 = tpu.memref_squeeze %dma_wait3A_1660 : memref<1x64x128xf32, #tpu.memory_space<vmem>> -> memref<64x128xf32, #tpu.memory_space<vmem>>
    tpu.wait_dma2 semaphore(%arg21 : memref<!tpu.dma_semaphore, #tpu.memory_space<semaphore_mem>>) src(%dma_wait3A_1661 : memref<64x128xf32, #tpu.memory_space<vmem>>) dst(%dma_wait3A_1657 : memref<64x128xf32, #tpu.memory_space<hbm>>)
    %dma_start3A_1662 = arith.constant 1 : i32
    %dma_start3A_1663 = arith.constant 0 : i32
    %dma_start3A_1664 = arith.constant 0 : i32
    %dma_start3A_1665 = tpu.memref_slice %arg7[%dma_start3A_1662, %dma_start3A_1663, %dma_start3A_1664] : memref<10x64x128xf32, #tpu.memory_space<vmem>> -> memref<1x64x128xf32, #tpu.memory_space<vmem>>
    %dma_start3A_1666 = tpu.memref_squeeze %dma_start3A_1665 : memref<1x64x128xf32, #tpu.memory_space<vmem>> -> memref<64x128xf32, #tpu.memory_space<vmem>>
    %dma_start3A_1667 = arith.constant 64 : i32
    %dma_start3A_1668 = tpu.memref_slice %arg6[%dma_start3A_1667] : memref<640xi32, #tpu.memory_space<vmem>> -> memref<64xi32, #tpu.memory_space<vmem>>
    %dma_start3A_1669 = arith.constant 0 : i32
    %dma_start3A_1670 = arith.constant 0 : i32
    %dma_start3A_1671 = tpu.memref_slice %arg2[%dma_start3A_1669, %dma_start3A_1670] : memref<46080x128xf32, #tpu.memory_space<hbm>> -> memref<46080x128xf32, #tpu.memory_space<hbm>>
    tpu.enqueue_indirect_dma source(%dma_start3A_1671 : memref<46080x128xf32, #tpu.memory_space<hbm>>) target(%dma_start3A_1666 : memref<64x128xf32, #tpu.memory_space<vmem>>) offsets(%dma_start3A_1668 : memref<64xi32, #tpu.memory_space<vmem>>) semaphore(%arg11 : memref<!tpu.dma_semaphore, #tpu.memory_space<semaphore_mem>>)
    %add3A_1672 = arith.constant 1590 : i32
    %add3A_1673 = arith.addi %mul3A_2, %add3A_1672 : i32
    %add3A_1674 = arith.constant 2 : i32
    %add3A_1675 = arith.addi %add3A_1673, %add3A_1674 : i32
    %mul3A_1676 = arith.constant 64 : i32
    %mul3A_1677 = arith.muli %add3A_1675, %mul3A_1676 : i32
    %dma_wait3A_1678 = arith.constant 2 : i32
    %dma_wait3A_1679 = arith.constant 0 : i32
    %dma_wait3A_1680 = arith.constant 0 : i32
    %dma_wait3A_1681 = tpu.memref_slice %arg7[%dma_wait3A_1678, %dma_wait3A_1679, %dma_wait3A_1680] : memref<10x64x128xf32, #tpu.memory_space<vmem>> -> memref<1x64x128xf32, #tpu.memory_space<vmem>>
    %dma_wait3A_1682 = tpu.memref_squeeze %dma_wait3A_1681 : memref<1x64x128xf32, #tpu.memory_space<vmem>> -> memref<64x128xf32, #tpu.memory_space<vmem>>
    %dma_wait3A_1683 = arith.constant 0 : i32
    %dma_wait3A_1684 = tpu.memref_slice %arg4[%mul3A_1677, %dma_wait3A_1683] : memref<3276800x128xf32, #tpu.memory_space<hbm>> -> memref<64x128xf32, #tpu.memory_space<hbm>>
    %dma_wait3A_1685 = arith.constant 0 : i32
    %dma_wait3A_1686 = tpu.memref_slice %arg4[%mul3A_1677, %dma_wait3A_1685] : memref<3276800x128xf32, #tpu.memory_space<hbm>> -> memref<64x128xf32, #tpu.memory_space<hbm>>
    %dma_wait3A_1687 = arith.constant 0 : i32
    %dma_wait3A_1688 = arith.constant 0 : i32
    %dma_wait3A_1689 = tpu.memref_slice %arg7[%dma_wait3A_1678, %dma_wait3A_1687, %dma_wait3A_1688] : memref<10x64x128xf32, #tpu.memory_space<vmem>> -> memref<1x64x128xf32, #tpu.memory_space<vmem>>
    %dma_wait3A_1690 = tpu.memref_squeeze %dma_wait3A_1689 : memref<1x64x128xf32, #tpu.memory_space<vmem>> -> memref<64x128xf32, #tpu.memory_space<vmem>>
    tpu.wait_dma2 semaphore(%arg22 : memref<!tpu.dma_semaphore, #tpu.memory_space<semaphore_mem>>) src(%dma_wait3A_1690 : memref<64x128xf32, #tpu.memory_space<vmem>>) dst(%dma_wait3A_1686 : memref<64x128xf32, #tpu.memory_space<hbm>>)
    %dma_start3A_1691 = arith.constant 2 : i32
    %dma_start3A_1692 = arith.constant 0 : i32
    %dma_start3A_1693 = arith.constant 0 : i32
    %dma_start3A_1694 = tpu.memref_slice %arg7[%dma_start3A_1691, %dma_start3A_1692, %dma_start3A_1693] : memref<10x64x128xf32, #tpu.memory_space<vmem>> -> memref<1x64x128xf32, #tpu.memory_space<vmem>>
    %dma_start3A_1695 = tpu.memref_squeeze %dma_start3A_1694 : memref<1x64x128xf32, #tpu.memory_space<vmem>> -> memref<64x128xf32, #tpu.memory_space<vmem>>
    %dma_start3A_1696 = arith.constant 128 : i32
    %dma_start3A_1697 = tpu.memref_slice %arg6[%dma_start3A_1696] : memref<640xi32, #tpu.memory_space<vmem>> -> memref<64xi32, #tpu.memory_space<vmem>>
    %dma_start3A_1698 = arith.constant 0 : i32
    %dma_start3A_1699 = arith.constant 0 : i32
    %dma_start3A_1700 = tpu.memref_slice %arg2[%dma_start3A_1698, %dma_start3A_1699] : memref<46080x128xf32, #tpu.memory_space<hbm>> -> memref<46080x128xf32, #tpu.memory_space<hbm>>
    tpu.enqueue_indirect_dma source(%dma_start3A_1700 : memref<46080x128xf32, #tpu.memory_space<hbm>>) target(%dma_start3A_1695 : memref<64x128xf32, #tpu.memory_space<vmem>>) offsets(%dma_start3A_1697 : memref<64xi32, #tpu.memory_space<vmem>>) semaphore(%arg12 : memref<!tpu.dma_semaphore, #tpu.memory_space<semaphore_mem>>)
    %add3A_1701 = arith.constant 1590 : i32
    %add3A_1702 = arith.addi %mul3A_2, %add3A_1701 : i32
    %add3A_1703 = arith.constant 3 : i32
    %add3A_1704 = arith.addi %add3A_1702, %add3A_1703 : i32
    %mul3A_1705 = arith.constant 64 : i32
    %mul3A_1706 = arith.muli %add3A_1704, %mul3A_1705 : i32
    %dma_wait3A_1707 = arith.constant 3 : i32
    %dma_wait3A_1708 = arith.constant 0 : i32
    %dma_wait3A_1709 = arith.constant 0 : i32
    %dma_wait3A_1710 = tpu.memref_slice %arg7[%dma_wait3A_1707, %dma_wait3A_1708, %dma_wait3A_1709] : memref<10x64x128xf32, #tpu.memory_space<vmem>> -> memref<1x64x128xf32, #tpu.memory_space<vmem>>
    %dma_wait3A_1711 = tpu.memref_squeeze %dma_wait3A_1710 : memref<1x64x128xf32, #tpu.memory_space<vmem>> -> memref<64x128xf32, #tpu.memory_space<vmem>>
    %dma_wait3A_1712 = arith.constant 0 : i32
    %dma_wait3A_1713 = tpu.memref_slice %arg4[%mul3A_1706, %dma_wait3A_1712] : memref<3276800x128xf32, #tpu.memory_space<hbm>> -> memref<64x128xf32, #tpu.memory_space<hbm>>
    %dma_wait3A_1714 = arith.constant 0 : i32
    %dma_wait3A_1715 = tpu.memref_slice %arg4[%mul3A_1706, %dma_wait3A_1714] : memref<3276800x128xf32, #tpu.memory_space<hbm>> -> memref<64x128xf32, #tpu.memory_space<hbm>>
    %dma_wait3A_1716 = arith.constant 0 : i32
    %dma_wait3A_1717 = arith.constant 0 : i32
    %dma_wait3A_1718 = tpu.memref_slice %arg7[%dma_wait3A_1707, %dma_wait3A_1716, %dma_wait3A_1717] : memref<10x64x128xf32, #tpu.memory_space<vmem>> -> memref<1x64x128xf32, #tpu.memory_space<vmem>>
    %dma_wait3A_1719 = tpu.memref_squeeze %dma_wait3A_1718 : memref<1x64x128xf32, #tpu.memory_space<vmem>> -> memref<64x128xf32, #tpu.memory_space<vmem>>
    tpu.wait_dma2 semaphore(%arg23 : memref<!tpu.dma_semaphore, #tpu.memory_space<semaphore_mem>>) src(%dma_wait3A_1719 : memref<64x128xf32, #tpu.memory_space<vmem>>) dst(%dma_wait3A_1715 : memref<64x128xf32, #tpu.memory_space<hbm>>)
    %dma_start3A_1720 = arith.constant 3 : i32
    %dma_start3A_1721 = arith.constant 0 : i32
    %dma_start3A_1722 = arith.constant 0 : i32
    %dma_start3A_1723 = tpu.memref_slice %arg7[%dma_start3A_1720, %dma_start3A_1721, %dma_start3A_1722] : memref<10x64x128xf32, #tpu.memory_space<vmem>> -> memref<1x64x128xf32, #tpu.memory_space<vmem>>
    %dma_start3A_1724 = tpu.memref_squeeze %dma_start3A_1723 : memref<1x64x128xf32, #tpu.memory_space<vmem>> -> memref<64x128xf32, #tpu.memory_space<vmem>>
    %dma_start3A_1725 = arith.constant 192 : i32
    %dma_start3A_1726 = tpu.memref_slice %arg6[%dma_start3A_1725] : memref<640xi32, #tpu.memory_space<vmem>> -> memref<64xi32, #tpu.memory_space<vmem>>
    %dma_start3A_1727 = arith.constant 0 : i32
    %dma_start3A_1728 = arith.constant 0 : i32
    %dma_start3A_1729 = tpu.memref_slice %arg2[%dma_start3A_1727, %dma_start3A_1728] : memref<46080x128xf32, #tpu.memory_space<hbm>> -> memref<46080x128xf32, #tpu.memory_space<hbm>>
    tpu.enqueue_indirect_dma source(%dma_start3A_1729 : memref<46080x128xf32, #tpu.memory_space<hbm>>) target(%dma_start3A_1724 : memref<64x128xf32, #tpu.memory_space<vmem>>) offsets(%dma_start3A_1726 : memref<64xi32, #tpu.memory_space<vmem>>) semaphore(%arg13 : memref<!tpu.dma_semaphore, #tpu.memory_space<semaphore_mem>>)
    %add3A_1730 = arith.constant 1590 : i32
    %add3A_1731 = arith.addi %mul3A_2, %add3A_1730 : i32
    %add3A_1732 = arith.constant 4 : i32
    %add3A_1733 = arith.addi %add3A_1731, %add3A_1732 : i32
    %mul3A_1734 = arith.constant 64 : i32
    %mul3A_1735 = arith.muli %add3A_1733, %mul3A_1734 : i32
    %dma_wait3A_1736 = arith.constant 4 : i32
    %dma_wait3A_1737 = arith.constant 0 : i32
    %dma_wait3A_1738 = arith.constant 0 : i32
    %dma_wait3A_1739 = tpu.memref_slice %arg7[%dma_wait3A_1736, %dma_wait3A_1737, %dma_wait3A_1738] : memref<10x64x128xf32, #tpu.memory_space<vmem>> -> memref<1x64x128xf32, #tpu.memory_space<vmem>>
    %dma_wait3A_1740 = tpu.memref_squeeze %dma_wait3A_1739 : memref<1x64x128xf32, #tpu.memory_space<vmem>> -> memref<64x128xf32, #tpu.memory_space<vmem>>
    %dma_wait3A_1741 = arith.constant 0 : i32
    %dma_wait3A_1742 = tpu.memref_slice %arg4[%mul3A_1735, %dma_wait3A_1741] : memref<3276800x128xf32, #tpu.memory_space<hbm>> -> memref<64x128xf32, #tpu.memory_space<hbm>>
    %dma_wait3A_1743 = arith.constant 0 : i32
    %dma_wait3A_1744 = tpu.memref_slice %arg4[%mul3A_1735, %dma_wait3A_1743] : memref<3276800x128xf32, #tpu.memory_space<hbm>> -> memref<64x128xf32, #tpu.memory_space<hbm>>
    %dma_wait3A_1745 = arith.constant 0 : i32
    %dma_wait3A_1746 = arith.constant 0 : i32
    %dma_wait3A_1747 = tpu.memref_slice %arg7[%dma_wait3A_1736, %dma_wait3A_1745, %dma_wait3A_1746] : memref<10x64x128xf32, #tpu.memory_space<vmem>> -> memref<1x64x128xf32, #tpu.memory_space<vmem>>
    %dma_wait3A_1748 = tpu.memref_squeeze %dma_wait3A_1747 : memref<1x64x128xf32, #tpu.memory_space<vmem>> -> memref<64x128xf32, #tpu.memory_space<vmem>>
    tpu.wait_dma2 semaphore(%arg24 : memref<!tpu.dma_semaphore, #tpu.memory_space<semaphore_mem>>) src(%dma_wait3A_1748 : memref<64x128xf32, #tpu.memory_space<vmem>>) dst(%dma_wait3A_1744 : memref<64x128xf32, #tpu.memory_space<hbm>>)
    %dma_start3A_1749 = arith.constant 4 : i32
    %dma_start3A_1750 = arith.constant 0 : i32
    %dma_start3A_1751 = arith.constant 0 : i32
    %dma_start3A_1752 = tpu.memref_slice %arg7[%dma_start3A_1749, %dma_start3A_1750, %dma_start3A_1751] : memref<10x64x128xf32, #tpu.memory_space<vmem>> -> memref<1x64x128xf32, #tpu.memory_space<vmem>>
    %dma_start3A_1753 = tpu.memref_squeeze %dma_start3A_1752 : memref<1x64x128xf32, #tpu.memory_space<vmem>> -> memref<64x128xf32, #tpu.memory_space<vmem>>
    %dma_start3A_1754 = arith.constant 256 : i32
    %dma_start3A_1755 = tpu.memref_slice %arg6[%dma_start3A_1754] : memref<640xi32, #tpu.memory_space<vmem>> -> memref<64xi32, #tpu.memory_space<vmem>>
    %dma_start3A_1756 = arith.constant 0 : i32
    %dma_start3A_1757 = arith.constant 0 : i32
    %dma_start3A_1758 = tpu.memref_slice %arg2[%dma_start3A_1756, %dma_start3A_1757] : memref<46080x128xf32, #tpu.memory_space<hbm>> -> memref<46080x128xf32, #tpu.memory_space<hbm>>
    tpu.enqueue_indirect_dma source(%dma_start3A_1758 : memref<46080x128xf32, #tpu.memory_space<hbm>>) target(%dma_start3A_1753 : memref<64x128xf32, #tpu.memory_space<vmem>>) offsets(%dma_start3A_1755 : memref<64xi32, #tpu.memory_space<vmem>>) semaphore(%arg14 : memref<!tpu.dma_semaphore, #tpu.memory_space<semaphore_mem>>)
    %add3A_1759 = arith.constant 1590 : i32
    %add3A_1760 = arith.addi %mul3A_2, %add3A_1759 : i32
    %add3A_1761 = arith.constant 5 : i32
    %add3A_1762 = arith.addi %add3A_1760, %add3A_1761 : i32
    %mul3A_1763 = arith.constant 64 : i32
    %mul3A_1764 = arith.muli %add3A_1762, %mul3A_1763 : i32
    %dma_wait3A_1765 = arith.constant 5 : i32
    %dma_wait3A_1766 = arith.constant 0 : i32
    %dma_wait3A_1767 = arith.constant 0 : i32
    %dma_wait3A_1768 = tpu.memref_slice %arg7[%dma_wait3A_1765, %dma_wait3A_1766, %dma_wait3A_1767] : memref<10x64x128xf32, #tpu.memory_space<vmem>> -> memref<1x64x128xf32, #tpu.memory_space<vmem>>
    %dma_wait3A_1769 = tpu.memref_squeeze %dma_wait3A_1768 : memref<1x64x128xf32, #tpu.memory_space<vmem>> -> memref<64x128xf32, #tpu.memory_space<vmem>>
    %dma_wait3A_1770 = arith.constant 0 : i32
    %dma_wait3A_1771 = tpu.memref_slice %arg4[%mul3A_1764, %dma_wait3A_1770] : memref<3276800x128xf32, #tpu.memory_space<hbm>> -> memref<64x128xf32, #tpu.memory_space<hbm>>
    %dma_wait3A_1772 = arith.constant 0 : i32
    %dma_wait3A_1773 = tpu.memref_slice %arg4[%mul3A_1764, %dma_wait3A_1772] : memref<3276800x128xf32, #tpu.memory_space<hbm>> -> memref<64x128xf32, #tpu.memory_space<hbm>>
    %dma_wait3A_1774 = arith.constant 0 : i32
    %dma_wait3A_1775 = arith.constant 0 : i32
    %dma_wait3A_1776 = tpu.memref_slice %arg7[%dma_wait3A_1765, %dma_wait3A_1774, %dma_wait3A_1775] : memref<10x64x128xf32, #tpu.memory_space<vmem>> -> memref<1x64x128xf32, #tpu.memory_space<vmem>>
    %dma_wait3A_1777 = tpu.memref_squeeze %dma_wait3A_1776 : memref<1x64x128xf32, #tpu.memory_space<vmem>> -> memref<64x128xf32, #tpu.memory_space<vmem>>
    tpu.wait_dma2 semaphore(%arg25 : memref<!tpu.dma_semaphore, #tpu.memory_space<semaphore_mem>>) src(%dma_wait3A_1777 : memref<64x128xf32, #tpu.memory_space<vmem>>) dst(%dma_wait3A_1773 : memref<64x128xf32, #tpu.memory_space<hbm>>)
    %dma_start3A_1778 = arith.constant 5 : i32
    %dma_start3A_1779 = arith.constant 0 : i32
    %dma_start3A_1780 = arith.constant 0 : i32
    %dma_start3A_1781 = tpu.memref_slice %arg7[%dma_start3A_1778, %dma_start3A_1779, %dma_start3A_1780] : memref<10x64x128xf32, #tpu.memory_space<vmem>> -> memref<1x64x128xf32, #tpu.memory_space<vmem>>
    %dma_start3A_1782 = tpu.memref_squeeze %dma_start3A_1781 : memref<1x64x128xf32, #tpu.memory_space<vmem>> -> memref<64x128xf32, #tpu.memory_space<vmem>>
    %dma_start3A_1783 = arith.constant 320 : i32
    %dma_start3A_1784 = tpu.memref_slice %arg6[%dma_start3A_1783] : memref<640xi32, #tpu.memory_space<vmem>> -> memref<64xi32, #tpu.memory_space<vmem>>
    %dma_start3A_1785 = arith.constant 0 : i32
    %dma_start3A_1786 = arith.constant 0 : i32
    %dma_start3A_1787 = tpu.memref_slice %arg2[%dma_start3A_1785, %dma_start3A_1786] : memref<46080x128xf32, #tpu.memory_space<hbm>> -> memref<46080x128xf32, #tpu.memory_space<hbm>>
    tpu.enqueue_indirect_dma source(%dma_start3A_1787 : memref<46080x128xf32, #tpu.memory_space<hbm>>) target(%dma_start3A_1782 : memref<64x128xf32, #tpu.memory_space<vmem>>) offsets(%dma_start3A_1784 : memref<64xi32, #tpu.memory_space<vmem>>) semaphore(%arg15 : memref<!tpu.dma_semaphore, #tpu.memory_space<semaphore_mem>>)
    %add3A_1788 = arith.constant 1590 : i32
    %add3A_1789 = arith.addi %mul3A_2, %add3A_1788 : i32
    %add3A_1790 = arith.constant 6 : i32
    %add3A_1791 = arith.addi %add3A_1789, %add3A_1790 : i32
    %mul3A_1792 = arith.constant 64 : i32
    %mul3A_1793 = arith.muli %add3A_1791, %mul3A_1792 : i32
    %dma_wait3A_1794 = arith.constant 6 : i32
    %dma_wait3A_1795 = arith.constant 0 : i32
    %dma_wait3A_1796 = arith.constant 0 : i32
    %dma_wait3A_1797 = tpu.memref_slice %arg7[%dma_wait3A_1794, %dma_wait3A_1795, %dma_wait3A_1796] : memref<10x64x128xf32, #tpu.memory_space<vmem>> -> memref<1x64x128xf32, #tpu.memory_space<vmem>>
    %dma_wait3A_1798 = tpu.memref_squeeze %dma_wait3A_1797 : memref<1x64x128xf32, #tpu.memory_space<vmem>> -> memref<64x128xf32, #tpu.memory_space<vmem>>
    %dma_wait3A_1799 = arith.constant 0 : i32
    %dma_wait3A_1800 = tpu.memref_slice %arg4[%mul3A_1793, %dma_wait3A_1799] : memref<3276800x128xf32, #tpu.memory_space<hbm>> -> memref<64x128xf32, #tpu.memory_space<hbm>>
    %dma_wait3A_1801 = arith.constant 0 : i32
    %dma_wait3A_1802 = tpu.memref_slice %arg4[%mul3A_1793, %dma_wait3A_1801] : memref<3276800x128xf32, #tpu.memory_space<hbm>> -> memref<64x128xf32, #tpu.memory_space<hbm>>
    %dma_wait3A_1803 = arith.constant 0 : i32
    %dma_wait3A_1804 = arith.constant 0 : i32
    %dma_wait3A_1805 = tpu.memref_slice %arg7[%dma_wait3A_1794, %dma_wait3A_1803, %dma_wait3A_1804] : memref<10x64x128xf32, #tpu.memory_space<vmem>> -> memref<1x64x128xf32, #tpu.memory_space<vmem>>
    %dma_wait3A_1806 = tpu.memref_squeeze %dma_wait3A_1805 : memref<1x64x128xf32, #tpu.memory_space<vmem>> -> memref<64x128xf32, #tpu.memory_space<vmem>>
    tpu.wait_dma2 semaphore(%arg26 : memref<!tpu.dma_semaphore, #tpu.memory_space<semaphore_mem>>) src(%dma_wait3A_1806 : memref<64x128xf32, #tpu.memory_space<vmem>>) dst(%dma_wait3A_1802 : memref<64x128xf32, #tpu.memory_space<hbm>>)
    %dma_start3A_1807 = arith.constant 6 : i32
    %dma_start3A_1808 = arith.constant 0 : i32
    %dma_start3A_1809 = arith.constant 0 : i32
    %dma_start3A_1810 = tpu.memref_slice %arg7[%dma_start3A_1807, %dma_start3A_1808, %dma_start3A_1809] : memref<10x64x128xf32, #tpu.memory_space<vmem>> -> memref<1x64x128xf32, #tpu.memory_space<vmem>>
    %dma_start3A_1811 = tpu.memref_squeeze %dma_start3A_1810 : memref<1x64x128xf32, #tpu.memory_space<vmem>> -> memref<64x128xf32, #tpu.memory_space<vmem>>
    %dma_start3A_1812 = arith.constant 384 : i32
    %dma_start3A_1813 = tpu.memref_slice %arg6[%dma_start3A_1812] : memref<640xi32, #tpu.memory_space<vmem>> -> memref<64xi32, #tpu.memory_space<vmem>>
    %dma_start3A_1814 = arith.constant 0 : i32
    %dma_start3A_1815 = arith.constant 0 : i32
    %dma_start3A_1816 = tpu.memref_slice %arg2[%dma_start3A_1814, %dma_start3A_1815] : memref<46080x128xf32, #tpu.memory_space<hbm>> -> memref<46080x128xf32, #tpu.memory_space<hbm>>
    tpu.enqueue_indirect_dma source(%dma_start3A_1816 : memref<46080x128xf32, #tpu.memory_space<hbm>>) target(%dma_start3A_1811 : memref<64x128xf32, #tpu.memory_space<vmem>>) offsets(%dma_start3A_1813 : memref<64xi32, #tpu.memory_space<vmem>>) semaphore(%arg16 : memref<!tpu.dma_semaphore, #tpu.memory_space<semaphore_mem>>)
    %add3A_1817 = arith.constant 1590 : i32
    %add3A_1818 = arith.addi %mul3A_2, %add3A_1817 : i32
    %add3A_1819 = arith.constant 7 : i32
    %add3A_1820 = arith.addi %add3A_1818, %add3A_1819 : i32
    %mul3A_1821 = arith.constant 64 : i32
    %mul3A_1822 = arith.muli %add3A_1820, %mul3A_1821 : i32
    %dma_wait3A_1823 = arith.constant 7 : i32
    %dma_wait3A_1824 = arith.constant 0 : i32
    %dma_wait3A_1825 = arith.constant 0 : i32
    %dma_wait3A_1826 = tpu.memref_slice %arg7[%dma_wait3A_1823, %dma_wait3A_1824, %dma_wait3A_1825] : memref<10x64x128xf32, #tpu.memory_space<vmem>> -> memref<1x64x128xf32, #tpu.memory_space<vmem>>
    %dma_wait3A_1827 = tpu.memref_squeeze %dma_wait3A_1826 : memref<1x64x128xf32, #tpu.memory_space<vmem>> -> memref<64x128xf32, #tpu.memory_space<vmem>>
    %dma_wait3A_1828 = arith.constant 0 : i32
    %dma_wait3A_1829 = tpu.memref_slice %arg4[%mul3A_1822, %dma_wait3A_1828] : memref<3276800x128xf32, #tpu.memory_space<hbm>> -> memref<64x128xf32, #tpu.memory_space<hbm>>
    %dma_wait3A_1830 = arith.constant 0 : i32
    %dma_wait3A_1831 = tpu.memref_slice %arg4[%mul3A_1822, %dma_wait3A_1830] : memref<3276800x128xf32, #tpu.memory_space<hbm>> -> memref<64x128xf32, #tpu.memory_space<hbm>>
    %dma_wait3A_1832 = arith.constant 0 : i32
    %dma_wait3A_1833 = arith.constant 0 : i32
    %dma_wait3A_1834 = tpu.memref_slice %arg7[%dma_wait3A_1823, %dma_wait3A_1832, %dma_wait3A_1833] : memref<10x64x128xf32, #tpu.memory_space<vmem>> -> memref<1x64x128xf32, #tpu.memory_space<vmem>>
    %dma_wait3A_1835 = tpu.memref_squeeze %dma_wait3A_1834 : memref<1x64x128xf32, #tpu.memory_space<vmem>> -> memref<64x128xf32, #tpu.memory_space<vmem>>
    tpu.wait_dma2 semaphore(%arg27 : memref<!tpu.dma_semaphore, #tpu.memory_space<semaphore_mem>>) src(%dma_wait3A_1835 : memref<64x128xf32, #tpu.memory_space<vmem>>) dst(%dma_wait3A_1831 : memref<64x128xf32, #tpu.memory_space<hbm>>)
    %dma_start3A_1836 = arith.constant 7 : i32
    %dma_start3A_1837 = arith.constant 0 : i32
    %dma_start3A_1838 = arith.constant 0 : i32
    %dma_start3A_1839 = tpu.memref_slice %arg7[%dma_start3A_1836, %dma_start3A_1837, %dma_start3A_1838] : memref<10x64x128xf32, #tpu.memory_space<vmem>> -> memref<1x64x128xf32, #tpu.memory_space<vmem>>
    %dma_start3A_1840 = tpu.memref_squeeze %dma_start3A_1839 : memref<1x64x128xf32, #tpu.memory_space<vmem>> -> memref<64x128xf32, #tpu.memory_space<vmem>>
    %dma_start3A_1841 = arith.constant 448 : i32
    %dma_start3A_1842 = tpu.memref_slice %arg6[%dma_start3A_1841] : memref<640xi32, #tpu.memory_space<vmem>> -> memref<64xi32, #tpu.memory_space<vmem>>
    %dma_start3A_1843 = arith.constant 0 : i32
    %dma_start3A_1844 = arith.constant 0 : i32
    %dma_start3A_1845 = tpu.memref_slice %arg2[%dma_start3A_1843, %dma_start3A_1844] : memref<46080x128xf32, #tpu.memory_space<hbm>> -> memref<46080x128xf32, #tpu.memory_space<hbm>>
    tpu.enqueue_indirect_dma source(%dma_start3A_1845 : memref<46080x128xf32, #tpu.memory_space<hbm>>) target(%dma_start3A_1840 : memref<64x128xf32, #tpu.memory_space<vmem>>) offsets(%dma_start3A_1842 : memref<64xi32, #tpu.memory_space<vmem>>) semaphore(%arg17 : memref<!tpu.dma_semaphore, #tpu.memory_space<semaphore_mem>>)
    %add3A_1846 = arith.constant 1590 : i32
    %add3A_1847 = arith.addi %mul3A_2, %add3A_1846 : i32
    %add3A_1848 = arith.constant 8 : i32
    %add3A_1849 = arith.addi %add3A_1847, %add3A_1848 : i32
    %mul3A_1850 = arith.constant 64 : i32
    %mul3A_1851 = arith.muli %add3A_1849, %mul3A_1850 : i32
    %dma_wait3A_1852 = arith.constant 8 : i32
    %dma_wait3A_1853 = arith.constant 0 : i32
    %dma_wait3A_1854 = arith.constant 0 : i32
    %dma_wait3A_1855 = tpu.memref_slice %arg7[%dma_wait3A_1852, %dma_wait3A_1853, %dma_wait3A_1854] : memref<10x64x128xf32, #tpu.memory_space<vmem>> -> memref<1x64x128xf32, #tpu.memory_space<vmem>>
    %dma_wait3A_1856 = tpu.memref_squeeze %dma_wait3A_1855 : memref<1x64x128xf32, #tpu.memory_space<vmem>> -> memref<64x128xf32, #tpu.memory_space<vmem>>
    %dma_wait3A_1857 = arith.constant 0 : i32
    %dma_wait3A_1858 = tpu.memref_slice %arg4[%mul3A_1851, %dma_wait3A_1857] : memref<3276800x128xf32, #tpu.memory_space<hbm>> -> memref<64x128xf32, #tpu.memory_space<hbm>>
    %dma_wait3A_1859 = arith.constant 0 : i32
    %dma_wait3A_1860 = tpu.memref_slice %arg4[%mul3A_1851, %dma_wait3A_1859] : memref<3276800x128xf32, #tpu.memory_space<hbm>> -> memref<64x128xf32, #tpu.memory_space<hbm>>
    %dma_wait3A_1861 = arith.constant 0 : i32
    %dma_wait3A_1862 = arith.constant 0 : i32
    %dma_wait3A_1863 = tpu.memref_slice %arg7[%dma_wait3A_1852, %dma_wait3A_1861, %dma_wait3A_1862] : memref<10x64x128xf32, #tpu.memory_space<vmem>> -> memref<1x64x128xf32, #tpu.memory_space<vmem>>
    %dma_wait3A_1864 = tpu.memref_squeeze %dma_wait3A_1863 : memref<1x64x128xf32, #tpu.memory_space<vmem>> -> memref<64x128xf32, #tpu.memory_space<vmem>>
    tpu.wait_dma2 semaphore(%arg28 : memref<!tpu.dma_semaphore, #tpu.memory_space<semaphore_mem>>) src(%dma_wait3A_1864 : memref<64x128xf32, #tpu.memory_space<vmem>>) dst(%dma_wait3A_1860 : memref<64x128xf32, #tpu.memory_space<hbm>>)
    %dma_start3A_1865 = arith.constant 8 : i32
    %dma_start3A_1866 = arith.constant 0 : i32
    %dma_start3A_1867 = arith.constant 0 : i32
    %dma_start3A_1868 = tpu.memref_slice %arg7[%dma_start3A_1865, %dma_start3A_1866, %dma_start3A_1867] : memref<10x64x128xf32, #tpu.memory_space<vmem>> -> memref<1x64x128xf32, #tpu.memory_space<vmem>>
    %dma_start3A_1869 = tpu.memref_squeeze %dma_start3A_1868 : memref<1x64x128xf32, #tpu.memory_space<vmem>> -> memref<64x128xf32, #tpu.memory_space<vmem>>
    %dma_start3A_1870 = arith.constant 512 : i32
    %dma_start3A_1871 = tpu.memref_slice %arg6[%dma_start3A_1870] : memref<640xi32, #tpu.memory_space<vmem>> -> memref<64xi32, #tpu.memory_space<vmem>>
    %dma_start3A_1872 = arith.constant 0 : i32
    %dma_start3A_1873 = arith.constant 0 : i32
    %dma_start3A_1874 = tpu.memref_slice %arg2[%dma_start3A_1872, %dma_start3A_1873] : memref<46080x128xf32, #tpu.memory_space<hbm>> -> memref<46080x128xf32, #tpu.memory_space<hbm>>
    tpu.enqueue_indirect_dma source(%dma_start3A_1874 : memref<46080x128xf32, #tpu.memory_space<hbm>>) target(%dma_start3A_1869 : memref<64x128xf32, #tpu.memory_space<vmem>>) offsets(%dma_start3A_1871 : memref<64xi32, #tpu.memory_space<vmem>>) semaphore(%arg18 : memref<!tpu.dma_semaphore, #tpu.memory_space<semaphore_mem>>)
    %add3A_1875 = arith.constant 1590 : i32
    %add3A_1876 = arith.addi %mul3A_2, %add3A_1875 : i32
    %add3A_1877 = arith.constant 9 : i32
    %add3A_1878 = arith.addi %add3A_1876, %add3A_1877 : i32
    %mul3A_1879 = arith.constant 64 : i32
    %mul3A_1880 = arith.muli %add3A_1878, %mul3A_1879 : i32
    %dma_wait3A_1881 = arith.constant 9 : i32
    %dma_wait3A_1882 = arith.constant 0 : i32
    %dma_wait3A_1883 = arith.constant 0 : i32
    %dma_wait3A_1884 = tpu.memref_slice %arg7[%dma_wait3A_1881, %dma_wait3A_1882, %dma_wait3A_1883] : memref<10x64x128xf32, #tpu.memory_space<vmem>> -> memref<1x64x128xf32, #tpu.memory_space<vmem>>
    %dma_wait3A_1885 = tpu.memref_squeeze %dma_wait3A_1884 : memref<1x64x128xf32, #tpu.memory_space<vmem>> -> memref<64x128xf32, #tpu.memory_space<vmem>>
    %dma_wait3A_1886 = arith.constant 0 : i32
    %dma_wait3A_1887 = tpu.memref_slice %arg4[%mul3A_1880, %dma_wait3A_1886] : memref<3276800x128xf32, #tpu.memory_space<hbm>> -> memref<64x128xf32, #tpu.memory_space<hbm>>
    %dma_wait3A_1888 = arith.constant 0 : i32
    %dma_wait3A_1889 = tpu.memref_slice %arg4[%mul3A_1880, %dma_wait3A_1888] : memref<3276800x128xf32, #tpu.memory_space<hbm>> -> memref<64x128xf32, #tpu.memory_space<hbm>>
    %dma_wait3A_1890 = arith.constant 0 : i32
    %dma_wait3A_1891 = arith.constant 0 : i32
    %dma_wait3A_1892 = tpu.memref_slice %arg7[%dma_wait3A_1881, %dma_wait3A_1890, %dma_wait3A_1891] : memref<10x64x128xf32, #tpu.memory_space<vmem>> -> memref<1x64x128xf32, #tpu.memory_space<vmem>>
    %dma_wait3A_1893 = tpu.memref_squeeze %dma_wait3A_1892 : memref<1x64x128xf32, #tpu.memory_space<vmem>> -> memref<64x128xf32, #tpu.memory_space<vmem>>
    tpu.wait_dma2 semaphore(%arg29 : memref<!tpu.dma_semaphore, #tpu.memory_space<semaphore_mem>>) src(%dma_wait3A_1893 : memref<64x128xf32, #tpu.memory_space<vmem>>) dst(%dma_wait3A_1889 : memref<64x128xf32, #tpu.memory_space<hbm>>)
    %dma_start3A_1894 = arith.constant 9 : i32
    %dma_start3A_1895 = arith.constant 0 : i32
    %dma_start3A_1896 = arith.constant 0 : i32
    %dma_start3A_1897 = tpu.memref_slice %arg7[%dma_start3A_1894, %dma_start3A_1895, %dma_start3A_1896] : memref<10x64x128xf32, #tpu.memory_space<vmem>> -> memref<1x64x128xf32, #tpu.memory_space<vmem>>
    %dma_start3A_1898 = tpu.memref_squeeze %dma_start3A_1897 : memref<1x64x128xf32, #tpu.memory_space<vmem>> -> memref<64x128xf32, #tpu.memory_space<vmem>>
    %dma_start3A_1899 = arith.constant 576 : i32
    %dma_start3A_1900 = tpu.memref_slice %arg6[%dma_start3A_1899] : memref<640xi32, #tpu.memory_space<vmem>> -> memref<64xi32, #tpu.memory_space<vmem>>
    %dma_start3A_1901 = arith.constant 0 : i32
    %dma_start3A_1902 = arith.constant 0 : i32
    %dma_start3A_1903 = tpu.memref_slice %arg2[%dma_start3A_1901, %dma_start3A_1902] : memref<46080x128xf32, #tpu.memory_space<hbm>> -> memref<46080x128xf32, #tpu.memory_space<hbm>>
    tpu.enqueue_indirect_dma source(%dma_start3A_1903 : memref<46080x128xf32, #tpu.memory_space<hbm>>) target(%dma_start3A_1898 : memref<64x128xf32, #tpu.memory_space<vmem>>) offsets(%dma_start3A_1900 : memref<64xi32, #tpu.memory_space<vmem>>) semaphore(%arg19 : memref<!tpu.dma_semaphore, #tpu.memory_space<semaphore_mem>>)
    %dma_wait3A_1904 = arith.constant 0 : i32
    %dma_wait3A_1905 = arith.constant 0 : i32
    %dma_wait3A_1906 = arith.constant 0 : i32
    %dma_wait3A_1907 = tpu.memref_slice %arg7[%dma_wait3A_1904, %dma_wait3A_1905, %dma_wait3A_1906] : memref<10x64x128xf32, #tpu.memory_space<vmem>> -> memref<1x64x128xf32, #tpu.memory_space<vmem>>
    %dma_wait3A_1908 = tpu.memref_squeeze %dma_wait3A_1907 : memref<1x64x128xf32, #tpu.memory_space<vmem>> -> memref<64x128xf32, #tpu.memory_space<vmem>>
    %dma_wait3A_1909 = arith.constant 0 : i32
    %dma_wait3A_1910 = tpu.memref_slice %arg6[%dma_wait3A_1909] : memref<640xi32, #tpu.memory_space<vmem>> -> memref<64xi32, #tpu.memory_space<vmem>>
    %dma_wait3A_1911 = arith.constant 0 : i32
    %dma_wait3A_1912 = arith.constant 0 : i32
    %dma_wait3A_1913 = tpu.memref_slice %arg2[%dma_wait3A_1911, %dma_wait3A_1912] : memref<46080x128xf32, #tpu.memory_space<hbm>> -> memref<46080x128xf32, #tpu.memory_space<hbm>>
    tpu.wait_indirect_dma semaphore(%arg10 : memref<!tpu.dma_semaphore, #tpu.memory_space<semaphore_mem>>) src(%dma_wait3A_1913 : memref<46080x128xf32, #tpu.memory_space<hbm>>) dst(%dma_wait3A_1908 : memref<64x128xf32, #tpu.memory_space<vmem>>)
    %add3A_1914 = arith.constant 1590 : i32
    %add3A_1915 = arith.addi %mul3A_2, %add3A_1914 : i32
    %add3A_1916 = arith.constant 0 : i32
    %add3A_1917 = arith.addi %add3A_1915, %add3A_1916 : i32
    %mul3A_1918 = arith.constant 64 : i32
    %mul3A_1919 = arith.muli %add3A_1917, %mul3A_1918 : i32
    %dma_start3A_1920 = arith.constant 0 : i32
    %dma_start3A_1921 = arith.constant 0 : i32
    %dma_start3A_1922 = arith.constant 0 : i32
    %dma_start3A_1923 = tpu.memref_slice %arg7[%dma_start3A_1920, %dma_start3A_1921, %dma_start3A_1922] : memref<10x64x128xf32, #tpu.memory_space<vmem>> -> memref<1x64x128xf32, #tpu.memory_space<vmem>>
    %dma_start3A_1924 = tpu.memref_squeeze %dma_start3A_1923 : memref<1x64x128xf32, #tpu.memory_space<vmem>> -> memref<64x128xf32, #tpu.memory_space<vmem>>
    %dma_start3A_1925 = arith.constant 0 : i32
    %dma_start3A_1926 = tpu.memref_slice %arg4[%mul3A_1919, %dma_start3A_1925] : memref<3276800x128xf32, #tpu.memory_space<hbm>> -> memref<64x128xf32, #tpu.memory_space<hbm>>
    %dma_start3A_1927 = arith.constant 0 : i32
    %dma_start3A_1928 = tpu.memref_slice %arg4[%mul3A_1919, %dma_start3A_1927] : memref<3276800x128xf32, #tpu.memory_space<hbm>> -> memref<64x128xf32, #tpu.memory_space<hbm>>
    %dma_start3A_1929 = arith.constant 0 : i32
    %dma_start3A_1930 = arith.constant 0 : i32
    %dma_start3A_1931 = tpu.memref_slice %arg7[%dma_start3A_1920, %dma_start3A_1929, %dma_start3A_1930] : memref<10x64x128xf32, #tpu.memory_space<vmem>> -> memref<1x64x128xf32, #tpu.memory_space<vmem>>
    %dma_start3A_1932 = tpu.memref_squeeze %dma_start3A_1931 : memref<1x64x128xf32, #tpu.memory_space<vmem>> -> memref<64x128xf32, #tpu.memory_space<vmem>>
    tpu.enqueue_dma source(%dma_start3A_1932 : memref<64x128xf32, #tpu.memory_space<vmem>>) target(%dma_start3A_1928 : memref<64x128xf32, #tpu.memory_space<hbm>>) target_semaphore(%arg20 : memref<!tpu.dma_semaphore, #tpu.memory_space<semaphore_mem>>)
    %dma_wait3A_1933 = arith.constant 1 : i32
    %dma_wait3A_1934 = arith.constant 0 : i32
    %dma_wait3A_1935 = arith.constant 0 : i32
    %dma_wait3A_1936 = tpu.memref_slice %arg7[%dma_wait3A_1933, %dma_wait3A_1934, %dma_wait3A_1935] : memref<10x64x128xf32, #tpu.memory_space<vmem>> -> memref<1x64x128xf32, #tpu.memory_space<vmem>>
    %dma_wait3A_1937 = tpu.memref_squeeze %dma_wait3A_1936 : memref<1x64x128xf32, #tpu.memory_space<vmem>> -> memref<64x128xf32, #tpu.memory_space<vmem>>
    %dma_wait3A_1938 = arith.constant 64 : i32
    %dma_wait3A_1939 = tpu.memref_slice %arg6[%dma_wait3A_1938] : memref<640xi32, #tpu.memory_space<vmem>> -> memref<64xi32, #tpu.memory_space<vmem>>
    %dma_wait3A_1940 = arith.constant 0 : i32
    %dma_wait3A_1941 = arith.constant 0 : i32
    %dma_wait3A_1942 = tpu.memref_slice %arg2[%dma_wait3A_1940, %dma_wait3A_1941] : memref<46080x128xf32, #tpu.memory_space<hbm>> -> memref<46080x128xf32, #tpu.memory_space<hbm>>
    tpu.wait_indirect_dma semaphore(%arg11 : memref<!tpu.dma_semaphore, #tpu.memory_space<semaphore_mem>>) src(%dma_wait3A_1942 : memref<46080x128xf32, #tpu.memory_space<hbm>>) dst(%dma_wait3A_1937 : memref<64x128xf32, #tpu.memory_space<vmem>>)
    %add3A_1943 = arith.constant 1590 : i32
    %add3A_1944 = arith.addi %mul3A_2, %add3A_1943 : i32
    %add3A_1945 = arith.constant 1 : i32
    %add3A_1946 = arith.addi %add3A_1944, %add3A_1945 : i32
    %mul3A_1947 = arith.constant 64 : i32
    %mul3A_1948 = arith.muli %add3A_1946, %mul3A_1947 : i32
    %dma_start3A_1949 = arith.constant 1 : i32
    %dma_start3A_1950 = arith.constant 0 : i32
    %dma_start3A_1951 = arith.constant 0 : i32
    %dma_start3A_1952 = tpu.memref_slice %arg7[%dma_start3A_1949, %dma_start3A_1950, %dma_start3A_1951] : memref<10x64x128xf32, #tpu.memory_space<vmem>> -> memref<1x64x128xf32, #tpu.memory_space<vmem>>
    %dma_start3A_1953 = tpu.memref_squeeze %dma_start3A_1952 : memref<1x64x128xf32, #tpu.memory_space<vmem>> -> memref<64x128xf32, #tpu.memory_space<vmem>>
    %dma_start3A_1954 = arith.constant 0 : i32
    %dma_start3A_1955 = tpu.memref_slice %arg4[%mul3A_1948, %dma_start3A_1954] : memref<3276800x128xf32, #tpu.memory_space<hbm>> -> memref<64x128xf32, #tpu.memory_space<hbm>>
    %dma_start3A_1956 = arith.constant 0 : i32
    %dma_start3A_1957 = tpu.memref_slice %arg4[%mul3A_1948, %dma_start3A_1956] : memref<3276800x128xf32, #tpu.memory_space<hbm>> -> memref<64x128xf32, #tpu.memory_space<hbm>>
    %dma_start3A_1958 = arith.constant 0 : i32
    %dma_start3A_1959 = arith.constant 0 : i32
    %dma_start3A_1960 = tpu.memref_slice %arg7[%dma_start3A_1949, %dma_start3A_1958, %dma_start3A_1959] : memref<10x64x128xf32, #tpu.memory_space<vmem>> -> memref<1x64x128xf32, #tpu.memory_space<vmem>>
    %dma_start3A_1961 = tpu.memref_squeeze %dma_start3A_1960 : memref<1x64x128xf32, #tpu.memory_space<vmem>> -> memref<64x128xf32, #tpu.memory_space<vmem>>
    tpu.enqueue_dma source(%dma_start3A_1961 : memref<64x128xf32, #tpu.memory_space<vmem>>) target(%dma_start3A_1957 : memref<64x128xf32, #tpu.memory_space<hbm>>) target_semaphore(%arg21 : memref<!tpu.dma_semaphore, #tpu.memory_space<semaphore_mem>>)
    %dma_wait3A_1962 = arith.constant 2 : i32
    %dma_wait3A_1963 = arith.constant 0 : i32
    %dma_wait3A_1964 = arith.constant 0 : i32
    %dma_wait3A_1965 = tpu.memref_slice %arg7[%dma_wait3A_1962, %dma_wait3A_1963, %dma_wait3A_1964] : memref<10x64x128xf32, #tpu.memory_space<vmem>> -> memref<1x64x128xf32, #tpu.memory_space<vmem>>
    %dma_wait3A_1966 = tpu.memref_squeeze %dma_wait3A_1965 : memref<1x64x128xf32, #tpu.memory_space<vmem>> -> memref<64x128xf32, #tpu.memory_space<vmem>>
    %dma_wait3A_1967 = arith.constant 128 : i32
    %dma_wait3A_1968 = tpu.memref_slice %arg6[%dma_wait3A_1967] : memref<640xi32, #tpu.memory_space<vmem>> -> memref<64xi32, #tpu.memory_space<vmem>>
    %dma_wait3A_1969 = arith.constant 0 : i32
    %dma_wait3A_1970 = arith.constant 0 : i32
    %dma_wait3A_1971 = tpu.memref_slice %arg2[%dma_wait3A_1969, %dma_wait3A_1970] : memref<46080x128xf32, #tpu.memory_space<hbm>> -> memref<46080x128xf32, #tpu.memory_space<hbm>>
    tpu.wait_indirect_dma semaphore(%arg12 : memref<!tpu.dma_semaphore, #tpu.memory_space<semaphore_mem>>) src(%dma_wait3A_1971 : memref<46080x128xf32, #tpu.memory_space<hbm>>) dst(%dma_wait3A_1966 : memref<64x128xf32, #tpu.memory_space<vmem>>)
    %add3A_1972 = arith.constant 1590 : i32
    %add3A_1973 = arith.addi %mul3A_2, %add3A_1972 : i32
    %add3A_1974 = arith.constant 2 : i32
    %add3A_1975 = arith.addi %add3A_1973, %add3A_1974 : i32
    %mul3A_1976 = arith.constant 64 : i32
    %mul3A_1977 = arith.muli %add3A_1975, %mul3A_1976 : i32
    %dma_start3A_1978 = arith.constant 2 : i32
    %dma_start3A_1979 = arith.constant 0 : i32
    %dma_start3A_1980 = arith.constant 0 : i32
    %dma_start3A_1981 = tpu.memref_slice %arg7[%dma_start3A_1978, %dma_start3A_1979, %dma_start3A_1980] : memref<10x64x128xf32, #tpu.memory_space<vmem>> -> memref<1x64x128xf32, #tpu.memory_space<vmem>>
    %dma_start3A_1982 = tpu.memref_squeeze %dma_start3A_1981 : memref<1x64x128xf32, #tpu.memory_space<vmem>> -> memref<64x128xf32, #tpu.memory_space<vmem>>
    %dma_start3A_1983 = arith.constant 0 : i32
    %dma_start3A_1984 = tpu.memref_slice %arg4[%mul3A_1977, %dma_start3A_1983] : memref<3276800x128xf32, #tpu.memory_space<hbm>> -> memref<64x128xf32, #tpu.memory_space<hbm>>
    %dma_start3A_1985 = arith.constant 0 : i32
    %dma_start3A_1986 = tpu.memref_slice %arg4[%mul3A_1977, %dma_start3A_1985] : memref<3276800x128xf32, #tpu.memory_space<hbm>> -> memref<64x128xf32, #tpu.memory_space<hbm>>
    %dma_start3A_1987 = arith.constant 0 : i32
    %dma_start3A_1988 = arith.constant 0 : i32
    %dma_start3A_1989 = tpu.memref_slice %arg7[%dma_start3A_1978, %dma_start3A_1987, %dma_start3A_1988] : memref<10x64x128xf32, #tpu.memory_space<vmem>> -> memref<1x64x128xf32, #tpu.memory_space<vmem>>
    %dma_start3A_1990 = tpu.memref_squeeze %dma_start3A_1989 : memref<1x64x128xf32, #tpu.memory_space<vmem>> -> memref<64x128xf32, #tpu.memory_space<vmem>>
    tpu.enqueue_dma source(%dma_start3A_1990 : memref<64x128xf32, #tpu.memory_space<vmem>>) target(%dma_start3A_1986 : memref<64x128xf32, #tpu.memory_space<hbm>>) target_semaphore(%arg22 : memref<!tpu.dma_semaphore, #tpu.memory_space<semaphore_mem>>)
    %dma_wait3A_1991 = arith.constant 3 : i32
    %dma_wait3A_1992 = arith.constant 0 : i32
    %dma_wait3A_1993 = arith.constant 0 : i32
    %dma_wait3A_1994 = tpu.memref_slice %arg7[%dma_wait3A_1991, %dma_wait3A_1992, %dma_wait3A_1993] : memref<10x64x128xf32, #tpu.memory_space<vmem>> -> memref<1x64x128xf32, #tpu.memory_space<vmem>>
    %dma_wait3A_1995 = tpu.memref_squeeze %dma_wait3A_1994 : memref<1x64x128xf32, #tpu.memory_space<vmem>> -> memref<64x128xf32, #tpu.memory_space<vmem>>
    %dma_wait3A_1996 = arith.constant 192 : i32
    %dma_wait3A_1997 = tpu.memref_slice %arg6[%dma_wait3A_1996] : memref<640xi32, #tpu.memory_space<vmem>> -> memref<64xi32, #tpu.memory_space<vmem>>
    %dma_wait3A_1998 = arith.constant 0 : i32
    %dma_wait3A_1999 = arith.constant 0 : i32
    %dma_wait3A_2000 = tpu.memref_slice %arg2[%dma_wait3A_1998, %dma_wait3A_1999] : memref<46080x128xf32, #tpu.memory_space<hbm>> -> memref<46080x128xf32, #tpu.memory_space<hbm>>
    tpu.wait_indirect_dma semaphore(%arg13 : memref<!tpu.dma_semaphore, #tpu.memory_space<semaphore_mem>>) src(%dma_wait3A_2000 : memref<46080x128xf32, #tpu.memory_space<hbm>>) dst(%dma_wait3A_1995 : memref<64x128xf32, #tpu.memory_space<vmem>>)
    %add3A_2001 = arith.constant 1590 : i32
    %add3A_2002 = arith.addi %mul3A_2, %add3A_2001 : i32
    %add3A_2003 = arith.constant 3 : i32
    %add3A_2004 = arith.addi %add3A_2002, %add3A_2003 : i32
    %mul3A_2005 = arith.constant 64 : i32
    %mul3A_2006 = arith.muli %add3A_2004, %mul3A_2005 : i32
    %dma_start3A_2007 = arith.constant 3 : i32
    %dma_start3A_2008 = arith.constant 0 : i32
    %dma_start3A_2009 = arith.constant 0 : i32
    %dma_start3A_2010 = tpu.memref_slice %arg7[%dma_start3A_2007, %dma_start3A_2008, %dma_start3A_2009] : memref<10x64x128xf32, #tpu.memory_space<vmem>> -> memref<1x64x128xf32, #tpu.memory_space<vmem>>
    %dma_start3A_2011 = tpu.memref_squeeze %dma_start3A_2010 : memref<1x64x128xf32, #tpu.memory_space<vmem>> -> memref<64x128xf32, #tpu.memory_space<vmem>>
    %dma_start3A_2012 = arith.constant 0 : i32
    %dma_start3A_2013 = tpu.memref_slice %arg4[%mul3A_2006, %dma_start3A_2012] : memref<3276800x128xf32, #tpu.memory_space<hbm>> -> memref<64x128xf32, #tpu.memory_space<hbm>>
    %dma_start3A_2014 = arith.constant 0 : i32
    %dma_start3A_2015 = tpu.memref_slice %arg4[%mul3A_2006, %dma_start3A_2014] : memref<3276800x128xf32, #tpu.memory_space<hbm>> -> memref<64x128xf32, #tpu.memory_space<hbm>>
    %dma_start3A_2016 = arith.constant 0 : i32
    %dma_start3A_2017 = arith.constant 0 : i32
    %dma_start3A_2018 = tpu.memref_slice %arg7[%dma_start3A_2007, %dma_start3A_2016, %dma_start3A_2017] : memref<10x64x128xf32, #tpu.memory_space<vmem>> -> memref<1x64x128xf32, #tpu.memory_space<vmem>>
    %dma_start3A_2019 = tpu.memref_squeeze %dma_start3A_2018 : memref<1x64x128xf32, #tpu.memory_space<vmem>> -> memref<64x128xf32, #tpu.memory_space<vmem>>
    tpu.enqueue_dma source(%dma_start3A_2019 : memref<64x128xf32, #tpu.memory_space<vmem>>) target(%dma_start3A_2015 : memref<64x128xf32, #tpu.memory_space<hbm>>) target_semaphore(%arg23 : memref<!tpu.dma_semaphore, #tpu.memory_space<semaphore_mem>>)
    %dma_wait3A_2020 = arith.constant 4 : i32
    %dma_wait3A_2021 = arith.constant 0 : i32
    %dma_wait3A_2022 = arith.constant 0 : i32
    %dma_wait3A_2023 = tpu.memref_slice %arg7[%dma_wait3A_2020, %dma_wait3A_2021, %dma_wait3A_2022] : memref<10x64x128xf32, #tpu.memory_space<vmem>> -> memref<1x64x128xf32, #tpu.memory_space<vmem>>
    %dma_wait3A_2024 = tpu.memref_squeeze %dma_wait3A_2023 : memref<1x64x128xf32, #tpu.memory_space<vmem>> -> memref<64x128xf32, #tpu.memory_space<vmem>>
    %dma_wait3A_2025 = arith.constant 256 : i32
    %dma_wait3A_2026 = tpu.memref_slice %arg6[%dma_wait3A_2025] : memref<640xi32, #tpu.memory_space<vmem>> -> memref<64xi32, #tpu.memory_space<vmem>>
    %dma_wait3A_2027 = arith.constant 0 : i32
    %dma_wait3A_2028 = arith.constant 0 : i32
    %dma_wait3A_2029 = tpu.memref_slice %arg2[%dma_wait3A_2027, %dma_wait3A_2028] : memref<46080x128xf32, #tpu.memory_space<hbm>> -> memref<46080x128xf32, #tpu.memory_space<hbm>>
    tpu.wait_indirect_dma semaphore(%arg14 : memref<!tpu.dma_semaphore, #tpu.memory_space<semaphore_mem>>) src(%dma_wait3A_2029 : memref<46080x128xf32, #tpu.memory_space<hbm>>) dst(%dma_wait3A_2024 : memref<64x128xf32, #tpu.memory_space<vmem>>)
    %add3A_2030 = arith.constant 1590 : i32
    %add3A_2031 = arith.addi %mul3A_2, %add3A_2030 : i32
    %add3A_2032 = arith.constant 4 : i32
    %add3A_2033 = arith.addi %add3A_2031, %add3A_2032 : i32
    %mul3A_2034 = arith.constant 64 : i32
    %mul3A_2035 = arith.muli %add3A_2033, %mul3A_2034 : i32
    %dma_start3A_2036 = arith.constant 4 : i32
    %dma_start3A_2037 = arith.constant 0 : i32
    %dma_start3A_2038 = arith.constant 0 : i32
    %dma_start3A_2039 = tpu.memref_slice %arg7[%dma_start3A_2036, %dma_start3A_2037, %dma_start3A_2038] : memref<10x64x128xf32, #tpu.memory_space<vmem>> -> memref<1x64x128xf32, #tpu.memory_space<vmem>>
    %dma_start3A_2040 = tpu.memref_squeeze %dma_start3A_2039 : memref<1x64x128xf32, #tpu.memory_space<vmem>> -> memref<64x128xf32, #tpu.memory_space<vmem>>
    %dma_start3A_2041 = arith.constant 0 : i32
    %dma_start3A_2042 = tpu.memref_slice %arg4[%mul3A_2035, %dma_start3A_2041] : memref<3276800x128xf32, #tpu.memory_space<hbm>> -> memref<64x128xf32, #tpu.memory_space<hbm>>
    %dma_start3A_2043 = arith.constant 0 : i32
    %dma_start3A_2044 = tpu.memref_slice %arg4[%mul3A_2035, %dma_start3A_2043] : memref<3276800x128xf32, #tpu.memory_space<hbm>> -> memref<64x128xf32, #tpu.memory_space<hbm>>
    %dma_start3A_2045 = arith.constant 0 : i32
    %dma_start3A_2046 = arith.constant 0 : i32
    %dma_start3A_2047 = tpu.memref_slice %arg7[%dma_start3A_2036, %dma_start3A_2045, %dma_start3A_2046] : memref<10x64x128xf32, #tpu.memory_space<vmem>> -> memref<1x64x128xf32, #tpu.memory_space<vmem>>
    %dma_start3A_2048 = tpu.memref_squeeze %dma_start3A_2047 : memref<1x64x128xf32, #tpu.memory_space<vmem>> -> memref<64x128xf32, #tpu.memory_space<vmem>>
    tpu.enqueue_dma source(%dma_start3A_2048 : memref<64x128xf32, #tpu.memory_space<vmem>>) target(%dma_start3A_2044 : memref<64x128xf32, #tpu.memory_space<hbm>>) target_semaphore(%arg24 : memref<!tpu.dma_semaphore, #tpu.memory_space<semaphore_mem>>)
    %dma_wait3A_2049 = arith.constant 5 : i32
    %dma_wait3A_2050 = arith.constant 0 : i32
    %dma_wait3A_2051 = arith.constant 0 : i32
    %dma_wait3A_2052 = tpu.memref_slice %arg7[%dma_wait3A_2049, %dma_wait3A_2050, %dma_wait3A_2051] : memref<10x64x128xf32, #tpu.memory_space<vmem>> -> memref<1x64x128xf32, #tpu.memory_space<vmem>>
    %dma_wait3A_2053 = tpu.memref_squeeze %dma_wait3A_2052 : memref<1x64x128xf32, #tpu.memory_space<vmem>> -> memref<64x128xf32, #tpu.memory_space<vmem>>
    %dma_wait3A_2054 = arith.constant 320 : i32
    %dma_wait3A_2055 = tpu.memref_slice %arg6[%dma_wait3A_2054] : memref<640xi32, #tpu.memory_space<vmem>> -> memref<64xi32, #tpu.memory_space<vmem>>
    %dma_wait3A_2056 = arith.constant 0 : i32
    %dma_wait3A_2057 = arith.constant 0 : i32
    %dma_wait3A_2058 = tpu.memref_slice %arg2[%dma_wait3A_2056, %dma_wait3A_2057] : memref<46080x128xf32, #tpu.memory_space<hbm>> -> memref<46080x128xf32, #tpu.memory_space<hbm>>
    tpu.wait_indirect_dma semaphore(%arg15 : memref<!tpu.dma_semaphore, #tpu.memory_space<semaphore_mem>>) src(%dma_wait3A_2058 : memref<46080x128xf32, #tpu.memory_space<hbm>>) dst(%dma_wait3A_2053 : memref<64x128xf32, #tpu.memory_space<vmem>>)
    %add3A_2059 = arith.constant 1590 : i32
    %add3A_2060 = arith.addi %mul3A_2, %add3A_2059 : i32
    %add3A_2061 = arith.constant 5 : i32
    %add3A_2062 = arith.addi %add3A_2060, %add3A_2061 : i32
    %mul3A_2063 = arith.constant 64 : i32
    %mul3A_2064 = arith.muli %add3A_2062, %mul3A_2063 : i32
    %dma_start3A_2065 = arith.constant 5 : i32
    %dma_start3A_2066 = arith.constant 0 : i32
    %dma_start3A_2067 = arith.constant 0 : i32
    %dma_start3A_2068 = tpu.memref_slice %arg7[%dma_start3A_2065, %dma_start3A_2066, %dma_start3A_2067] : memref<10x64x128xf32, #tpu.memory_space<vmem>> -> memref<1x64x128xf32, #tpu.memory_space<vmem>>
    %dma_start3A_2069 = tpu.memref_squeeze %dma_start3A_2068 : memref<1x64x128xf32, #tpu.memory_space<vmem>> -> memref<64x128xf32, #tpu.memory_space<vmem>>
    %dma_start3A_2070 = arith.constant 0 : i32
    %dma_start3A_2071 = tpu.memref_slice %arg4[%mul3A_2064, %dma_start3A_2070] : memref<3276800x128xf32, #tpu.memory_space<hbm>> -> memref<64x128xf32, #tpu.memory_space<hbm>>
    %dma_start3A_2072 = arith.constant 0 : i32
    %dma_start3A_2073 = tpu.memref_slice %arg4[%mul3A_2064, %dma_start3A_2072] : memref<3276800x128xf32, #tpu.memory_space<hbm>> -> memref<64x128xf32, #tpu.memory_space<hbm>>
    %dma_start3A_2074 = arith.constant 0 : i32
    %dma_start3A_2075 = arith.constant 0 : i32
    %dma_start3A_2076 = tpu.memref_slice %arg7[%dma_start3A_2065, %dma_start3A_2074, %dma_start3A_2075] : memref<10x64x128xf32, #tpu.memory_space<vmem>> -> memref<1x64x128xf32, #tpu.memory_space<vmem>>
    %dma_start3A_2077 = tpu.memref_squeeze %dma_start3A_2076 : memref<1x64x128xf32, #tpu.memory_space<vmem>> -> memref<64x128xf32, #tpu.memory_space<vmem>>
    tpu.enqueue_dma source(%dma_start3A_2077 : memref<64x128xf32, #tpu.memory_space<vmem>>) target(%dma_start3A_2073 : memref<64x128xf32, #tpu.memory_space<hbm>>) target_semaphore(%arg25 : memref<!tpu.dma_semaphore, #tpu.memory_space<semaphore_mem>>)
    %dma_wait3A_2078 = arith.constant 6 : i32
    %dma_wait3A_2079 = arith.constant 0 : i32
    %dma_wait3A_2080 = arith.constant 0 : i32
    %dma_wait3A_2081 = tpu.memref_slice %arg7[%dma_wait3A_2078, %dma_wait3A_2079, %dma_wait3A_2080] : memref<10x64x128xf32, #tpu.memory_space<vmem>> -> memref<1x64x128xf32, #tpu.memory_space<vmem>>
    %dma_wait3A_2082 = tpu.memref_squeeze %dma_wait3A_2081 : memref<1x64x128xf32, #tpu.memory_space<vmem>> -> memref<64x128xf32, #tpu.memory_space<vmem>>
    %dma_wait3A_2083 = arith.constant 384 : i32
    %dma_wait3A_2084 = tpu.memref_slice %arg6[%dma_wait3A_2083] : memref<640xi32, #tpu.memory_space<vmem>> -> memref<64xi32, #tpu.memory_space<vmem>>
    %dma_wait3A_2085 = arith.constant 0 : i32
    %dma_wait3A_2086 = arith.constant 0 : i32
    %dma_wait3A_2087 = tpu.memref_slice %arg2[%dma_wait3A_2085, %dma_wait3A_2086] : memref<46080x128xf32, #tpu.memory_space<hbm>> -> memref<46080x128xf32, #tpu.memory_space<hbm>>
    tpu.wait_indirect_dma semaphore(%arg16 : memref<!tpu.dma_semaphore, #tpu.memory_space<semaphore_mem>>) src(%dma_wait3A_2087 : memref<46080x128xf32, #tpu.memory_space<hbm>>) dst(%dma_wait3A_2082 : memref<64x128xf32, #tpu.memory_space<vmem>>)
    %add3A_2088 = arith.constant 1590 : i32
    %add3A_2089 = arith.addi %mul3A_2, %add3A_2088 : i32
    %add3A_2090 = arith.constant 6 : i32
    %add3A_2091 = arith.addi %add3A_2089, %add3A_2090 : i32
    %mul3A_2092 = arith.constant 64 : i32
    %mul3A_2093 = arith.muli %add3A_2091, %mul3A_2092 : i32
    %dma_start3A_2094 = arith.constant 6 : i32
    %dma_start3A_2095 = arith.constant 0 : i32
    %dma_start3A_2096 = arith.constant 0 : i32
    %dma_start3A_2097 = tpu.memref_slice %arg7[%dma_start3A_2094, %dma_start3A_2095, %dma_start3A_2096] : memref<10x64x128xf32, #tpu.memory_space<vmem>> -> memref<1x64x128xf32, #tpu.memory_space<vmem>>
    %dma_start3A_2098 = tpu.memref_squeeze %dma_start3A_2097 : memref<1x64x128xf32, #tpu.memory_space<vmem>> -> memref<64x128xf32, #tpu.memory_space<vmem>>
    %dma_start3A_2099 = arith.constant 0 : i32
    %dma_start3A_2100 = tpu.memref_slice %arg4[%mul3A_2093, %dma_start3A_2099] : memref<3276800x128xf32, #tpu.memory_space<hbm>> -> memref<64x128xf32, #tpu.memory_space<hbm>>
    %dma_start3A_2101 = arith.constant 0 : i32
    %dma_start3A_2102 = tpu.memref_slice %arg4[%mul3A_2093, %dma_start3A_2101] : memref<3276800x128xf32, #tpu.memory_space<hbm>> -> memref<64x128xf32, #tpu.memory_space<hbm>>
    %dma_start3A_2103 = arith.constant 0 : i32
    %dma_start3A_2104 = arith.constant 0 : i32
    %dma_start3A_2105 = tpu.memref_slice %arg7[%dma_start3A_2094, %dma_start3A_2103, %dma_start3A_2104] : memref<10x64x128xf32, #tpu.memory_space<vmem>> -> memref<1x64x128xf32, #tpu.memory_space<vmem>>
    %dma_start3A_2106 = tpu.memref_squeeze %dma_start3A_2105 : memref<1x64x128xf32, #tpu.memory_space<vmem>> -> memref<64x128xf32, #tpu.memory_space<vmem>>
    tpu.enqueue_dma source(%dma_start3A_2106 : memref<64x128xf32, #tpu.memory_space<vmem>>) target(%dma_start3A_2102 : memref<64x128xf32, #tpu.memory_space<hbm>>) target_semaphore(%arg26 : memref<!tpu.dma_semaphore, #tpu.memory_space<semaphore_mem>>)
    %dma_wait3A_2107 = arith.constant 7 : i32
    %dma_wait3A_2108 = arith.constant 0 : i32
    %dma_wait3A_2109 = arith.constant 0 : i32
    %dma_wait3A_2110 = tpu.memref_slice %arg7[%dma_wait3A_2107, %dma_wait3A_2108, %dma_wait3A_2109] : memref<10x64x128xf32, #tpu.memory_space<vmem>> -> memref<1x64x128xf32, #tpu.memory_space<vmem>>
    %dma_wait3A_2111 = tpu.memref_squeeze %dma_wait3A_2110 : memref<1x64x128xf32, #tpu.memory_space<vmem>> -> memref<64x128xf32, #tpu.memory_space<vmem>>
    %dma_wait3A_2112 = arith.constant 448 : i32
    %dma_wait3A_2113 = tpu.memref_slice %arg6[%dma_wait3A_2112] : memref<640xi32, #tpu.memory_space<vmem>> -> memref<64xi32, #tpu.memory_space<vmem>>
    %dma_wait3A_2114 = arith.constant 0 : i32
    %dma_wait3A_2115 = arith.constant 0 : i32
    %dma_wait3A_2116 = tpu.memref_slice %arg2[%dma_wait3A_2114, %dma_wait3A_2115] : memref<46080x128xf32, #tpu.memory_space<hbm>> -> memref<46080x128xf32, #tpu.memory_space<hbm>>
    tpu.wait_indirect_dma semaphore(%arg17 : memref<!tpu.dma_semaphore, #tpu.memory_space<semaphore_mem>>) src(%dma_wait3A_2116 : memref<46080x128xf32, #tpu.memory_space<hbm>>) dst(%dma_wait3A_2111 : memref<64x128xf32, #tpu.memory_space<vmem>>)
    %add3A_2117 = arith.constant 1590 : i32
    %add3A_2118 = arith.addi %mul3A_2, %add3A_2117 : i32
    %add3A_2119 = arith.constant 7 : i32
    %add3A_2120 = arith.addi %add3A_2118, %add3A_2119 : i32
    %mul3A_2121 = arith.constant 64 : i32
    %mul3A_2122 = arith.muli %add3A_2120, %mul3A_2121 : i32
    %dma_start3A_2123 = arith.constant 7 : i32
    %dma_start3A_2124 = arith.constant 0 : i32
    %dma_start3A_2125 = arith.constant 0 : i32
    %dma_start3A_2126 = tpu.memref_slice %arg7[%dma_start3A_2123, %dma_start3A_2124, %dma_start3A_2125] : memref<10x64x128xf32, #tpu.memory_space<vmem>> -> memref<1x64x128xf32, #tpu.memory_space<vmem>>
    %dma_start3A_2127 = tpu.memref_squeeze %dma_start3A_2126 : memref<1x64x128xf32, #tpu.memory_space<vmem>> -> memref<64x128xf32, #tpu.memory_space<vmem>>
    %dma_start3A_2128 = arith.constant 0 : i32
    %dma_start3A_2129 = tpu.memref_slice %arg4[%mul3A_2122, %dma_start3A_2128] : memref<3276800x128xf32, #tpu.memory_space<hbm>> -> memref<64x128xf32, #tpu.memory_space<hbm>>
    %dma_start3A_2130 = arith.constant 0 : i32
    %dma_start3A_2131 = tpu.memref_slice %arg4[%mul3A_2122, %dma_start3A_2130] : memref<3276800x128xf32, #tpu.memory_space<hbm>> -> memref<64x128xf32, #tpu.memory_space<hbm>>
    %dma_start3A_2132 = arith.constant 0 : i32
    %dma_start3A_2133 = arith.constant 0 : i32
    %dma_start3A_2134 = tpu.memref_slice %arg7[%dma_start3A_2123, %dma_start3A_2132, %dma_start3A_2133] : memref<10x64x128xf32, #tpu.memory_space<vmem>> -> memref<1x64x128xf32, #tpu.memory_space<vmem>>
    %dma_start3A_2135 = tpu.memref_squeeze %dma_start3A_2134 : memref<1x64x128xf32, #tpu.memory_space<vmem>> -> memref<64x128xf32, #tpu.memory_space<vmem>>
    tpu.enqueue_dma source(%dma_start3A_2135 : memref<64x128xf32, #tpu.memory_space<vmem>>) target(%dma_start3A_2131 : memref<64x128xf32, #tpu.memory_space<hbm>>) target_semaphore(%arg27 : memref<!tpu.dma_semaphore, #tpu.memory_space<semaphore_mem>>)
    %dma_wait3A_2136 = arith.constant 8 : i32
    %dma_wait3A_2137 = arith.constant 0 : i32
    %dma_wait3A_2138 = arith.constant 0 : i32
    %dma_wait3A_2139 = tpu.memref_slice %arg7[%dma_wait3A_2136, %dma_wait3A_2137, %dma_wait3A_2138] : memref<10x64x128xf32, #tpu.memory_space<vmem>> -> memref<1x64x128xf32, #tpu.memory_space<vmem>>
    %dma_wait3A_2140 = tpu.memref_squeeze %dma_wait3A_2139 : memref<1x64x128xf32, #tpu.memory_space<vmem>> -> memref<64x128xf32, #tpu.memory_space<vmem>>
    %dma_wait3A_2141 = arith.constant 512 : i32
    %dma_wait3A_2142 = tpu.memref_slice %arg6[%dma_wait3A_2141] : memref<640xi32, #tpu.memory_space<vmem>> -> memref<64xi32, #tpu.memory_space<vmem>>
    %dma_wait3A_2143 = arith.constant 0 : i32
    %dma_wait3A_2144 = arith.constant 0 : i32
    %dma_wait3A_2145 = tpu.memref_slice %arg2[%dma_wait3A_2143, %dma_wait3A_2144] : memref<46080x128xf32, #tpu.memory_space<hbm>> -> memref<46080x128xf32, #tpu.memory_space<hbm>>
    tpu.wait_indirect_dma semaphore(%arg18 : memref<!tpu.dma_semaphore, #tpu.memory_space<semaphore_mem>>) src(%dma_wait3A_2145 : memref<46080x128xf32, #tpu.memory_space<hbm>>) dst(%dma_wait3A_2140 : memref<64x128xf32, #tpu.memory_space<vmem>>)
    %add3A_2146 = arith.constant 1590 : i32
    %add3A_2147 = arith.addi %mul3A_2, %add3A_2146 : i32
    %add3A_2148 = arith.constant 8 : i32
    %add3A_2149 = arith.addi %add3A_2147, %add3A_2148 : i32
    %mul3A_2150 = arith.constant 64 : i32
    %mul3A_2151 = arith.muli %add3A_2149, %mul3A_2150 : i32
    %dma_start3A_2152 = arith.constant 8 : i32
    %dma_start3A_2153 = arith.constant 0 : i32
    %dma_start3A_2154 = arith.constant 0 : i32
    %dma_start3A_2155 = tpu.memref_slice %arg7[%dma_start3A_2152, %dma_start3A_2153, %dma_start3A_2154] : memref<10x64x128xf32, #tpu.memory_space<vmem>> -> memref<1x64x128xf32, #tpu.memory_space<vmem>>
    %dma_start3A_2156 = tpu.memref_squeeze %dma_start3A_2155 : memref<1x64x128xf32, #tpu.memory_space<vmem>> -> memref<64x128xf32, #tpu.memory_space<vmem>>
    %dma_start3A_2157 = arith.constant 0 : i32
    %dma_start3A_2158 = tpu.memref_slice %arg4[%mul3A_2151, %dma_start3A_2157] : memref<3276800x128xf32, #tpu.memory_space<hbm>> -> memref<64x128xf32, #tpu.memory_space<hbm>>
    %dma_start3A_2159 = arith.constant 0 : i32
    %dma_start3A_2160 = tpu.memref_slice %arg4[%mul3A_2151, %dma_start3A_2159] : memref<3276800x128xf32, #tpu.memory_space<hbm>> -> memref<64x128xf32, #tpu.memory_space<hbm>>
    %dma_start3A_2161 = arith.constant 0 : i32
    %dma_start3A_2162 = arith.constant 0 : i32
    %dma_start3A_2163 = tpu.memref_slice %arg7[%dma_start3A_2152, %dma_start3A_2161, %dma_start3A_2162] : memref<10x64x128xf32, #tpu.memory_space<vmem>> -> memref<1x64x128xf32, #tpu.memory_space<vmem>>
    %dma_start3A_2164 = tpu.memref_squeeze %dma_start3A_2163 : memref<1x64x128xf32, #tpu.memory_space<vmem>> -> memref<64x128xf32, #tpu.memory_space<vmem>>
    tpu.enqueue_dma source(%dma_start3A_2164 : memref<64x128xf32, #tpu.memory_space<vmem>>) target(%dma_start3A_2160 : memref<64x128xf32, #tpu.memory_space<hbm>>) target_semaphore(%arg28 : memref<!tpu.dma_semaphore, #tpu.memory_space<semaphore_mem>>)
    %dma_wait3A_2165 = arith.constant 9 : i32
    %dma_wait3A_2166 = arith.constant 0 : i32
    %dma_wait3A_2167 = arith.constant 0 : i32
    %dma_wait3A_2168 = tpu.memref_slice %arg7[%dma_wait3A_2165, %dma_wait3A_2166, %dma_wait3A_2167] : memref<10x64x128xf32, #tpu.memory_space<vmem>> -> memref<1x64x128xf32, #tpu.memory_space<vmem>>
    %dma_wait3A_2169 = tpu.memref_squeeze %dma_wait3A_2168 : memref<1x64x128xf32, #tpu.memory_space<vmem>> -> memref<64x128xf32, #tpu.memory_space<vmem>>
    %dma_wait3A_2170 = arith.constant 576 : i32
    %dma_wait3A_2171 = tpu.memref_slice %arg6[%dma_wait3A_2170] : memref<640xi32, #tpu.memory_space<vmem>> -> memref<64xi32, #tpu.memory_space<vmem>>
    %dma_wait3A_2172 = arith.constant 0 : i32
    %dma_wait3A_2173 = arith.constant 0 : i32
    %dma_wait3A_2174 = tpu.memref_slice %arg2[%dma_wait3A_2172, %dma_wait3A_2173] : memref<46080x128xf32, #tpu.memory_space<hbm>> -> memref<46080x128xf32, #tpu.memory_space<hbm>>
    tpu.wait_indirect_dma semaphore(%arg19 : memref<!tpu.dma_semaphore, #tpu.memory_space<semaphore_mem>>) src(%dma_wait3A_2174 : memref<46080x128xf32, #tpu.memory_space<hbm>>) dst(%dma_wait3A_2169 : memref<64x128xf32, #tpu.memory_space<vmem>>)
    %add3A_2175 = arith.constant 1590 : i32
    %add3A_2176 = arith.addi %mul3A_2, %add3A_2175 : i32
    %add3A_2177 = arith.constant 9 : i32
    %add3A_2178 = arith.addi %add3A_2176, %add3A_2177 : i32
    %mul3A_2179 = arith.constant 64 : i32
    %mul3A_2180 = arith.muli %add3A_2178, %mul3A_2179 : i32
    %dma_start3A_2181 = arith.constant 9 : i32
    %dma_start3A_2182 = arith.constant 0 : i32
    %dma_start3A_2183 = arith.constant 0 : i32
    %dma_start3A_2184 = tpu.memref_slice %arg7[%dma_start3A_2181, %dma_start3A_2182, %dma_start3A_2183] : memref<10x64x128xf32, #tpu.memory_space<vmem>> -> memref<1x64x128xf32, #tpu.memory_space<vmem>>
    %dma_start3A_2185 = tpu.memref_squeeze %dma_start3A_2184 : memref<1x64x128xf32, #tpu.memory_space<vmem>> -> memref<64x128xf32, #tpu.memory_space<vmem>>
    %dma_start3A_2186 = arith.constant 0 : i32
    %dma_start3A_2187 = tpu.memref_slice %arg4[%mul3A_2180, %dma_start3A_2186] : memref<3276800x128xf32, #tpu.memory_space<hbm>> -> memref<64x128xf32, #tpu.memory_space<hbm>>
    %dma_start3A_2188 = arith.constant 0 : i32
    %dma_start3A_2189 = tpu.memref_slice %arg4[%mul3A_2180, %dma_start3A_2188] : memref<3276800x128xf32, #tpu.memory_space<hbm>> -> memref<64x128xf32, #tpu.memory_space<hbm>>
    %dma_start3A_2190 = arith.constant 0 : i32
    %dma_start3A_2191 = arith.constant 0 : i32
    %dma_start3A_2192 = tpu.memref_slice %arg7[%dma_start3A_2181, %dma_start3A_2190, %dma_start3A_2191] : memref<10x64x128xf32, #tpu.memory_space<vmem>> -> memref<1x64x128xf32, #tpu.memory_space<vmem>>
    %dma_start3A_2193 = tpu.memref_squeeze %dma_start3A_2192 : memref<1x64x128xf32, #tpu.memory_space<vmem>> -> memref<64x128xf32, #tpu.memory_space<vmem>>
    tpu.enqueue_dma source(%dma_start3A_2193 : memref<64x128xf32, #tpu.memory_space<vmem>>) target(%dma_start3A_2189 : memref<64x128xf32, #tpu.memory_space<hbm>>) target_semaphore(%arg29 : memref<!tpu.dma_semaphore, #tpu.memory_space<semaphore_mem>>)
    %add3A_2194 = arith.constant 1590 : i32
    %add3A_2195 = arith.addi %mul3A_2, %add3A_2194 : i32
    %add3A_2196 = arith.constant 0 : i32
    %add3A_2197 = arith.addi %add3A_2195, %add3A_2196 : i32
    %mul3A_2198 = arith.constant 64 : i32
    %mul3A_2199 = arith.muli %add3A_2197, %mul3A_2198 : i32
    %dma_wait3A_2200 = arith.constant 0 : i32
    %dma_wait3A_2201 = arith.constant 0 : i32
    %dma_wait3A_2202 = arith.constant 0 : i32
    %dma_wait3A_2203 = tpu.memref_slice %arg7[%dma_wait3A_2200, %dma_wait3A_2201, %dma_wait3A_2202] : memref<10x64x128xf32, #tpu.memory_space<vmem>> -> memref<1x64x128xf32, #tpu.memory_space<vmem>>
    %dma_wait3A_2204 = tpu.memref_squeeze %dma_wait3A_2203 : memref<1x64x128xf32, #tpu.memory_space<vmem>> -> memref<64x128xf32, #tpu.memory_space<vmem>>
    %dma_wait3A_2205 = arith.constant 0 : i32
    %dma_wait3A_2206 = tpu.memref_slice %arg4[%mul3A_2199, %dma_wait3A_2205] : memref<3276800x128xf32, #tpu.memory_space<hbm>> -> memref<64x128xf32, #tpu.memory_space<hbm>>
    %dma_wait3A_2207 = arith.constant 0 : i32
    %dma_wait3A_2208 = tpu.memref_slice %arg4[%mul3A_2199, %dma_wait3A_2207] : memref<3276800x128xf32, #tpu.memory_space<hbm>> -> memref<64x128xf32, #tpu.memory_space<hbm>>
    %dma_wait3A_2209 = arith.constant 0 : i32
    %dma_wait3A_2210 = arith.constant 0 : i32
    %dma_wait3A_2211 = tpu.memref_slice %arg7[%dma_wait3A_2200, %dma_wait3A_2209, %dma_wait3A_2210] : memref<10x64x128xf32, #tpu.memory_space<vmem>> -> memref<1x64x128xf32, #tpu.memory_space<vmem>>
    %dma_wait3A_2212 = tpu.memref_squeeze %dma_wait3A_2211 : memref<1x64x128xf32, #tpu.memory_space<vmem>> -> memref<64x128xf32, #tpu.memory_space<vmem>>
    tpu.wait_dma2 semaphore(%arg20 : memref<!tpu.dma_semaphore, #tpu.memory_space<semaphore_mem>>) src(%dma_wait3A_2212 : memref<64x128xf32, #tpu.memory_space<vmem>>) dst(%dma_wait3A_2208 : memref<64x128xf32, #tpu.memory_space<hbm>>)
    %add3A_2213 = arith.constant 1590 : i32
    %add3A_2214 = arith.addi %mul3A_2, %add3A_2213 : i32
    %add3A_2215 = arith.constant 1 : i32
    %add3A_2216 = arith.addi %add3A_2214, %add3A_2215 : i32
    %mul3A_2217 = arith.constant 64 : i32
    %mul3A_2218 = arith.muli %add3A_2216, %mul3A_2217 : i32
    %dma_wait3A_2219 = arith.constant 1 : i32
    %dma_wait3A_2220 = arith.constant 0 : i32
    %dma_wait3A_2221 = arith.constant 0 : i32
    %dma_wait3A_2222 = tpu.memref_slice %arg7[%dma_wait3A_2219, %dma_wait3A_2220, %dma_wait3A_2221] : memref<10x64x128xf32, #tpu.memory_space<vmem>> -> memref<1x64x128xf32, #tpu.memory_space<vmem>>
    %dma_wait3A_2223 = tpu.memref_squeeze %dma_wait3A_2222 : memref<1x64x128xf32, #tpu.memory_space<vmem>> -> memref<64x128xf32, #tpu.memory_space<vmem>>
    %dma_wait3A_2224 = arith.constant 0 : i32
    %dma_wait3A_2225 = tpu.memref_slice %arg4[%mul3A_2218, %dma_wait3A_2224] : memref<3276800x128xf32, #tpu.memory_space<hbm>> -> memref<64x128xf32, #tpu.memory_space<hbm>>
    %dma_wait3A_2226 = arith.constant 0 : i32
    %dma_wait3A_2227 = tpu.memref_slice %arg4[%mul3A_2218, %dma_wait3A_2226] : memref<3276800x128xf32, #tpu.memory_space<hbm>> -> memref<64x128xf32, #tpu.memory_space<hbm>>
    %dma_wait3A_2228 = arith.constant 0 : i32
    %dma_wait3A_2229 = arith.constant 0 : i32
    %dma_wait3A_2230 = tpu.memref_slice %arg7[%dma_wait3A_2219, %dma_wait3A_2228, %dma_wait3A_2229] : memref<10x64x128xf32, #tpu.memory_space<vmem>> -> memref<1x64x128xf32, #tpu.memory_space<vmem>>
    %dma_wait3A_2231 = tpu.memref_squeeze %dma_wait3A_2230 : memref<1x64x128xf32, #tpu.memory_space<vmem>> -> memref<64x128xf32, #tpu.memory_space<vmem>>
    tpu.wait_dma2 semaphore(%arg21 : memref<!tpu.dma_semaphore, #tpu.memory_space<semaphore_mem>>) src(%dma_wait3A_2231 : memref<64x128xf32, #tpu.memory_space<vmem>>) dst(%dma_wait3A_2227 : memref<64x128xf32, #tpu.memory_space<hbm>>)
    %add3A_2232 = arith.constant 1590 : i32
    %add3A_2233 = arith.addi %mul3A_2, %add3A_2232 : i32
    %add3A_2234 = arith.constant 2 : i32
    %add3A_2235 = arith.addi %add3A_2233, %add3A_2234 : i32
    %mul3A_2236 = arith.constant 64 : i32
    %mul3A_2237 = arith.muli %add3A_2235, %mul3A_2236 : i32
    %dma_wait3A_2238 = arith.constant 2 : i32
    %dma_wait3A_2239 = arith.constant 0 : i32
    %dma_wait3A_2240 = arith.constant 0 : i32
    %dma_wait3A_2241 = tpu.memref_slice %arg7[%dma_wait3A_2238, %dma_wait3A_2239, %dma_wait3A_2240] : memref<10x64x128xf32, #tpu.memory_space<vmem>> -> memref<1x64x128xf32, #tpu.memory_space<vmem>>
    %dma_wait3A_2242 = tpu.memref_squeeze %dma_wait3A_2241 : memref<1x64x128xf32, #tpu.memory_space<vmem>> -> memref<64x128xf32, #tpu.memory_space<vmem>>
    %dma_wait3A_2243 = arith.constant 0 : i32
    %dma_wait3A_2244 = tpu.memref_slice %arg4[%mul3A_2237, %dma_wait3A_2243] : memref<3276800x128xf32, #tpu.memory_space<hbm>> -> memref<64x128xf32, #tpu.memory_space<hbm>>
    %dma_wait3A_2245 = arith.constant 0 : i32
    %dma_wait3A_2246 = tpu.memref_slice %arg4[%mul3A_2237, %dma_wait3A_2245] : memref<3276800x128xf32, #tpu.memory_space<hbm>> -> memref<64x128xf32, #tpu.memory_space<hbm>>
    %dma_wait3A_2247 = arith.constant 0 : i32
    %dma_wait3A_2248 = arith.constant 0 : i32
    %dma_wait3A_2249 = tpu.memref_slice %arg7[%dma_wait3A_2238, %dma_wait3A_2247, %dma_wait3A_2248] : memref<10x64x128xf32, #tpu.memory_space<vmem>> -> memref<1x64x128xf32, #tpu.memory_space<vmem>>
    %dma_wait3A_2250 = tpu.memref_squeeze %dma_wait3A_2249 : memref<1x64x128xf32, #tpu.memory_space<vmem>> -> memref<64x128xf32, #tpu.memory_space<vmem>>
    tpu.wait_dma2 semaphore(%arg22 : memref<!tpu.dma_semaphore, #tpu.memory_space<semaphore_mem>>) src(%dma_wait3A_2250 : memref<64x128xf32, #tpu.memory_space<vmem>>) dst(%dma_wait3A_2246 : memref<64x128xf32, #tpu.memory_space<hbm>>)
    %add3A_2251 = arith.constant 1590 : i32
    %add3A_2252 = arith.addi %mul3A_2, %add3A_2251 : i32
    %add3A_2253 = arith.constant 3 : i32
    %add3A_2254 = arith.addi %add3A_2252, %add3A_2253 : i32
    %mul3A_2255 = arith.constant 64 : i32
    %mul3A_2256 = arith.muli %add3A_2254, %mul3A_2255 : i32
    %dma_wait3A_2257 = arith.constant 3 : i32
    %dma_wait3A_2258 = arith.constant 0 : i32
    %dma_wait3A_2259 = arith.constant 0 : i32
    %dma_wait3A_2260 = tpu.memref_slice %arg7[%dma_wait3A_2257, %dma_wait3A_2258, %dma_wait3A_2259] : memref<10x64x128xf32, #tpu.memory_space<vmem>> -> memref<1x64x128xf32, #tpu.memory_space<vmem>>
    %dma_wait3A_2261 = tpu.memref_squeeze %dma_wait3A_2260 : memref<1x64x128xf32, #tpu.memory_space<vmem>> -> memref<64x128xf32, #tpu.memory_space<vmem>>
    %dma_wait3A_2262 = arith.constant 0 : i32
    %dma_wait3A_2263 = tpu.memref_slice %arg4[%mul3A_2256, %dma_wait3A_2262] : memref<3276800x128xf32, #tpu.memory_space<hbm>> -> memref<64x128xf32, #tpu.memory_space<hbm>>
    %dma_wait3A_2264 = arith.constant 0 : i32
    %dma_wait3A_2265 = tpu.memref_slice %arg4[%mul3A_2256, %dma_wait3A_2264] : memref<3276800x128xf32, #tpu.memory_space<hbm>> -> memref<64x128xf32, #tpu.memory_space<hbm>>
    %dma_wait3A_2266 = arith.constant 0 : i32
    %dma_wait3A_2267 = arith.constant 0 : i32
    %dma_wait3A_2268 = tpu.memref_slice %arg7[%dma_wait3A_2257, %dma_wait3A_2266, %dma_wait3A_2267] : memref<10x64x128xf32, #tpu.memory_space<vmem>> -> memref<1x64x128xf32, #tpu.memory_space<vmem>>
    %dma_wait3A_2269 = tpu.memref_squeeze %dma_wait3A_2268 : memref<1x64x128xf32, #tpu.memory_space<vmem>> -> memref<64x128xf32, #tpu.memory_space<vmem>>
    tpu.wait_dma2 semaphore(%arg23 : memref<!tpu.dma_semaphore, #tpu.memory_space<semaphore_mem>>) src(%dma_wait3A_2269 : memref<64x128xf32, #tpu.memory_space<vmem>>) dst(%dma_wait3A_2265 : memref<64x128xf32, #tpu.memory_space<hbm>>)
    %add3A_2270 = arith.constant 1590 : i32
    %add3A_2271 = arith.addi %mul3A_2, %add3A_2270 : i32
    %add3A_2272 = arith.constant 4 : i32
    %add3A_2273 = arith.addi %add3A_2271, %add3A_2272 : i32
    %mul3A_2274 = arith.constant 64 : i32
    %mul3A_2275 = arith.muli %add3A_2273, %mul3A_2274 : i32
    %dma_wait3A_2276 = arith.constant 4 : i32
    %dma_wait3A_2277 = arith.constant 0 : i32
    %dma_wait3A_2278 = arith.constant 0 : i32
    %dma_wait3A_2279 = tpu.memref_slice %arg7[%dma_wait3A_2276, %dma_wait3A_2277, %dma_wait3A_2278] : memref<10x64x128xf32, #tpu.memory_space<vmem>> -> memref<1x64x128xf32, #tpu.memory_space<vmem>>
    %dma_wait3A_2280 = tpu.memref_squeeze %dma_wait3A_2279 : memref<1x64x128xf32, #tpu.memory_space<vmem>> -> memref<64x128xf32, #tpu.memory_space<vmem>>
    %dma_wait3A_2281 = arith.constant 0 : i32
    %dma_wait3A_2282 = tpu.memref_slice %arg4[%mul3A_2275, %dma_wait3A_2281] : memref<3276800x128xf32, #tpu.memory_space<hbm>> -> memref<64x128xf32, #tpu.memory_space<hbm>>
    %dma_wait3A_2283 = arith.constant 0 : i32
    %dma_wait3A_2284 = tpu.memref_slice %arg4[%mul3A_2275, %dma_wait3A_2283] : memref<3276800x128xf32, #tpu.memory_space<hbm>> -> memref<64x128xf32, #tpu.memory_space<hbm>>
    %dma_wait3A_2285 = arith.constant 0 : i32
    %dma_wait3A_2286 = arith.constant 0 : i32
    %dma_wait3A_2287 = tpu.memref_slice %arg7[%dma_wait3A_2276, %dma_wait3A_2285, %dma_wait3A_2286] : memref<10x64x128xf32, #tpu.memory_space<vmem>> -> memref<1x64x128xf32, #tpu.memory_space<vmem>>
    %dma_wait3A_2288 = tpu.memref_squeeze %dma_wait3A_2287 : memref<1x64x128xf32, #tpu.memory_space<vmem>> -> memref<64x128xf32, #tpu.memory_space<vmem>>
    tpu.wait_dma2 semaphore(%arg24 : memref<!tpu.dma_semaphore, #tpu.memory_space<semaphore_mem>>) src(%dma_wait3A_2288 : memref<64x128xf32, #tpu.memory_space<vmem>>) dst(%dma_wait3A_2284 : memref<64x128xf32, #tpu.memory_space<hbm>>)
    %add3A_2289 = arith.constant 1590 : i32
    %add3A_2290 = arith.addi %mul3A_2, %add3A_2289 : i32
    %add3A_2291 = arith.constant 5 : i32
    %add3A_2292 = arith.addi %add3A_2290, %add3A_2291 : i32
    %mul3A_2293 = arith.constant 64 : i32
    %mul3A_2294 = arith.muli %add3A_2292, %mul3A_2293 : i32
    %dma_wait3A_2295 = arith.constant 5 : i32
    %dma_wait3A_2296 = arith.constant 0 : i32
    %dma_wait3A_2297 = arith.constant 0 : i32
    %dma_wait3A_2298 = tpu.memref_slice %arg7[%dma_wait3A_2295, %dma_wait3A_2296, %dma_wait3A_2297] : memref<10x64x128xf32, #tpu.memory_space<vmem>> -> memref<1x64x128xf32, #tpu.memory_space<vmem>>
    %dma_wait3A_2299 = tpu.memref_squeeze %dma_wait3A_2298 : memref<1x64x128xf32, #tpu.memory_space<vmem>> -> memref<64x128xf32, #tpu.memory_space<vmem>>
    %dma_wait3A_2300 = arith.constant 0 : i32
    %dma_wait3A_2301 = tpu.memref_slice %arg4[%mul3A_2294, %dma_wait3A_2300] : memref<3276800x128xf32, #tpu.memory_space<hbm>> -> memref<64x128xf32, #tpu.memory_space<hbm>>
    %dma_wait3A_2302 = arith.constant 0 : i32
    %dma_wait3A_2303 = tpu.memref_slice %arg4[%mul3A_2294, %dma_wait3A_2302] : memref<3276800x128xf32, #tpu.memory_space<hbm>> -> memref<64x128xf32, #tpu.memory_space<hbm>>
    %dma_wait3A_2304 = arith.constant 0 : i32
    %dma_wait3A_2305 = arith.constant 0 : i32
    %dma_wait3A_2306 = tpu.memref_slice %arg7[%dma_wait3A_2295, %dma_wait3A_2304, %dma_wait3A_2305] : memref<10x64x128xf32, #tpu.memory_space<vmem>> -> memref<1x64x128xf32, #tpu.memory_space<vmem>>
    %dma_wait3A_2307 = tpu.memref_squeeze %dma_wait3A_2306 : memref<1x64x128xf32, #tpu.memory_space<vmem>> -> memref<64x128xf32, #tpu.memory_space<vmem>>
    tpu.wait_dma2 semaphore(%arg25 : memref<!tpu.dma_semaphore, #tpu.memory_space<semaphore_mem>>) src(%dma_wait3A_2307 : memref<64x128xf32, #tpu.memory_space<vmem>>) dst(%dma_wait3A_2303 : memref<64x128xf32, #tpu.memory_space<hbm>>)
    %add3A_2308 = arith.constant 1590 : i32
    %add3A_2309 = arith.addi %mul3A_2, %add3A_2308 : i32
    %add3A_2310 = arith.constant 6 : i32
    %add3A_2311 = arith.addi %add3A_2309, %add3A_2310 : i32
    %mul3A_2312 = arith.constant 64 : i32
    %mul3A_2313 = arith.muli %add3A_2311, %mul3A_2312 : i32
    %dma_wait3A_2314 = arith.constant 6 : i32
    %dma_wait3A_2315 = arith.constant 0 : i32
    %dma_wait3A_2316 = arith.constant 0 : i32
    %dma_wait3A_2317 = tpu.memref_slice %arg7[%dma_wait3A_2314, %dma_wait3A_2315, %dma_wait3A_2316] : memref<10x64x128xf32, #tpu.memory_space<vmem>> -> memref<1x64x128xf32, #tpu.memory_space<vmem>>
    %dma_wait3A_2318 = tpu.memref_squeeze %dma_wait3A_2317 : memref<1x64x128xf32, #tpu.memory_space<vmem>> -> memref<64x128xf32, #tpu.memory_space<vmem>>
    %dma_wait3A_2319 = arith.constant 0 : i32
    %dma_wait3A_2320 = tpu.memref_slice %arg4[%mul3A_2313, %dma_wait3A_2319] : memref<3276800x128xf32, #tpu.memory_space<hbm>> -> memref<64x128xf32, #tpu.memory_space<hbm>>
    %dma_wait3A_2321 = arith.constant 0 : i32
    %dma_wait3A_2322 = tpu.memref_slice %arg4[%mul3A_2313, %dma_wait3A_2321] : memref<3276800x128xf32, #tpu.memory_space<hbm>> -> memref<64x128xf32, #tpu.memory_space<hbm>>
    %dma_wait3A_2323 = arith.constant 0 : i32
    %dma_wait3A_2324 = arith.constant 0 : i32
    %dma_wait3A_2325 = tpu.memref_slice %arg7[%dma_wait3A_2314, %dma_wait3A_2323, %dma_wait3A_2324] : memref<10x64x128xf32, #tpu.memory_space<vmem>> -> memref<1x64x128xf32, #tpu.memory_space<vmem>>
    %dma_wait3A_2326 = tpu.memref_squeeze %dma_wait3A_2325 : memref<1x64x128xf32, #tpu.memory_space<vmem>> -> memref<64x128xf32, #tpu.memory_space<vmem>>
    tpu.wait_dma2 semaphore(%arg26 : memref<!tpu.dma_semaphore, #tpu.memory_space<semaphore_mem>>) src(%dma_wait3A_2326 : memref<64x128xf32, #tpu.memory_space<vmem>>) dst(%dma_wait3A_2322 : memref<64x128xf32, #tpu.memory_space<hbm>>)
    %add3A_2327 = arith.constant 1590 : i32
    %add3A_2328 = arith.addi %mul3A_2, %add3A_2327 : i32
    %add3A_2329 = arith.constant 7 : i32
    %add3A_2330 = arith.addi %add3A_2328, %add3A_2329 : i32
    %mul3A_2331 = arith.constant 64 : i32
    %mul3A_2332 = arith.muli %add3A_2330, %mul3A_2331 : i32
    %dma_wait3A_2333 = arith.constant 7 : i32
    %dma_wait3A_2334 = arith.constant 0 : i32
    %dma_wait3A_2335 = arith.constant 0 : i32
    %dma_wait3A_2336 = tpu.memref_slice %arg7[%dma_wait3A_2333, %dma_wait3A_2334, %dma_wait3A_2335] : memref<10x64x128xf32, #tpu.memory_space<vmem>> -> memref<1x64x128xf32, #tpu.memory_space<vmem>>
    %dma_wait3A_2337 = tpu.memref_squeeze %dma_wait3A_2336 : memref<1x64x128xf32, #tpu.memory_space<vmem>> -> memref<64x128xf32, #tpu.memory_space<vmem>>
    %dma_wait3A_2338 = arith.constant 0 : i32
    %dma_wait3A_2339 = tpu.memref_slice %arg4[%mul3A_2332, %dma_wait3A_2338] : memref<3276800x128xf32, #tpu.memory_space<hbm>> -> memref<64x128xf32, #tpu.memory_space<hbm>>
    %dma_wait3A_2340 = arith.constant 0 : i32
    %dma_wait3A_2341 = tpu.memref_slice %arg4[%mul3A_2332, %dma_wait3A_2340] : memref<3276800x128xf32, #tpu.memory_space<hbm>> -> memref<64x128xf32, #tpu.memory_space<hbm>>
    %dma_wait3A_2342 = arith.constant 0 : i32
    %dma_wait3A_2343 = arith.constant 0 : i32
    %dma_wait3A_2344 = tpu.memref_slice %arg7[%dma_wait3A_2333, %dma_wait3A_2342, %dma_wait3A_2343] : memref<10x64x128xf32, #tpu.memory_space<vmem>> -> memref<1x64x128xf32, #tpu.memory_space<vmem>>
    %dma_wait3A_2345 = tpu.memref_squeeze %dma_wait3A_2344 : memref<1x64x128xf32, #tpu.memory_space<vmem>> -> memref<64x128xf32, #tpu.memory_space<vmem>>
    tpu.wait_dma2 semaphore(%arg27 : memref<!tpu.dma_semaphore, #tpu.memory_space<semaphore_mem>>) src(%dma_wait3A_2345 : memref<64x128xf32, #tpu.memory_space<vmem>>) dst(%dma_wait3A_2341 : memref<64x128xf32, #tpu.memory_space<hbm>>)
    %add3A_2346 = arith.constant 1590 : i32
    %add3A_2347 = arith.addi %mul3A_2, %add3A_2346 : i32
    %add3A_2348 = arith.constant 8 : i32
    %add3A_2349 = arith.addi %add3A_2347, %add3A_2348 : i32
    %mul3A_2350 = arith.constant 64 : i32
    %mul3A_2351 = arith.muli %add3A_2349, %mul3A_2350 : i32
    %dma_wait3A_2352 = arith.constant 8 : i32
    %dma_wait3A_2353 = arith.constant 0 : i32
    %dma_wait3A_2354 = arith.constant 0 : i32
    %dma_wait3A_2355 = tpu.memref_slice %arg7[%dma_wait3A_2352, %dma_wait3A_2353, %dma_wait3A_2354] : memref<10x64x128xf32, #tpu.memory_space<vmem>> -> memref<1x64x128xf32, #tpu.memory_space<vmem>>
    %dma_wait3A_2356 = tpu.memref_squeeze %dma_wait3A_2355 : memref<1x64x128xf32, #tpu.memory_space<vmem>> -> memref<64x128xf32, #tpu.memory_space<vmem>>
    %dma_wait3A_2357 = arith.constant 0 : i32
    %dma_wait3A_2358 = tpu.memref_slice %arg4[%mul3A_2351, %dma_wait3A_2357] : memref<3276800x128xf32, #tpu.memory_space<hbm>> -> memref<64x128xf32, #tpu.memory_space<hbm>>
    %dma_wait3A_2359 = arith.constant 0 : i32
    %dma_wait3A_2360 = tpu.memref_slice %arg4[%mul3A_2351, %dma_wait3A_2359] : memref<3276800x128xf32, #tpu.memory_space<hbm>> -> memref<64x128xf32, #tpu.memory_space<hbm>>
    %dma_wait3A_2361 = arith.constant 0 : i32
    %dma_wait3A_2362 = arith.constant 0 : i32
    %dma_wait3A_2363 = tpu.memref_slice %arg7[%dma_wait3A_2352, %dma_wait3A_2361, %dma_wait3A_2362] : memref<10x64x128xf32, #tpu.memory_space<vmem>> -> memref<1x64x128xf32, #tpu.memory_space<vmem>>
    %dma_wait3A_2364 = tpu.memref_squeeze %dma_wait3A_2363 : memref<1x64x128xf32, #tpu.memory_space<vmem>> -> memref<64x128xf32, #tpu.memory_space<vmem>>
    tpu.wait_dma2 semaphore(%arg28 : memref<!tpu.dma_semaphore, #tpu.memory_space<semaphore_mem>>) src(%dma_wait3A_2364 : memref<64x128xf32, #tpu.memory_space<vmem>>) dst(%dma_wait3A_2360 : memref<64x128xf32, #tpu.memory_space<hbm>>)
    %add3A_2365 = arith.constant 1590 : i32
    %add3A_2366 = arith.addi %mul3A_2, %add3A_2365 : i32
    %add3A_2367 = arith.constant 9 : i32
    %add3A_2368 = arith.addi %add3A_2366, %add3A_2367 : i32
    %mul3A_2369 = arith.constant 64 : i32
    %mul3A_2370 = arith.muli %add3A_2368, %mul3A_2369 : i32
    %dma_wait3A_2371 = arith.constant 9 : i32
    %dma_wait3A_2372 = arith.constant 0 : i32
    %dma_wait3A_2373 = arith.constant 0 : i32
    %dma_wait3A_2374 = tpu.memref_slice %arg7[%dma_wait3A_2371, %dma_wait3A_2372, %dma_wait3A_2373] : memref<10x64x128xf32, #tpu.memory_space<vmem>> -> memref<1x64x128xf32, #tpu.memory_space<vmem>>
    %dma_wait3A_2375 = tpu.memref_squeeze %dma_wait3A_2374 : memref<1x64x128xf32, #tpu.memory_space<vmem>> -> memref<64x128xf32, #tpu.memory_space<vmem>>
    %dma_wait3A_2376 = arith.constant 0 : i32
    %dma_wait3A_2377 = tpu.memref_slice %arg4[%mul3A_2370, %dma_wait3A_2376] : memref<3276800x128xf32, #tpu.memory_space<hbm>> -> memref<64x128xf32, #tpu.memory_space<hbm>>
    %dma_wait3A_2378 = arith.constant 0 : i32
    %dma_wait3A_2379 = tpu.memref_slice %arg4[%mul3A_2370, %dma_wait3A_2378] : memref<3276800x128xf32, #tpu.memory_space<hbm>> -> memref<64x128xf32, #tpu.memory_space<hbm>>
    %dma_wait3A_2380 = arith.constant 0 : i32
    %dma_wait3A_2381 = arith.constant 0 : i32
    %dma_wait3A_2382 = tpu.memref_slice %arg7[%dma_wait3A_2371, %dma_wait3A_2380, %dma_wait3A_2381] : memref<10x64x128xf32, #tpu.memory_space<vmem>> -> memref<1x64x128xf32, #tpu.memory_space<vmem>>
    %dma_wait3A_2383 = tpu.memref_squeeze %dma_wait3A_2382 : memref<1x64x128xf32, #tpu.memory_space<vmem>> -> memref<64x128xf32, #tpu.memory_space<vmem>>
    tpu.wait_dma2 semaphore(%arg29 : memref<!tpu.dma_semaphore, #tpu.memory_space<semaphore_mem>>) src(%dma_wait3A_2383 : memref<64x128xf32, #tpu.memory_space<vmem>>) dst(%dma_wait3A_2379 : memref<64x128xf32, #tpu.memory_space<hbm>>)
    return
  }
}

</mosaic_0001>

<sc_bundles>
// kernel: kernel.3.cloned.1.call-start
scs
__scs_entry_jumppad:
0x0: {  	(pc) =	sbr.rel $0x88, $3  }
0x1: {  	(tag) =	ssettag $0x0;
	lr =	simm.s32 $0x1  }
0x2: {  	[smem:$0x3F9F] =	sst lr;
	_ =	strace $0xD0000000  }
0x3: {  	_ = 	snop  }
0x4: {  	_ = 	snop  }
0x5: {  	_ = 	snop  }
0x6: {  	_ = 	snop  }
0x7: {  	_ = 	snop  }
__scs_overlays_trampoline_lowered:
0x8: {  	[smem:$0x3FAE] =	sst s0  }
0x9: {  	[smem:$0x3FAF] =	sst s1  }
0xa: {  	[smem:$0x3FB0] =	sst s2  }
0xb: {  	[smem:$0x3FB1] =	sst s3  }
0xc: {  	[smem:$0x3FB2] =	sst s4  }
0xd: {  	[smem:$0x3FB3] =	sst s5  }
0xe: {  	[smem:$0x3FB4] =	sst s6  }
0xf: {  	[smem:$0x3FB5] =	sst s7  }
0x10: {  	[smem:$0x3FB6] =	sst s8  }
0x11: {  	[smem:$0x3FB7] =	sst s9;
	s0 =	simm.s32 @!p0 $0x0  }
0x12: {  	s1 =	sld [smem:$0x3F9D];
	s0 =	simm.s32 @p0 $0x1  }
0x13: {  	[smem:$0x3FB8] =	sst s0;
	s0 =	simm.s32 @!p1 $0x0  }
0x14: {  	s2 =	sld [smem:$0x3F9C];
	s0 =	simm.s32 @p1 $0x1  }
0x15: {  	[smem:$0x3FB9] =	sst s0;
	s0 =	simm.s32 @!p2 $0x0  }
0x16: {  	s3 =	sld [smem:$0x3FDB];
	s0 =	simm.s32 @p2 $0x1  }
0x17: {  	s4 =	simm.s32 $0x1BF5;
	[smem:$0x3FBB] =	sst s0  }
0x18: {  	s0 =	sld [smem:$0x3F9E];
	_ =	swait.ge [sflag:s4], $0x0  }
0x19: {  	s7 =	sld [smem:$0x3F9F]  }
0x1a: {  	s8 =	sadd.s32 $0xFFFFE003, lr  }
0x1b: {  	s9 =	sadd.s32 $0xFFFFFEF7, lr;
	s5 =	simm.s32 $0xFFFFFFFF;
	p2 =	slt.u32 s8, $0xFFFFF086  }
0x1c: {  	p1 =	slt.u32 s9, $0xF7A;
	s5 =	simm.s32 @!p2 $0x0  }
0x1d: {  	s5 =	simm.s32 @p1 $0x1;
	p0 =	seq.s32 s7, s2  }
0x1e: {  	s7 =	smul.u32 @!p0 $0xF7A, s2;
	p2 =	seq.s32 @!p0 s5, $0x0  }
0x1f: {  	s9 =	smul.u32 $0xF7A, s1;
	s8 =	simm.s32 @!p0 $0x1BF5;
	p2 =	por !p2, p0  }
0x20: {  	[sflag:s8] =	ssyncset.s32 @!p0 $0xFFFFF086;
	s6 =	sadd.s32 @!p0 s3, s7;
	s7 =	simm.s32 @!p0 $0x108  }
0x21: {  	s3 =	sadd.s32 s3, s9;
	s6 =	sadd.s32 @!p0 $0x88, s6;
	s7 =	simm.s32 @p2 $0x1082  }
0x22: {  	[simem:s7], [sflag:s8] =	dma.local @!p0 [hbm:s6], $0xF7A  }
0x23: {  	s9 =	sor.u32 $0xD0000000, s2;
	s6 =	simm.s32 $0x108;
	_ =	swait.ge @!p0 [sflag:s8], $0x0  }
0x24: {  	s3 =	sadd.s32 $0x88, s3;
	s6 =	simm.s32 @!p1 $0x1082;
	[sflag:s4] =	ssyncset.s32 $0xFFFFF086  }
0x25: {  	[simem:s6], [sflag:s4] =	dma.local [hbm:s3], $0xF7A  }
0x26: {  	[smem:$0x3F9F] =	sst s1;
	(tag) =	ssettag s2;
	_ =	strace s9  }
0x27: {  	s1 =	sld [smem:$0x3FAF]  }
0x28: {  	s2 =	sld [smem:$0x3FB0]  }
0x29: {  	s4 =	sld [smem:$0x3FB2]  }
0x2a: {  	p0 =	seq.s32 s5, $0x0;
	s5 =	sld [smem:$0x3FB3]  }
0x2b: {  	s6 =	sld [smem:$0x3FB4]  }
0x2c: {  	s7 =	sld [smem:$0x3FB5]  }
0x2d: {  	s3 =	simm.s32 $0x108;
	s8 =	sld [smem:$0x3FB6]  }
0x2e: {  	s3 =	simm.s32 @!p0 $0x1082;
	s9 =	sld [smem:$0x3FB7]  }
0x2f: {  	lr =	sadd.s32 s0, s3;
	s0 =	sld [smem:$0x3FAE]  }
0x30: {  	s3 =	sld [smem:$0x3FB1]  }
0x31: {  	[smem:$0x3FBA] =	sst s10  }
0x32: {  	s10 =	sld [smem:$0x3FB8];
	_ =	sdelay $0x3  }
0x33: {  	p0 =	seq.s32 s10, $0x1;
	s10 =	sld [smem:$0x3FBA];
	_ =	sdelay $0x3  }
0x34: {  	[smem:$0x3FBA] =	sst s10  }
0x35: {  	s10 =	sld [smem:$0x3FB9];
	_ =	sdelay $0x3  }
0x36: {  	p1 =	seq.s32 s10, $0x1;
	s10 =	sld [smem:$0x3FBA];
	_ =	sdelay $0x3  }
0x37: {  	[smem:$0x3FBA] =	sst s10  }
0x38: {  	s10 =	sld [smem:$0x3FBB]  }
0x39: {  	_ = 	snop;
	(pc) =	sbr.ind lr, $3  }
0x3a: {  	_ = 	snop  }
0x3b: {  	_ = 	snop  }
0x3c: {  	p2 =	seq.s32 s10, $0x1;
	s10 =	sld [smem:$0x3FBA]  }
0x3d: {  	_ =	shalt  }
0x3e: {  	_ =	shalt  }
0x3f: {  	_ =	shalt  }
0x40: {  	_ =	shalt  }
0x41: {  	_ =	shalt  }
0x42: {  	_ =	shalt  }
0x43: {  	_ =	shalt  }
0x44: {  	_ =	shalt  }
0x45: {  	_ =	shalt  }
0x46: {  	_ =	shalt  }
0x47: {  	_ =	shalt  }
0x48: {  	_ =	shalt  }
0x49: {  	_ =	shalt  }
0x4a: {  	_ =	shalt  }
0x4b: {  	_ =	shalt  }
0x4c: {  	_ =	shalt  }
0x4d: {  	_ =	shalt  }
0x4e: {  	_ =	shalt  }
0x4f: {  	_ =	shalt  }
0x50: {  	_ =	shalt  }
0x51: {  	_ =	shalt  }
0x52: {  	_ =	shalt  }
0x53: {  	_ =	shalt  }
0x54: {  	_ =	shalt  }
0x55: {  	_ =	shalt  }
0x56: {  	_ =	shalt  }
0x57: {  	_ =	shalt  }
0x58: {  	_ =	shalt  }
0x59: {  	_ =	shalt  }
0x5a: {  	_ =	shalt  }
0x5b: {  	_ =	shalt  }
0x5c: {  	_ =	shalt  }
0x5d: {  	_ =	shalt  }
0x5e: {  	_ =	shalt  }
0x5f: {  	_ =	shalt  }
0x60: {  	_ =	shalt  }
0x61: {  	_ =	shalt  }
0x62: {  	_ =	shalt  }
0x63: {  	_ =	shalt  }
0x64: {  	_ =	shalt  }
0x65: {  	_ =	shalt  }
0x66: {  	_ =	shalt  }
0x67: {  	_ =	shalt  }
0x68: {  	_ =	shalt  }
0x69: {  	_ =	shalt  }
0x6a: {  	_ =	shalt  }
0x6b: {  	_ =	shalt  }
0x6c: {  	_ =	shalt  }
0x6d: {  	_ =	shalt  }
0x6e: {  	_ =	shalt  }
0x6f: {  	_ =	shalt  }
0x70: {  	_ =	shalt  }
0x71: {  	_ =	shalt  }
0x72: {  	_ =	shalt  }
0x73: {  	_ =	shalt  }
0x74: {  	_ =	shalt  }
0x75: {  	_ =	shalt  }
0x76: {  	_ =	shalt  }
0x77: {  	_ =	shalt  }
0x78: {  	_ =	shalt  }
0x79: {  	_ =	shalt  }
0x7a: {  	_ =	shalt  }
0x7b: {  	_ =	shalt  }
0x7c: {  	_ =	shalt  }
0x7d: {  	_ =	shalt  }
0x7e: {  	_ =	shalt  }
0x7f: {  	_ =	shalt  }
0x80: {  	_ =	shalt  }
0x81: {  	_ =	shalt  }
0x82: {  	_ =	shalt  }
0x83: {  	_ =	shalt  }
0x84: {  	_ =	shalt  }
0x85: {  	_ =	shalt  }
0x86: {  	_ =	shalt  }
0x87: {  	_ =	shalt  }
.Lfunc_end0:
.L_simem_size_0:
called_computation_lowered:
.L_overlay_start_0:
0x88: {  	s2 =	sld [smem:$0x3FD9]  }
0x89: {  	s3 =	sld [smem:$0x3FFE];
	_ =	sdelay $0x1  }
0x8a: {  	s1 =	srdreg.scid  }
0x8b: {  	s0 =	sand.u32 $0x1, s1  }
0x8c: {  	s17 =	sshll.u32 s0, $0xA;
	s2 =	sadd.s32 s3, s2  }
0x8d: {  	s2 =	sadd.s32 s2, s17  }
0x8e: {  	[smem:$0x3FC6] =	sst s2  }
0x8f: {  	_ = 	snop  }
0x90: {  	s2 =	sld [smem:$0x3FD0];
	(tm) =	ssettm $0x1  }
0x91: {  	s18 =	sld [smem:$0x3FFB];
	_ =	sdelay $0x3  }
0x92: {  	_ =	strace s18  }
0x93: {  	s3 =	sld [smem:$0x3FFC];
	_ =	sdelay $0x3  }
0x94: {  	_ =	strace s3  }
0x95: {  	s3 =	sld [smem:$0x3FFD];
	_ =	sdelay $0x3  }
0x96: {  	_ =	strace s3  }
0x97: {  	_ =	strace $0x8FFFFFFF  }
0x98: {  	s19 =	sld [smem:$0x3FDB];
	_ =	sdelay $0x1  }
0x99: {  	s4 =	simm.s32 $_scs_section_size  }
0x9a: {  	s5 =	simm.s32 $_size__tile_overlayer_lowered;
	s6 =	simm.s32 $_tile_overlayer_lowered  }
0x9b: {  	s22 =	simm.s32 $0x1BFF;
	s21 =	sshll.u32 s6, $0x1;
	s3 =	sadd.s32 s4, s19  }
0x9c: {  	s7 =	simm.s32 $0x0;
	s20 =	sshll.u32 s5, $0x1;
	s5 =	sadd.s32 s21, s3  }
0x9d: {  	[timem:s7], [sflag:s22] =	dma.local [hbm:s5], s20  }
0x9e: {  	_ =	swait.ge [sflag:s22], s20  }
0x9f: {  	s4 =	ssub.s32 $0x0, s20;
	[sflag:s22] =	ssyncset.done $0x0  }
0xa0: {  	[sflag:s22] =	ssyncadd.s32 s4;
	_ =	sdelay $0x1  }
0xa1: {  	s23 =	simm.s32 $0x1B8B  }
0xa2: {  	_ =	swait.ge [sflag:s23], $0x1  }
0xa3: {  	[sflag:s23] =	ssyncset.done $0x0  }
0xa4: {  	s25 =	simm.s32 $0x1B8E;
	s24 =	sld [smem:$0x3FFE];
	[sflag:s23] =	ssyncadd.s32 $0xFFFFFFFF  }
0xa5: {  	s26 =	simm.s32 $execute0_lowered;
	[smem:$0x3FD2] =	sst s25  }
0xa6: {  	s5 =	sshll.u32 s26, $0x1;
	_ =	strace $0x80000046;
	[dreg:$0x1] =	wrdreg $0xFFFFFFFF  }
0xa7: {  	s28 =	simm.s32 $_size_execute0_lowered;
	s3 =	sadd.s32 s3, s5;
	[dreg:$0x0] =	wrdreg $0x0  }
0xa8: {  	s5 =	sshll.u32 s28, $0x1;
	[dreg:$0x2] =	wrdreg s3  }
0xa9: {  	[dreg:$0x3] =	wrdreg s5  }
0xaa: {  	[dreg:$0x4] =	wrdreg $0xC0  }
0xab: {  	_ =	task [dreg:s7], $0x5FFFF  }
0xac: {  	[dreg:$0x1] =	wrdreg $0xFFFFFFFF  }
0xad: {  	[dreg:$0x0] =	wrdreg $0x60  }
0xae: {  	[dreg:$0x2] =	wrdreg s24  }
0xaf: {  	[dreg:$0x3] =	wrdreg s2  }
0xb0: {  	[dreg:$0x4] =	wrdreg $0x9  }
0xb1: {  	_ =	task.clear_ibuf [dreg:s7], $0x5FFFF;
	_ =	strace $0x90000046  }
0xb2: {  	s29 =	simm.s32 $0x9;
	_ =	strace $0x80000048  }
0xb3: {  	_ =	swait.ge [sflag:s29], $0x1  }
0xb4: {  	[sflag:s29] =	ssyncadd.s32 $0xFFFFFFFF  }
0xb5: {  	_ =	strace $0x90000048  }
0xb6: {  	_ =	sfence  }
0xb7: {  	s30 =	sld [smem:$0x0];
	_ =	sdelay $0x2  }
0xb8: {  	s31 =	sshll.u32 s1, $0xD;
	s1 =	sshrl.u32 s1, $0x2  }
0xb9: {  	s3 =	sand.u32 $0x4000, s31;
	s1 =	sadd.s32 s1, s30  }
0xba: {  	s0 =	sor.u32 s3, s0;
	s1 =	sshll.u32 s1, $0x11  }
0xbb: {  	s0 =	sor.u32 s1, s0  }
0xbc: {  	s0 =	sadd.s32 $0x8F2B, s0  }
0xbd: {  	[sflag:s0] =	ssyncadd.remote.s32 $0x1  }
0xbe: {  	_ =	sfence.sel $0xFFFF  }
0xbf: {  	[dreg:$0x0] =	wrdreg $0xFFFFFFFF;
	(pc) =	sbr.abs _section_cstart, $3  }
0xc0: {  	[dreg:$0x1] =	wrdreg $0xFFFFFFFF  }
0xc1: {  	_ =	task.clear_ibuf [dreg:s7], $0x2FFFF;
	_ =	strace $0x9FFFFFFF  }
0xc2: {  	(tm) =	ssettm $0x7FFFFFFF  }
0xc3: {  	_ =	shalt  }
tec
execute0_lowered:
.L_overlay_start_1:
0x0: {  	(tag) =	ssettag $0x1  }
0x1: {  	s1 =	rddreg [dreg:$0x0]  }
0x2: {  	s0 =	srdreg.scid;
	s10 =	stileid.u32  }
0x3: {  	s4 =	rddreg [dreg:$0x1];
	s2 =	simm.s32 $0x0;
	s22 =	smul.u32 $0xC80, s10  }
0x4: {  	s5 =	sand.u32 $0x1, s0;
	s15 =	sshll.u32 s10, $0x1;
	s10 =	smul.u32 $0x320000, s10  }
0x5: {  	[smem:$0x7FF] =	sst s2;
	s25 =	smul.u32 $0x640, s5  }
0x6: {  	s0 =	sor.u32 s5, s15;
	s7 =	ssub.s32 $0x2, s5;
	s5 =	smul.u32 $0x190000, s5  }
0x7: {  	s3 =	sadd.s32 $0x64600, s1;
	s1 =	sadd.s32 $0x600, s1;
	s6 =	smul.u32 $0x3200, s0  }
0x8: {  	s8 =	smul.u32 $0x190000, s0;
	s9 =	sshrl.u32 s7, $0x1;
	s30 =	sadd.s32 s10, s4  }
0x9: {  	_ =	strace $0x80000047;
	s7 =	ssub.s32 s7, s9;
	s5 =	sadd.s32 s5, s30  }
0xa: {  	s11 =	sadd.s32 s1, s6;
	s12 =	sadd.s32 s4, s8;
	[dreg:$0x3] =	wrdreg s5  }
0xb: {  	s8 =	sadd.s32 s25, s22;
	s25 =	smax.u32 s7, $0x1;
	[dreg:$0x6] =	wrdreg s11  }
0xc: {  	s16 =	smul.u32 $0xC80000, s0;
	[dreg:$0x19] =	wrdreg s25  }
0xd: {  	v0 =	vmov s0;
	s0 =	simm.s32 $0x0;
	s17 =	sadd.s32 $0x50, s11;
	[dreg:$0x7] =	wrdreg s12  }
0xe: {  	s9 =	simm.s32 $0x2C0;
	s18 =	sadd.s32 $0x400, s12;
	[dreg:$0x8] =	wrdreg s17  }
0xf: {  	s6 =	sshrl.u32 s16, $0x3;
	s19 =	sadd.s32 $0x800, s12;
	[dreg:$0x9] =	wrdreg s18  }
0x10: {  	s7 =	simm.s32 $0x1C0;
	s20 =	sadd.s32 $0xC00, s12;
	[dreg:$0xa] =	wrdreg s19  }
0x11: {  	s5 =	simm.s32 $0x200;
	s21 =	sadd.s32 $0x1000, s12;
	[dreg:$0xb] =	wrdreg s20  }
0x12: {  	s6 =	sadd.s32 s4, s6;
	s23 =	sadd.s32 $0x1400, s12;
	[dreg:$0xc] =	wrdreg s21  }
0x13: {  	s31 =	sshll.u32 s8, $0xA;
	s30 =	sadd.s32 $0x2000, s12;
	[dreg:$0xd] =	wrdreg s23  }
0x14: {  	s2 =	sor.u32 $0x14, s8;
	s24 =	sadd.s32 $0x18D800, s6;
	[dreg:$0x1d] =	wrdreg s30  }
0x15: {  	s11 =	simm.s32 $0x100;
	s26 =	sadd.s32 $0x18DC00, s6;
	[dreg:$0xe] =	wrdreg s24  }
0x16: {  	s25 =	simm.s32 $0x4C0;
	s28 =	sadd.s32 $0x18E000, s6;
	[dreg:$0xf] =	wrdreg s26  }
0x17: {  	s29 =	sadd.s32 $0x18E400, s6;
	s13 =	sadd.s32 s31, s4;
	[dreg:$0x10] =	wrdreg s28  }
0x18: {  	s14 =	sshrl.u32 s2, $0x2;
	s17 =	sadd.s32 $0x18E800, s6;
	[dreg:$0x11] =	wrdreg s29  }
0x19: {  	s18 =	sadd.s32 $0x18EC00, s6;
	s19 =	sadd.s32 $0x18F000, s6;
	[dreg:$0x12] =	wrdreg s17  }
0x1a: {  	s20 =	sadd.s32 $0x18F400, s6;
	s21 =	sshll.u32 s8, $0x3;
	[dreg:$0x13] =	wrdreg s18  }
0x1b: {  	s23 =	sadd.s32 $0x18F800, s6;
	s31 =	sadd.s32 $0x2400, s12;
	[dreg:$0x14] =	wrdreg s19  }
0x1c: {  	s15 =	sadd.s32 $0x2800, s13;
	s16 =	sshll.u32 s14, $0xC;
	[dreg:$0x15] =	wrdreg s20  }
0x1d: {  	v1 =	vlaneseq.u32;
	s22 =	sshll.u32 s14, $0x5;
	[dreg:$0x17] =	wrdreg s23;
	s24 =	sadd.s32 $0x18FC00, s6  }
0x1e: {  	v7 =	vmul.u32 $0x9, v1;
	s28 =	sadd.s32 $0x1800, s12;
	s29 =	sadd.s32 $0x1C00, s12;
	[dreg:$0x1e] =	wrdreg s31  }
0x1f: {  	v0 =	vmul.u32 $0x5A0, v0;
	s12 =	simm.s32 $0x80;
	s17 =	simm.s32 $0xC0;
	s6 =	simm.s32 $0x140  }
0x20: {  	v1 =	vadd.s32 $0x90, v7;
	v2 =	vadd.s32 $0x120, v7;
	s19 =	simm.s32 $0x300;
	s13 =	simm.s32 $0x340;
	[dreg:$0x4] =	wrdreg s15  }
0x21: {  	v3 =	vadd.s32 $0x1B0, v7;
	v4 =	vadd.s32 $0x240, v7;
	v9 =	vbroadcast v0, $0x0;
	s23 =	simm.s32 $0x400;
	s20 =	simm.s32 $0x440;
	[dreg:$0x18] =	wrdreg s24  }
0x22: {  	v5 =	vadd.s32 $0x2D0, v7;
	v6 =	vadd.s32 $0x360, v7;
	v8 =	vadd.s32 $0x3F0, v7;
	s14 =	simm.s32 $0x480;
	s4 =	sadd.s32 s16, s4;
	[dreg:$0x1b] =	wrdreg s28  }
0x23: {  	v10 =	vadd.s32 $0x480, v7;
	v11 =	vadd.s32 $0x510, v7;
	v0 =	vadd.s32 v7, v9;
	[dreg:$0x1c] =	wrdreg s29;
	s24 =	simm.s32 $0x180;
	s15 =	simm.s32 $0x380  }
0x24: {  	v1 =	vadd.s32 v1, v9;
	v2 =	vadd.s32 v2, v9;
	v3 =	vadd.s32 v3, v9;
	[dreg:$0x5] =	wrdreg s4;
	s4 =	sadd.s32 s21, s1;
	s1 =	sadd.s32 s22, s1  }
0x25: {  	v4 =	vadd.s32 v4, v9;
	v5 =	vadd.s32 v5, v9;
	v6 =	vadd.s32 v6, v9;
	s21 =	simm.s32 $0x240;
	[dreg:$0x16] =	wrdreg s1;
	s26 =	sadd.s32 $0xF0, s4  }
0x26: {  	v7 =	vadd.s32 v8, v9;
	v8 =	vadd.s32 v10, v9;
	v9 =	vadd.s32 v11, v9;
	s1 =	simm.s32 $0x2;
	[dreg:$0x1a] =	wrdreg s26;
	s26 =	simm.s32 $0x3C0  }
.LBB2_1:
0x27: {  	[dreg:$0x1f] =	wrdreg s0  }
0x28: {  	s4 =	rddreg [dreg:$0x6];
	s16 =	simm.s32 $0x0;
	s28 =	simm.s32 $0x17  }
0x29: {  	[tilespmem:s16], [sflag:$0x17] =	stream.linear.gather [hbm4b:s4+s16], $0x280, $0x38;
	[tilespmem:$0x14500] =	vst v63  }
0x2a: {  	_ =	swait.ge [sflag:s28], $0x280  }
0x2b: {  	[sflag:s28] =	ssyncset.done $0x0  }
0x2c: {  	s30 =	simm.s32 $0x280;
	s29 =	rddreg [dreg:$0x8];
	[sflag:s28] =	ssyncadd.s32 $0xFFFFFD80  }
0x2d: {  	[tilespmem:s30], [sflag:$0x2] =	stream.linear.gather [hbm4b:s29+s16], $0x280, $0x38;
	[tilespmem:$0x14500] =	vst v63  }
0x2e: {  	v10 =	vld [tilespmem:$0x0]  }
0x2f: {  	v11 =	vld [tilespmem:$0x10]  }
0x30: {  	v12 =	vld [tilespmem:$0x20]  }
0x31: {  	v13 =	vld [tilespmem:$0x30]  }
0x32: {  	v14 =	vld [tilespmem:$0x40]  }
0x33: {  	v15 =	vld [tilespmem:$0x50];
	v10 =	vadd.s32 v0, v10  }
0x34: {  	[tilespmem:$0x0] =	vst v10;
	v10 =	vadd.s32 v0, v11;
	v11 =	vld [tilespmem:$0x60]  }
0x35: {  	v37 =	vld [tilespmem:$0x70];
	[tilespmem:$0x10] =	vst v10;
	v10 =	vadd.s32 v0, v12  }
0x36: {  	v38 =	vld [tilespmem:$0x80];
	[tilespmem:$0x20] =	vst v10;
	v10 =	vadd.s32 v0, v13  }
0x37: {  	v39 =	vld [tilespmem:$0x90];
	[tilespmem:$0x30] =	vst v10;
	v10 =	vadd.s32 v1, v14  }
0x38: {  	v40 =	vld [tilespmem:$0xA0];
	[tilespmem:$0x40] =	vst v10;
	v10 =	vadd.s32 v1, v15  }
0x39: {  	[tilespmem:$0x50] =	vst v10;
	v10 =	vadd.s32 v1, v11;
	v11 =	vld [tilespmem:$0xB0]  }
0x3a: {  	v41 =	vld [tilespmem:$0xC0];
	[tilespmem:$0x60] =	vst v10;
	v10 =	vadd.s32 v1, v37  }
0x3b: {  	v42 =	vld [tilespmem:$0xD0];
	[tilespmem:$0x70] =	vst v10;
	v10 =	vadd.s32 v2, v38  }
0x3c: {  	v43 =	vld [tilespmem:$0xE0];
	[tilespmem:$0x80] =	vst v10;
	v10 =	vadd.s32 v2, v39  }
0x3d: {  	v44 =	vld [tilespmem:$0xF0];
	[tilespmem:$0x90] =	vst v10;
	v10 =	vadd.s32 v2, v40  }
0x3e: {  	[tilespmem:$0xA0] =	vst v10;
	v10 =	vadd.s32 v2, v11;
	v11 =	vld [tilespmem:$0x100]  }
0x3f: {  	v45 =	vld [tilespmem:$0x110];
	[tilespmem:$0xB0] =	vst v10;
	v10 =	vadd.s32 v3, v41  }
0x40: {  	v46 =	vld [tilespmem:$0x120];
	[tilespmem:$0xC0] =	vst v10;
	v10 =	vadd.s32 v3, v42  }
0x41: {  	v47 =	vld [tilespmem:$0x130];
	[tilespmem:$0xD0] =	vst v10;
	v10 =	vadd.s32 v3, v43  }
0x42: {  	v48 =	vld [tilespmem:$0x140];
	[tilespmem:$0xE0] =	vst v10;
	v10 =	vadd.s32 v3, v44  }
0x43: {  	[tilespmem:$0xF0] =	vst v10;
	v10 =	vadd.s32 v4, v11;
	v11 =	vld [tilespmem:$0x150]  }
0x44: {  	v49 =	vld [tilespmem:$0x160];
	[tilespmem:$0x100] =	vst v10;
	v10 =	vadd.s32 v4, v45  }
0x45: {  	v50 =	vld [tilespmem:$0x170];
	[tilespmem:$0x110] =	vst v10;
	v10 =	vadd.s32 v4, v46  }
0x46: {  	v51 =	vld [tilespmem:$0x180];
	[tilespmem:$0x120] =	vst v10;
	v10 =	vadd.s32 v4, v47  }
0x47: {  	v52 =	vld [tilespmem:$0x190];
	[tilespmem:$0x130] =	vst v10;
	v10 =	vadd.s32 v5, v48  }
0x48: {  	[tilespmem:$0x140] =	vst v10;
	v10 =	vadd.s32 v5, v11;
	v11 =	vld [tilespmem:$0x1A0]  }
0x49: {  	v53 =	vld [tilespmem:$0x1B0];
	[tilespmem:$0x150] =	vst v10;
	v10 =	vadd.s32 v5, v49  }
0x4a: {  	v54 =	vld [tilespmem:$0x1C0];
	[tilespmem:$0x160] =	vst v10;
	v10 =	vadd.s32 v5, v50  }
0x4b: {  	v55 =	vld [tilespmem:$0x1D0];
	[tilespmem:$0x170] =	vst v10;
	v10 =	vadd.s32 v6, v51  }
0x4c: {  	v56 =	vld [tilespmem:$0x1E0];
	[tilespmem:$0x180] =	vst v10;
	v10 =	vadd.s32 v6, v52  }
0x4d: {  	[tilespmem:$0x190] =	vst v10;
	v10 =	vadd.s32 v6, v11;
	v11 =	vld [tilespmem:$0x1F0]  }
0x4e: {  	v57 =	vld [tilespmem:$0x200];
	[tilespmem:$0x1A0] =	vst v10;
	v10 =	vadd.s32 v6, v53  }
0x4f: {  	v58 =	vld [tilespmem:$0x210];
	[tilespmem:$0x1B0] =	vst v10;
	v10 =	vadd.s32 v7, v54  }
0x50: {  	v59 =	vld [tilespmem:$0x220];
	[tilespmem:$0x1C0] =	vst v10;
	v10 =	vadd.s32 v7, v55  }
0x51: {  	v60 =	vld [tilespmem:$0x230];
	[tilespmem:$0x1D0] =	vst v10;
	v10 =	vadd.s32 v7, v56  }
0x52: {  	[tilespmem:$0x1E0] =	vst v10;
	v10 =	vadd.s32 v7, v11;
	v11 =	vld [tilespmem:$0x240]  }
0x53: {  	v61 =	vld [tilespmem:$0x250];
	[tilespmem:$0x1F0] =	vst v10;
	v10 =	vadd.s32 v8, v57  }
0x54: {  	v62 =	vld [tilespmem:$0x260];
	[tilespmem:$0x200] =	vst v10;
	v10 =	vadd.s32 v8, v58  }
0x55: {  	v63 =	vld [tilespmem:$0x270];
	[tilespmem:$0x210] =	vst v10;
	v10 =	vadd.s32 v8, v59  }
0x56: {  	[tilespmem:$0x220] =	vst v10;
	v10 =	vadd.s32 v8, v60  }
0x57: {  	[tilespmem:$0x230] =	vst v10;
	v10 =	vadd.s32 v9, v11  }
0x58: {  	[tilespmem:$0x240] =	vst v10;
	v10 =	vadd.s32 v9, v61  }
0x59: {  	[tilespmem:$0x250] =	vst v10;
	v10 =	vadd.s32 v9, v62  }
0x5a: {  	[tilespmem:$0x260] =	vst v10;
	v10 =	vadd.s32 v9, v63  }
0x5b: {  	s8 =	simm.s32 $0x500;
	s2 =	simm.s32 $0x40;
	[tilespmem:$0x270] =	vst v10  }
0x5c: {  	[tilespmem:s8], [sflag:$0x3] =	stream.indirect.gather [hbm4b:s3+s2], $0x80, s16, s2, $0xb8;
	[tilespmem:$0x14500] =	vst v63  }
0x5d: {  	s10 =	simm.s32 $0x2500  }
0x5e: {  	[tilespmem:s10], [sflag:$0x4] =	stream.indirect.gather [hbm4b:s3+s2], $0x80, s2, s2, $0xb8;
	[tilespmem:$0x14500] =	vst v63  }
0x5f: {  	s31 =	simm.s32 $0x4500  }
0x60: {  	[tilespmem:s31], [sflag:$0x5] =	stream.indirect.gather [hbm4b:s3+s2], $0x80, s12, s2, $0xb8;
	[tilespmem:$0x14500] =	vst v63  }
0x61: {  	s12 =	simm.s32 $0x6500  }
0x62: {  	[tilespmem:s12], [sflag:$0x6] =	stream.indirect.gather [hbm4b:s3+s2], $0x80, s17, s2, $0xb8;
	[tilespmem:$0x14500] =	vst v63  }
0x63: {  	s17 =	simm.s32 $0x8500  }
0x64: {  	[tilespmem:s17], [sflag:$0x7] =	stream.indirect.gather [hbm4b:s3+s2], $0x80, s11, s2, $0xb8;
	[tilespmem:$0x14500] =	vst v63  }
0x65: {  	s11 =	simm.s32 $0xA500  }
0x66: {  	[tilespmem:s11], [sflag:$0x8] =	stream.indirect.gather [hbm4b:s3+s2], $0x80, s6, s2, $0xb8;
	[tilespmem:$0x14500] =	vst v63  }
0x67: {  	s6 =	simm.s32 $0xC500  }
0x68: {  	[tilespmem:s6], [sflag:$0x9] =	stream.indirect.gather [hbm4b:s3+s2], $0x80, s24, s2, $0xb8;
	[tilespmem:$0x14500] =	vst v63  }
0x69: {  	s18 =	simm.s32 $0xE500  }
0x6a: {  	[tilespmem:s18], [sflag:$0xA] =	stream.indirect.gather [hbm4b:s3+s2], $0x80, s7, s2, $0xb8;
	[tilespmem:$0x14500] =	vst v63  }
0x6b: {  	s7 =	simm.s32 $0x10500  }
0x6c: {  	[tilespmem:s7], [sflag:$0xB] =	stream.indirect.gather [hbm4b:s3+s2], $0x80, s5, s2, $0xb8;
	[tilespmem:$0x14500] =	vst v63  }
0x6d: {  	s5 =	simm.s32 $0x12500  }
0x6e: {  	[tilespmem:s5], [sflag:$0xC] =	stream.indirect.gather [hbm4b:s3+s2], $0x80, s21, s2, $0xb8;
	[tilespmem:$0x14500] =	vst v63  }
0x6f: {  	s21 =	simm.s32 $0x3  }
0x70: {  	_ =	swait.ge [sflag:s21], $0x2000  }
0x71: {  	[sflag:s21] =	ssyncset.done $0x0  }
0x72: {  	s24 =	simm.s32 $0x4;
	s22 =	rddreg [dreg:$0x7];
	[sflag:s21] =	ssyncadd.s32 $0xFFFFE000  }
0x73: {  	[hbm4b:s22+s16] =	stream.linear.scatter [tilespmem:s8], [sflag:$0xD], $0x2000, $0x38;
	[tilespmem:$0x14500] =	vst v63  }
0x74: {  	_ =	swait.ge [sflag:s24], $0x2000  }
0x75: {  	[sflag:s24] =	ssyncset.done $0x0  }
0x76: {  	s29 =	simm.s32 $0x5;
	s28 =	rddreg [dreg:$0x9];
	[sflag:s24] =	ssyncadd.s32 $0xFFFFE000  }
0x77: {  	[hbm4b:s28+s16] =	stream.linear.scatter [tilespmem:s10], [sflag:$0xE], $0x2000, $0x38;
	[tilespmem:$0x14500] =	vst v63  }
0x78: {  	_ =	swait.ge [sflag:s29], $0x2000  }
0x79: {  	[sflag:s29] =	ssyncset.done $0x0  }
0x7a: {  	s30 =	rddreg [dreg:$0xa];
	[sflag:s29] =	ssyncadd.s32 $0xFFFFE000  }
0x7b: {  	[hbm4b:s30+s16] =	stream.linear.scatter [tilespmem:s31], [sflag:$0xF], $0x2000, $0x38;
	[tilespmem:$0x14500] =	vst v63  }
0x7c: {  	s31 =	simm.s32 $0x6  }
0x7d: {  	_ =	swait.ge [sflag:s31], $0x2000  }
0x7e: {  	[sflag:s31] =	ssyncset.done $0x0  }
0x7f: {  	s2 =	simm.s32 $0x7;
	s0 =	rddreg [dreg:$0xb];
	[sflag:s31] =	ssyncadd.s32 $0xFFFFE000  }
0x80: {  	[hbm4b:s0+s16] =	stream.linear.scatter [tilespmem:s12], [sflag:$0x10], $0x2000, $0x38;
	[tilespmem:$0x14500] =	vst v63  }
0x81: {  	_ =	swait.ge [sflag:s2], $0x2000  }
0x82: {  	[sflag:s2] =	ssyncset.done $0x0  }
0x83: {  	s10 =	simm.s32 $0x8;
	s8 =	rddreg [dreg:$0xc];
	[sflag:s2] =	ssyncadd.s32 $0xFFFFE000  }
0x84: {  	[hbm4b:s8+s16] =	stream.linear.scatter [tilespmem:s17], [sflag:$0x11], $0x2000, $0x38;
	[tilespmem:$0x14500] =	vst v63  }
0x85: {  	_ =	swait.ge [sflag:s10], $0x2000  }
0x86: {  	[sflag:s10] =	ssyncset.done $0x0  }
0x87: {  	s17 =	simm.s32 $0x9;
	s12 =	rddreg [dreg:$0xd];
	[sflag:s10] =	ssyncadd.s32 $0xFFFFE000  }
0x88: {  	[hbm4b:s12+s16] =	stream.linear.scatter [tilespmem:s11], [sflag:$0x12], $0x2000, $0x38;
	[tilespmem:$0x14500] =	vst v63  }
0x89: {  	_ =	swait.ge [sflag:s17], $0x2000  }
0x8a: {  	[sflag:s17] =	ssyncset.done $0x0  }
0x8b: {  	s22 =	simm.s32 $0xA;
	s21 =	rddreg [dreg:$0x1b];
	[sflag:s17] =	ssyncadd.s32 $0xFFFFE000  }
0x8c: {  	[hbm4b:s21+s16] =	stream.linear.scatter [tilespmem:s6], [sflag:$0x13], $0x2000, $0x38;
	[tilespmem:$0x14500] =	vst v63  }
0x8d: {  	_ =	swait.ge [sflag:s22], $0x2000  }
0x8e: {  	[sflag:s22] =	ssyncset.done $0x0  }
0x8f: {  	s28 =	simm.s32 $0xB;
	s24 =	rddreg [dreg:$0x1c];
	[sflag:s22] =	ssyncadd.s32 $0xFFFFE000  }
0x90: {  	[hbm4b:s24+s16] =	stream.linear.scatter [tilespmem:s18], [sflag:$0x14], $0x2000, $0x38;
	[tilespmem:$0x14500] =	vst v63  }
0x91: {  	_ =	swait.ge [sflag:s28], $0x2000  }
0x92: {  	[sflag:s28] =	ssyncset.done $0x0  }
0x93: {  	s30 =	simm.s32 $0xC;
	s29 =	rddreg [dreg:$0x1d];
	[sflag:s28] =	ssyncadd.s32 $0xFFFFE000  }
0x94: {  	[hbm4b:s29+s16] =	stream.linear.scatter [tilespmem:s7], [sflag:$0x15], $0x2000, $0x38;
	[tilespmem:$0x14500] =	vst v63  }
0x95: {  	_ =	swait.ge [sflag:s30], $0x2000  }
0x96: {  	s31 =	rddreg [dreg:$0x1e]  }
0x97: {  	[sflag:s30] =	ssyncset.done $0x0;
	s7 =	rddreg [dreg:$0x16]  }
0x98: {  	s12 =	simm.s32 $0x0;
	s10 =	rddreg [dreg:$0x1a];
	[sflag:s30] =	ssyncadd.s32 $0xFFFFE000  }
0x99: {  	[hbm4b:s31+s16] =	stream.linear.scatter [tilespmem:s5], [sflag:$0x16], $0x2000, $0x38;
	[tilespmem:$0x14500] =	vst v63  }
.LBB2_2:
0x9a: {  	s8 =	simm.s32 $0x0  }
0x9b: {  	[tilespmem:s8], [sflag:$0x1] =	stream.linear.gather [hbm4b:s7+s8], $0x280, $0x38;
	[tilespmem:$0x14500] =	vst v63  }
0x9c: {  	_ =	swait.ge [sflag:s1], $0x280  }
0x9d: {  	[sflag:s1] =	ssyncset.done $0x0  }
0x9e: {  	[sflag:s1] =	ssyncadd.s32 $0xFFFFFD80  }
0x9f: {  	v10 =	vld [tilespmem:$0x280]  }
0xa0: {  	v11 =	vld [tilespmem:$0x290]  }
0xa1: {  	v12 =	vld [tilespmem:$0x2A0]  }
0xa2: {  	v13 =	vld [tilespmem:$0x2B0]  }
0xa3: {  	v14 =	vld [tilespmem:$0x2C0]  }
0xa4: {  	v15 =	vld [tilespmem:$0x2D0];
	v10 =	vadd.s32 v0, v10  }
0xa5: {  	[tilespmem:$0x280] =	vst v10;
	v10 =	vadd.s32 v0, v11;
	v11 =	vld [tilespmem:$0x2E0]  }
0xa6: {  	v52 =	vld [tilespmem:$0x2F0];
	[tilespmem:$0x290] =	vst v10;
	v10 =	vadd.s32 v0, v12  }
0xa7: {  	v53 =	vld [tilespmem:$0x300];
	[tilespmem:$0x2A0] =	vst v10;
	v10 =	vadd.s32 v0, v13  }
0xa8: {  	v54 =	vld [tilespmem:$0x310];
	[tilespmem:$0x2B0] =	vst v10;
	v10 =	vadd.s32 v1, v14  }
0xa9: {  	v55 =	vld [tilespmem:$0x320];
	[tilespmem:$0x2C0] =	vst v10;
	v10 =	vadd.s32 v1, v15  }
0xaa: {  	[tilespmem:$0x2D0] =	vst v10;
	v10 =	vadd.s32 v1, v11;
	v11 =	vld [tilespmem:$0x330]  }
0xab: {  	v56 =	vld [tilespmem:$0x340];
	[tilespmem:$0x2E0] =	vst v10;
	v10 =	vadd.s32 v1, v52  }
0xac: {  	v57 =	vld [tilespmem:$0x350];
	[tilespmem:$0x2F0] =	vst v10;
	v10 =	vadd.s32 v2, v53  }
0xad: {  	v58 =	vld [tilespmem:$0x360];
	[tilespmem:$0x300] =	vst v10;
	v10 =	vadd.s32 v2, v54  }
0xae: {  	v59 =	vld [tilespmem:$0x370];
	[tilespmem:$0x310] =	vst v10;
	v10 =	vadd.s32 v2, v55  }
0xaf: {  	[tilespmem:$0x320] =	vst v10;
	v10 =	vadd.s32 v2, v11;
	v11 =	vld [tilespmem:$0x380]  }
0xb0: {  	v60 =	vld [tilespmem:$0x390];
	[tilespmem:$0x330] =	vst v10;
	v10 =	vadd.s32 v3, v56  }
0xb1: {  	v61 =	vld [tilespmem:$0x3A0];
	[tilespmem:$0x340] =	vst v10;
	v10 =	vadd.s32 v3, v57  }
0xb2: {  	v62 =	vld [tilespmem:$0x3B0];
	[tilespmem:$0x350] =	vst v10;
	v10 =	vadd.s32 v3, v58  }
0xb3: {  	v63 =	vld [tilespmem:$0x3C0];
	[tilespmem:$0x360] =	vst v10;
	v10 =	vadd.s32 v3, v59  }
0xb4: {  	[tilespmem:$0x370] =	vst v10;
	v10 =	vadd.s32 v4, v11;
	v11 =	vld [tilespmem:$0x3D0]  }
0xb5: {  	v18 =	vld [tilespmem:$0x3E0];
	[tilespmem:$0x380] =	vst v10;
	v10 =	vadd.s32 v4, v60  }
0xb6: {  	v19 =	vld [tilespmem:$0x3F0];
	[tilespmem:$0x390] =	vst v10;
	v10 =	vadd.s32 v4, v61  }
0xb7: {  	v20 =	vld [tilespmem:$0x400];
	[tilespmem:$0x3A0] =	vst v10;
	v10 =	vadd.s32 v4, v62  }
0xb8: {  	v21 =	vld [tilespmem:$0x410];
	[tilespmem:$0x3B0] =	vst v10;
	v10 =	vadd.s32 v5, v63  }
0xb9: {  	[tilespmem:$0x3C0] =	vst v10;
	v10 =	vadd.s32 v5, v11;
	v11 =	vld [tilespmem:$0x420]  }
0xba: {  	v22 =	vld [tilespmem:$0x430];
	[tilespmem:$0x3D0] =	vst v10;
	v10 =	vadd.s32 v5, v18  }
0xbb: {  	v23 =	vld [tilespmem:$0x440];
	[tilespmem:$0x3E0] =	vst v10;
	v10 =	vadd.s32 v5, v19  }
0xbc: {  	v24 =	vld [tilespmem:$0x450];
	[tilespmem:$0x3F0] =	vst v10;
	v10 =	vadd.s32 v6, v20  }
0xbd: {  	v25 =	vld [tilespmem:$0x460];
	[tilespmem:$0x400] =	vst v10;
	v10 =	vadd.s32 v6, v21  }
0xbe: {  	[tilespmem:$0x410] =	vst v10;
	v10 =	vadd.s32 v6, v11;
	v11 =	vld [tilespmem:$0x470]  }
0xbf: {  	v26 =	vld [tilespmem:$0x480];
	[tilespmem:$0x420] =	vst v10;
	v10 =	vadd.s32 v6, v22  }
0xc0: {  	v27 =	vld [tilespmem:$0x490];
	[tilespmem:$0x430] =	vst v10;
	v10 =	vadd.s32 v7, v23  }
0xc1: {  	v28 =	vld [tilespmem:$0x4A0];
	[tilespmem:$0x440] =	vst v10;
	v10 =	vadd.s32 v7, v24  }
0xc2: {  	v29 =	vld [tilespmem:$0x4B0];
	[tilespmem:$0x450] =	vst v10;
	v10 =	vadd.s32 v7, v25  }
0xc3: {  	[tilespmem:$0x460] =	vst v10;
	v10 =	vadd.s32 v7, v11;
	v11 =	vld [tilespmem:$0x4C0]  }
0xc4: {  	v30 =	vld [tilespmem:$0x4D0];
	[tilespmem:$0x470] =	vst v10;
	v10 =	vadd.s32 v8, v26  }
0xc5: {  	v31 =	vld [tilespmem:$0x4E0];
	[tilespmem:$0x480] =	vst v10;
	v10 =	vadd.s32 v8, v27  }
0xc6: {  	v32 =	vld [tilespmem:$0x4F0];
	[tilespmem:$0x490] =	vst v10;
	v10 =	vadd.s32 v8, v28  }
0xc7: {  	[tilespmem:$0x4A0] =	vst v10;
	v10 =	vadd.s32 v8, v29  }
0xc8: {  	[tilespmem:$0x4B0] =	vst v10;
	v10 =	vadd.s32 v9, v11  }
0xc9: {  	[tilespmem:$0x4C0] =	vst v10;
	v10 =	vadd.s32 v9, v30  }
0xca: {  	[tilespmem:$0x4D0] =	vst v10;
	v10 =	vadd.s32 v9, v31  }
0xcb: {  	[tilespmem:$0x4E0] =	vst v10;
	v10 =	vadd.s32 v9, v32  }
0xcc: {  	s24 =	simm.s32 $0xD;
	[tilespmem:$0x4F0] =	vst v10  }
0xcd: {  	_ =	swait.ge [sflag:s24], $0x2000  }
0xce: {  	s17 =	simm.s32 $0x280;
	s0 =	simm.s32 $0x500;
	[sflag:s24] =	ssyncset.done $0x0  }
0xcf: {  	s2 =	simm.s32 $0x40;
	s5 =	simm.s32 $0xE;
	[sflag:s24] =	ssyncadd.s32 $0xFFFFE000  }
0xd0: {  	[tilespmem:s0], [sflag:$0x3] =	stream.indirect.gather [hbm4b:s3+s2], $0x80, s17, s2, $0xb8;
	[tilespmem:$0x14500] =	vst v63  }
0xd1: {  	_ =	swait.ge [sflag:s5], $0x2000  }
0xd2: {  	[sflag:s5] =	ssyncset.done $0x0  }
0xd3: {  	s18 =	simm.s32 $0x2500;
	s30 =	simm.s32 $0xF;
	[sflag:s5] =	ssyncadd.s32 $0xFFFFE000  }
0xd4: {  	[tilespmem:s18], [sflag:$0x4] =	stream.indirect.gather [hbm4b:s3+s2], $0x80, s9, s2, $0xb8;
	[tilespmem:$0x14500] =	vst v63  }
0xd5: {  	_ =	swait.ge [sflag:s30], $0x2000  }
0xd6: {  	[sflag:s30] =	ssyncset.done $0x0  }
0xd7: {  	s21 =	simm.s32 $0x4500;
	s1 =	simm.s32 $0x10;
	[sflag:s30] =	ssyncadd.s32 $0xFFFFE000  }
0xd8: {  	[tilespmem:s21], [sflag:$0x5] =	stream.indirect.gather [hbm4b:s3+s2], $0x80, s19, s2, $0xb8;
	[tilespmem:$0x14500] =	vst v63  }
0xd9: {  	_ =	swait.ge [sflag:s1], $0x2000  }
0xda: {  	[sflag:s1] =	ssyncset.done $0x0  }
0xdb: {  	s22 =	simm.s32 $0x6500;
	s19 =	simm.s32 $0x11;
	[sflag:s1] =	ssyncadd.s32 $0xFFFFE000  }
0xdc: {  	[tilespmem:s22], [sflag:$0x6] =	stream.indirect.gather [hbm4b:s3+s2], $0x80, s13, s2, $0xb8;
	[tilespmem:$0x14500] =	vst v63  }
0xdd: {  	_ =	swait.ge [sflag:s19], $0x2000  }
0xde: {  	[sflag:s19] =	ssyncset.done $0x0  }
0xdf: {  	s28 =	simm.s32 $0x8500;
	s6 =	simm.s32 $0x12;
	[sflag:s19] =	ssyncadd.s32 $0xFFFFE000  }
0xe0: {  	[tilespmem:s28], [sflag:$0x7] =	stream.indirect.gather [hbm4b:s3+s2], $0x80, s15, s2, $0xb8;
	[tilespmem:$0x14500] =	vst v63  }
0xe1: {  	_ =	swait.ge [sflag:s6], $0x2000  }
0xe2: {  	[sflag:s6] =	ssyncset.done $0x0  }
0xe3: {  	s29 =	simm.s32 $0xA500;
	[sflag:s6] =	ssyncadd.s32 $0xFFFFE000  }
0xe4: {  	[tilespmem:s29], [sflag:$0x8] =	stream.indirect.gather [hbm4b:s3+s2], $0x80, s26, s2, $0xb8;
	[tilespmem:$0x14500] =	vst v63  }
0xe5: {  	s26 =	simm.s32 $0x13  }
0xe6: {  	_ =	swait.ge [sflag:s26], $0x2000  }
0xe7: {  	[sflag:s26] =	ssyncset.done $0x0  }
0xe8: {  	s31 =	simm.s32 $0xC500;
	s28 =	simm.s32 $0x14;
	[sflag:s26] =	ssyncadd.s32 $0xFFFFE000  }
0xe9: {  	[tilespmem:s31], [sflag:$0x9] =	stream.indirect.gather [hbm4b:s3+s2], $0x80, s23, s2, $0xb8;
	[tilespmem:$0x14500] =	vst v63  }
0xea: {  	_ =	swait.ge [sflag:s28], $0x2000  }
0xeb: {  	[sflag:s28] =	ssyncset.done $0x0  }
0xec: {  	s9 =	simm.s32 $0xE500;
	s29 =	simm.s32 $0x15;
	[sflag:s28] =	ssyncadd.s32 $0xFFFFE000  }
0xed: {  	[tilespmem:s9], [sflag:$0xA] =	stream.indirect.gather [hbm4b:s3+s2], $0x80, s20, s2, $0xb8;
	[tilespmem:$0x14500] =	vst v63  }
0xee: {  	_ =	swait.ge [sflag:s29], $0x2000  }
0xef: {  	[sflag:s29] =	ssyncset.done $0x0  }
0xf0: {  	s13 =	simm.s32 $0x10500;
	s20 =	simm.s32 $0x16;
	[sflag:s29] =	ssyncadd.s32 $0xFFFFE000  }
0xf1: {  	[tilespmem:s13], [sflag:$0xB] =	stream.indirect.gather [hbm4b:s3+s2], $0x80, s14, s2, $0xb8;
	[tilespmem:$0x14500] =	vst v63  }
0xf2: {  	_ =	swait.ge [sflag:s20], $0x2000  }
0xf3: {  	[sflag:s20] =	ssyncset.done $0x0  }
0xf4: {  	s22 =	simm.s32 $0x3;
	s14 =	simm.s32 $0x12500;
	[sflag:s20] =	ssyncadd.s32 $0xFFFFE000  }
0xf5: {  	[tilespmem:s14], [sflag:$0xC] =	stream.indirect.gather [hbm4b:s3+s2], $0x80, s25, s2, $0xb8;
	[tilespmem:$0x14500] =	vst v63  }
0xf6: {  	_ =	swait.ge [sflag:s22], $0x2000  }
0xf7: {  	s11 =	simm.s32 $0x500;
	s13 =	rddreg [dreg:$0x4];
	[sflag:s22] =	ssyncset.done $0x0  }
0xf8: {  	[sflag:s22] =	ssyncadd.s32 $0xFFFFE000;
	s14 =	sadd.s32 s12, s13;
	s22 =	simm.s32 $0x4  }
0xf9: {  	[hbm4b:s14+s8] =	stream.linear.scatter [tilespmem:s11], [sflag:$0xD], $0x2000, $0x38;
	[tilespmem:$0x14500] =	vst v63  }
0xfa: {  	_ =	swait.ge [sflag:s22], $0x2000  }
0xfb: {  	s4 =	simm.s32 $0x2500;
	[sflag:s22] =	ssyncset.done $0x0  }
0xfc: {  	s13 =	simm.s32 $0x5;
	s14 =	sadd.s32 $0x400, s14;
	[sflag:s22] =	ssyncadd.s32 $0xFFFFE000  }
0xfd: {  	[hbm4b:s14+s8] =	stream.linear.scatter [tilespmem:s4], [sflag:$0xE], $0x2000, $0x38;
	[tilespmem:$0x14500] =	vst v63  }
0xfe: {  	_ =	swait.ge [sflag:s13], $0x2000  }
0xff: {  	s11 =	rddreg [dreg:$0x3]  }
0x100: {  	[sflag:s13] =	ssyncset.done $0x0;
	s14 =	sadd.s32 s12, s11  }
0x101: {  	s16 =	simm.s32 $0x4500;
	[sflag:s13] =	ssyncadd.s32 $0xFFFFE000;
	s22 =	sadd.s32 $0x3000, s14  }
0x102: {  	[hbm4b:s22+s8] =	stream.linear.scatter [tilespmem:s16], [sflag:$0xF], $0x2000, $0x38;
	[tilespmem:$0x14500] =	vst v63  }
0x103: {  	s16 =	simm.s32 $0x6  }
0x104: {  	_ =	swait.ge [sflag:s16], $0x2000  }
0x105: {  	[sflag:s16] =	ssyncset.done $0x0  }
0x106: {  	s21 =	simm.s32 $0x6500;
	s0 =	sadd.s32 $0x3400, s14;
	[sflag:s16] =	ssyncadd.s32 $0xFFFFE000  }
0x107: {  	[hbm4b:s0+s8] =	stream.linear.scatter [tilespmem:s21], [sflag:$0x10], $0x2000, $0x38;
	[tilespmem:$0x14500] =	vst v63  }
0x108: {  	s21 =	simm.s32 $0x7  }
0x109: {  	_ =	swait.ge [sflag:s21], $0x2000  }
0x10a: {  	[sflag:s21] =	ssyncset.done $0x0  }
0x10b: {  	s18 =	simm.s32 $0x8500;
	s11 =	sadd.s32 $0x3800, s14;
	[sflag:s21] =	ssyncadd.s32 $0xFFFFE000  }
0x10c: {  	[hbm4b:s11+s8] =	stream.linear.scatter [tilespmem:s18], [sflag:$0x11], $0x2000, $0x38;
	[tilespmem:$0x14500] =	vst v63  }
0x10d: {  	s18 =	simm.s32 $0x8  }
0x10e: {  	_ =	swait.ge [sflag:s18], $0x2000  }
0x10f: {  	[sflag:s18] =	ssyncset.done $0x0  }
0x110: {  	s15 =	simm.s32 $0xA500;
	s22 =	sadd.s32 $0x3C00, s14;
	[sflag:s18] =	ssyncadd.s32 $0xFFFFE000  }
0x111: {  	[hbm4b:s22+s8] =	stream.linear.scatter [tilespmem:s15], [sflag:$0x12], $0x2000, $0x38;
	[tilespmem:$0x14500] =	vst v63  }
0x112: {  	s15 =	simm.s32 $0x9  }
0x113: {  	_ =	swait.ge [sflag:s15], $0x2000  }
0x114: {  	[sflag:s15] =	ssyncset.done $0x0  }
0x115: {  	s31 =	simm.s32 $0xC500;
	s0 =	sadd.s32 $0x4000, s14;
	[sflag:s15] =	ssyncadd.s32 $0xFFFFE000  }
0x116: {  	[hbm4b:s0+s8] =	stream.linear.scatter [tilespmem:s31], [sflag:$0x13], $0x2000, $0x38;
	[tilespmem:$0x14500] =	vst v63  }
0x117: {  	s31 =	simm.s32 $0xA  }
0x118: {  	_ =	swait.ge [sflag:s31], $0x2000  }
0x119: {  	[sflag:s31] =	ssyncset.done $0x0  }
0x11a: {  	s9 =	simm.s32 $0xE500;
	s11 =	sadd.s32 $0x4400, s14;
	[sflag:s31] =	ssyncadd.s32 $0xFFFFE000  }
0x11b: {  	[hbm4b:s11+s8] =	stream.linear.scatter [tilespmem:s9], [sflag:$0x14], $0x2000, $0x38;
	[tilespmem:$0x14500] =	vst v63  }
0x11c: {  	s9 =	simm.s32 $0xB  }
0x11d: {  	_ =	swait.ge [sflag:s9], $0x2000  }
0x11e: {  	s23 =	simm.s32 $0x10500;
	[sflag:s9] =	ssyncset.done $0x0  }
0x11f: {  	s22 =	sadd.s32 $0x4800, s14;
	s11 =	simm.s32 $0xC;
	[sflag:s9] =	ssyncadd.s32 $0xFFFFE000  }
0x120: {  	[hbm4b:s22+s8] =	stream.linear.scatter [tilespmem:s23], [sflag:$0x15], $0x2000, $0x38;
	[tilespmem:$0x14500] =	vst v63  }
0x121: {  	_ =	swait.ge [sflag:s11], $0x2000  }
0x122: {  	[sflag:s11] =	ssyncset.done $0x0  }
0x123: {  	s25 =	simm.s32 $0x12500;
	s0 =	sadd.s32 $0x4C00, s14;
	[sflag:s11] =	ssyncadd.s32 $0xFFFFE000  }
0x124: {  	[hbm4b:s0+s8] =	stream.linear.scatter [tilespmem:s25], [sflag:$0x16], $0x2000, $0x38;
	[tilespmem:$0x14500] =	vst v63  }
0x125: {  	_ = 	snop  }
0x126: {  	[tilespmem:s17], [sflag:$0x2] =	stream.linear.gather [hbm4b:s10+s8], $0x280, $0x38;
	[tilespmem:$0x14500] =	vst v63  }
0x127: {  	s17 =	simm.s32 $0x1  }
0x128: {  	_ =	swait.ge [sflag:s17], $0x280  }
0x129: {  	[sflag:s17] =	ssyncset.done $0x0  }
0x12a: {  	[sflag:s17] =	ssyncadd.s32 $0xFFFFFD80  }
0x12b: {  	v10 =	vld [tilespmem:$0x0]  }
0x12c: {  	v11 =	vld [tilespmem:$0x10]  }
0x12d: {  	v33 =	vld [tilespmem:$0x20]  }
0x12e: {  	v34 =	vld [tilespmem:$0x30]  }
0x12f: {  	v35 =	vld [tilespmem:$0x40]  }
0x130: {  	v36 =	vld [tilespmem:$0x50];
	v10 =	vadd.s32 v0, v10  }
0x131: {  	[tilespmem:$0x0] =	vst v10;
	v10 =	vadd.s32 v0, v11;
	v11 =	vld [tilespmem:$0x60]  }
0x132: {  	v37 =	vld [tilespmem:$0x70];
	[tilespmem:$0x10] =	vst v10;
	v10 =	vadd.s32 v0, v33  }
0x133: {  	v38 =	vld [tilespmem:$0x80];
	[tilespmem:$0x20] =	vst v10;
	v10 =	vadd.s32 v0, v34  }
0x134: {  	v39 =	vld [tilespmem:$0x90];
	[tilespmem:$0x30] =	vst v10;
	v10 =	vadd.s32 v1, v35  }
0x135: {  	v40 =	vld [tilespmem:$0xA0];
	[tilespmem:$0x40] =	vst v10;
	v10 =	vadd.s32 v1, v36  }
0x136: {  	[tilespmem:$0x50] =	vst v10;
	v10 =	vadd.s32 v1, v11;
	v11 =	vld [tilespmem:$0xB0]  }
0x137: {  	v41 =	vld [tilespmem:$0xC0];
	[tilespmem:$0x60] =	vst v10;
	v10 =	vadd.s32 v1, v37  }
0x138: {  	v42 =	vld [tilespmem:$0xD0];
	[tilespmem:$0x70] =	vst v10;
	v10 =	vadd.s32 v2, v38  }
0x139: {  	v43 =	vld [tilespmem:$0xE0];
	[tilespmem:$0x80] =	vst v10;
	v10 =	vadd.s32 v2, v39  }
0x13a: {  	v44 =	vld [tilespmem:$0xF0];
	[tilespmem:$0x90] =	vst v10;
	v10 =	vadd.s32 v2, v40  }
0x13b: {  	[tilespmem:$0xA0] =	vst v10;
	v10 =	vadd.s32 v2, v11;
	v11 =	vld [tilespmem:$0x100]  }
0x13c: {  	v45 =	vld [tilespmem:$0x110];
	[tilespmem:$0xB0] =	vst v10;
	v10 =	vadd.s32 v3, v41  }
0x13d: {  	v46 =	vld [tilespmem:$0x120];
	[tilespmem:$0xC0] =	vst v10;
	v10 =	vadd.s32 v3, v42  }
0x13e: {  	v47 =	vld [tilespmem:$0x130];
	[tilespmem:$0xD0] =	vst v10;
	v10 =	vadd.s32 v3, v43  }
0x13f: {  	v48 =	vld [tilespmem:$0x140];
	[tilespmem:$0xE0] =	vst v10;
	v10 =	vadd.s32 v3, v44  }
0x140: {  	[tilespmem:$0xF0] =	vst v10;
	v10 =	vadd.s32 v4, v11;
	v11 =	vld [tilespmem:$0x150]  }
0x141: {  	v49 =	vld [tilespmem:$0x160];
	[tilespmem:$0x100] =	vst v10;
	v10 =	vadd.s32 v4, v45  }
0x142: {  	v50 =	vld [tilespmem:$0x170];
	[tilespmem:$0x110] =	vst v10;
	v10 =	vadd.s32 v4, v46  }
0x143: {  	v51 =	vld [tilespmem:$0x180];
	[tilespmem:$0x120] =	vst v10;
	v10 =	vadd.s32 v4, v47  }
0x144: {  	v52 =	vld [tilespmem:$0x190];
	[tilespmem:$0x130] =	vst v10;
	v10 =	vadd.s32 v5, v48  }
0x145: {  	[tilespmem:$0x140] =	vst v10;
	v10 =	vadd.s32 v5, v11;
	v11 =	vld [tilespmem:$0x1A0]  }
0x146: {  	v53 =	vld [tilespmem:$0x1B0];
	[tilespmem:$0x150] =	vst v10;
	v10 =	vadd.s32 v5, v49  }
0x147: {  	v54 =	vld [tilespmem:$0x1C0];
	[tilespmem:$0x160] =	vst v10;
	v10 =	vadd.s32 v5, v50  }
0x148: {  	v55 =	vld [tilespmem:$0x1D0];
	[tilespmem:$0x170] =	vst v10;
	v10 =	vadd.s32 v6, v51  }
0x149: {  	v56 =	vld [tilespmem:$0x1E0];
	[tilespmem:$0x180] =	vst v10;
	v10 =	vadd.s32 v6, v52  }
0x14a: {  	[tilespmem:$0x190] =	vst v10;
	v10 =	vadd.s32 v6, v11;
	v11 =	vld [tilespmem:$0x1F0]  }
0x14b: {  	v57 =	vld [tilespmem:$0x200];
	[tilespmem:$0x1A0] =	vst v10;
	v10 =	vadd.s32 v6, v53  }
0x14c: {  	v58 =	vld [tilespmem:$0x210];
	[tilespmem:$0x1B0] =	vst v10;
	v10 =	vadd.s32 v7, v54  }
0x14d: {  	v59 =	vld [tilespmem:$0x220];
	[tilespmem:$0x1C0] =	vst v10;
	v10 =	vadd.s32 v7, v55  }
0x14e: {  	v60 =	vld [tilespmem:$0x230];
	[tilespmem:$0x1D0] =	vst v10;
	v10 =	vadd.s32 v7, v56  }
0x14f: {  	[tilespmem:$0x1E0] =	vst v10;
	v10 =	vadd.s32 v7, v11;
	v11 =	vld [tilespmem:$0x240]  }
0x150: {  	v61 =	vld [tilespmem:$0x250];
	[tilespmem:$0x1F0] =	vst v10;
	v10 =	vadd.s32 v8, v57  }
0x151: {  	v62 =	vld [tilespmem:$0x260];
	[tilespmem:$0x200] =	vst v10;
	v10 =	vadd.s32 v8, v58  }
0x152: {  	v63 =	vld [tilespmem:$0x270];
	[tilespmem:$0x210] =	vst v10;
	v10 =	vadd.s32 v8, v59  }
0x153: {  	[tilespmem:$0x220] =	vst v10;
	v10 =	vadd.s32 v8, v60  }
0x154: {  	[tilespmem:$0x230] =	vst v10;
	v10 =	vadd.s32 v9, v11  }
0x155: {  	[tilespmem:$0x240] =	vst v10;
	v10 =	vadd.s32 v9, v61  }
0x156: {  	[tilespmem:$0x250] =	vst v10;
	v10 =	vadd.s32 v9, v62  }
0x157: {  	[tilespmem:$0x260] =	vst v10;
	v10 =	vadd.s32 v9, v63  }
0x158: {  	[tilespmem:$0x270] =	vst v10  }
0x159: {  	_ =	swait.ge [sflag:s24], $0x2000  }
0x15a: {  	[sflag:s24] =	ssyncset.done $0x0  }
0x15b: {  	s17 =	simm.s32 $0x500;
	[sflag:s24] =	ssyncadd.s32 $0xFFFFE000  }
0x15c: {  	[tilespmem:s17], [sflag:$0x3] =	stream.indirect.gather [hbm4b:s3+s2], $0x80, s8, s2, $0xb8;
	[tilespmem:$0x14500] =	vst v63  }
0x15d: {  	_ =	swait.ge [sflag:s5], $0x2000  }
0x15e: {  	[sflag:s5] =	ssyncset.done $0x0  }
0x15f: {  	[sflag:s5] =	ssyncadd.s32 $0xFFFFE000;
	s5 =	simm.s32 $0x2500  }
0x160: {  	[tilespmem:s5], [sflag:$0x4] =	stream.indirect.gather [hbm4b:s3+s2], $0x80, s2, s2, $0xb8;
	[tilespmem:$0x14500] =	vst v63  }
0x161: {  	_ =	swait.ge [sflag:s30], $0x2000  }
0x162: {  	[sflag:s30] =	ssyncset.done $0x0  }
0x163: {  	s22 =	simm.s32 $0x80;
	s0 =	simm.s32 $0x4500;
	[sflag:s30] =	ssyncadd.s32 $0xFFFFE000  }
0x164: {  	[tilespmem:s0], [sflag:$0x5] =	stream.indirect.gather [hbm4b:s3+s2], $0x80, s22, s2, $0xb8;
	[tilespmem:$0x14500] =	vst v63  }
0x165: {  	_ =	swait.ge [sflag:s1], $0x2000  }
0x166: {  	[sflag:s1] =	ssyncset.done $0x0  }
0x167: {  	s23 =	simm.s32 $0xC0;
	s22 =	simm.s32 $0x6500;
	[sflag:s1] =	ssyncadd.s32 $0xFFFFE000  }
0x168: {  	[tilespmem:s22], [sflag:$0x6] =	stream.indirect.gather [hbm4b:s3+s2], $0x80, s23, s2, $0xb8;
	[tilespmem:$0x14500] =	vst v63  }
0x169: {  	_ =	swait.ge [sflag:s19], $0x2000  }
0x16a: {  	[sflag:s19] =	ssyncset.done $0x0  }
0x16b: {  	s24 =	simm.s32 $0x100;
	s23 =	simm.s32 $0x8500;
	[sflag:s19] =	ssyncadd.s32 $0xFFFFE000  }
0x16c: {  	[tilespmem:s23], [sflag:$0x7] =	stream.indirect.gather [hbm4b:s3+s2], $0x80, s24, s2, $0xb8;
	[tilespmem:$0x14500] =	vst v63  }
0x16d: {  	_ =	swait.ge [sflag:s6], $0x2000  }
0x16e: {  	[sflag:s6] =	ssyncset.done $0x0  }
0x16f: {  	s25 =	simm.s32 $0x140;
	s30 =	simm.s32 $0xA500;
	[sflag:s6] =	ssyncadd.s32 $0xFFFFE000  }
0x170: {  	[tilespmem:s30], [sflag:$0x8] =	stream.indirect.gather [hbm4b:s3+s2], $0x80, s25, s2, $0xb8;
	[tilespmem:$0x14500] =	vst v63  }
0x171: {  	_ =	swait.ge [sflag:s26], $0x2000  }
0x172: {  	[sflag:s26] =	ssyncset.done $0x0  }
0x173: {  	s25 =	simm.s32 $0xC500;
	[sflag:s26] =	ssyncadd.s32 $0xFFFFE000;
	s26 =	simm.s32 $0x180  }
0x174: {  	[tilespmem:s25], [sflag:$0x9] =	stream.indirect.gather [hbm4b:s3+s2], $0x80, s26, s2, $0xb8;
	[tilespmem:$0x14500] =	vst v63  }
0x175: {  	_ =	swait.ge [sflag:s28], $0x2000  }
0x176: {  	[sflag:s28] =	ssyncset.done $0x0  }
0x177: {  	s4 =	simm.s32 $0x1C0;
	[sflag:s28] =	ssyncadd.s32 $0xFFFFE000;
	s28 =	simm.s32 $0xE500  }
0x178: {  	[tilespmem:s28], [sflag:$0xA] =	stream.indirect.gather [hbm4b:s3+s2], $0x80, s4, s2, $0xb8;
	[tilespmem:$0x14500] =	vst v63  }
0x179: {  	_ =	swait.ge [sflag:s29], $0x2000  }
0x17a: {  	[sflag:s29] =	ssyncset.done $0x0  }
0x17b: {  	s24 =	simm.s32 $0x10500;
	s6 =	simm.s32 $0x200;
	[sflag:s29] =	ssyncadd.s32 $0xFFFFE000  }
0x17c: {  	[tilespmem:s24], [sflag:$0xB] =	stream.indirect.gather [hbm4b:s3+s2], $0x80, s6, s2, $0xb8;
	[tilespmem:$0x14500] =	vst v63  }
0x17d: {  	_ =	swait.ge [sflag:s20], $0x2000  }
0x17e: {  	s19 =	simm.s32 $0x240;
	[sflag:s20] =	ssyncset.done $0x0  }
0x17f: {  	s6 =	simm.s32 $0x12500;
	[sflag:s20] =	ssyncadd.s32 $0xFFFFE000;
	s20 =	simm.s32 $0x3  }
0x180: {  	[tilespmem:s6], [sflag:$0xC] =	stream.indirect.gather [hbm4b:s3+s2], $0x80, s19, s2, $0xb8;
	[tilespmem:$0x14500] =	vst v63  }
0x181: {  	_ =	swait.ge [sflag:s20], $0x2000  }
0x182: {  	s26 =	rddreg [dreg:$0x5];
	[sflag:s20] =	ssyncset.done $0x0  }
0x183: {  	s29 =	simm.s32 $0x4;
	[sflag:s20] =	ssyncadd.s32 $0xFFFFE000;
	s4 =	sadd.s32 s12, s26  }
0x184: {  	[hbm4b:s4+s8] =	stream.linear.scatter [tilespmem:s17], [sflag:$0xD], $0x2000, $0x38;
	[tilespmem:$0x14500] =	vst v63  }
0x185: {  	_ =	swait.ge [sflag:s29], $0x2000  }
0x186: {  	[sflag:s29] =	ssyncset.done $0x0  }
0x187: {  	s2 =	sadd.s32 $0x400, s4;
	[sflag:s29] =	ssyncadd.s32 $0xFFFFE000  }
0x188: {  	[hbm4b:s2+s8] =	stream.linear.scatter [tilespmem:s5], [sflag:$0xE], $0x2000, $0x38;
	[tilespmem:$0x14500] =	vst v63  }
0x189: {  	_ =	swait.ge [sflag:s13], $0x2000  }
0x18a: {  	[sflag:s13] =	ssyncset.done $0x0  }
0x18b: {  	s5 =	sadd.s32 $0x800, s4;
	[sflag:s13] =	ssyncadd.s32 $0xFFFFE000  }
0x18c: {  	[hbm4b:s5+s8] =	stream.linear.scatter [tilespmem:s0], [sflag:$0xF], $0x2000, $0x38;
	[tilespmem:$0x14500] =	vst v63  }
0x18d: {  	_ =	swait.ge [sflag:s16], $0x2000  }
0x18e: {  	[sflag:s16] =	ssyncset.done $0x0  }
0x18f: {  	s4 =	sadd.s32 $0xC00, s4;
	[sflag:s16] =	ssyncadd.s32 $0xFFFFE000  }
0x190: {  	[hbm4b:s4+s8] =	stream.linear.scatter [tilespmem:s22], [sflag:$0x10], $0x2000, $0x38;
	[tilespmem:$0x14500] =	vst v63  }
0x191: {  	_ =	swait.ge [sflag:s21], $0x2000  }
0x192: {  	[sflag:s21] =	ssyncset.done $0x0  }
0x193: {  	s17 =	sadd.s32 $0x6000, s14;
	[sflag:s21] =	ssyncadd.s32 $0xFFFFE000  }
0x194: {  	[hbm4b:s17+s8] =	stream.linear.scatter [tilespmem:s23], [sflag:$0x11], $0x2000, $0x38;
	[tilespmem:$0x14500] =	vst v63  }
0x195: {  	_ =	swait.ge [sflag:s18], $0x2000  }
0x196: {  	[sflag:s18] =	ssyncset.done $0x0  }
0x197: {  	s21 =	sadd.s32 $0x6400, s14;
	[sflag:s18] =	ssyncadd.s32 $0xFFFFE000  }
0x198: {  	[hbm4b:s21+s8] =	stream.linear.scatter [tilespmem:s30], [sflag:$0x12], $0x2000, $0x38;
	[tilespmem:$0x14500] =	vst v63  }
0x199: {  	_ =	swait.ge [sflag:s15], $0x2000  }
0x19a: {  	[sflag:s15] =	ssyncset.done $0x0  }
0x19b: {  	s22 =	sadd.s32 $0x6800, s14;
	[sflag:s15] =	ssyncadd.s32 $0xFFFFE000  }
0x19c: {  	[hbm4b:s22+s8] =	stream.linear.scatter [tilespmem:s25], [sflag:$0x13], $0x2000, $0x38;
	[tilespmem:$0x14500] =	vst v63  }
0x19d: {  	_ =	swait.ge [sflag:s31], $0x2000  }
0x19e: {  	p0 =	sne.s32 s12, $0x186000;
	[sflag:s31] =	ssyncset.done $0x0  }
0x19f: {  	s7 =	sadd.s32 $0xA0, s7;
	s29 =	sadd.s32 $0x6C00, s14;
	[sflag:s31] =	ssyncadd.s32 $0xFFFFE000  }
0x1a0: {  	[hbm4b:s29+s8] =	stream.linear.scatter [tilespmem:s28], [sflag:$0x14], $0x2000, $0x38;
	[tilespmem:$0x14500] =	vst v63  }
0x1a1: {  	s10 =	sadd.s32 $0xA0, s10;
	s1 =	simm.s32 $0x2;
	_ =	swait.ge [sflag:s9], $0x2000  }
0x1a2: {  	s19 =	simm.s32 $0x300;
	s26 =	simm.s32 $0x3C0;
	[sflag:s9] =	ssyncset.done $0x0  }
0x1a3: {  	s20 =	simm.s32 $0x440;
	s30 =	sadd.s32 $0x7000, s14;
	[sflag:s9] =	ssyncadd.s32 $0xFFFFE000  }
0x1a4: {  	[hbm4b:s30+s8] =	stream.linear.scatter [tilespmem:s24], [sflag:$0x15], $0x2000, $0x38;
	[tilespmem:$0x14500] =	vst v63  }
.Ltmp0:
0x1a5: {  	s12 =	sadd.s32 $0x5000, s12;
	s13 =	simm.s32 $0x340;
	(pc) =	sbr.rel @p0 .LBB2_2-.Ltmp0, $4  }
0x1a6: {  	s23 =	simm.s32 $0x400;
	s15 =	simm.s32 $0x380;
	_ =	swait.ge [sflag:s11], $0x2000  }
0x1a7: {  	s25 =	simm.s32 $0x4C0;
	s31 =	sadd.s32 $0x7400, s14;
	[sflag:s11] =	ssyncset.done $0x0  }
0x1a8: {  	s14 =	simm.s32 $0x480;
	s9 =	simm.s32 $0x2C0;
	[sflag:s11] =	ssyncadd.s32 $0xFFFFE000  }
0x1a9: {  	[hbm4b:s31+s8] =	stream.linear.scatter [tilespmem:s6], [sflag:$0x16], $0x2000, $0x38;
	[tilespmem:$0x14500] =	vst v63  }
0x1aa: {  	_ =	swait.ge [sflag:s1], $0x280  }
0x1ab: {  	[sflag:s1] =	ssyncset.done $0x0  }
0x1ac: {  	[sflag:s1] =	ssyncadd.s32 $0xFFFFFD80  }
0x1ad: {  	v10 =	vld [tilespmem:$0x280]  }
0x1ae: {  	v11 =	vld [tilespmem:$0x290]  }
0x1af: {  	v12 =	vld [tilespmem:$0x2A0]  }
0x1b0: {  	v13 =	vld [tilespmem:$0x2B0]  }
0x1b1: {  	v14 =	vld [tilespmem:$0x2C0]  }
0x1b2: {  	v15 =	vld [tilespmem:$0x2D0];
	v10 =	vadd.s32 v0, v10  }
0x1b3: {  	[tilespmem:$0x280] =	vst v10;
	v10 =	vadd.s32 v0, v11;
	v11 =	vld [tilespmem:$0x2E0]  }
0x1b4: {  	v37 =	vld [tilespmem:$0x2F0];
	[tilespmem:$0x290] =	vst v10;
	v10 =	vadd.s32 v0, v12  }
0x1b5: {  	v38 =	vld [tilespmem:$0x300];
	[tilespmem:$0x2A0] =	vst v10;
	v10 =	vadd.s32 v0, v13  }
0x1b6: {  	v39 =	vld [tilespmem:$0x310];
	[tilespmem:$0x2B0] =	vst v10;
	v10 =	vadd.s32 v1, v14  }
0x1b7: {  	v40 =	vld [tilespmem:$0x320];
	[tilespmem:$0x2C0] =	vst v10;
	v10 =	vadd.s32 v1, v15  }
0x1b8: {  	[tilespmem:$0x2D0] =	vst v10;
	v10 =	vadd.s32 v1, v11;
	v11 =	vld [tilespmem:$0x330]  }
0x1b9: {  	v41 =	vld [tilespmem:$0x340];
	[tilespmem:$0x2E0] =	vst v10;
	v10 =	vadd.s32 v1, v37  }
0x1ba: {  	v42 =	vld [tilespmem:$0x350];
	[tilespmem:$0x2F0] =	vst v10;
	v10 =	vadd.s32 v2, v38  }
0x1bb: {  	v43 =	vld [tilespmem:$0x360];
	[tilespmem:$0x300] =	vst v10;
	v10 =	vadd.s32 v2, v39  }
0x1bc: {  	v44 =	vld [tilespmem:$0x370];
	[tilespmem:$0x310] =	vst v10;
	v10 =	vadd.s32 v2, v40  }
0x1bd: {  	[tilespmem:$0x320] =	vst v10;
	v10 =	vadd.s32 v2, v11;
	v11 =	vld [tilespmem:$0x380]  }
0x1be: {  	v45 =	vld [tilespmem:$0x390];
	[tilespmem:$0x330] =	vst v10;
	v10 =	vadd.s32 v3, v41  }
0x1bf: {  	v46 =	vld [tilespmem:$0x3A0];
	[tilespmem:$0x340] =	vst v10;
	v10 =	vadd.s32 v3, v42  }
0x1c0: {  	v47 =	vld [tilespmem:$0x3B0];
	[tilespmem:$0x350] =	vst v10;
	v10 =	vadd.s32 v3, v43  }
0x1c1: {  	v48 =	vld [tilespmem:$0x3C0];
	[tilespmem:$0x360] =	vst v10;
	v10 =	vadd.s32 v3, v44  }
0x1c2: {  	[tilespmem:$0x370] =	vst v10;
	v10 =	vadd.s32 v4, v11;
	v11 =	vld [tilespmem:$0x3D0]  }
0x1c3: {  	v49 =	vld [tilespmem:$0x3E0];
	[tilespmem:$0x380] =	vst v10;
	v10 =	vadd.s32 v4, v45  }
0x1c4: {  	v50 =	vld [tilespmem:$0x3F0];
	[tilespmem:$0x390] =	vst v10;
	v10 =	vadd.s32 v4, v46  }
0x1c5: {  	v51 =	vld [tilespmem:$0x400];
	[tilespmem:$0x3A0] =	vst v10;
	v10 =	vadd.s32 v4, v47  }
0x1c6: {  	v52 =	vld [tilespmem:$0x410];
	[tilespmem:$0x3B0] =	vst v10;
	v10 =	vadd.s32 v5, v48  }
0x1c7: {  	[tilespmem:$0x3C0] =	vst v10;
	v10 =	vadd.s32 v5, v11;
	v11 =	vld [tilespmem:$0x420]  }
0x1c8: {  	v53 =	vld [tilespmem:$0x430];
	[tilespmem:$0x3D0] =	vst v10;
	v10 =	vadd.s32 v5, v49  }
0x1c9: {  	v54 =	vld [tilespmem:$0x440];
	[tilespmem:$0x3E0] =	vst v10;
	v10 =	vadd.s32 v5, v50  }
0x1ca: {  	v55 =	vld [tilespmem:$0x450];
	[tilespmem:$0x3F0] =	vst v10;
	v10 =	vadd.s32 v6, v51  }
0x1cb: {  	v56 =	vld [tilespmem:$0x460];
	[tilespmem:$0x400] =	vst v10;
	v10 =	vadd.s32 v6, v52  }
0x1cc: {  	[tilespmem:$0x410] =	vst v10;
	v10 =	vadd.s32 v6, v11;
	v11 =	vld [tilespmem:$0x470]  }
0x1cd: {  	v57 =	vld [tilespmem:$0x480];
	[tilespmem:$0x420] =	vst v10;
	v10 =	vadd.s32 v6, v53  }
0x1ce: {  	v58 =	vld [tilespmem:$0x490];
	[tilespmem:$0x430] =	vst v10;
	v10 =	vadd.s32 v7, v54  }
0x1cf: {  	v59 =	vld [tilespmem:$0x4A0];
	[tilespmem:$0x440] =	vst v10;
	v10 =	vadd.s32 v7, v55  }
0x1d0: {  	v60 =	vld [tilespmem:$0x4B0];
	[tilespmem:$0x450] =	vst v10;
	v10 =	vadd.s32 v7, v56  }
0x1d1: {  	[tilespmem:$0x460] =	vst v10;
	v10 =	vadd.s32 v7, v11;
	v11 =	vld [tilespmem:$0x4C0]  }
0x1d2: {  	v61 =	vld [tilespmem:$0x4D0];
	[tilespmem:$0x470] =	vst v10;
	v10 =	vadd.s32 v8, v57  }
0x1d3: {  	v62 =	vld [tilespmem:$0x4E0];
	[tilespmem:$0x480] =	vst v10;
	v10 =	vadd.s32 v8, v58  }
0x1d4: {  	v63 =	vld [tilespmem:$0x4F0];
	[tilespmem:$0x490] =	vst v10;
	v10 =	vadd.s32 v8, v59  }
0x1d5: {  	[tilespmem:$0x4A0] =	vst v10;
	v10 =	vadd.s32 v8, v60  }
0x1d6: {  	[tilespmem:$0x4B0] =	vst v10;
	v10 =	vadd.s32 v9, v11  }
0x1d7: {  	[tilespmem:$0x4C0] =	vst v10;
	v10 =	vadd.s32 v9, v61  }
0x1d8: {  	[tilespmem:$0x4D0] =	vst v10;
	v10 =	vadd.s32 v9, v62  }
0x1d9: {  	[tilespmem:$0x4E0] =	vst v10;
	v10 =	vadd.s32 v9, v63  }
0x1da: {  	s24 =	simm.s32 $0xD;
	[tilespmem:$0x4F0] =	vst v10  }
0x1db: {  	_ =	swait.ge [sflag:s24], $0x2000  }
0x1dc: {  	s22 =	simm.s32 $0x500;
	s0 =	simm.s32 $0x280;
	[sflag:s24] =	ssyncset.done $0x0  }
0x1dd: {  	s2 =	simm.s32 $0x40;
	s8 =	simm.s32 $0xE;
	[sflag:s24] =	ssyncadd.s32 $0xFFFFE000  }
0x1de: {  	[tilespmem:s22], [sflag:$0x3] =	stream.indirect.gather [hbm4b:s3+s2], $0x80, s0, s2, $0xb8;
	[tilespmem:$0x14500] =	vst v63  }
0x1df: {  	_ =	swait.ge [sflag:s8], $0x2000  }
0x1e0: {  	[sflag:s8] =	ssyncset.done $0x0  }
0x1e1: {  	s10 =	simm.s32 $0x2500;
	s16 =	simm.s32 $0xF;
	[sflag:s8] =	ssyncadd.s32 $0xFFFFE000  }
0x1e2: {  	[tilespmem:s10], [sflag:$0x4] =	stream.indirect.gather [hbm4b:s3+s2], $0x80, s9, s2, $0xb8;
	[tilespmem:$0x14500] =	vst v63  }
0x1e3: {  	_ =	swait.ge [sflag:s16], $0x2000  }
0x1e4: {  	[sflag:s16] =	ssyncset.done $0x0  }
0x1e5: {  	s12 =	simm.s32 $0x4500;
	s5 =	simm.s32 $0x10;
	[sflag:s16] =	ssyncadd.s32 $0xFFFFE000  }
0x1e6: {  	[tilespmem:s12], [sflag:$0x5] =	stream.indirect.gather [hbm4b:s3+s2], $0x80, s19, s2, $0xb8;
	[tilespmem:$0x14500] =	vst v63  }
0x1e7: {  	_ =	swait.ge [sflag:s5], $0x2000  }
0x1e8: {  	[sflag:s5] =	ssyncset.done $0x0  }
0x1e9: {  	s11 =	simm.s32 $0x11;
	s0 =	simm.s32 $0x6500;
	[sflag:s5] =	ssyncadd.s32 $0xFFFFE000  }
0x1ea: {  	[tilespmem:s0], [sflag:$0x6] =	stream.indirect.gather [hbm4b:s3+s2], $0x80, s13, s2, $0xb8;
	[tilespmem:$0x14500] =	vst v63  }
0x1eb: {  	_ =	swait.ge [sflag:s11], $0x2000  }
0x1ec: {  	[sflag:s11] =	ssyncset.done $0x0  }
0x1ed: {  	s17 =	simm.s32 $0x8500;
	s6 =	simm.s32 $0x12;
	[sflag:s11] =	ssyncadd.s32 $0xFFFFE000  }
0x1ee: {  	[tilespmem:s17], [sflag:$0x7] =	stream.indirect.gather [hbm4b:s3+s2], $0x80, s15, s2, $0xb8;
	[tilespmem:$0x14500] =	vst v63  }
0x1ef: {  	_ =	swait.ge [sflag:s6], $0x2000  }
0x1f0: {  	[sflag:s6] =	ssyncset.done $0x0  }
0x1f1: {  	s18 =	simm.s32 $0xA500;
	s7 =	simm.s32 $0x13;
	[sflag:s6] =	ssyncadd.s32 $0xFFFFE000  }
0x1f2: {  	[tilespmem:s18], [sflag:$0x8] =	stream.indirect.gather [hbm4b:s3+s2], $0x80, s26, s2, $0xb8;
	[tilespmem:$0x14500] =	vst v63  }
0x1f3: {  	_ =	swait.ge [sflag:s7], $0x2000  }
0x1f4: {  	[sflag:s7] =	ssyncset.done $0x0  }
0x1f5: {  	s30 =	simm.s32 $0xC500;
	s28 =	simm.s32 $0x14;
	[sflag:s7] =	ssyncadd.s32 $0xFFFFE000  }
0x1f6: {  	[tilespmem:s30], [sflag:$0x9] =	stream.indirect.gather [hbm4b:s3+s2], $0x80, s23, s2, $0xb8;
	[tilespmem:$0x14500] =	vst v63  }
0x1f7: {  	_ =	swait.ge [sflag:s28], $0x2000  }
0x1f8: {  	[sflag:s28] =	ssyncset.done $0x0  }
0x1f9: {  	s31 =	simm.s32 $0xE500;
	s29 =	simm.s32 $0x15;
	[sflag:s28] =	ssyncadd.s32 $0xFFFFE000  }
0x1fa: {  	[tilespmem:s31], [sflag:$0xA] =	stream.indirect.gather [hbm4b:s3+s2], $0x80, s20, s2, $0xb8;
	[tilespmem:$0x14500] =	vst v63  }
0x1fb: {  	_ =	swait.ge [sflag:s29], $0x2000  }
0x1fc: {  	[sflag:s29] =	ssyncset.done $0x0  }
0x1fd: {  	s4 =	simm.s32 $0x10500;
	s21 =	simm.s32 $0x16;
	[sflag:s29] =	ssyncadd.s32 $0xFFFFE000  }
0x1fe: {  	[tilespmem:s4], [sflag:$0xB] =	stream.indirect.gather [hbm4b:s3+s2], $0x80, s14, s2, $0xb8;
	[tilespmem:$0x14500] =	vst v63  }
0x1ff: {  	_ =	swait.ge [sflag:s21], $0x2000  }
0x200: {  	[sflag:s21] =	ssyncset.done $0x0  }
0x201: {  	s4 =	simm.s32 $0x12500;
	[sflag:s21] =	ssyncadd.s32 $0xFFFFE000  }
0x202: {  	[tilespmem:s4], [sflag:$0xC] =	stream.indirect.gather [hbm4b:s3+s2], $0x80, s25, s2, $0xb8;
	[tilespmem:$0x14500] =	vst v63  }
0x203: {  	s2 =	simm.s32 $0x3  }
0x204: {  	_ =	swait.ge [sflag:s2], $0x2000  }
0x205: {  	[sflag:s2] =	ssyncset.done $0x0  }
0x206: {  	s4 =	rddreg [dreg:$0xe];
	[sflag:s2] =	ssyncadd.s32 $0xFFFFE000;
	s2 =	simm.s32 $0x0  }
0x207: {  	[hbm4b:s4+s2] =	stream.linear.scatter [tilespmem:s22], [sflag:$0xD], $0x2000, $0x38;
	[tilespmem:$0x14500] =	vst v63  }
0x208: {  	s22 =	simm.s32 $0x4  }
0x209: {  	_ =	swait.ge [sflag:s22], $0x2000  }
0x20a: {  	[sflag:s22] =	ssyncset.done $0x0  }
0x20b: {  	[sflag:s22] =	ssyncadd.s32 $0xFFFFE000;
	s22 =	rddreg [dreg:$0xf]  }
0x20c: {  	[hbm4b:s22+s2] =	stream.linear.scatter [tilespmem:s10], [sflag:$0xE], $0x2000, $0x38;
	[tilespmem:$0x14500] =	vst v63  }
0x20d: {  	s10 =	simm.s32 $0x5  }
0x20e: {  	_ =	swait.ge [sflag:s10], $0x2000  }
0x20f: {  	[sflag:s10] =	ssyncset.done $0x0  }
0x210: {  	s22 =	rddreg [dreg:$0x10];
	[sflag:s10] =	ssyncadd.s32 $0xFFFFE000;
	s10 =	simm.s32 $0x6  }
0x211: {  	[hbm4b:s22+s2] =	stream.linear.scatter [tilespmem:s12], [sflag:$0xF], $0x2000, $0x38;
	[tilespmem:$0x14500] =	vst v63  }
0x212: {  	_ =	swait.ge [sflag:s10], $0x2000  }
0x213: {  	[sflag:s10] =	ssyncset.done $0x0  }
0x214: {  	s22 =	simm.s32 $0x7;
	s12 =	rddreg [dreg:$0x11];
	[sflag:s10] =	ssyncadd.s32 $0xFFFFE000  }
0x215: {  	[hbm4b:s12+s2] =	stream.linear.scatter [tilespmem:s0], [sflag:$0x10], $0x2000, $0x38;
	[tilespmem:$0x14500] =	vst v63  }
0x216: {  	_ =	swait.ge [sflag:s22], $0x2000  }
0x217: {  	[sflag:s22] =	ssyncset.done $0x0  }
0x218: {  	s10 =	simm.s32 $0x8;
	s0 =	rddreg [dreg:$0x12];
	[sflag:s22] =	ssyncadd.s32 $0xFFFFE000  }
0x219: {  	[hbm4b:s0+s2] =	stream.linear.scatter [tilespmem:s17], [sflag:$0x11], $0x2000, $0x38;
	[tilespmem:$0x14500] =	vst v63  }
0x21a: {  	_ =	swait.ge [sflag:s10], $0x2000  }
0x21b: {  	[sflag:s10] =	ssyncset.done $0x0  }
0x21c: {  	s17 =	simm.s32 $0x9;
	s12 =	rddreg [dreg:$0x13];
	[sflag:s10] =	ssyncadd.s32 $0xFFFFE000  }
0x21d: {  	[hbm4b:s12+s2] =	stream.linear.scatter [tilespmem:s18], [sflag:$0x12], $0x2000, $0x38;
	[tilespmem:$0x14500] =	vst v63  }
0x21e: {  	_ =	swait.ge [sflag:s17], $0x2000  }
0x21f: {  	[sflag:s17] =	ssyncset.done $0x0  }
0x220: {  	s22 =	simm.s32 $0xA;
	s18 =	rddreg [dreg:$0x14];
	[sflag:s17] =	ssyncadd.s32 $0xFFFFE000  }
0x221: {  	[hbm4b:s18+s2] =	stream.linear.scatter [tilespmem:s30], [sflag:$0x13], $0x2000, $0x38;
	[tilespmem:$0x14500] =	vst v63  }
0x222: {  	_ =	swait.ge [sflag:s22], $0x2000  }
0x223: {  	[sflag:s22] =	ssyncset.done $0x0  }
0x224: {  	s0 =	simm.s32 $0xB;
	s30 =	rddreg [dreg:$0x15];
	[sflag:s22] =	ssyncadd.s32 $0xFFFFE000  }
0x225: {  	[hbm4b:s30+s2] =	stream.linear.scatter [tilespmem:s31], [sflag:$0x14], $0x2000, $0x38;
	[tilespmem:$0x14500] =	vst v63  }
0x226: {  	_ =	swait.ge [sflag:s0], $0x2000  }
0x227: {  	s12 =	simm.s32 $0x10500;
	[sflag:s0] =	ssyncset.done $0x0  }
0x228: {  	s17 =	simm.s32 $0xC;
	s10 =	rddreg [dreg:$0x17];
	[sflag:s0] =	ssyncadd.s32 $0xFFFFE000  }
0x229: {  	[hbm4b:s10+s2] =	stream.linear.scatter [tilespmem:s12], [sflag:$0x15], $0x2000, $0x38;
	[tilespmem:$0x14500] =	vst v63  }
0x22a: {  	_ =	swait.ge [sflag:s17], $0x2000  }
0x22b: {  	[sflag:s17] =	ssyncset.done $0x0  }
0x22c: {  	s22 =	simm.s32 $0x12500;
	s18 =	rddreg [dreg:$0x18];
	[sflag:s17] =	ssyncadd.s32 $0xFFFFE000  }
0x22d: {  	[hbm4b:s18+s2] =	stream.linear.scatter [tilespmem:s22], [sflag:$0x16], $0x2000, $0x38;
	[tilespmem:$0x14500] =	vst v63  }
0x22e: {  	_ =	swait.ge [sflag:s24], $0x2000  }
0x22f: {  	[sflag:s24] =	ssyncset.done $0x0  }
0x230: {  	[sflag:s24] =	ssyncadd.s32 $0xFFFFE000  }
0x231: {  	_ =	swait.ge [sflag:s8], $0x2000  }
0x232: {  	[sflag:s8] =	ssyncset.done $0x0  }
0x233: {  	[sflag:s8] =	ssyncadd.s32 $0xFFFFE000  }
0x234: {  	_ =	swait.ge [sflag:s16], $0x2000  }
0x235: {  	[sflag:s16] =	ssyncset.done $0x0  }
0x236: {  	[sflag:s16] =	ssyncadd.s32 $0xFFFFE000  }
0x237: {  	_ =	swait.ge [sflag:s5], $0x2000  }
0x238: {  	[sflag:s5] =	ssyncset.done $0x0  }
0x239: {  	[sflag:s5] =	ssyncadd.s32 $0xFFFFE000  }
0x23a: {  	_ =	swait.ge [sflag:s11], $0x2000  }
0x23b: {  	[sflag:s11] =	ssyncset.done $0x0  }
0x23c: {  	[sflag:s11] =	ssyncadd.s32 $0xFFFFE000  }
0x23d: {  	_ =	swait.ge [sflag:s6], $0x2000  }
0x23e: {  	[sflag:s6] =	ssyncset.done $0x0  }
0x23f: {  	[sflag:s6] =	ssyncadd.s32 $0xFFFFE000  }
0x240: {  	_ =	swait.ge [sflag:s7], $0x2000  }
0x241: {  	[sflag:s7] =	ssyncset.done $0x0  }
0x242: {  	[sflag:s7] =	ssyncadd.s32 $0xFFFFE000  }
0x243: {  	_ =	swait.ge [sflag:s28], $0x2000  }
0x244: {  	[sflag:s28] =	ssyncset.done $0x0  }
0x245: {  	[sflag:s28] =	ssyncadd.s32 $0xFFFFE000  }
0x246: {  	_ =	swait.ge [sflag:s29], $0x2000  }
0x247: {  	[sflag:s29] =	ssyncset.done $0x0  }
0x248: {  	[sflag:s29] =	ssyncadd.s32 $0xFFFFE000  }
0x249: {  	_ =	swait.ge [sflag:s21], $0x2000  }
0x24a: {  	s30 =	rddreg [dreg:$0x1f]  }
0x24b: {  	s31 =	rddreg [dreg:$0x19];
	s0 =	sadd.s32 $0x1, s30  }
0x24c: {  	p0 =	sne.s32 s0, s31  }
.Ltmp1:
0x24d: {  	_ = 	snop;
	(pc) =	sbr.rel @p0 .LBB2_1-.Ltmp1, $4  }
0x24e: {  	s12 =	simm.s32 $0x80  }
0x24f: {  	s17 =	simm.s32 $0xC0;
	s24 =	simm.s32 $0x180;
	s5 =	simm.s32 $0x200  }
0x250: {  	s11 =	simm.s32 $0x100;
	s6 =	simm.s32 $0x140;
	[sflag:s21] =	ssyncset.done $0x0  }
0x251: {  	s7 =	simm.s32 $0x1C0;
	[sflag:s21] =	ssyncadd.s32 $0xFFFFE000;
	s21 =	simm.s32 $0x240  }
0x252: {  	_ =	sfence.sel $0x180000  }
0x253: {  	[bflag:$0x0] =	sbarrier.arrive $0xFFFF  }
0x254: {  	_ =	strace $0x90000047  }
0x255: {  	s0 =	stileid.u32;
	[bflag:$0x2] =	sbarrier.arrive $0xFFFF  }
0x256: {  	p0 =	sne.s32 s0, $0x0;
	s0 =	rddreg [dreg:$0x2]  }
0x257: {  	s0 =	sadd.s32 @!p0 $0x100000, s0  }
0x258: {  	[sflag:s0] =	ssyncadd.tile.s32 @!p0 $0x1;
	_ =	shalt  }
.Lfunc_end2:
_tile_overlayer_lowered:
.L_overlay_start_2:
0x259: {  	(tag) =	ssettag $0x2  }
0x25a: {  	s0 =	rddreg [dreg:$0x0];
	s2 =	stileid.u32  }
0x25b: {  	s1 =	rddreg [dreg:$0x1];
	p0 =	sne.s32 s2, $0x0  }
0x25c: {  	s3 =	rddreg [dreg:$0x2];
	[bflag:$0x3] =	sbarrier.arrive $0xFFFF;
	s2 =	simm.s32 @!p0 $0x1C17  }
0x25d: {  	[timem:s3], [sflag:s2] =	dma.local @!p0 [hbm:s0], s1  }
0x25e: {  	s0 =	simm.s32 @!p0 $0x17  }
0x25f: {  	_ =	swait.ge @!p0 [sflag:s0], s1  }
0x260: {  	s1 =	ssub.s32 @!p0 $0x0, s1;
	[sflag:s0] =	ssyncset.done @!p0 $0x0  }
0x261: {  	[sflag:s0] =	ssyncadd.s32 @!p0 s1  }
0x262: {  	[bflag:$0x3] =	sbarrier.arrive $0xFFFF  }
0x263: {  	_ =	shalt  }

</sc_bundles>
